<compile_context>
chip_gen: v7x
topology: tpu7x:2x2x1
jax: 0.10.2.dev20260603
libtpu: 0.0.44.dev20260713+nightly
codegen_flags: <defaults>
</compile_context>

<pallas_src>
import jax
import jax.numpy as jnp
from jax import lax
from jax.experimental import pallas as pl
from jax.experimental.pallas import tpu as pltpu
from jax.experimental.pallas import tpu_sc as plsc

N = 10000
E = 320000
D = 128
DH = D // 2

NC = 2
NS = 16
NW = NC * NS
EPW = E // NW
EB = 125
NB = EPW // EB
RPT = 632
RPT_LAST = N - (NS - 1) * RPT



def _sc_body(h_lo, h_hi, e_hbm, src_hbm, dst_hbm, zeros_hbm, out_hbm,
             srcv, dstv, ev0, ev1, xv0, xv1, mv0, mv1, agg_sh,
             se0, se1, sx0, sx1, ss0, ss1):
    c = lax.axis_index("c")
    s = lax.axis_index("s")
    w = c * NS + s
    slots = ((ev0, xv0, mv0, se0, sx0, ss0),
             (ev1, xv1, mv1, se1, sx1, ss1))

    pltpu.sync_copy(src_hbm.at[w], srcv)
    pltpu.sync_copy(dst_hbm.at[w], dstv)

    for half, h_hbm in ((0, h_lo), (1, h_hi)):
        @pl.when(s < NS - 1)
        def _():
            pltpu.sync_copy(zeros_hbm.at[pl.ds(s * RPT, RPT)],
                            agg_sh.at[pl.ds(s * RPT, RPT)])

        @pl.when(s == NS - 1)
        def _():
            pltpu.sync_copy(zeros_hbm.at[pl.ds((NS - 1) * RPT, RPT_LAST)],
                            agg_sh.at[pl.ds((NS - 1) * RPT, RPT_LAST)])

        plsc.subcore_barrier()
        ebase = w * EPW

        for slot in (0, 1):
            ev, xv, mv, se, sx, ss = slots[slot]
            pltpu.async_copy(
                e_hbm.at[pl.ds(ebase + slot * EB, EB),
                         pl.ds(half * DH, DH)], ev, se)
            pltpu.async_copy(h_hbm.at[srcv.at[slot]], xv, sx)

        def pair_body(i, carry):
            for slot in (0, 1):
                ev, xv, mv, se, sx, ss = slots[slot]
                b = 2 * i + slot
                pltpu.make_async_copy(
                    e_hbm.at[pl.ds(ebase + b * EB, EB),
                             pl.ds(half * DH, DH)], ev, se).wait()
                pltpu.make_async_copy(h_hbm.at[srcv.at[b]], xv, sx).wait()

                @pl.when(i > 0)
                def _():
                    pltpu.make_async_copy(
                        mv, agg_sh.at[dstv.at[b]], ss).wait()

                @plsc.parallel_loop(0, EB, step=1, unroll=5)
                def _(r):
                    for k in range(DH // 16):
                        sl = pl.ds(k * 16, 16)
                        mv[r, sl] = jnp.maximum(xv[r, sl] + ev[r, sl], 0.0)

                pltpu.async_copy(mv, agg_sh.at[dstv.at[b]], ss, add=True)

                @pl.when(b + 2 < NB)
                def _():
                    pltpu.async_copy(
                        e_hbm.at[pl.ds(ebase + (b + 2) * EB, EB),
                                 pl.ds(half * DH, DH)], ev, se)
                    pltpu.async_copy(h_hbm.at[srcv.at[b + 2]], xv, sx)
            return carry
        lax.fori_loop(0, NB // 2, pair_body, 0, unroll=False)

        for slot in (0, 1):
            ev, xv, mv, se, sx, ss = slots[slot]
            pltpu.make_async_copy(
                mv, agg_sh.at[dstv.at[NB - 2 + slot]], ss).wait()

        plsc.subcore_barrier()

        @pl.when(s < NS - 1)
        def _():
            pltpu.sync_copy(agg_sh.at[pl.ds(s * RPT, RPT)],
                            out_hbm.at[c, half, pl.ds(s * RPT, RPT)])

        @pl.when(s == NS - 1)
        def _():
            pltpu.sync_copy(agg_sh.at[pl.ds((NS - 1) * RPT, RPT_LAST)],
                            out_hbm.at[c, half, pl.ds((NS - 1) * RPT, RPT_LAST)])


def _sc_aggregate(h_lo, h_hi, e, src3, dst3, zeros):
    mesh = plsc.VectorSubcoreMesh(core_axis_name="c", subcore_axis_name="s")
    return pl.kernel(
        _sc_body,
        out_type=jax.ShapeDtypeStruct((NC, 2, N, DH), jnp.float32),
        mesh=mesh,
        compiler_params=pltpu.CompilerParams(use_tc_tiling_on_sc=False),
        scratch_types=(
            [pltpu.VMEM((NB, EB), jnp.int32)] * 2
            + [pltpu.VMEM((EB, DH), jnp.float32)] * 6
            + [pltpu.VMEM_SHARED((N, DH), jnp.float32)]
            + [pltpu.SemaphoreType.DMA] * 6
        ),
    )(h_lo, h_hi, e, src3, dst3, zeros)



_EBLK = 4000
_RBLK = 1000


def _edge_lin_body(ef_ref, we_ref, be_ref, e_ref):
    e_ref[...] = jnp.dot(ef_ref[...], we_ref[...],
                         preferred_element_type=jnp.float32) + be_ref[...]


def _edge_lin(edge_feats, We, be):
    ed = edge_feats.shape[1]
    grid = (E // _EBLK,)
    return pl.pallas_call(
        _edge_lin_body,
        grid=grid,
        in_specs=[
            pl.BlockSpec((_EBLK, ed), lambda i: (i, 0)),
            pl.BlockSpec((ed, D), lambda i: (0, 0)),
            pl.BlockSpec((1, D), lambda i: (0, 0)),
        ],
        out_specs=pl.BlockSpec((_EBLK, D), lambda i: (i, 0)),
        out_shape=jax.ShapeDtypeStruct((E, D), jnp.float32),
    )(edge_feats, We.astype(jnp.float32), be.reshape(1, D))


def _mlp_body(x_ref, p_ref, w1_ref, b1_ref, w2_ref, b2_ref,
              olo_ref, ohi_ref):
    agg = p_ref[0] + p_ref[1]
    h = x_ref[...] + jnp.concatenate([agg[0], agg[1]], axis=1)
    t = jnp.maximum(jnp.dot(h, w1_ref[...],
                            preferred_element_type=jnp.float32) + b1_ref[...], 0.0)
    t = jnp.dot(t, w2_ref[...], preferred_element_type=jnp.float32) + b2_ref[...]
    t = jnp.maximum(t, 0.0)
    olo_ref[...] = t[:, :DH]
    ohi_ref[...] = t[:, DH:]


def _mlp(x, p, W1, b1, W2, b2):
    grid = (N // _RBLK,)
    half = jax.ShapeDtypeStruct((N, DH), jnp.float32)
    return pl.pallas_call(
        _mlp_body,
        grid=grid,
        in_specs=[
            pl.BlockSpec((_RBLK, D), lambda i: (i, 0)),
            pl.BlockSpec((NC, 2, _RBLK, DH), lambda i: (0, 0, i, 0)),
            pl.BlockSpec((D, D), lambda i: (0, 0)),
            pl.BlockSpec((1, D), lambda i: (0, 0)),
            pl.BlockSpec((D, D), lambda i: (0, 0)),
            pl.BlockSpec((1, D), lambda i: (0, 0)),
        ],
        out_specs=[pl.BlockSpec((_RBLK, DH), lambda i: (i, 0))] * 2,
        out_shape=[half, half],
    )(x, p, W1, b1.reshape(1, D), W2, b2.reshape(1, D))


def _head_body(hlo_ref, hhi_ref, p_ref, w1_ref, b1_ref, w2_ref, b2_ref,
               f1_ref, f1b_ref, f2_ref, f2b_ref, o_ref):
    agg = p_ref[0] + p_ref[1]
    h = jnp.concatenate([hlo_ref[...] + agg[0], hhi_ref[...] + agg[1]], axis=1)
    t = jnp.maximum(jnp.dot(h, w1_ref[...],
                            preferred_element_type=jnp.float32) + b1_ref[...], 0.0)
    t = jnp.dot(t, w2_ref[...], preferred_element_type=jnp.float32) + b2_ref[...]
    t = jnp.maximum(t, 0.0)
    t = jnp.maximum(jnp.dot(t, f1_ref[...],
                            preferred_element_type=jnp.float32) + f1b_ref[...], 0.0)
    o_ref[...] = jnp.dot(t, f2_ref[...],
                         preferred_element_type=jnp.float32) + f2b_ref[...]


def _head(h_lo, h_hi, p, W1, b1, W2, b2, fc1_w, fc1_b, fc2_w, fc2_b):
    grid = (N // _RBLK,)
    out = fc2_w.shape[1]
    return pl.pallas_call(
        _head_body,
        grid=grid,
        in_specs=[
            pl.BlockSpec((_RBLK, DH), lambda i: (i, 0)),
            pl.BlockSpec((_RBLK, DH), lambda i: (i, 0)),
            pl.BlockSpec((NC, 2, _RBLK, DH), lambda i: (0, 0, i, 0)),
            pl.BlockSpec((D, D), lambda i: (0, 0)),
            pl.BlockSpec((1, D), lambda i: (0, 0)),
            pl.BlockSpec((D, D), lambda i: (0, 0)),
            pl.BlockSpec((1, D), lambda i: (0, 0)),
            pl.BlockSpec((D, out), lambda i: (0, 0)),
            pl.BlockSpec((1, out), lambda i: (0, 0)),
            pl.BlockSpec((D, out), lambda i: (0, 0)),
            pl.BlockSpec((1, out), lambda i: (0, 0)),
        ],
        out_specs=pl.BlockSpec((_RBLK, out), lambda i: (i, 0)),
        out_shape=jax.ShapeDtypeStruct((N, out), jnp.float32),
    )(h_lo, h_hi, p, W1, b1.reshape(1, D), W2, b2.reshape(1, D),
      fc1_w, fc1_b.reshape(1, D), fc2_w, fc2_b.reshape(1, out))



def kernel(x, edge_index, edge_feats, We0, be0, W10, b10, W20, b20,
           We1, be1, W11, b11, W21, b21, fc1_w, fc1_b, fc2_w, fc2_b):
    src3 = edge_index[0].reshape(NW, NB, EB)
    dst3 = edge_index[1].reshape(NW, NB, EB)
    zeros = jnp.zeros((N, DH), jnp.float32)

    e0 = _edge_lin(edge_feats, We0, be0)
    e1 = _edge_lin(edge_feats, We1, be1)

    x_lo = x[:, :DH]
    x_hi = x[:, DH:]
    p = _sc_aggregate(x_lo, x_hi, e0, src3, dst3, zeros)
    h_lo, h_hi = _mlp(x, p, W10, b10, W20, b20)

    p = _sc_aggregate(h_lo, h_hi, e1, src3, dst3, zeros)
    return _head(h_lo, h_hi, p, W11, b11, W21, b21, fc1_w, fc1_b, fc2_w, fc2_b)

# --- scband reference (transcript-rebuilt; emitter-appended) ---
"""Pipeline reference for scband-gin-29850022707973 (READ-ONLY COPY).

The authoritative reference and input builder live on the scoring server;
editing this copy changes nothing except your own understanding.
"""

import jax, jax.numpy as jnp
import numpy as np

N = 10000
E = 320000
D = 128
HID = 128
OUT = 128
ED = 16


def _init(key, shape, scale=0.05):
    return jax.random.normal(key, shape, dtype=jnp.float32) * scale


def setup_inputs(seed: int = 0):
    key = jax.random.key(seed)
    ks = jax.random.split(key, 24)
    inp = {}
    inp['x'] = jax.random.normal(ks[0], (N, D), dtype=jnp.float32)
    inp['edge_index'] = jax.random.randint(ks[1], (2, E), 0, N)
    inp['edge_feats'] = jax.random.normal(ks[2], (E, ED), dtype=jnp.float32)
    # layer 0 GINEConv params: edge lin (ED->D), mlp (D->HID->HID)
    inp['We0'] = _init(ks[3], (ED, D))
    inp['be0'] = jnp.zeros((D,), dtype=jnp.float32)
    inp['W10'] = _init(ks[4], (D, HID))
    inp['b10'] = jnp.zeros((HID,), dtype=jnp.float32)
    inp['W20'] = _init(ks[5], (HID, HID))
    inp['b20'] = jnp.zeros((HID,), dtype=jnp.float32)
    # layer 1 GINEConv params: edge lin (ED->HID), mlp (HID->HID->HID)
    inp['We1'] = _init(ks[6], (ED, HID))
    inp['be1'] = jnp.zeros((HID,), dtype=jnp.float32)
    inp['W11'] = _init(ks[7], (HID, HID))
    inp['b11'] = jnp.zeros((HID,), dtype=jnp.float32)
    inp['W21'] = _init(ks[8], (HID, HID))
    inp['b21'] = jnp.zeros((HID,), dtype=jnp.float32)
    # head
    inp['fc1_w'] = _init(ks[9], (HID, HID))
    inp['fc1_b'] = jnp.zeros((HID,), dtype=jnp.float32)
    inp['fc2_w'] = _init(ks[10], (HID, OUT))
    inp['fc2_b'] = jnp.zeros((OUT,), dtype=jnp.float32)
    return inp


def _gine_layer(x, edge_index, edge_feats, We, be, W1, b1, W2, b2):
    src = edge_index[0]
    dst = edge_index[1]
    # GINEConv message: relu(x_j + lin_edge(edge_attr))
    m = jax.nn.relu(x[src] + edge_feats @ We + be)
    # sum aggregation at destination nodes
    agg = jax.ops.segment_sum(m, dst, num_segments=x.shape[0])
    # (1 + eps) * x_i + aggr, eps = 0
    h = x + agg
    # apply MLP nn_seq: Linear -> ReLU -> Linear
    h = jax.nn.relu(h @ W1 + b1) @ W2 + b2
    return h


def reference(x, edge_index, edge_feats, We0, be0, W10, b10, W20, b20,
              We1, be1, W11, b11, W21, b21, fc1_w, fc1_b, fc2_w, fc2_b):
    h = _gine_layer(x, edge_index, edge_feats, We0, be0, W10, b10, W20, b20)
    h = jax.nn.relu(h)  # activation; dropout is identity (p=0.0 / eval)
    h = _gine_layer(h, edge_index, edge_feats, We1, be1, W11, b11, W21, b21)
    h = jax.nn.relu(h)
    h = jax.nn.relu(h @ fc1_w + fc1_b)
    h = h @ fc2_w + fc2_b
    return h

if __name__ == "__main__":
    import jax
    _d = setup_inputs()
    print(jax.jit(kernel)(*tuple(_d.values())))

</pallas_src>

<mosaic_0001>
#map = affine_map<(d0, d1) -> (0, 0)>
#map1 = affine_map<(d0, d1) -> (0, 0, 0)>
#map2 = affine_map<(d0, d1) -> (0, 0, 0, 0)>
module attributes {stable_mosaic.version = 14 : i64} {
  func.func @_sc_body(%arg0: i32, %arg1: i32, %arg2: memref<10000x64xf32, #tpu.memory_space<hbm>>, %arg3: memref<10000x64xf32, #tpu.memory_space<hbm>>, %arg4: memref<320000x128xf32, #tpu.memory_space<hbm>>, %arg5: memref<32x80x125xi32, #tpu.memory_space<hbm>>, %arg6: memref<32x80x125xi32, #tpu.memory_space<hbm>>, %arg7: memref<10000x64xf32, #tpu.memory_space<hbm>>, %arg8: memref<2x2x10000x64xf32, #tpu.memory_space<hbm>>, %arg9: memref<80x125xi32, #tpu.memory_space<vmem>>, %arg10: memref<80x125xi32, #tpu.memory_space<vmem>>, %arg11: memref<125x64xf32, #tpu.memory_space<vmem>>, %arg12: memref<125x64xf32, #tpu.memory_space<vmem>>, %arg13: memref<125x64xf32, #tpu.memory_space<vmem>>, %arg14: memref<125x64xf32, #tpu.memory_space<vmem>>, %arg15: memref<125x64xf32, #tpu.memory_space<vmem>>, %arg16: memref<125x64xf32, #tpu.memory_space<vmem>>, %arg17: memref<10000x64xf32, #tpu.memory_space<vmem_shared>>, %arg18: memref<!tpu.dma_semaphore, #tpu.memory_space<semaphore_mem>>, %arg19: memref<!tpu.dma_semaphore, #tpu.memory_space<semaphore_mem>>, %arg20: memref<!tpu.dma_semaphore, #tpu.memory_space<semaphore_mem>>, %arg21: memref<!tpu.dma_semaphore, #tpu.memory_space<semaphore_mem>>, %arg22: memref<!tpu.dma_semaphore, #tpu.memory_space<semaphore_mem>>, %arg23: memref<!tpu.dma_semaphore, #tpu.memory_space<semaphore_mem>>) attributes {dimension_semantics = [#tpu.dimension_semantics<core_parallel>, #tpu.dimension_semantics<subcore_parallel>], iteration_bounds = array<i64: 2, 16>, scalar_prefetch = 0 : i64, scratch_operands = 15 : i64, tpu.core_type = #tpu.core_type<sc_vector_subcore>, window_params = [{transform_indices = #map}, {transform_indices = #map}, {transform_indices = #map}, {transform_indices = #map1}, {transform_indices = #map1}, {transform_indices = #map}, {transform_indices = #map2}]} {
    %mul3A = arith.constant 16 : i32
    %mul3A_0 = arith.muli %arg0, %mul3A : i32
    %add3A = arith.addi %mul3A_0, %arg1 : i32
    "tpu.region"() ({
      %run_scoped3A = tpu.sem_alloc : memref<!tpu.dma_semaphore, #tpu.memory_space<semaphore_mem>>
      %dma_start3A_133 = arith.constant 0 : i32
      %dma_start3A_134 = arith.constant 0 : i32
      %dma_start3A_135 = tpu.memref_slice %arg5[%add3A, %dma_start3A_133, %dma_start3A_134] : memref<32x80x125xi32, #tpu.memory_space<hbm>> -> memref<1x80x125xi32, #tpu.memory_space<hbm>>
      %dma_start3A_136 = tpu.memref_squeeze %dma_start3A_135 : memref<1x80x125xi32, #tpu.memory_space<hbm>> -> memref<80x125xi32, #tpu.memory_space<hbm>>
      %dma_start3A_137 = arith.constant 0 : i32
      %dma_start3A_138 = arith.constant 0 : i32
      %dma_start3A_139 = tpu.memref_slice %arg5[%add3A, %dma_start3A_137, %dma_start3A_138] : memref<32x80x125xi32, #tpu.memory_space<hbm>> -> memref<1x80x125xi32, #tpu.memory_space<hbm>>
      %dma_start3A_140 = tpu.memref_squeeze %dma_start3A_139 : memref<1x80x125xi32, #tpu.memory_space<hbm>> -> memref<80x125xi32, #tpu.memory_space<hbm>>
      tpu.enqueue_dma source(%dma_start3A_140 : memref<80x125xi32, #tpu.memory_space<hbm>>) target(%arg9 : memref<80x125xi32, #tpu.memory_space<vmem>>) target_semaphore(%run_scoped3A : memref<!tpu.dma_semaphore, #tpu.memory_space<semaphore_mem>>)
      %dma_wait3A_141 = arith.constant 0 : i32
      %dma_wait3A_142 = arith.constant 0 : i32
      %dma_wait3A_143 = tpu.memref_slice %arg5[%add3A, %dma_wait3A_141, %dma_wait3A_142] : memref<32x80x125xi32, #tpu.memory_space<hbm>> -> memref<1x80x125xi32, #tpu.memory_space<hbm>>
      %dma_wait3A_144 = tpu.memref_squeeze %dma_wait3A_143 : memref<1x80x125xi32, #tpu.memory_space<hbm>> -> memref<80x125xi32, #tpu.memory_space<hbm>>
      %dma_wait3A_145 = arith.constant 0 : i32
      %dma_wait3A_146 = arith.constant 0 : i32
      %dma_wait3A_147 = tpu.memref_slice %arg5[%add3A, %dma_wait3A_145, %dma_wait3A_146] : memref<32x80x125xi32, #tpu.memory_space<hbm>> -> memref<1x80x125xi32, #tpu.memory_space<hbm>>
      %dma_wait3A_148 = tpu.memref_squeeze %dma_wait3A_147 : memref<1x80x125xi32, #tpu.memory_space<hbm>> -> memref<80x125xi32, #tpu.memory_space<hbm>>
      tpu.wait_dma2 semaphore(%run_scoped3A : memref<!tpu.dma_semaphore, #tpu.memory_space<semaphore_mem>>) src(%dma_wait3A_148 : memref<80x125xi32, #tpu.memory_space<hbm>>) dst(%arg9 : memref<80x125xi32, #tpu.memory_space<vmem>>)
      tpu.yield
    }) : () -> ()
    "tpu.region"() ({
      %run_scoped3A = tpu.sem_alloc : memref<!tpu.dma_semaphore, #tpu.memory_space<semaphore_mem>>
      %dma_start3A_133 = arith.constant 0 : i32
      %dma_start3A_134 = arith.constant 0 : i32
      %dma_start3A_135 = tpu.memref_slice %arg6[%add3A, %dma_start3A_133, %dma_start3A_134] : memref<32x80x125xi32, #tpu.memory_space<hbm>> -> memref<1x80x125xi32, #tpu.memory_space<hbm>>
      %dma_start3A_136 = tpu.memref_squeeze %dma_start3A_135 : memref<1x80x125xi32, #tpu.memory_space<hbm>> -> memref<80x125xi32, #tpu.memory_space<hbm>>
      %dma_start3A_137 = arith.constant 0 : i32
      %dma_start3A_138 = arith.constant 0 : i32
      %dma_start3A_139 = tpu.memref_slice %arg6[%add3A, %dma_start3A_137, %dma_start3A_138] : memref<32x80x125xi32, #tpu.memory_space<hbm>> -> memref<1x80x125xi32, #tpu.memory_space<hbm>>
      %dma_start3A_140 = tpu.memref_squeeze %dma_start3A_139 : memref<1x80x125xi32, #tpu.memory_space<hbm>> -> memref<80x125xi32, #tpu.memory_space<hbm>>
      tpu.enqueue_dma source(%dma_start3A_140 : memref<80x125xi32, #tpu.memory_space<hbm>>) target(%arg10 : memref<80x125xi32, #tpu.memory_space<vmem>>) target_semaphore(%run_scoped3A : memref<!tpu.dma_semaphore, #tpu.memory_space<semaphore_mem>>)
      %dma_wait3A_141 = arith.constant 0 : i32
      %dma_wait3A_142 = arith.constant 0 : i32
      %dma_wait3A_143 = tpu.memref_slice %arg6[%add3A, %dma_wait3A_141, %dma_wait3A_142] : memref<32x80x125xi32, #tpu.memory_space<hbm>> -> memref<1x80x125xi32, #tpu.memory_space<hbm>>
      %dma_wait3A_144 = tpu.memref_squeeze %dma_wait3A_143 : memref<1x80x125xi32, #tpu.memory_space<hbm>> -> memref<80x125xi32, #tpu.memory_space<hbm>>
      %dma_wait3A_145 = arith.constant 0 : i32
      %dma_wait3A_146 = arith.constant 0 : i32
      %dma_wait3A_147 = tpu.memref_slice %arg6[%add3A, %dma_wait3A_145, %dma_wait3A_146] : memref<32x80x125xi32, #tpu.memory_space<hbm>> -> memref<1x80x125xi32, #tpu.memory_space<hbm>>
      %dma_wait3A_148 = tpu.memref_squeeze %dma_wait3A_147 : memref<1x80x125xi32, #tpu.memory_space<hbm>> -> memref<80x125xi32, #tpu.memory_space<hbm>>
      tpu.wait_dma2 semaphore(%run_scoped3A : memref<!tpu.dma_semaphore, #tpu.memory_space<semaphore_mem>>) src(%dma_wait3A_148 : memref<80x125xi32, #tpu.memory_space<hbm>>) dst(%arg10 : memref<80x125xi32, #tpu.memory_space<vmem>>)
      tpu.yield
    }) : () -> ()
    %lt3A = arith.constant 15 : i32
    %lt3A_1 = arith.cmpi slt, %arg1, %lt3A : i32
    %convert_element_type3A = arith.extui %lt3A_1 : i1 to i32
    %cond3A = arith.constant 0 : i32
    %cond3A_2 = arith.cmpi ne, %convert_element_type3A, %cond3A : i32
    scf.if %cond3A_2 {
      %mul3A_133 = arith.constant 632 : i32
      %mul3A_134 = arith.muli %arg1, %mul3A_133 : i32
      %mul3A_135 = arith.constant 632 : i32
      %mul3A_136 = arith.muli %arg1, %mul3A_135 : i32
      "tpu.region"() ({
        %run_scoped3A = tpu.sem_alloc : memref<!tpu.dma_semaphore, #tpu.memory_space<semaphore_mem>>
        %dma_start3A_137 = arith.constant 0 : i32
        %dma_start3A_138 = tpu.memref_slice %arg17[%mul3A_136, %dma_start3A_137] : memref<10000x64xf32, #tpu.memory_space<vmem_shared>> -> memref<632x64xf32, #tpu.memory_space<vmem_shared>>
        %dma_start3A_139 = arith.constant 0 : i32
        %dma_start3A_140 = tpu.memref_slice %arg7[%mul3A_134, %dma_start3A_139] : memref<10000x64xf32, #tpu.memory_space<hbm>> -> memref<632x64xf32, #tpu.memory_space<hbm>>
        tpu.enqueue_dma source(%dma_start3A_140 : memref<632x64xf32, #tpu.memory_space<hbm>>) target(%dma_start3A_138 : memref<632x64xf32, #tpu.memory_space<vmem_shared>>) target_semaphore(%run_scoped3A : memref<!tpu.dma_semaphore, #tpu.memory_space<semaphore_mem>>)
        %dma_wait3A_141 = arith.constant 0 : i32
        %dma_wait3A_142 = tpu.memref_slice %arg17[%mul3A_136, %dma_wait3A_141] : memref<10000x64xf32, #tpu.memory_space<vmem_shared>> -> memref<632x64xf32, #tpu.memory_space<vmem_shared>>
        %dma_wait3A_143 = arith.constant 0 : i32
        %dma_wait3A_144 = tpu.memref_slice %arg7[%mul3A_134, %dma_wait3A_143] : memref<10000x64xf32, #tpu.memory_space<hbm>> -> memref<632x64xf32, #tpu.memory_space<hbm>>
        tpu.wait_dma2 semaphore(%run_scoped3A : memref<!tpu.dma_semaphore, #tpu.memory_space<semaphore_mem>>) src(%dma_wait3A_144 : memref<632x64xf32, #tpu.memory_space<hbm>>) dst(%dma_wait3A_142 : memref<632x64xf32, #tpu.memory_space<vmem_shared>>)
        tpu.yield
      }) : () -> ()
    } else {
    }
    %eq3A = arith.constant 15 : i32
    %eq3A_3 = arith.cmpi eq, %arg1, %eq3A : i32
    %convert_element_type3A_4 = arith.extui %eq3A_3 : i1 to i32
    %cond3A_5 = arith.constant 0 : i32
    %cond3A_6 = arith.cmpi ne, %convert_element_type3A_4, %cond3A_5 : i32
    scf.if %cond3A_6 {
      "tpu.region"() ({
        %run_scoped3A = tpu.sem_alloc : memref<!tpu.dma_semaphore, #tpu.memory_space<semaphore_mem>>
        %dma_start3A_133 = arith.constant 9480 : i32
        %dma_start3A_134 = arith.constant 0 : i32
        %dma_start3A_135 = tpu.memref_slice %arg17[%dma_start3A_133, %dma_start3A_134] : memref<10000x64xf32, #tpu.memory_space<vmem_shared>> -> memref<520x64xf32, #tpu.memory_space<vmem_shared>>
        %dma_start3A_136 = arith.constant 9480 : i32
        %dma_start3A_137 = arith.constant 0 : i32
        %dma_start3A_138 = tpu.memref_slice %arg7[%dma_start3A_136, %dma_start3A_137] : memref<10000x64xf32, #tpu.memory_space<hbm>> -> memref<520x64xf32, #tpu.memory_space<hbm>>
        tpu.enqueue_dma source(%dma_start3A_138 : memref<520x64xf32, #tpu.memory_space<hbm>>) target(%dma_start3A_135 : memref<520x64xf32, #tpu.memory_space<vmem_shared>>) target_semaphore(%run_scoped3A : memref<!tpu.dma_semaphore, #tpu.memory_space<semaphore_mem>>)
        %dma_wait3A_139 = arith.constant 9480 : i32
        %dma_wait3A_140 = arith.constant 0 : i32
        %dma_wait3A_141 = tpu.memref_slice %arg17[%dma_wait3A_139, %dma_wait3A_140] : memref<10000x64xf32, #tpu.memory_space<vmem_shared>> -> memref<520x64xf32, #tpu.memory_space<vmem_shared>>
        %dma_wait3A_142 = arith.constant 9480 : i32
        %dma_wait3A_143 = arith.constant 0 : i32
        %dma_wait3A_144 = tpu.memref_slice %arg7[%dma_wait3A_142, %dma_wait3A_143] : memref<10000x64xf32, #tpu.memory_space<hbm>> -> memref<520x64xf32, #tpu.memory_space<hbm>>
        tpu.wait_dma2 semaphore(%run_scoped3A : memref<!tpu.dma_semaphore, #tpu.memory_space<semaphore_mem>>) src(%dma_wait3A_144 : memref<520x64xf32, #tpu.memory_space<hbm>>) dst(%dma_wait3A_141 : memref<520x64xf32, #tpu.memory_space<vmem_shared>>)
        tpu.yield
      }) : () -> ()
    } else {
    }
    %barrier3A = arith.constant 0 : index
    tpu.barrier barrier_id(%barrier3A)
    %mul3A_7 = arith.constant 10000 : i32
    %mul3A_8 = arith.muli %add3A, %mul3A_7 : i32
    %add3A_9 = arith.constant 0 : i32
    %add3A_10 = arith.addi %mul3A_8, %add3A_9 : i32
    %dma_start3A = arith.constant 0 : i32
    %dma_start3A_11 = tpu.memref_slice %arg4[%add3A_10, %dma_start3A] : memref<320000x128xf32, #tpu.memory_space<hbm>> -> memref<125x64xf32, #tpu.memory_space<hbm>>
    %dma_start3A_12 = arith.constant 0 : i32
    %dma_start3A_13 = tpu.memref_slice %arg4[%add3A_10, %dma_start3A_12] : memref<320000x128xf32, #tpu.memory_space<hbm>> -> memref<125x64xf32, #tpu.memory_space<hbm>>
    tpu.enqueue_dma source(%dma_start3A_13 : memref<125x64xf32, #tpu.memory_space<hbm>>) target(%arg11 : memref<125x64xf32, #tpu.memory_space<vmem>>) target_semaphore(%arg18 : memref<!tpu.dma_semaphore, #tpu.memory_space<semaphore_mem>>)
    %dma_start3A_14 = arith.constant 0 : i32
    %dma_start3A_15 = arith.constant 0 : i32
    %dma_start3A_16 = tpu.memref_slice %arg9[%dma_start3A_14, %dma_start3A_15] : memref<80x125xi32, #tpu.memory_space<vmem>> -> memref<1x125xi32, #tpu.memory_space<vmem>>
    %dma_start3A_17 = tpu.memref_squeeze %dma_start3A_16 : memref<1x125xi32, #tpu.memory_space<vmem>> -> memref<125xi32, #tpu.memory_space<vmem>>
    %dma_start3A_18 = arith.constant 0 : i32
    %dma_start3A_19 = arith.constant 0 : i32
    %dma_start3A_20 = tpu.memref_slice %arg2[%dma_start3A_18, %dma_start3A_19] : memref<10000x64xf32, #tpu.memory_space<hbm>> -> memref<10000x64xf32, #tpu.memory_space<hbm>>
    tpu.enqueue_indirect_dma source(%dma_start3A_20 : memref<10000x64xf32, #tpu.memory_space<hbm>>) target(%arg13 : memref<125x64xf32, #tpu.memory_space<vmem>>) offsets(%dma_start3A_17 : memref<125xi32, #tpu.memory_space<vmem>>) semaphore(%arg20 : memref<!tpu.dma_semaphore, #tpu.memory_space<semaphore_mem>>)
    %add3A_21 = arith.constant 125 : i32
    %add3A_22 = arith.addi %mul3A_8, %add3A_21 : i32
    %dma_start3A_23 = arith.constant 0 : i32
    %dma_start3A_24 = tpu.memref_slice %arg4[%add3A_22, %dma_start3A_23] : memref<320000x128xf32, #tpu.memory_space<hbm>> -> memref<125x64xf32, #tpu.memory_space<hbm>>
    %dma_start3A_25 = arith.constant 0 : i32
    %dma_start3A_26 = tpu.memref_slice %arg4[%add3A_22, %dma_start3A_25] : memref<320000x128xf32, #tpu.memory_space<hbm>> -> memref<125x64xf32, #tpu.memory_space<hbm>>
    tpu.enqueue_dma source(%dma_start3A_26 : memref<125x64xf32, #tpu.memory_space<hbm>>) target(%arg12 : memref<125x64xf32, #tpu.memory_space<vmem>>) target_semaphore(%arg19 : memref<!tpu.dma_semaphore, #tpu.memory_space<semaphore_mem>>)
    %dma_start3A_27 = arith.constant 1 : i32
    %dma_start3A_28 = arith.constant 0 : i32
    %dma_start3A_29 = tpu.memref_slice %arg9[%dma_start3A_27, %dma_start3A_28] : memref<80x125xi32, #tpu.memory_space<vmem>> -> memref<1x125xi32, #tpu.memory_space<vmem>>
    %dma_start3A_30 = tpu.memref_squeeze %dma_start3A_29 : memref<1x125xi32, #tpu.memory_space<vmem>> -> memref<125xi32, #tpu.memory_space<vmem>>
    %dma_start3A_31 = arith.constant 0 : i32
    %dma_start3A_32 = arith.constant 0 : i32
    %dma_start3A_33 = tpu.memref_slice %arg2[%dma_start3A_31, %dma_start3A_32] : memref<10000x64xf32, #tpu.memory_space<hbm>> -> memref<10000x64xf32, #tpu.memory_space<hbm>>
    tpu.enqueue_indirect_dma source(%dma_start3A_33 : memref<10000x64xf32, #tpu.memory_space<hbm>>) target(%arg14 : memref<125x64xf32, #tpu.memory_space<vmem>>) offsets(%dma_start3A_30 : memref<125xi32, #tpu.memory_space<vmem>>) semaphore(%arg21 : memref<!tpu.dma_semaphore, #tpu.memory_space<semaphore_mem>>)
    %scan3A = arith.constant 0 : i32
    %scan3A_34 = arith.constant 0 : i32
    %scan3A_35 = arith.constant 40 : i32
    %scan3A_36 = arith.addi %scan3A_34, %scan3A_35 : i32
    %scan3A_37 = arith.constant 1 : i32
    scf.for %scan3A_133 = %scan3A_34 to %scan3A_36 step %scan3A_37  : i32 {
      %mul3A_134 = arith.constant 2 : i32
      %mul3A_135 = arith.muli %mul3A_134, %scan3A_133 : i32
      %add3A_136 = arith.constant 0 : i32
      %add3A_137 = arith.addi %mul3A_135, %add3A_136 : i32
      %mul3A_138 = arith.constant 125 : i32
      %mul3A_139 = arith.muli %add3A_137, %mul3A_138 : i32
      %add3A_140 = arith.addi %mul3A_8, %mul3A_139 : i32
      %dma_wait3A_141 = arith.constant 0 : i32
      %dma_wait3A_142 = tpu.memref_slice %arg4[%add3A_140, %dma_wait3A_141] : memref<320000x128xf32, #tpu.memory_space<hbm>> -> memref<125x64xf32, #tpu.memory_space<hbm>>
      %dma_wait3A_143 = arith.constant 0 : i32
      %dma_wait3A_144 = tpu.memref_slice %arg4[%add3A_140, %dma_wait3A_143] : memref<320000x128xf32, #tpu.memory_space<hbm>> -> memref<125x64xf32, #tpu.memory_space<hbm>>
      tpu.wait_dma2 semaphore(%arg18 : memref<!tpu.dma_semaphore, #tpu.memory_space<semaphore_mem>>) src(%dma_wait3A_144 : memref<125x64xf32, #tpu.memory_space<hbm>>) dst(%arg11 : memref<125x64xf32, #tpu.memory_space<vmem>>)
      %dma_wait3A_145 = arith.constant 0 : i32
      %dma_wait3A_146 = tpu.memref_slice %arg9[%add3A_137, %dma_wait3A_145] : memref<80x125xi32, #tpu.memory_space<vmem>> -> memref<1x125xi32, #tpu.memory_space<vmem>>
      %dma_wait3A_147 = tpu.memref_squeeze %dma_wait3A_146 : memref<1x125xi32, #tpu.memory_space<vmem>> -> memref<125xi32, #tpu.memory_space<vmem>>
      %dma_wait3A_148 = arith.constant 0 : i32
      %dma_wait3A_149 = arith.constant 0 : i32
      %dma_wait3A_150 = tpu.memref_slice %arg2[%dma_wait3A_148, %dma_wait3A_149] : memref<10000x64xf32, #tpu.memory_space<hbm>> -> memref<10000x64xf32, #tpu.memory_space<hbm>>
      tpu.wait_indirect_dma semaphore(%arg20 : memref<!tpu.dma_semaphore, #tpu.memory_space<semaphore_mem>>) src(%dma_wait3A_150 : memref<10000x64xf32, #tpu.memory_space<hbm>>) dst(%arg13 : memref<125x64xf32, #tpu.memory_space<vmem>>)
      %gt3A = arith.constant 0 : i32
      %gt3A_151 = arith.cmpi sgt, %scan3A_133, %gt3A : i32
      %convert_element_type3A_152 = arith.extui %gt3A_151 : i1 to i32
      %cond3A_153 = arith.constant 0 : i32
      %cond3A_154 = arith.cmpi ne, %convert_element_type3A_152, %cond3A_153 : i32
      scf.if %cond3A_154 {
        %dma_wait3A_208 = arith.constant 0 : i32
        %dma_wait3A_209 = tpu.memref_slice %arg10[%add3A_137, %dma_wait3A_208] : memref<80x125xi32, #tpu.memory_space<vmem>> -> memref<1x125xi32, #tpu.memory_space<vmem>>
        %dma_wait3A_210 = tpu.memref_squeeze %dma_wait3A_209 : memref<1x125xi32, #tpu.memory_space<vmem>> -> memref<125xi32, #tpu.memory_space<vmem>>
        %dma_wait3A_211 = arith.constant 0 : i32
        %dma_wait3A_212 = arith.constant 0 : i32
        %dma_wait3A_213 = tpu.memref_slice %arg17[%dma_wait3A_211, %dma_wait3A_212] : memref<10000x64xf32, #tpu.memory_space<vmem_shared>> -> memref<10000x64xf32, #tpu.memory_space<vmem_shared>>
        tpu.wait_indirect_dma semaphore(%arg22 : memref<!tpu.dma_semaphore, #tpu.memory_space<semaphore_mem>>) src(%arg15 : memref<125x64xf32, #tpu.memory_space<vmem>>) dst(%dma_wait3A_213 : memref<10000x64xf32, #tpu.memory_space<vmem_shared>>)
      } else {
      }
      %parallel_loop3A = arith.constant 0 : i32
      %parallel_loop3A_155 = arith.constant 125 : i32
      %parallel_loop3A_156 = arith.constant 1 : i32
      scf.for %parallel_loop3A_208 = %parallel_loop3A to %parallel_loop3A_155 step %parallel_loop3A_156  : i32 {
        %parallel_loop3A_209 = arith.index_cast %parallel_loop3A_208 : i32 to index
        %parallel_loop3A_210 = arith.constant 0 : index
        %parallel_loop3A_211 = tpu.vector_load %arg13[%parallel_loop3A_209, %parallel_loop3A_210] {strides = array<i32>} : memref<125x64xf32, #tpu.memory_space<vmem>>, vector<1x16xf32>,
        %parallel_loop3A_212 = vector.shape_cast %parallel_loop3A_211 : vector<1x16xf32> to vector<16xf32>
        %parallel_loop3A_213 = arith.index_cast %parallel_loop3A_208 : i32 to index
        %parallel_loop3A_214 = arith.constant 0 : index
        %parallel_loop3A_215 = tpu.vector_load %arg11[%parallel_loop3A_213, %parallel_loop3A_214] {strides = array<i32>} : memref<125x64xf32, #tpu.memory_space<vmem>>, vector<1x16xf32>,
        %parallel_loop3A_216 = vector.shape_cast %parallel_loop3A_215 : vector<1x16xf32> to vector<16xf32>
        %parallel_loop3A_217 = arith.addf %parallel_loop3A_212, %parallel_loop3A_216 : vector<16xf32>
        %parallel_loop3A_218 = arith.constant 0.000000e+00 : f32
        %parallel_loop3A_219 = vector.broadcast %parallel_loop3A_218 : f32 to vector<16xf32>
        %parallel_loop3A_220 = arith.maximumf %parallel_loop3A_217, %parallel_loop3A_219 : vector<16xf32>
        %parallel_loop3A_221 = arith.index_cast %parallel_loop3A_208 : i32 to index
        %parallel_loop3A_222 = arith.constant 0 : index
        %parallel_loop3A_223 = tpu.vector_load %arg15[%parallel_loop3A_221, %parallel_loop3A_222] {strides = array<i32>} : memref<125x64xf32, #tpu.memory_space<vmem>>, vector<1x16xf32>,
        %parallel_loop3A_224 = vector.shape_cast %parallel_loop3A_223 : vector<1x16xf32> to vector<16xf32>
        %parallel_loop3A_225 = vector.shape_cast %parallel_loop3A_220 : vector<16xf32> to vector<1x16xf32>
        tpu.vector_store %arg15[%parallel_loop3A_221, %parallel_loop3A_222], %parallel_loop3A_225 {strides = array<i32>} : memref<125x64xf32, #tpu.memory_space<vmem>>, vector<1x16xf32>,
        %parallel_loop3A_226 = arith.index_cast %parallel_loop3A_208 : i32 to index
        %parallel_loop3A_227 = arith.constant 16 : index
        %parallel_loop3A_228 = tpu.vector_load %arg13[%parallel_loop3A_226, %parallel_loop3A_227] {strides = array<i32>} : memref<125x64xf32, #tpu.memory_space<vmem>>, vector<1x16xf32>,
        %parallel_loop3A_229 = vector.shape_cast %parallel_loop3A_228 : vector<1x16xf32> to vector<16xf32>
        %parallel_loop3A_230 = arith.index_cast %parallel_loop3A_208 : i32 to index
        %parallel_loop3A_231 = arith.constant 16 : index
        %parallel_loop3A_232 = tpu.vector_load %arg11[%parallel_loop3A_230, %parallel_loop3A_231] {strides = array<i32>} : memref<125x64xf32, #tpu.memory_space<vmem>>, vector<1x16xf32>,
        %parallel_loop3A_233 = vector.shape_cast %parallel_loop3A_232 : vector<1x16xf32> to vector<16xf32>
        %parallel_loop3A_234 = arith.addf %parallel_loop3A_229, %parallel_loop3A_233 : vector<16xf32>
        %parallel_loop3A_235 = arith.constant 0.000000e+00 : f32
        %parallel_loop3A_236 = vector.broadcast %parallel_loop3A_235 : f32 to vector<16xf32>
        %parallel_loop3A_237 = arith.maximumf %parallel_loop3A_234, %parallel_loop3A_236 : vector<16xf32>
        %parallel_loop3A_238 = arith.index_cast %parallel_loop3A_208 : i32 to index
        %parallel_loop3A_239 = arith.constant 16 : index
        %parallel_loop3A_240 = tpu.vector_load %arg15[%parallel_loop3A_238, %parallel_loop3A_239] {strides = array<i32>} : memref<125x64xf32, #tpu.memory_space<vmem>>, vector<1x16xf32>,
        %parallel_loop3A_241 = vector.shape_cast %parallel_loop3A_240 : vector<1x16xf32> to vector<16xf32>
        %parallel_loop3A_242 = vector.shape_cast %parallel_loop3A_237 : vector<16xf32> to vector<1x16xf32>
        tpu.vector_store %arg15[%parallel_loop3A_238, %parallel_loop3A_239], %parallel_loop3A_242 {strides = array<i32>} : memref<125x64xf32, #tpu.memory_space<vmem>>, vector<1x16xf32>,
        %parallel_loop3A_243 = arith.index_cast %parallel_loop3A_208 : i32 to index
        %parallel_loop3A_244 = arith.constant 32 : index
        %parallel_loop3A_245 = tpu.vector_load %arg13[%parallel_loop3A_243, %parallel_loop3A_244] {strides = array<i32>} : memref<125x64xf32, #tpu.memory_space<vmem>>, vector<1x16xf32>,
        %parallel_loop3A_246 = vector.shape_cast %parallel_loop3A_245 : vector<1x16xf32> to vector<16xf32>
        %parallel_loop3A_247 = arith.index_cast %parallel_loop3A_208 : i32 to index
        %parallel_loop3A_248 = arith.constant 32 : index
        %parallel_loop3A_249 = tpu.vector_load %arg11[%parallel_loop3A_247, %parallel_loop3A_248] {strides = array<i32>} : memref<125x64xf32, #tpu.memory_space<vmem>>, vector<1x16xf32>,
        %parallel_loop3A_250 = vector.shape_cast %parallel_loop3A_249 : vector<1x16xf32> to vector<16xf32>
        %parallel_loop3A_251 = arith.addf %parallel_loop3A_246, %parallel_loop3A_250 : vector<16xf32>
        %parallel_loop3A_252 = arith.constant 0.000000e+00 : f32
        %parallel_loop3A_253 = vector.broadcast %parallel_loop3A_252 : f32 to vector<16xf32>
        %parallel_loop3A_254 = arith.maximumf %parallel_loop3A_251, %parallel_loop3A_253 : vector<16xf32>
        %parallel_loop3A_255 = arith.index_cast %parallel_loop3A_208 : i32 to index
        %parallel_loop3A_256 = arith.constant 32 : index
        %parallel_loop3A_257 = tpu.vector_load %arg15[%parallel_loop3A_255, %parallel_loop3A_256] {strides = array<i32>} : memref<125x64xf32, #tpu.memory_space<vmem>>, vector<1x16xf32>,
        %parallel_loop3A_258 = vector.shape_cast %parallel_loop3A_257 : vector<1x16xf32> to vector<16xf32>
        %parallel_loop3A_259 = vector.shape_cast %parallel_loop3A_254 : vector<16xf32> to vector<1x16xf32>
        tpu.vector_store %arg15[%parallel_loop3A_255, %parallel_loop3A_256], %parallel_loop3A_259 {strides = array<i32>} : memref<125x64xf32, #tpu.memory_space<vmem>>, vector<1x16xf32>,
        %parallel_loop3A_260 = arith.index_cast %parallel_loop3A_208 : i32 to index
        %parallel_loop3A_261 = arith.constant 48 : index
        %parallel_loop3A_262 = tpu.vector_load %arg13[%parallel_loop3A_260, %parallel_loop3A_261] {strides = array<i32>} : memref<125x64xf32, #tpu.memory_space<vmem>>, vector<1x16xf32>,
        %parallel_loop3A_263 = vector.shape_cast %parallel_loop3A_262 : vector<1x16xf32> to vector<16xf32>
        %parallel_loop3A_264 = arith.index_cast %parallel_loop3A_208 : i32 to index
        %parallel_loop3A_265 = arith.constant 48 : index
        %parallel_loop3A_266 = tpu.vector_load %arg11[%parallel_loop3A_264, %parallel_loop3A_265] {strides = array<i32>} : memref<125x64xf32, #tpu.memory_space<vmem>>, vector<1x16xf32>,
        %parallel_loop3A_267 = vector.shape_cast %parallel_loop3A_266 : vector<1x16xf32> to vector<16xf32>
        %parallel_loop3A_268 = arith.addf %parallel_loop3A_263, %parallel_loop3A_267 : vector<16xf32>
        %parallel_loop3A_269 = arith.constant 0.000000e+00 : f32
        %parallel_loop3A_270 = vector.broadcast %parallel_loop3A_269 : f32 to vector<16xf32>
        %parallel_loop3A_271 = arith.maximumf %parallel_loop3A_268, %parallel_loop3A_270 : vector<16xf32>
        %parallel_loop3A_272 = arith.index_cast %parallel_loop3A_208 : i32 to index
        %parallel_loop3A_273 = arith.constant 48 : index
        %parallel_loop3A_274 = tpu.vector_load %arg15[%parallel_loop3A_272, %parallel_loop3A_273] {strides = array<i32>} : memref<125x64xf32, #tpu.memory_space<vmem>>, vector<1x16xf32>,
        %parallel_loop3A_275 = vector.shape_cast %parallel_loop3A_274 : vector<1x16xf32> to vector<16xf32>
        %parallel_loop3A_276 = vector.shape_cast %parallel_loop3A_271 : vector<16xf32> to vector<1x16xf32>
        tpu.vector_store %arg15[%parallel_loop3A_272, %parallel_loop3A_273], %parallel_loop3A_276 {strides = array<i32>} : memref<125x64xf32, #tpu.memory_space<vmem>>, vector<1x16xf32>,
      } {sc.loop_unroll_factor = 5 : i64, sc.parallel_access}
      %dma_start3A_157 = arith.constant 0 : i32
      %dma_start3A_158 = tpu.memref_slice %arg10[%add3A_137, %dma_start3A_157] : memref<80x125xi32, #tpu.memory_space<vmem>> -> memref<1x125xi32, #tpu.memory_space<vmem>>
      %dma_start3A_159 = tpu.memref_squeeze %dma_start3A_158 : memref<1x125xi32, #tpu.memory_space<vmem>> -> memref<125xi32, #tpu.memory_space<vmem>>
      %dma_start3A_160 = arith.constant 0 : i32
      %dma_start3A_161 = arith.constant 0 : i32
      %dma_start3A_162 = tpu.memref_slice %arg17[%dma_start3A_160, %dma_start3A_161] : memref<10000x64xf32, #tpu.memory_space<vmem_shared>> -> memref<10000x64xf32, #tpu.memory_space<vmem_shared>>
      tpu.enqueue_indirect_dma source(%arg15 : memref<125x64xf32, #tpu.memory_space<vmem>>) target(%dma_start3A_162 : memref<10000x64xf32, #tpu.memory_space<vmem_shared>>) offsets(%dma_start3A_159 : memref<125xi32, #tpu.memory_space<vmem>>) semaphore(%arg22 : memref<!tpu.dma_semaphore, #tpu.memory_space<semaphore_mem>>) {add = true}
      %add3A_163 = arith.constant 2 : i32
      %add3A_164 = arith.addi %add3A_137, %add3A_163 : i32
      %lt3A_165 = arith.constant 80 : i32
      %lt3A_166 = arith.cmpi slt, %add3A_164, %lt3A_165 : i32
      %convert_element_type3A_167 = arith.extui %lt3A_166 : i1 to i32
      %cond3A_168 = arith.constant 0 : i32
      %cond3A_169 = arith.cmpi ne, %convert_element_type3A_167, %cond3A_168 : i32
      scf.if %cond3A_169 {
        %add3A_208 = arith.constant 2 : i32
        %add3A_209 = arith.addi %add3A_137, %add3A_208 : i32
        %mul3A_210 = arith.constant 125 : i32
        %mul3A_211 = arith.muli %add3A_209, %mul3A_210 : i32
        %add3A_212 = arith.addi %mul3A_8, %mul3A_211 : i32
        %dma_start3A_213 = arith.constant 0 : i32
        %dma_start3A_214 = tpu.memref_slice %arg4[%add3A_212, %dma_start3A_213] : memref<320000x128xf32, #tpu.memory_space<hbm>> -> memref<125x64xf32, #tpu.memory_space<hbm>>
        %dma_start3A_215 = arith.constant 0 : i32
        %dma_start3A_216 = tpu.memref_slice %arg4[%add3A_212, %dma_start3A_215] : memref<320000x128xf32, #tpu.memory_space<hbm>> -> memref<125x64xf32, #tpu.memory_space<hbm>>
        tpu.enqueue_dma source(%dma_start3A_216 : memref<125x64xf32, #tpu.memory_space<hbm>>) target(%arg11 : memref<125x64xf32, #tpu.memory_space<vmem>>) target_semaphore(%arg18 : memref<!tpu.dma_semaphore, #tpu.memory_space<semaphore_mem>>)
        %add3A_217 = arith.constant 2 : i32
        %add3A_218 = arith.addi %add3A_137, %add3A_217 : i32
        %dma_start3A_219 = arith.constant 0 : i32
        %dma_start3A_220 = tpu.memref_slice %arg9[%add3A_218, %dma_start3A_219] : memref<80x125xi32, #tpu.memory_space<vmem>> -> memref<1x125xi32, #tpu.memory_space<vmem>>
        %dma_start3A_221 = tpu.memref_squeeze %dma_start3A_220 : memref<1x125xi32, #tpu.memory_space<vmem>> -> memref<125xi32, #tpu.memory_space<vmem>>
        %dma_start3A_222 = arith.constant 0 : i32
        %dma_start3A_223 = arith.constant 0 : i32
        %dma_start3A_224 = tpu.memref_slice %arg2[%dma_start3A_222, %dma_start3A_223] : memref<10000x64xf32, #tpu.memory_space<hbm>> -> memref<10000x64xf32, #tpu.memory_space<hbm>>
        tpu.enqueue_indirect_dma source(%dma_start3A_224 : memref<10000x64xf32, #tpu.memory_space<hbm>>) target(%arg13 : memref<125x64xf32, #tpu.memory_space<vmem>>) offsets(%dma_start3A_221 : memref<125xi32, #tpu.memory_space<vmem>>) semaphore(%arg20 : memref<!tpu.dma_semaphore, #tpu.memory_space<semaphore_mem>>)
      } else {
      }
      %mul3A_170 = arith.constant 2 : i32
      %mul3A_171 = arith.muli %mul3A_170, %scan3A_133 : i32
      %add3A_172 = arith.constant 1 : i32
      %add3A_173 = arith.addi %mul3A_171, %add3A_172 : i32
      %mul3A_174 = arith.constant 125 : i32
      %mul3A_175 = arith.muli %add3A_173, %mul3A_174 : i32
      %add3A_176 = arith.addi %mul3A_8, %mul3A_175 : i32
      %dma_wait3A_177 = arith.constant 0 : i32
      %dma_wait3A_178 = tpu.memref_slice %arg4[%add3A_176, %dma_wait3A_177] : memref<320000x128xf32, #tpu.memory_space<hbm>> -> memref<125x64xf32, #tpu.memory_space<hbm>>
      %dma_wait3A_179 = arith.constant 0 : i32
      %dma_wait3A_180 = tpu.memref_slice %arg4[%add3A_176, %dma_wait3A_179] : memref<320000x128xf32, #tpu.memory_space<hbm>> -> memref<125x64xf32, #tpu.memory_space<hbm>>
      tpu.wait_dma2 semaphore(%arg19 : memref<!tpu.dma_semaphore, #tpu.memory_space<semaphore_mem>>) src(%dma_wait3A_180 : memref<125x64xf32, #tpu.memory_space<hbm>>) dst(%arg12 : memref<125x64xf32, #tpu.memory_space<vmem>>)
      %dma_wait3A_181 = arith.constant 0 : i32
      %dma_wait3A_182 = tpu.memref_slice %arg9[%add3A_173, %dma_wait3A_181] : memref<80x125xi32, #tpu.memory_space<vmem>> -> memref<1x125xi32, #tpu.memory_space<vmem>>
      %dma_wait3A_183 = tpu.memref_squeeze %dma_wait3A_182 : memref<1x125xi32, #tpu.memory_space<vmem>> -> memref<125xi32, #tpu.memory_space<vmem>>
      %dma_wait3A_184 = arith.constant 0 : i32
      %dma_wait3A_185 = arith.constant 0 : i32
      %dma_wait3A_186 = tpu.memref_slice %arg2[%dma_wait3A_184, %dma_wait3A_185] : memref<10000x64xf32, #tpu.memory_space<hbm>> -> memref<10000x64xf32, #tpu.memory_space<hbm>>
      tpu.wait_indirect_dma semaphore(%arg21 : memref<!tpu.dma_semaphore, #tpu.memory_space<semaphore_mem>>) src(%dma_wait3A_186 : memref<10000x64xf32, #tpu.memory_space<hbm>>) dst(%arg14 : memref<125x64xf32, #tpu.memory_space<vmem>>)
      %gt3A_187 = arith.constant 0 : i32
      %gt3A_188 = arith.cmpi sgt, %scan3A_133, %gt3A_187 : i32
      %convert_element_type3A_189 = arith.extui %gt3A_188 : i1 to i32
      %cond3A_190 = arith.constant 0 : i32
      %cond3A_191 = arith.cmpi ne, %convert_element_type3A_189, %cond3A_190 : i32
      scf.if %cond3A_191 {
        %dma_wait3A_208 = arith.constant 0 : i32
        %dma_wait3A_209 = tpu.memref_slice %arg10[%add3A_173, %dma_wait3A_208] : memref<80x125xi32, #tpu.memory_space<vmem>> -> memref<1x125xi32, #tpu.memory_space<vmem>>
        %dma_wait3A_210 = tpu.memref_squeeze %dma_wait3A_209 : memref<1x125xi32, #tpu.memory_space<vmem>> -> memref<125xi32, #tpu.memory_space<vmem>>
        %dma_wait3A_211 = arith.constant 0 : i32
        %dma_wait3A_212 = arith.constant 0 : i32
        %dma_wait3A_213 = tpu.memref_slice %arg17[%dma_wait3A_211, %dma_wait3A_212] : memref<10000x64xf32, #tpu.memory_space<vmem_shared>> -> memref<10000x64xf32, #tpu.memory_space<vmem_shared>>
        tpu.wait_indirect_dma semaphore(%arg23 : memref<!tpu.dma_semaphore, #tpu.memory_space<semaphore_mem>>) src(%arg16 : memref<125x64xf32, #tpu.memory_space<vmem>>) dst(%dma_wait3A_213 : memref<10000x64xf32, #tpu.memory_space<vmem_shared>>)
      } else {
      }
      %parallel_loop3A_192 = arith.constant 0 : i32
      %parallel_loop3A_193 = arith.constant 125 : i32
      %parallel_loop3A_194 = arith.constant 1 : i32
      scf.for %parallel_loop3A_208 = %parallel_loop3A_192 to %parallel_loop3A_193 step %parallel_loop3A_194  : i32 {
        %parallel_loop3A_209 = arith.index_cast %parallel_loop3A_208 : i32 to index
        %parallel_loop3A_210 = arith.constant 0 : index
        %parallel_loop3A_211 = tpu.vector_load %arg14[%parallel_loop3A_209, %parallel_loop3A_210] {strides = array<i32>} : memref<125x64xf32, #tpu.memory_space<vmem>>, vector<1x16xf32>,
        %parallel_loop3A_212 = vector.shape_cast %parallel_loop3A_211 : vector<1x16xf32> to vector<16xf32>
        %parallel_loop3A_213 = arith.index_cast %parallel_loop3A_208 : i32 to index
        %parallel_loop3A_214 = arith.constant 0 : index
        %parallel_loop3A_215 = tpu.vector_load %arg12[%parallel_loop3A_213, %parallel_loop3A_214] {strides = array<i32>} : memref<125x64xf32, #tpu.memory_space<vmem>>, vector<1x16xf32>,
        %parallel_loop3A_216 = vector.shape_cast %parallel_loop3A_215 : vector<1x16xf32> to vector<16xf32>
        %parallel_loop3A_217 = arith.addf %parallel_loop3A_212, %parallel_loop3A_216 : vector<16xf32>
        %parallel_loop3A_218 = arith.constant 0.000000e+00 : f32
        %parallel_loop3A_219 = vector.broadcast %parallel_loop3A_218 : f32 to vector<16xf32>
        %parallel_loop3A_220 = arith.maximumf %parallel_loop3A_217, %parallel_loop3A_219 : vector<16xf32>
        %parallel_loop3A_221 = arith.index_cast %parallel_loop3A_208 : i32 to index
        %parallel_loop3A_222 = arith.constant 0 : index
        %parallel_loop3A_223 = tpu.vector_load %arg16[%parallel_loop3A_221, %parallel_loop3A_222] {strides = array<i32>} : memref<125x64xf32, #tpu.memory_space<vmem>>, vector<1x16xf32>,
        %parallel_loop3A_224 = vector.shape_cast %parallel_loop3A_223 : vector<1x16xf32> to vector<16xf32>
        %parallel_loop3A_225 = vector.shape_cast %parallel_loop3A_220 : vector<16xf32> to vector<1x16xf32>
        tpu.vector_store %arg16[%parallel_loop3A_221, %parallel_loop3A_222], %parallel_loop3A_225 {strides = array<i32>} : memref<125x64xf32, #tpu.memory_space<vmem>>, vector<1x16xf32>,
        %parallel_loop3A_226 = arith.index_cast %parallel_loop3A_208 : i32 to index
        %parallel_loop3A_227 = arith.constant 16 : index
        %parallel_loop3A_228 = tpu.vector_load %arg14[%parallel_loop3A_226, %parallel_loop3A_227] {strides = array<i32>} : memref<125x64xf32, #tpu.memory_space<vmem>>, vector<1x16xf32>,
        %parallel_loop3A_229 = vector.shape_cast %parallel_loop3A_228 : vector<1x16xf32> to vector<16xf32>
        %parallel_loop3A_230 = arith.index_cast %parallel_loop3A_208 : i32 to index
        %parallel_loop3A_231 = arith.constant 16 : index
        %parallel_loop3A_232 = tpu.vector_load %arg12[%parallel_loop3A_230, %parallel_loop3A_231] {strides = array<i32>} : memref<125x64xf32, #tpu.memory_space<vmem>>, vector<1x16xf32>,
        %parallel_loop3A_233 = vector.shape_cast %parallel_loop3A_232 : vector<1x16xf32> to vector<16xf32>
        %parallel_loop3A_234 = arith.addf %parallel_loop3A_229, %parallel_loop3A_233 : vector<16xf32>
        %parallel_loop3A_235 = arith.constant 0.000000e+00 : f32
        %parallel_loop3A_236 = vector.broadcast %parallel_loop3A_235 : f32 to vector<16xf32>
        %parallel_loop3A_237 = arith.maximumf %parallel_loop3A_234, %parallel_loop3A_236 : vector<16xf32>
        %parallel_loop3A_238 = arith.index_cast %parallel_loop3A_208 : i32 to index
        %parallel_loop3A_239 = arith.constant 16 : index
        %parallel_loop3A_240 = tpu.vector_load %arg16[%parallel_loop3A_238, %parallel_loop3A_239] {strides = array<i32>} : memref<125x64xf32, #tpu.memory_space<vmem>>, vector<1x16xf32>,
        %parallel_loop3A_241 = vector.shape_cast %parallel_loop3A_240 : vector<1x16xf32> to vector<16xf32>
        %parallel_loop3A_242 = vector.shape_cast %parallel_loop3A_237 : vector<16xf32> to vector<1x16xf32>
        tpu.vector_store %arg16[%parallel_loop3A_238, %parallel_loop3A_239], %parallel_loop3A_242 {strides = array<i32>} : memref<125x64xf32, #tpu.memory_space<vmem>>, vector<1x16xf32>,
        %parallel_loop3A_243 = arith.index_cast %parallel_loop3A_208 : i32 to index
        %parallel_loop3A_244 = arith.constant 32 : index
        %parallel_loop3A_245 = tpu.vector_load %arg14[%parallel_loop3A_243, %parallel_loop3A_244] {strides = array<i32>} : memref<125x64xf32, #tpu.memory_space<vmem>>, vector<1x16xf32>,
        %parallel_loop3A_246 = vector.shape_cast %parallel_loop3A_245 : vector<1x16xf32> to vector<16xf32>
        %parallel_loop3A_247 = arith.index_cast %parallel_loop3A_208 : i32 to index
        %parallel_loop3A_248 = arith.constant 32 : index
        %parallel_loop3A_249 = tpu.vector_load %arg12[%parallel_loop3A_247, %parallel_loop3A_248] {strides = array<i32>} : memref<125x64xf32, #tpu.memory_space<vmem>>, vector<1x16xf32>,
        %parallel_loop3A_250 = vector.shape_cast %parallel_loop3A_249 : vector<1x16xf32> to vector<16xf32>
        %parallel_loop3A_251 = arith.addf %parallel_loop3A_246, %parallel_loop3A_250 : vector<16xf32>
        %parallel_loop3A_252 = arith.constant 0.000000e+00 : f32
        %parallel_loop3A_253 = vector.broadcast %parallel_loop3A_252 : f32 to vector<16xf32>
        %parallel_loop3A_254 = arith.maximumf %parallel_loop3A_251, %parallel_loop3A_253 : vector<16xf32>
        %parallel_loop3A_255 = arith.index_cast %parallel_loop3A_208 : i32 to index
        %parallel_loop3A_256 = arith.constant 32 : index
        %parallel_loop3A_257 = tpu.vector_load %arg16[%parallel_loop3A_255, %parallel_loop3A_256] {strides = array<i32>} : memref<125x64xf32, #tpu.memory_space<vmem>>, vector<1x16xf32>,
        %parallel_loop3A_258 = vector.shape_cast %parallel_loop3A_257 : vector<1x16xf32> to vector<16xf32>
        %parallel_loop3A_259 = vector.shape_cast %parallel_loop3A_254 : vector<16xf32> to vector<1x16xf32>
        tpu.vector_store %arg16[%parallel_loop3A_255, %parallel_loop3A_256], %parallel_loop3A_259 {strides = array<i32>} : memref<125x64xf32, #tpu.memory_space<vmem>>, vector<1x16xf32>,
        %parallel_loop3A_260 = arith.index_cast %parallel_loop3A_208 : i32 to index
        %parallel_loop3A_261 = arith.constant 48 : index
        %parallel_loop3A_262 = tpu.vector_load %arg14[%parallel_loop3A_260, %parallel_loop3A_261] {strides = array<i32>} : memref<125x64xf32, #tpu.memory_space<vmem>>, vector<1x16xf32>,
        %parallel_loop3A_263 = vector.shape_cast %parallel_loop3A_262 : vector<1x16xf32> to vector<16xf32>
        %parallel_loop3A_264 = arith.index_cast %parallel_loop3A_208 : i32 to index
        %parallel_loop3A_265 = arith.constant 48 : index
        %parallel_loop3A_266 = tpu.vector_load %arg12[%parallel_loop3A_264, %parallel_loop3A_265] {strides = array<i32>} : memref<125x64xf32, #tpu.memory_space<vmem>>, vector<1x16xf32>,
        %parallel_loop3A_267 = vector.shape_cast %parallel_loop3A_266 : vector<1x16xf32> to vector<16xf32>
        %parallel_loop3A_268 = arith.addf %parallel_loop3A_263, %parallel_loop3A_267 : vector<16xf32>
        %parallel_loop3A_269 = arith.constant 0.000000e+00 : f32
        %parallel_loop3A_270 = vector.broadcast %parallel_loop3A_269 : f32 to vector<16xf32>
        %parallel_loop3A_271 = arith.maximumf %parallel_loop3A_268, %parallel_loop3A_270 : vector<16xf32>
        %parallel_loop3A_272 = arith.index_cast %parallel_loop3A_208 : i32 to index
        %parallel_loop3A_273 = arith.constant 48 : index
        %parallel_loop3A_274 = tpu.vector_load %arg16[%parallel_loop3A_272, %parallel_loop3A_273] {strides = array<i32>} : memref<125x64xf32, #tpu.memory_space<vmem>>, vector<1x16xf32>,
        %parallel_loop3A_275 = vector.shape_cast %parallel_loop3A_274 : vector<1x16xf32> to vector<16xf32>
        %parallel_loop3A_276 = vector.shape_cast %parallel_loop3A_271 : vector<16xf32> to vector<1x16xf32>
        tpu.vector_store %arg16[%parallel_loop3A_272, %parallel_loop3A_273], %parallel_loop3A_276 {strides = array<i32>} : memref<125x64xf32, #tpu.memory_space<vmem>>, vector<1x16xf32>,
      } {sc.loop_unroll_factor = 5 : i64, sc.parallel_access}
      %dma_start3A_195 = arith.constant 0 : i32
      %dma_start3A_196 = tpu.memref_slice %arg10[%add3A_173, %dma_start3A_195] : memref<80x125xi32, #tpu.memory_space<vmem>> -> memref<1x125xi32, #tpu.memory_space<vmem>>
      %dma_start3A_197 = tpu.memref_squeeze %dma_start3A_196 : memref<1x125xi32, #tpu.memory_space<vmem>> -> memref<125xi32, #tpu.memory_space<vmem>>
      %dma_start3A_198 = arith.constant 0 : i32
      %dma_start3A_199 = arith.constant 0 : i32
      %dma_start3A_200 = tpu.memref_slice %arg17[%dma_start3A_198, %dma_start3A_199] : memref<10000x64xf32, #tpu.memory_space<vmem_shared>> -> memref<10000x64xf32, #tpu.memory_space<vmem_shared>>
      tpu.enqueue_indirect_dma source(%arg16 : memref<125x64xf32, #tpu.memory_space<vmem>>) target(%dma_start3A_200 : memref<10000x64xf32, #tpu.memory_space<vmem_shared>>) offsets(%dma_start3A_197 : memref<125xi32, #tpu.memory_space<vmem>>) semaphore(%arg23 : memref<!tpu.dma_semaphore, #tpu.memory_space<semaphore_mem>>) {add = true}
      %add3A_201 = arith.constant 2 : i32
      %add3A_202 = arith.addi %add3A_173, %add3A_201 : i32
      %lt3A_203 = arith.constant 80 : i32
      %lt3A_204 = arith.cmpi slt, %add3A_202, %lt3A_203 : i32
      %convert_element_type3A_205 = arith.extui %lt3A_204 : i1 to i32
      %cond3A_206 = arith.constant 0 : i32
      %cond3A_207 = arith.cmpi ne, %convert_element_type3A_205, %cond3A_206 : i32
      scf.if %cond3A_207 {
        %add3A_208 = arith.constant 2 : i32
        %add3A_209 = arith.addi %add3A_173, %add3A_208 : i32
        %mul3A_210 = arith.constant 125 : i32
        %mul3A_211 = arith.muli %add3A_209, %mul3A_210 : i32
        %add3A_212 = arith.addi %mul3A_8, %mul3A_211 : i32
        %dma_start3A_213 = arith.constant 0 : i32
        %dma_start3A_214 = tpu.memref_slice %arg4[%add3A_212, %dma_start3A_213] : memref<320000x128xf32, #tpu.memory_space<hbm>> -> memref<125x64xf32, #tpu.memory_space<hbm>>
        %dma_start3A_215 = arith.constant 0 : i32
        %dma_start3A_216 = tpu.memref_slice %arg4[%add3A_212, %dma_start3A_215] : memref<320000x128xf32, #tpu.memory_space<hbm>> -> memref<125x64xf32, #tpu.memory_space<hbm>>
        tpu.enqueue_dma source(%dma_start3A_216 : memref<125x64xf32, #tpu.memory_space<hbm>>) target(%arg12 : memref<125x64xf32, #tpu.memory_space<vmem>>) target_semaphore(%arg19 : memref<!tpu.dma_semaphore, #tpu.memory_space<semaphore_mem>>)
        %add3A_217 = arith.constant 2 : i32
        %add3A_218 = arith.addi %add3A_173, %add3A_217 : i32
        %dma_start3A_219 = arith.constant 0 : i32
        %dma_start3A_220 = tpu.memref_slice %arg9[%add3A_218, %dma_start3A_219] : memref<80x125xi32, #tpu.memory_space<vmem>> -> memref<1x125xi32, #tpu.memory_space<vmem>>
        %dma_start3A_221 = tpu.memref_squeeze %dma_start3A_220 : memref<1x125xi32, #tpu.memory_space<vmem>> -> memref<125xi32, #tpu.memory_space<vmem>>
        %dma_start3A_222 = arith.constant 0 : i32
        %dma_start3A_223 = arith.constant 0 : i32
        %dma_start3A_224 = tpu.memref_slice %arg2[%dma_start3A_222, %dma_start3A_223] : memref<10000x64xf32, #tpu.memory_space<hbm>> -> memref<10000x64xf32, #tpu.memory_space<hbm>>
        tpu.enqueue_indirect_dma source(%dma_start3A_224 : memref<10000x64xf32, #tpu.memory_space<hbm>>) target(%arg14 : memref<125x64xf32, #tpu.memory_space<vmem>>) offsets(%dma_start3A_221 : memref<125xi32, #tpu.memory_space<vmem>>) semaphore(%arg21 : memref<!tpu.dma_semaphore, #tpu.memory_space<semaphore_mem>>)
      } else {
      }
    }
    %scan3A_38 = arith.constant 40 : i32
    %dma_wait3A = arith.constant 78 : i32
    %dma_wait3A_39 = arith.constant 0 : i32
    %dma_wait3A_40 = tpu.memref_slice %arg10[%dma_wait3A, %dma_wait3A_39] : memref<80x125xi32, #tpu.memory_space<vmem>> -> memref<1x125xi32, #tpu.memory_space<vmem>>
    %dma_wait3A_41 = tpu.memref_squeeze %dma_wait3A_40 : memref<1x125xi32, #tpu.memory_space<vmem>> -> memref<125xi32, #tpu.memory_space<vmem>>
    %dma_wait3A_42 = arith.constant 0 : i32
    %dma_wait3A_43 = arith.constant 0 : i32
    %dma_wait3A_44 = tpu.memref_slice %arg17[%dma_wait3A_42, %dma_wait3A_43] : memref<10000x64xf32, #tpu.memory_space<vmem_shared>> -> memref<10000x64xf32, #tpu.memory_space<vmem_shared>>
    tpu.wait_indirect_dma semaphore(%arg22 : memref<!tpu.dma_semaphore, #tpu.memory_space<semaphore_mem>>) src(%arg15 : memref<125x64xf32, #tpu.memory_space<vmem>>) dst(%dma_wait3A_44 : memref<10000x64xf32, #tpu.memory_space<vmem_shared>>)
    %dma_wait3A_45 = arith.constant 79 : i32
    %dma_wait3A_46 = arith.constant 0 : i32
    %dma_wait3A_47 = tpu.memref_slice %arg10[%dma_wait3A_45, %dma_wait3A_46] : memref<80x125xi32, #tpu.memory_space<vmem>> -> memref<1x125xi32, #tpu.memory_space<vmem>>
    %dma_wait3A_48 = tpu.memref_squeeze %dma_wait3A_47 : memref<1x125xi32, #tpu.memory_space<vmem>> -> memref<125xi32, #tpu.memory_space<vmem>>
    %dma_wait3A_49 = arith.constant 0 : i32
    %dma_wait3A_50 = arith.constant 0 : i32
    %dma_wait3A_51 = tpu.memref_slice %arg17[%dma_wait3A_49, %dma_wait3A_50] : memref<10000x64xf32, #tpu.memory_space<vmem_shared>> -> memref<10000x64xf32, #tpu.memory_space<vmem_shared>>
    tpu.wait_indirect_dma semaphore(%arg23 : memref<!tpu.dma_semaphore, #tpu.memory_space<semaphore_mem>>) src(%arg16 : memref<125x64xf32, #tpu.memory_space<vmem>>) dst(%dma_wait3A_51 : memref<10000x64xf32, #tpu.memory_space<vmem_shared>>)
    %barrier3A_52 = arith.constant 0 : index
    tpu.barrier barrier_id(%barrier3A_52)
    %lt3A_53 = arith.constant 15 : i32
    %lt3A_54 = arith.cmpi slt, %arg1, %lt3A_53 : i32
    %convert_element_type3A_55 = arith.extui %lt3A_54 : i1 to i32
    %cond3A_56 = arith.constant 0 : i32
    %cond3A_57 = arith.cmpi ne, %convert_element_type3A_55, %cond3A_56 : i32
    scf.if %cond3A_57 {
      %mul3A_133 = arith.constant 632 : i32
      %mul3A_134 = arith.muli %arg1, %mul3A_133 : i32
      %mul3A_135 = arith.constant 632 : i32
      %mul3A_136 = arith.muli %arg1, %mul3A_135 : i32
      %run_scoped3A = arith.constant 0 : i32
      "tpu.region"() ({
        %run_scoped3A_137 = tpu.sem_alloc : memref<!tpu.dma_semaphore, #tpu.memory_space<semaphore_mem>>
        %dma_start3A_138 = arith.constant 0 : i32
        %dma_start3A_139 = tpu.memref_slice %arg8[%arg0, %run_scoped3A, %mul3A_136, %dma_start3A_138] : memref<2x2x10000x64xf32, #tpu.memory_space<hbm>> -> memref<1x1x632x64xf32, #tpu.memory_space<hbm>>
        %dma_start3A_140 = tpu.memref_squeeze %dma_start3A_139 : memref<1x1x632x64xf32, #tpu.memory_space<hbm>> -> memref<632x64xf32, #tpu.memory_space<hbm>>
        %dma_start3A_141 = arith.constant 0 : i32
        %dma_start3A_142 = tpu.memref_slice %arg17[%mul3A_134, %dma_start3A_141] : memref<10000x64xf32, #tpu.memory_space<vmem_shared>> -> memref<632x64xf32, #tpu.memory_space<vmem_shared>>
        tpu.enqueue_dma source(%dma_start3A_142 : memref<632x64xf32, #tpu.memory_space<vmem_shared>>) target(%dma_start3A_140 : memref<632x64xf32, #tpu.memory_space<hbm>>) target_semaphore(%run_scoped3A_137 : memref<!tpu.dma_semaphore, #tpu.memory_space<semaphore_mem>>)
        %dma_wait3A_143 = arith.constant 0 : i32
        %dma_wait3A_144 = tpu.memref_slice %arg8[%arg0, %run_scoped3A, %mul3A_136, %dma_wait3A_143] : memref<2x2x10000x64xf32, #tpu.memory_space<hbm>> -> memref<1x1x632x64xf32, #tpu.memory_space<hbm>>
        %dma_wait3A_145 = tpu.memref_squeeze %dma_wait3A_144 : memref<1x1x632x64xf32, #tpu.memory_space<hbm>> -> memref<632x64xf32, #tpu.memory_space<hbm>>
        %dma_wait3A_146 = arith.constant 0 : i32
        %dma_wait3A_147 = tpu.memref_slice %arg17[%mul3A_134, %dma_wait3A_146] : memref<10000x64xf32, #tpu.memory_space<vmem_shared>> -> memref<632x64xf32, #tpu.memory_space<vmem_shared>>
        tpu.wait_dma2 semaphore(%run_scoped3A_137 : memref<!tpu.dma_semaphore, #tpu.memory_space<semaphore_mem>>) src(%dma_wait3A_147 : memref<632x64xf32, #tpu.memory_space<vmem_shared>>) dst(%dma_wait3A_145 : memref<632x64xf32, #tpu.memory_space<hbm>>)
        tpu.yield
      }) : () -> ()
    } else {
    }
    %eq3A_58 = arith.constant 15 : i32
    %eq3A_59 = arith.cmpi eq, %arg1, %eq3A_58 : i32
    %convert_element_type3A_60 = arith.extui %eq3A_59 : i1 to i32
    %cond3A_61 = arith.constant 0 : i32
    %cond3A_62 = arith.cmpi ne, %convert_element_type3A_60, %cond3A_61 : i32
    scf.if %cond3A_62 {
      %run_scoped3A = arith.constant 0 : i32
      "tpu.region"() ({
        %run_scoped3A_133 = tpu.sem_alloc : memref<!tpu.dma_semaphore, #tpu.memory_space<semaphore_mem>>
        %dma_start3A_134 = arith.constant 9480 : i32
        %dma_start3A_135 = arith.constant 0 : i32
        %dma_start3A_136 = tpu.memref_slice %arg8[%arg0, %run_scoped3A, %dma_start3A_134, %dma_start3A_135] : memref<2x2x10000x64xf32, #tpu.memory_space<hbm>> -> memref<1x1x520x64xf32, #tpu.memory_space<hbm>>
        %dma_start3A_137 = tpu.memref_squeeze %dma_start3A_136 : memref<1x1x520x64xf32, #tpu.memory_space<hbm>> -> memref<520x64xf32, #tpu.memory_space<hbm>>
        %dma_start3A_138 = arith.constant 9480 : i32
        %dma_start3A_139 = arith.constant 0 : i32
        %dma_start3A_140 = tpu.memref_slice %arg17[%dma_start3A_138, %dma_start3A_139] : memref<10000x64xf32, #tpu.memory_space<vmem_shared>> -> memref<520x64xf32, #tpu.memory_space<vmem_shared>>
        tpu.enqueue_dma source(%dma_start3A_140 : memref<520x64xf32, #tpu.memory_space<vmem_shared>>) target(%dma_start3A_137 : memref<520x64xf32, #tpu.memory_space<hbm>>) target_semaphore(%run_scoped3A_133 : memref<!tpu.dma_semaphore, #tpu.memory_space<semaphore_mem>>)
        %dma_wait3A_141 = arith.constant 9480 : i32
        %dma_wait3A_142 = arith.constant 0 : i32
        %dma_wait3A_143 = tpu.memref_slice %arg8[%arg0, %run_scoped3A, %dma_wait3A_141, %dma_wait3A_142] : memref<2x2x10000x64xf32, #tpu.memory_space<hbm>> -> memref<1x1x520x64xf32, #tpu.memory_space<hbm>>
        %dma_wait3A_144 = tpu.memref_squeeze %dma_wait3A_143 : memref<1x1x520x64xf32, #tpu.memory_space<hbm>> -> memref<520x64xf32, #tpu.memory_space<hbm>>
        %dma_wait3A_145 = arith.constant 9480 : i32
        %dma_wait3A_146 = arith.constant 0 : i32
        %dma_wait3A_147 = tpu.memref_slice %arg17[%dma_wait3A_145, %dma_wait3A_146] : memref<10000x64xf32, #tpu.memory_space<vmem_shared>> -> memref<520x64xf32, #tpu.memory_space<vmem_shared>>
        tpu.wait_dma2 semaphore(%run_scoped3A_133 : memref<!tpu.dma_semaphore, #tpu.memory_space<semaphore_mem>>) src(%dma_wait3A_147 : memref<520x64xf32, #tpu.memory_space<vmem_shared>>) dst(%dma_wait3A_144 : memref<520x64xf32, #tpu.memory_space<hbm>>)
        tpu.yield
      }) : () -> ()
    } else {
    }
    %lt3A_63 = arith.constant 15 : i32
    %lt3A_64 = arith.cmpi slt, %arg1, %lt3A_63 : i32
    %convert_element_type3A_65 = arith.extui %lt3A_64 : i1 to i32
    %cond3A_66 = arith.constant 0 : i32
    %cond3A_67 = arith.cmpi ne, %convert_element_type3A_65, %cond3A_66 : i32
    scf.if %cond3A_67 {
      %mul3A_133 = arith.constant 632 : i32
      %mul3A_134 = arith.muli %arg1, %mul3A_133 : i32
      %mul3A_135 = arith.constant 632 : i32
      %mul3A_136 = arith.muli %arg1, %mul3A_135 : i32
      "tpu.region"() ({
        %run_scoped3A = tpu.sem_alloc : memref<!tpu.dma_semaphore, #tpu.memory_space<semaphore_mem>>
        %dma_start3A_137 = arith.constant 0 : i32
        %dma_start3A_138 = tpu.memref_slice %arg17[%mul3A_136, %dma_start3A_137] : memref<10000x64xf32, #tpu.memory_space<vmem_shared>> -> memref<632x64xf32, #tpu.memory_space<vmem_shared>>
        %dma_start3A_139 = arith.constant 0 : i32
        %dma_start3A_140 = tpu.memref_slice %arg7[%mul3A_134, %dma_start3A_139] : memref<10000x64xf32, #tpu.memory_space<hbm>> -> memref<632x64xf32, #tpu.memory_space<hbm>>
        tpu.enqueue_dma source(%dma_start3A_140 : memref<632x64xf32, #tpu.memory_space<hbm>>) target(%dma_start3A_138 : memref<632x64xf32, #tpu.memory_space<vmem_shared>>) target_semaphore(%run_scoped3A : memref<!tpu.dma_semaphore, #tpu.memory_space<semaphore_mem>>)
        %dma_wait3A_141 = arith.constant 0 : i32
        %dma_wait3A_142 = tpu.memref_slice %arg17[%mul3A_136, %dma_wait3A_141] : memref<10000x64xf32, #tpu.memory_space<vmem_shared>> -> memref<632x64xf32, #tpu.memory_space<vmem_shared>>
        %dma_wait3A_143 = arith.constant 0 : i32
        %dma_wait3A_144 = tpu.memref_slice %arg7[%mul3A_134, %dma_wait3A_143] : memref<10000x64xf32, #tpu.memory_space<hbm>> -> memref<632x64xf32, #tpu.memory_space<hbm>>
        tpu.wait_dma2 semaphore(%run_scoped3A : memref<!tpu.dma_semaphore, #tpu.memory_space<semaphore_mem>>) src(%dma_wait3A_144 : memref<632x64xf32, #tpu.memory_space<hbm>>) dst(%dma_wait3A_142 : memref<632x64xf32, #tpu.memory_space<vmem_shared>>)
        tpu.yield
      }) : () -> ()
    } else {
    }
    %eq3A_68 = arith.constant 15 : i32
    %eq3A_69 = arith.cmpi eq, %arg1, %eq3A_68 : i32
    %convert_element_type3A_70 = arith.extui %eq3A_69 : i1 to i32
    %cond3A_71 = arith.constant 0 : i32
    %cond3A_72 = arith.cmpi ne, %convert_element_type3A_70, %cond3A_71 : i32
    scf.if %cond3A_72 {
      "tpu.region"() ({
        %run_scoped3A = tpu.sem_alloc : memref<!tpu.dma_semaphore, #tpu.memory_space<semaphore_mem>>
        %dma_start3A_133 = arith.constant 9480 : i32
        %dma_start3A_134 = arith.constant 0 : i32
        %dma_start3A_135 = tpu.memref_slice %arg17[%dma_start3A_133, %dma_start3A_134] : memref<10000x64xf32, #tpu.memory_space<vmem_shared>> -> memref<520x64xf32, #tpu.memory_space<vmem_shared>>
        %dma_start3A_136 = arith.constant 9480 : i32
        %dma_start3A_137 = arith.constant 0 : i32
        %dma_start3A_138 = tpu.memref_slice %arg7[%dma_start3A_136, %dma_start3A_137] : memref<10000x64xf32, #tpu.memory_space<hbm>> -> memref<520x64xf32, #tpu.memory_space<hbm>>
        tpu.enqueue_dma source(%dma_start3A_138 : memref<520x64xf32, #tpu.memory_space<hbm>>) target(%dma_start3A_135 : memref<520x64xf32, #tpu.memory_space<vmem_shared>>) target_semaphore(%run_scoped3A : memref<!tpu.dma_semaphore, #tpu.memory_space<semaphore_mem>>)
        %dma_wait3A_139 = arith.constant 9480 : i32
        %dma_wait3A_140 = arith.constant 0 : i32
        %dma_wait3A_141 = tpu.memref_slice %arg17[%dma_wait3A_139, %dma_wait3A_140] : memref<10000x64xf32, #tpu.memory_space<vmem_shared>> -> memref<520x64xf32, #tpu.memory_space<vmem_shared>>
        %dma_wait3A_142 = arith.constant 9480 : i32
        %dma_wait3A_143 = arith.constant 0 : i32
        %dma_wait3A_144 = tpu.memref_slice %arg7[%dma_wait3A_142, %dma_wait3A_143] : memref<10000x64xf32, #tpu.memory_space<hbm>> -> memref<520x64xf32, #tpu.memory_space<hbm>>
        tpu.wait_dma2 semaphore(%run_scoped3A : memref<!tpu.dma_semaphore, #tpu.memory_space<semaphore_mem>>) src(%dma_wait3A_144 : memref<520x64xf32, #tpu.memory_space<hbm>>) dst(%dma_wait3A_141 : memref<520x64xf32, #tpu.memory_space<vmem_shared>>)
        tpu.yield
      }) : () -> ()
    } else {
    }
    %barrier3A_73 = arith.constant 0 : index
    tpu.barrier barrier_id(%barrier3A_73)
    %mul3A_74 = arith.constant 10000 : i32
    %mul3A_75 = arith.muli %add3A, %mul3A_74 : i32
    %add3A_76 = arith.constant 0 : i32
    %add3A_77 = arith.addi %mul3A_75, %add3A_76 : i32
    %dma_start3A_78 = arith.constant 64 : i32
    %dma_start3A_79 = tpu.memref_slice %arg4[%add3A_77, %dma_start3A_78] : memref<320000x128xf32, #tpu.memory_space<hbm>> -> memref<125x64xf32, #tpu.memory_space<hbm>>
    %dma_start3A_80 = arith.constant 64 : i32
    %dma_start3A_81 = tpu.memref_slice %arg4[%add3A_77, %dma_start3A_80] : memref<320000x128xf32, #tpu.memory_space<hbm>> -> memref<125x64xf32, #tpu.memory_space<hbm>>
    tpu.enqueue_dma source(%dma_start3A_81 : memref<125x64xf32, #tpu.memory_space<hbm>>) target(%arg11 : memref<125x64xf32, #tpu.memory_space<vmem>>) target_semaphore(%arg18 : memref<!tpu.dma_semaphore, #tpu.memory_space<semaphore_mem>>)
    %dma_start3A_82 = arith.constant 0 : i32
    %dma_start3A_83 = arith.constant 0 : i32
    %dma_start3A_84 = tpu.memref_slice %arg9[%dma_start3A_82, %dma_start3A_83] : memref<80x125xi32, #tpu.memory_space<vmem>> -> memref<1x125xi32, #tpu.memory_space<vmem>>
    %dma_start3A_85 = tpu.memref_squeeze %dma_start3A_84 : memref<1x125xi32, #tpu.memory_space<vmem>> -> memref<125xi32, #tpu.memory_space<vmem>>
    %dma_start3A_86 = arith.constant 0 : i32
    %dma_start3A_87 = arith.constant 0 : i32
    %dma_start3A_88 = tpu.memref_slice %arg3[%dma_start3A_86, %dma_start3A_87] : memref<10000x64xf32, #tpu.memory_space<hbm>> -> memref<10000x64xf32, #tpu.memory_space<hbm>>
    tpu.enqueue_indirect_dma source(%dma_start3A_88 : memref<10000x64xf32, #tpu.memory_space<hbm>>) target(%arg13 : memref<125x64xf32, #tpu.memory_space<vmem>>) offsets(%dma_start3A_85 : memref<125xi32, #tpu.memory_space<vmem>>) semaphore(%arg20 : memref<!tpu.dma_semaphore, #tpu.memory_space<semaphore_mem>>)
    %add3A_89 = arith.constant 125 : i32
    %add3A_90 = arith.addi %mul3A_75, %add3A_89 : i32
    %dma_start3A_91 = arith.constant 64 : i32
    %dma_start3A_92 = tpu.memref_slice %arg4[%add3A_90, %dma_start3A_91] : memref<320000x128xf32, #tpu.memory_space<hbm>> -> memref<125x64xf32, #tpu.memory_space<hbm>>
    %dma_start3A_93 = arith.constant 64 : i32
    %dma_start3A_94 = tpu.memref_slice %arg4[%add3A_90, %dma_start3A_93] : memref<320000x128xf32, #tpu.memory_space<hbm>> -> memref<125x64xf32, #tpu.memory_space<hbm>>
    tpu.enqueue_dma source(%dma_start3A_94 : memref<125x64xf32, #tpu.memory_space<hbm>>) target(%arg12 : memref<125x64xf32, #tpu.memory_space<vmem>>) target_semaphore(%arg19 : memref<!tpu.dma_semaphore, #tpu.memory_space<semaphore_mem>>)
    %dma_start3A_95 = arith.constant 1 : i32
    %dma_start3A_96 = arith.constant 0 : i32
    %dma_start3A_97 = tpu.memref_slice %arg9[%dma_start3A_95, %dma_start3A_96] : memref<80x125xi32, #tpu.memory_space<vmem>> -> memref<1x125xi32, #tpu.memory_space<vmem>>
    %dma_start3A_98 = tpu.memref_squeeze %dma_start3A_97 : memref<1x125xi32, #tpu.memory_space<vmem>> -> memref<125xi32, #tpu.memory_space<vmem>>
    %dma_start3A_99 = arith.constant 0 : i32
    %dma_start3A_100 = arith.constant 0 : i32
    %dma_start3A_101 = tpu.memref_slice %arg3[%dma_start3A_99, %dma_start3A_100] : memref<10000x64xf32, #tpu.memory_space<hbm>> -> memref<10000x64xf32, #tpu.memory_space<hbm>>
    tpu.enqueue_indirect_dma source(%dma_start3A_101 : memref<10000x64xf32, #tpu.memory_space<hbm>>) target(%arg14 : memref<125x64xf32, #tpu.memory_space<vmem>>) offsets(%dma_start3A_98 : memref<125xi32, #tpu.memory_space<vmem>>) semaphore(%arg21 : memref<!tpu.dma_semaphore, #tpu.memory_space<semaphore_mem>>)
    %scan3A_102 = arith.constant 0 : i32
    %scan3A_103 = arith.constant 0 : i32
    %scan3A_104 = arith.constant 40 : i32
    %scan3A_105 = arith.addi %scan3A_103, %scan3A_104 : i32
    %scan3A_106 = arith.constant 1 : i32
    scf.for %scan3A_133 = %scan3A_103 to %scan3A_105 step %scan3A_106  : i32 {
      %mul3A_134 = arith.constant 2 : i32
      %mul3A_135 = arith.muli %mul3A_134, %scan3A_133 : i32
      %add3A_136 = arith.constant 0 : i32
      %add3A_137 = arith.addi %mul3A_135, %add3A_136 : i32
      %mul3A_138 = arith.constant 125 : i32
      %mul3A_139 = arith.muli %add3A_137, %mul3A_138 : i32
      %add3A_140 = arith.addi %mul3A_75, %mul3A_139 : i32
      %dma_wait3A_141 = arith.constant 64 : i32
      %dma_wait3A_142 = tpu.memref_slice %arg4[%add3A_140, %dma_wait3A_141] : memref<320000x128xf32, #tpu.memory_space<hbm>> -> memref<125x64xf32, #tpu.memory_space<hbm>>
      %dma_wait3A_143 = arith.constant 64 : i32
      %dma_wait3A_144 = tpu.memref_slice %arg4[%add3A_140, %dma_wait3A_143] : memref<320000x128xf32, #tpu.memory_space<hbm>> -> memref<125x64xf32, #tpu.memory_space<hbm>>
      tpu.wait_dma2 semaphore(%arg18 : memref<!tpu.dma_semaphore, #tpu.memory_space<semaphore_mem>>) src(%dma_wait3A_144 : memref<125x64xf32, #tpu.memory_space<hbm>>) dst(%arg11 : memref<125x64xf32, #tpu.memory_space<vmem>>)
      %dma_wait3A_145 = arith.constant 0 : i32
      %dma_wait3A_146 = tpu.memref_slice %arg9[%add3A_137, %dma_wait3A_145] : memref<80x125xi32, #tpu.memory_space<vmem>> -> memref<1x125xi32, #tpu.memory_space<vmem>>
      %dma_wait3A_147 = tpu.memref_squeeze %dma_wait3A_146 : memref<1x125xi32, #tpu.memory_space<vmem>> -> memref<125xi32, #tpu.memory_space<vmem>>
      %dma_wait3A_148 = arith.constant 0 : i32
      %dma_wait3A_149 = arith.constant 0 : i32
      %dma_wait3A_150 = tpu.memref_slice %arg3[%dma_wait3A_148, %dma_wait3A_149] : memref<10000x64xf32, #tpu.memory_space<hbm>> -> memref<10000x64xf32, #tpu.memory_space<hbm>>
      tpu.wait_indirect_dma semaphore(%arg20 : memref<!tpu.dma_semaphore, #tpu.memory_space<semaphore_mem>>) src(%dma_wait3A_150 : memref<10000x64xf32, #tpu.memory_space<hbm>>) dst(%arg13 : memref<125x64xf32, #tpu.memory_space<vmem>>)
      %gt3A = arith.constant 0 : i32
      %gt3A_151 = arith.cmpi sgt, %scan3A_133, %gt3A : i32
      %convert_element_type3A_152 = arith.extui %gt3A_151 : i1 to i32
      %cond3A_153 = arith.constant 0 : i32
      %cond3A_154 = arith.cmpi ne, %convert_element_type3A_152, %cond3A_153 : i32
      scf.if %cond3A_154 {
        %dma_wait3A_208 = arith.constant 0 : i32
        %dma_wait3A_209 = tpu.memref_slice %arg10[%add3A_137, %dma_wait3A_208] : memref<80x125xi32, #tpu.memory_space<vmem>> -> memref<1x125xi32, #tpu.memory_space<vmem>>
        %dma_wait3A_210 = tpu.memref_squeeze %dma_wait3A_209 : memref<1x125xi32, #tpu.memory_space<vmem>> -> memref<125xi32, #tpu.memory_space<vmem>>
        %dma_wait3A_211 = arith.constant 0 : i32
        %dma_wait3A_212 = arith.constant 0 : i32
        %dma_wait3A_213 = tpu.memref_slice %arg17[%dma_wait3A_211, %dma_wait3A_212] : memref<10000x64xf32, #tpu.memory_space<vmem_shared>> -> memref<10000x64xf32, #tpu.memory_space<vmem_shared>>
        tpu.wait_indirect_dma semaphore(%arg22 : memref<!tpu.dma_semaphore, #tpu.memory_space<semaphore_mem>>) src(%arg15 : memref<125x64xf32, #tpu.memory_space<vmem>>) dst(%dma_wait3A_213 : memref<10000x64xf32, #tpu.memory_space<vmem_shared>>)
      } else {
      }
      %parallel_loop3A = arith.constant 0 : i32
      %parallel_loop3A_155 = arith.constant 125 : i32
      %parallel_loop3A_156 = arith.constant 1 : i32
      scf.for %parallel_loop3A_208 = %parallel_loop3A to %parallel_loop3A_155 step %parallel_loop3A_156  : i32 {
        %parallel_loop3A_209 = arith.index_cast %parallel_loop3A_208 : i32 to index
        %parallel_loop3A_210 = arith.constant 0 : index
        %parallel_loop3A_211 = tpu.vector_load %arg13[%parallel_loop3A_209, %parallel_loop3A_210] {strides = array<i32>} : memref<125x64xf32, #tpu.memory_space<vmem>>, vector<1x16xf32>,
        %parallel_loop3A_212 = vector.shape_cast %parallel_loop3A_211 : vector<1x16xf32> to vector<16xf32>
        %parallel_loop3A_213 = arith.index_cast %parallel_loop3A_208 : i32 to index
        %parallel_loop3A_214 = arith.constant 0 : index
        %parallel_loop3A_215 = tpu.vector_load %arg11[%parallel_loop3A_213, %parallel_loop3A_214] {strides = array<i32>} : memref<125x64xf32, #tpu.memory_space<vmem>>, vector<1x16xf32>,
        %parallel_loop3A_216 = vector.shape_cast %parallel_loop3A_215 : vector<1x16xf32> to vector<16xf32>
        %parallel_loop3A_217 = arith.addf %parallel_loop3A_212, %parallel_loop3A_216 : vector<16xf32>
        %parallel_loop3A_218 = arith.constant 0.000000e+00 : f32
        %parallel_loop3A_219 = vector.broadcast %parallel_loop3A_218 : f32 to vector<16xf32>
        %parallel_loop3A_220 = arith.maximumf %parallel_loop3A_217, %parallel_loop3A_219 : vector<16xf32>
        %parallel_loop3A_221 = arith.index_cast %parallel_loop3A_208 : i32 to index
        %parallel_loop3A_222 = arith.constant 0 : index
        %parallel_loop3A_223 = tpu.vector_load %arg15[%parallel_loop3A_221, %parallel_loop3A_222] {strides = array<i32>} : memref<125x64xf32, #tpu.memory_space<vmem>>, vector<1x16xf32>,
        %parallel_loop3A_224 = vector.shape_cast %parallel_loop3A_223 : vector<1x16xf32> to vector<16xf32>
        %parallel_loop3A_225 = vector.shape_cast %parallel_loop3A_220 : vector<16xf32> to vector<1x16xf32>
        tpu.vector_store %arg15[%parallel_loop3A_221, %parallel_loop3A_222], %parallel_loop3A_225 {strides = array<i32>} : memref<125x64xf32, #tpu.memory_space<vmem>>, vector<1x16xf32>,
        %parallel_loop3A_226 = arith.index_cast %parallel_loop3A_208 : i32 to index
        %parallel_loop3A_227 = arith.constant 16 : index
        %parallel_loop3A_228 = tpu.vector_load %arg13[%parallel_loop3A_226, %parallel_loop3A_227] {strides = array<i32>} : memref<125x64xf32, #tpu.memory_space<vmem>>, vector<1x16xf32>,
        %parallel_loop3A_229 = vector.shape_cast %parallel_loop3A_228 : vector<1x16xf32> to vector<16xf32>
        %parallel_loop3A_230 = arith.index_cast %parallel_loop3A_208 : i32 to index
        %parallel_loop3A_231 = arith.constant 16 : index
        %parallel_loop3A_232 = tpu.vector_load %arg11[%parallel_loop3A_230, %parallel_loop3A_231] {strides = array<i32>} : memref<125x64xf32, #tpu.memory_space<vmem>>, vector<1x16xf32>,
        %parallel_loop3A_233 = vector.shape_cast %parallel_loop3A_232 : vector<1x16xf32> to vector<16xf32>
        %parallel_loop3A_234 = arith.addf %parallel_loop3A_229, %parallel_loop3A_233 : vector<16xf32>
        %parallel_loop3A_235 = arith.constant 0.000000e+00 : f32
        %parallel_loop3A_236 = vector.broadcast %parallel_loop3A_235 : f32 to vector<16xf32>
        %parallel_loop3A_237 = arith.maximumf %parallel_loop3A_234, %parallel_loop3A_236 : vector<16xf32>
        %parallel_loop3A_238 = arith.index_cast %parallel_loop3A_208 : i32 to index
        %parallel_loop3A_239 = arith.constant 16 : index
        %parallel_loop3A_240 = tpu.vector_load %arg15[%parallel_loop3A_238, %parallel_loop3A_239] {strides = array<i32>} : memref<125x64xf32, #tpu.memory_space<vmem>>, vector<1x16xf32>,
        %parallel_loop3A_241 = vector.shape_cast %parallel_loop3A_240 : vector<1x16xf32> to vector<16xf32>
        %parallel_loop3A_242 = vector.shape_cast %parallel_loop3A_237 : vector<16xf32> to vector<1x16xf32>
        tpu.vector_store %arg15[%parallel_loop3A_238, %parallel_loop3A_239], %parallel_loop3A_242 {strides = array<i32>} : memref<125x64xf32, #tpu.memory_space<vmem>>, vector<1x16xf32>,
        %parallel_loop3A_243 = arith.index_cast %parallel_loop3A_208 : i32 to index
        %parallel_loop3A_244 = arith.constant 32 : index
        %parallel_loop3A_245 = tpu.vector_load %arg13[%parallel_loop3A_243, %parallel_loop3A_244] {strides = array<i32>} : memref<125x64xf32, #tpu.memory_space<vmem>>, vector<1x16xf32>,
        %parallel_loop3A_246 = vector.shape_cast %parallel_loop3A_245 : vector<1x16xf32> to vector<16xf32>
        %parallel_loop3A_247 = arith.index_cast %parallel_loop3A_208 : i32 to index
        %parallel_loop3A_248 = arith.constant 32 : index
        %parallel_loop3A_249 = tpu.vector_load %arg11[%parallel_loop3A_247, %parallel_loop3A_248] {strides = array<i32>} : memref<125x64xf32, #tpu.memory_space<vmem>>, vector<1x16xf32>,
        %parallel_loop3A_250 = vector.shape_cast %parallel_loop3A_249 : vector<1x16xf32> to vector<16xf32>
        %parallel_loop3A_251 = arith.addf %parallel_loop3A_246, %parallel_loop3A_250 : vector<16xf32>
        %parallel_loop3A_252 = arith.constant 0.000000e+00 : f32
        %parallel_loop3A_253 = vector.broadcast %parallel_loop3A_252 : f32 to vector<16xf32>
        %parallel_loop3A_254 = arith.maximumf %parallel_loop3A_251, %parallel_loop3A_253 : vector<16xf32>
        %parallel_loop3A_255 = arith.index_cast %parallel_loop3A_208 : i32 to index
        %parallel_loop3A_256 = arith.constant 32 : index
        %parallel_loop3A_257 = tpu.vector_load %arg15[%parallel_loop3A_255, %parallel_loop3A_256] {strides = array<i32>} : memref<125x64xf32, #tpu.memory_space<vmem>>, vector<1x16xf32>,
        %parallel_loop3A_258 = vector.shape_cast %parallel_loop3A_257 : vector<1x16xf32> to vector<16xf32>
        %parallel_loop3A_259 = vector.shape_cast %parallel_loop3A_254 : vector<16xf32> to vector<1x16xf32>
        tpu.vector_store %arg15[%parallel_loop3A_255, %parallel_loop3A_256], %parallel_loop3A_259 {strides = array<i32>} : memref<125x64xf32, #tpu.memory_space<vmem>>, vector<1x16xf32>,
        %parallel_loop3A_260 = arith.index_cast %parallel_loop3A_208 : i32 to index
        %parallel_loop3A_261 = arith.constant 48 : index
        %parallel_loop3A_262 = tpu.vector_load %arg13[%parallel_loop3A_260, %parallel_loop3A_261] {strides = array<i32>} : memref<125x64xf32, #tpu.memory_space<vmem>>, vector<1x16xf32>,
        %parallel_loop3A_263 = vector.shape_cast %parallel_loop3A_262 : vector<1x16xf32> to vector<16xf32>
        %parallel_loop3A_264 = arith.index_cast %parallel_loop3A_208 : i32 to index
        %parallel_loop3A_265 = arith.constant 48 : index
        %parallel_loop3A_266 = tpu.vector_load %arg11[%parallel_loop3A_264, %parallel_loop3A_265] {strides = array<i32>} : memref<125x64xf32, #tpu.memory_space<vmem>>, vector<1x16xf32>,
        %parallel_loop3A_267 = vector.shape_cast %parallel_loop3A_266 : vector<1x16xf32> to vector<16xf32>
        %parallel_loop3A_268 = arith.addf %parallel_loop3A_263, %parallel_loop3A_267 : vector<16xf32>
        %parallel_loop3A_269 = arith.constant 0.000000e+00 : f32
        %parallel_loop3A_270 = vector.broadcast %parallel_loop3A_269 : f32 to vector<16xf32>
        %parallel_loop3A_271 = arith.maximumf %parallel_loop3A_268, %parallel_loop3A_270 : vector<16xf32>
        %parallel_loop3A_272 = arith.index_cast %parallel_loop3A_208 : i32 to index
        %parallel_loop3A_273 = arith.constant 48 : index
        %parallel_loop3A_274 = tpu.vector_load %arg15[%parallel_loop3A_272, %parallel_loop3A_273] {strides = array<i32>} : memref<125x64xf32, #tpu.memory_space<vmem>>, vector<1x16xf32>,
        %parallel_loop3A_275 = vector.shape_cast %parallel_loop3A_274 : vector<1x16xf32> to vector<16xf32>
        %parallel_loop3A_276 = vector.shape_cast %parallel_loop3A_271 : vector<16xf32> to vector<1x16xf32>
        tpu.vector_store %arg15[%parallel_loop3A_272, %parallel_loop3A_273], %parallel_loop3A_276 {strides = array<i32>} : memref<125x64xf32, #tpu.memory_space<vmem>>, vector<1x16xf32>,
      } {sc.loop_unroll_factor = 5 : i64, sc.parallel_access}
      %dma_start3A_157 = arith.constant 0 : i32
      %dma_start3A_158 = tpu.memref_slice %arg10[%add3A_137, %dma_start3A_157] : memref<80x125xi32, #tpu.memory_space<vmem>> -> memref<1x125xi32, #tpu.memory_space<vmem>>
      %dma_start3A_159 = tpu.memref_squeeze %dma_start3A_158 : memref<1x125xi32, #tpu.memory_space<vmem>> -> memref<125xi32, #tpu.memory_space<vmem>>
      %dma_start3A_160 = arith.constant 0 : i32
      %dma_start3A_161 = arith.constant 0 : i32
      %dma_start3A_162 = tpu.memref_slice %arg17[%dma_start3A_160, %dma_start3A_161] : memref<10000x64xf32, #tpu.memory_space<vmem_shared>> -> memref<10000x64xf32, #tpu.memory_space<vmem_shared>>
      tpu.enqueue_indirect_dma source(%arg15 : memref<125x64xf32, #tpu.memory_space<vmem>>) target(%dma_start3A_162 : memref<10000x64xf32, #tpu.memory_space<vmem_shared>>) offsets(%dma_start3A_159 : memref<125xi32, #tpu.memory_space<vmem>>) semaphore(%arg22 : memref<!tpu.dma_semaphore, #tpu.memory_space<semaphore_mem>>) {add = true}
      %add3A_163 = arith.constant 2 : i32
      %add3A_164 = arith.addi %add3A_137, %add3A_163 : i32
      %lt3A_165 = arith.constant 80 : i32
      %lt3A_166 = arith.cmpi slt, %add3A_164, %lt3A_165 : i32
      %convert_element_type3A_167 = arith.extui %lt3A_166 : i1 to i32
      %cond3A_168 = arith.constant 0 : i32
      %cond3A_169 = arith.cmpi ne, %convert_element_type3A_167, %cond3A_168 : i32
      scf.if %cond3A_169 {
        %add3A_208 = arith.constant 2 : i32
        %add3A_209 = arith.addi %add3A_137, %add3A_208 : i32
        %mul3A_210 = arith.constant 125 : i32
        %mul3A_211 = arith.muli %add3A_209, %mul3A_210 : i32
        %add3A_212 = arith.addi %mul3A_75, %mul3A_211 : i32
        %dma_start3A_213 = arith.constant 64 : i32
        %dma_start3A_214 = tpu.memref_slice %arg4[%add3A_212, %dma_start3A_213] : memref<320000x128xf32, #tpu.memory_space<hbm>> -> memref<125x64xf32, #tpu.memory_space<hbm>>
        %dma_start3A_215 = arith.constant 64 : i32
        %dma_start3A_216 = tpu.memref_slice %arg4[%add3A_212, %dma_start3A_215] : memref<320000x128xf32, #tpu.memory_space<hbm>> -> memref<125x64xf32, #tpu.memory_space<hbm>>
        tpu.enqueue_dma source(%dma_start3A_216 : memref<125x64xf32, #tpu.memory_space<hbm>>) target(%arg11 : memref<125x64xf32, #tpu.memory_space<vmem>>) target_semaphore(%arg18 : memref<!tpu.dma_semaphore, #tpu.memory_space<semaphore_mem>>)
        %add3A_217 = arith.constant 2 : i32
        %add3A_218 = arith.addi %add3A_137, %add3A_217 : i32
        %dma_start3A_219 = arith.constant 0 : i32
        %dma_start3A_220 = tpu.memref_slice %arg9[%add3A_218, %dma_start3A_219] : memref<80x125xi32, #tpu.memory_space<vmem>> -> memref<1x125xi32, #tpu.memory_space<vmem>>
        %dma_start3A_221 = tpu.memref_squeeze %dma_start3A_220 : memref<1x125xi32, #tpu.memory_space<vmem>> -> memref<125xi32, #tpu.memory_space<vmem>>
        %dma_start3A_222 = arith.constant 0 : i32
        %dma_start3A_223 = arith.constant 0 : i32
        %dma_start3A_224 = tpu.memref_slice %arg3[%dma_start3A_222, %dma_start3A_223] : memref<10000x64xf32, #tpu.memory_space<hbm>> -> memref<10000x64xf32, #tpu.memory_space<hbm>>
        tpu.enqueue_indirect_dma source(%dma_start3A_224 : memref<10000x64xf32, #tpu.memory_space<hbm>>) target(%arg13 : memref<125x64xf32, #tpu.memory_space<vmem>>) offsets(%dma_start3A_221 : memref<125xi32, #tpu.memory_space<vmem>>) semaphore(%arg20 : memref<!tpu.dma_semaphore, #tpu.memory_space<semaphore_mem>>)
      } else {
      }
      %mul3A_170 = arith.constant 2 : i32
      %mul3A_171 = arith.muli %mul3A_170, %scan3A_133 : i32
      %add3A_172 = arith.constant 1 : i32
      %add3A_173 = arith.addi %mul3A_171, %add3A_172 : i32
      %mul3A_174 = arith.constant 125 : i32
      %mul3A_175 = arith.muli %add3A_173, %mul3A_174 : i32
      %add3A_176 = arith.addi %mul3A_75, %mul3A_175 : i32
      %dma_wait3A_177 = arith.constant 64 : i32
      %dma_wait3A_178 = tpu.memref_slice %arg4[%add3A_176, %dma_wait3A_177] : memref<320000x128xf32, #tpu.memory_space<hbm>> -> memref<125x64xf32, #tpu.memory_space<hbm>>
      %dma_wait3A_179 = arith.constant 64 : i32
      %dma_wait3A_180 = tpu.memref_slice %arg4[%add3A_176, %dma_wait3A_179] : memref<320000x128xf32, #tpu.memory_space<hbm>> -> memref<125x64xf32, #tpu.memory_space<hbm>>
      tpu.wait_dma2 semaphore(%arg19 : memref<!tpu.dma_semaphore, #tpu.memory_space<semaphore_mem>>) src(%dma_wait3A_180 : memref<125x64xf32, #tpu.memory_space<hbm>>) dst(%arg12 : memref<125x64xf32, #tpu.memory_space<vmem>>)
      %dma_wait3A_181 = arith.constant 0 : i32
      %dma_wait3A_182 = tpu.memref_slice %arg9[%add3A_173, %dma_wait3A_181] : memref<80x125xi32, #tpu.memory_space<vmem>> -> memref<1x125xi32, #tpu.memory_space<vmem>>
      %dma_wait3A_183 = tpu.memref_squeeze %dma_wait3A_182 : memref<1x125xi32, #tpu.memory_space<vmem>> -> memref<125xi32, #tpu.memory_space<vmem>>
      %dma_wait3A_184 = arith.constant 0 : i32
      %dma_wait3A_185 = arith.constant 0 : i32
      %dma_wait3A_186 = tpu.memref_slice %arg3[%dma_wait3A_184, %dma_wait3A_185] : memref<10000x64xf32, #tpu.memory_space<hbm>> -> memref<10000x64xf32, #tpu.memory_space<hbm>>
      tpu.wait_indirect_dma semaphore(%arg21 : memref<!tpu.dma_semaphore, #tpu.memory_space<semaphore_mem>>) src(%dma_wait3A_186 : memref<10000x64xf32, #tpu.memory_space<hbm>>) dst(%arg14 : memref<125x64xf32, #tpu.memory_space<vmem>>)
      %gt3A_187 = arith.constant 0 : i32
      %gt3A_188 = arith.cmpi sgt, %scan3A_133, %gt3A_187 : i32
      %convert_element_type3A_189 = arith.extui %gt3A_188 : i1 to i32
      %cond3A_190 = arith.constant 0 : i32
      %cond3A_191 = arith.cmpi ne, %convert_element_type3A_189, %cond3A_190 : i32
      scf.if %cond3A_191 {
        %dma_wait3A_208 = arith.constant 0 : i32
        %dma_wait3A_209 = tpu.memref_slice %arg10[%add3A_173, %dma_wait3A_208] : memref<80x125xi32, #tpu.memory_space<vmem>> -> memref<1x125xi32, #tpu.memory_space<vmem>>
        %dma_wait3A_210 = tpu.memref_squeeze %dma_wait3A_209 : memref<1x125xi32, #tpu.memory_space<vmem>> -> memref<125xi32, #tpu.memory_space<vmem>>
        %dma_wait3A_211 = arith.constant 0 : i32
        %dma_wait3A_212 = arith.constant 0 : i32
        %dma_wait3A_213 = tpu.memref_slice %arg17[%dma_wait3A_211, %dma_wait3A_212] : memref<10000x64xf32, #tpu.memory_space<vmem_shared>> -> memref<10000x64xf32, #tpu.memory_space<vmem_shared>>
        tpu.wait_indirect_dma semaphore(%arg23 : memref<!tpu.dma_semaphore, #tpu.memory_space<semaphore_mem>>) src(%arg16 : memref<125x64xf32, #tpu.memory_space<vmem>>) dst(%dma_wait3A_213 : memref<10000x64xf32, #tpu.memory_space<vmem_shared>>)
      } else {
      }
      %parallel_loop3A_192 = arith.constant 0 : i32
      %parallel_loop3A_193 = arith.constant 125 : i32
      %parallel_loop3A_194 = arith.constant 1 : i32
      scf.for %parallel_loop3A_208 = %parallel_loop3A_192 to %parallel_loop3A_193 step %parallel_loop3A_194  : i32 {
        %parallel_loop3A_209 = arith.index_cast %parallel_loop3A_208 : i32 to index
        %parallel_loop3A_210 = arith.constant 0 : index
        %parallel_loop3A_211 = tpu.vector_load %arg14[%parallel_loop3A_209, %parallel_loop3A_210] {strides = array<i32>} : memref<125x64xf32, #tpu.memory_space<vmem>>, vector<1x16xf32>,
        %parallel_loop3A_212 = vector.shape_cast %parallel_loop3A_211 : vector<1x16xf32> to vector<16xf32>
        %parallel_loop3A_213 = arith.index_cast %parallel_loop3A_208 : i32 to index
        %parallel_loop3A_214 = arith.constant 0 : index
        %parallel_loop3A_215 = tpu.vector_load %arg12[%parallel_loop3A_213, %parallel_loop3A_214] {strides = array<i32>} : memref<125x64xf32, #tpu.memory_space<vmem>>, vector<1x16xf32>,
        %parallel_loop3A_216 = vector.shape_cast %parallel_loop3A_215 : vector<1x16xf32> to vector<16xf32>
        %parallel_loop3A_217 = arith.addf %parallel_loop3A_212, %parallel_loop3A_216 : vector<16xf32>
        %parallel_loop3A_218 = arith.constant 0.000000e+00 : f32
        %parallel_loop3A_219 = vector.broadcast %parallel_loop3A_218 : f32 to vector<16xf32>
        %parallel_loop3A_220 = arith.maximumf %parallel_loop3A_217, %parallel_loop3A_219 : vector<16xf32>
        %parallel_loop3A_221 = arith.index_cast %parallel_loop3A_208 : i32 to index
        %parallel_loop3A_222 = arith.constant 0 : index
        %parallel_loop3A_223 = tpu.vector_load %arg16[%parallel_loop3A_221, %parallel_loop3A_222] {strides = array<i32>} : memref<125x64xf32, #tpu.memory_space<vmem>>, vector<1x16xf32>,
        %parallel_loop3A_224 = vector.shape_cast %parallel_loop3A_223 : vector<1x16xf32> to vector<16xf32>
        %parallel_loop3A_225 = vector.shape_cast %parallel_loop3A_220 : vector<16xf32> to vector<1x16xf32>
        tpu.vector_store %arg16[%parallel_loop3A_221, %parallel_loop3A_222], %parallel_loop3A_225 {strides = array<i32>} : memref<125x64xf32, #tpu.memory_space<vmem>>, vector<1x16xf32>,
        %parallel_loop3A_226 = arith.index_cast %parallel_loop3A_208 : i32 to index
        %parallel_loop3A_227 = arith.constant 16 : index
        %parallel_loop3A_228 = tpu.vector_load %arg14[%parallel_loop3A_226, %parallel_loop3A_227] {strides = array<i32>} : memref<125x64xf32, #tpu.memory_space<vmem>>, vector<1x16xf32>,
        %parallel_loop3A_229 = vector.shape_cast %parallel_loop3A_228 : vector<1x16xf32> to vector<16xf32>
        %parallel_loop3A_230 = arith.index_cast %parallel_loop3A_208 : i32 to index
        %parallel_loop3A_231 = arith.constant 16 : index
        %parallel_loop3A_232 = tpu.vector_load %arg12[%parallel_loop3A_230, %parallel_loop3A_231] {strides = array<i32>} : memref<125x64xf32, #tpu.memory_space<vmem>>, vector<1x16xf32>,
        %parallel_loop3A_233 = vector.shape_cast %parallel_loop3A_232 : vector<1x16xf32> to vector<16xf32>
        %parallel_loop3A_234 = arith.addf %parallel_loop3A_229, %parallel_loop3A_233 : vector<16xf32>
        %parallel_loop3A_235 = arith.constant 0.000000e+00 : f32
        %parallel_loop3A_236 = vector.broadcast %parallel_loop3A_235 : f32 to vector<16xf32>
        %parallel_loop3A_237 = arith.maximumf %parallel_loop3A_234, %parallel_loop3A_236 : vector<16xf32>
        %parallel_loop3A_238 = arith.index_cast %parallel_loop3A_208 : i32 to index
        %parallel_loop3A_239 = arith.constant 16 : index
        %parallel_loop3A_240 = tpu.vector_load %arg16[%parallel_loop3A_238, %parallel_loop3A_239] {strides = array<i32>} : memref<125x64xf32, #tpu.memory_space<vmem>>, vector<1x16xf32>,
        %parallel_loop3A_241 = vector.shape_cast %parallel_loop3A_240 : vector<1x16xf32> to vector<16xf32>
        %parallel_loop3A_242 = vector.shape_cast %parallel_loop3A_237 : vector<16xf32> to vector<1x16xf32>
        tpu.vector_store %arg16[%parallel_loop3A_238, %parallel_loop3A_239], %parallel_loop3A_242 {strides = array<i32>} : memref<125x64xf32, #tpu.memory_space<vmem>>, vector<1x16xf32>,
        %parallel_loop3A_243 = arith.index_cast %parallel_loop3A_208 : i32 to index
        %parallel_loop3A_244 = arith.constant 32 : index
        %parallel_loop3A_245 = tpu.vector_load %arg14[%parallel_loop3A_243, %parallel_loop3A_244] {strides = array<i32>} : memref<125x64xf32, #tpu.memory_space<vmem>>, vector<1x16xf32>,
        %parallel_loop3A_246 = vector.shape_cast %parallel_loop3A_245 : vector<1x16xf32> to vector<16xf32>
        %parallel_loop3A_247 = arith.index_cast %parallel_loop3A_208 : i32 to index
        %parallel_loop3A_248 = arith.constant 32 : index
        %parallel_loop3A_249 = tpu.vector_load %arg12[%parallel_loop3A_247, %parallel_loop3A_248] {strides = array<i32>} : memref<125x64xf32, #tpu.memory_space<vmem>>, vector<1x16xf32>,
        %parallel_loop3A_250 = vector.shape_cast %parallel_loop3A_249 : vector<1x16xf32> to vector<16xf32>
        %parallel_loop3A_251 = arith.addf %parallel_loop3A_246, %parallel_loop3A_250 : vector<16xf32>
        %parallel_loop3A_252 = arith.constant 0.000000e+00 : f32
        %parallel_loop3A_253 = vector.broadcast %parallel_loop3A_252 : f32 to vector<16xf32>
        %parallel_loop3A_254 = arith.maximumf %parallel_loop3A_251, %parallel_loop3A_253 : vector<16xf32>
        %parallel_loop3A_255 = arith.index_cast %parallel_loop3A_208 : i32 to index
        %parallel_loop3A_256 = arith.constant 32 : index
        %parallel_loop3A_257 = tpu.vector_load %arg16[%parallel_loop3A_255, %parallel_loop3A_256] {strides = array<i32>} : memref<125x64xf32, #tpu.memory_space<vmem>>, vector<1x16xf32>,
        %parallel_loop3A_258 = vector.shape_cast %parallel_loop3A_257 : vector<1x16xf32> to vector<16xf32>
        %parallel_loop3A_259 = vector.shape_cast %parallel_loop3A_254 : vector<16xf32> to vector<1x16xf32>
        tpu.vector_store %arg16[%parallel_loop3A_255, %parallel_loop3A_256], %parallel_loop3A_259 {strides = array<i32>} : memref<125x64xf32, #tpu.memory_space<vmem>>, vector<1x16xf32>,
        %parallel_loop3A_260 = arith.index_cast %parallel_loop3A_208 : i32 to index
        %parallel_loop3A_261 = arith.constant 48 : index
        %parallel_loop3A_262 = tpu.vector_load %arg14[%parallel_loop3A_260, %parallel_loop3A_261] {strides = array<i32>} : memref<125x64xf32, #tpu.memory_space<vmem>>, vector<1x16xf32>,
        %parallel_loop3A_263 = vector.shape_cast %parallel_loop3A_262 : vector<1x16xf32> to vector<16xf32>
        %parallel_loop3A_264 = arith.index_cast %parallel_loop3A_208 : i32 to index
        %parallel_loop3A_265 = arith.constant 48 : index
        %parallel_loop3A_266 = tpu.vector_load %arg12[%parallel_loop3A_264, %parallel_loop3A_265] {strides = array<i32>} : memref<125x64xf32, #tpu.memory_space<vmem>>, vector<1x16xf32>,
        %parallel_loop3A_267 = vector.shape_cast %parallel_loop3A_266 : vector<1x16xf32> to vector<16xf32>
        %parallel_loop3A_268 = arith.addf %parallel_loop3A_263, %parallel_loop3A_267 : vector<16xf32>
        %parallel_loop3A_269 = arith.constant 0.000000e+00 : f32
        %parallel_loop3A_270 = vector.broadcast %parallel_loop3A_269 : f32 to vector<16xf32>
        %parallel_loop3A_271 = arith.maximumf %parallel_loop3A_268, %parallel_loop3A_270 : vector<16xf32>
        %parallel_loop3A_272 = arith.index_cast %parallel_loop3A_208 : i32 to index
        %parallel_loop3A_273 = arith.constant 48 : index
        %parallel_loop3A_274 = tpu.vector_load %arg16[%parallel_loop3A_272, %parallel_loop3A_273] {strides = array<i32>} : memref<125x64xf32, #tpu.memory_space<vmem>>, vector<1x16xf32>,
        %parallel_loop3A_275 = vector.shape_cast %parallel_loop3A_274 : vector<1x16xf32> to vector<16xf32>
        %parallel_loop3A_276 = vector.shape_cast %parallel_loop3A_271 : vector<16xf32> to vector<1x16xf32>
        tpu.vector_store %arg16[%parallel_loop3A_272, %parallel_loop3A_273], %parallel_loop3A_276 {strides = array<i32>} : memref<125x64xf32, #tpu.memory_space<vmem>>, vector<1x16xf32>,
      } {sc.loop_unroll_factor = 5 : i64, sc.parallel_access}
      %dma_start3A_195 = arith.constant 0 : i32
      %dma_start3A_196 = tpu.memref_slice %arg10[%add3A_173, %dma_start3A_195] : memref<80x125xi32, #tpu.memory_space<vmem>> -> memref<1x125xi32, #tpu.memory_space<vmem>>
      %dma_start3A_197 = tpu.memref_squeeze %dma_start3A_196 : memref<1x125xi32, #tpu.memory_space<vmem>> -> memref<125xi32, #tpu.memory_space<vmem>>
      %dma_start3A_198 = arith.constant 0 : i32
      %dma_start3A_199 = arith.constant 0 : i32
      %dma_start3A_200 = tpu.memref_slice %arg17[%dma_start3A_198, %dma_start3A_199] : memref<10000x64xf32, #tpu.memory_space<vmem_shared>> -> memref<10000x64xf32, #tpu.memory_space<vmem_shared>>
      tpu.enqueue_indirect_dma source(%arg16 : memref<125x64xf32, #tpu.memory_space<vmem>>) target(%dma_start3A_200 : memref<10000x64xf32, #tpu.memory_space<vmem_shared>>) offsets(%dma_start3A_197 : memref<125xi32, #tpu.memory_space<vmem>>) semaphore(%arg23 : memref<!tpu.dma_semaphore, #tpu.memory_space<semaphore_mem>>) {add = true}
      %add3A_201 = arith.constant 2 : i32
      %add3A_202 = arith.addi %add3A_173, %add3A_201 : i32
      %lt3A_203 = arith.constant 80 : i32
      %lt3A_204 = arith.cmpi slt, %add3A_202, %lt3A_203 : i32
      %convert_element_type3A_205 = arith.extui %lt3A_204 : i1 to i32
      %cond3A_206 = arith.constant 0 : i32
      %cond3A_207 = arith.cmpi ne, %convert_element_type3A_205, %cond3A_206 : i32
      scf.if %cond3A_207 {
        %add3A_208 = arith.constant 2 : i32
        %add3A_209 = arith.addi %add3A_173, %add3A_208 : i32
        %mul3A_210 = arith.constant 125 : i32
        %mul3A_211 = arith.muli %add3A_209, %mul3A_210 : i32
        %add3A_212 = arith.addi %mul3A_75, %mul3A_211 : i32
        %dma_start3A_213 = arith.constant 64 : i32
        %dma_start3A_214 = tpu.memref_slice %arg4[%add3A_212, %dma_start3A_213] : memref<320000x128xf32, #tpu.memory_space<hbm>> -> memref<125x64xf32, #tpu.memory_space<hbm>>
        %dma_start3A_215 = arith.constant 64 : i32
        %dma_start3A_216 = tpu.memref_slice %arg4[%add3A_212, %dma_start3A_215] : memref<320000x128xf32, #tpu.memory_space<hbm>> -> memref<125x64xf32, #tpu.memory_space<hbm>>
        tpu.enqueue_dma source(%dma_start3A_216 : memref<125x64xf32, #tpu.memory_space<hbm>>) target(%arg12 : memref<125x64xf32, #tpu.memory_space<vmem>>) target_semaphore(%arg19 : memref<!tpu.dma_semaphore, #tpu.memory_space<semaphore_mem>>)
        %add3A_217 = arith.constant 2 : i32
        %add3A_218 = arith.addi %add3A_173, %add3A_217 : i32
        %dma_start3A_219 = arith.constant 0 : i32
        %dma_start3A_220 = tpu.memref_slice %arg9[%add3A_218, %dma_start3A_219] : memref<80x125xi32, #tpu.memory_space<vmem>> -> memref<1x125xi32, #tpu.memory_space<vmem>>
        %dma_start3A_221 = tpu.memref_squeeze %dma_start3A_220 : memref<1x125xi32, #tpu.memory_space<vmem>> -> memref<125xi32, #tpu.memory_space<vmem>>
        %dma_start3A_222 = arith.constant 0 : i32
        %dma_start3A_223 = arith.constant 0 : i32
        %dma_start3A_224 = tpu.memref_slice %arg3[%dma_start3A_222, %dma_start3A_223] : memref<10000x64xf32, #tpu.memory_space<hbm>> -> memref<10000x64xf32, #tpu.memory_space<hbm>>
        tpu.enqueue_indirect_dma source(%dma_start3A_224 : memref<10000x64xf32, #tpu.memory_space<hbm>>) target(%arg14 : memref<125x64xf32, #tpu.memory_space<vmem>>) offsets(%dma_start3A_221 : memref<125xi32, #tpu.memory_space<vmem>>) semaphore(%arg21 : memref<!tpu.dma_semaphore, #tpu.memory_space<semaphore_mem>>)
      } else {
      }
    }
    %scan3A_107 = arith.constant 40 : i32
    %dma_wait3A_108 = arith.constant 78 : i32
    %dma_wait3A_109 = arith.constant 0 : i32
    %dma_wait3A_110 = tpu.memref_slice %arg10[%dma_wait3A_108, %dma_wait3A_109] : memref<80x125xi32, #tpu.memory_space<vmem>> -> memref<1x125xi32, #tpu.memory_space<vmem>>
    %dma_wait3A_111 = tpu.memref_squeeze %dma_wait3A_110 : memref<1x125xi32, #tpu.memory_space<vmem>> -> memref<125xi32, #tpu.memory_space<vmem>>
    %dma_wait3A_112 = arith.constant 0 : i32
    %dma_wait3A_113 = arith.constant 0 : i32
    %dma_wait3A_114 = tpu.memref_slice %arg17[%dma_wait3A_112, %dma_wait3A_113] : memref<10000x64xf32, #tpu.memory_space<vmem_shared>> -> memref<10000x64xf32, #tpu.memory_space<vmem_shared>>
    tpu.wait_indirect_dma semaphore(%arg22 : memref<!tpu.dma_semaphore, #tpu.memory_space<semaphore_mem>>) src(%arg15 : memref<125x64xf32, #tpu.memory_space<vmem>>) dst(%dma_wait3A_114 : memref<10000x64xf32, #tpu.memory_space<vmem_shared>>)
    %dma_wait3A_115 = arith.constant 79 : i32
    %dma_wait3A_116 = arith.constant 0 : i32
    %dma_wait3A_117 = tpu.memref_slice %arg10[%dma_wait3A_115, %dma_wait3A_116] : memref<80x125xi32, #tpu.memory_space<vmem>> -> memref<1x125xi32, #tpu.memory_space<vmem>>
    %dma_wait3A_118 = tpu.memref_squeeze %dma_wait3A_117 : memref<1x125xi32, #tpu.memory_space<vmem>> -> memref<125xi32, #tpu.memory_space<vmem>>
    %dma_wait3A_119 = arith.constant 0 : i32
    %dma_wait3A_120 = arith.constant 0 : i32
    %dma_wait3A_121 = tpu.memref_slice %arg17[%dma_wait3A_119, %dma_wait3A_120] : memref<10000x64xf32, #tpu.memory_space<vmem_shared>> -> memref<10000x64xf32, #tpu.memory_space<vmem_shared>>
    tpu.wait_indirect_dma semaphore(%arg23 : memref<!tpu.dma_semaphore, #tpu.memory_space<semaphore_mem>>) src(%arg16 : memref<125x64xf32, #tpu.memory_space<vmem>>) dst(%dma_wait3A_121 : memref<10000x64xf32, #tpu.memory_space<vmem_shared>>)
    %barrier3A_122 = arith.constant 0 : index
    tpu.barrier barrier_id(%barrier3A_122)
    %lt3A_123 = arith.constant 15 : i32
    %lt3A_124 = arith.cmpi slt, %arg1, %lt3A_123 : i32
    %convert_element_type3A_125 = arith.extui %lt3A_124 : i1 to i32
    %cond3A_126 = arith.constant 0 : i32
    %cond3A_127 = arith.cmpi ne, %convert_element_type3A_125, %cond3A_126 : i32
    scf.if %cond3A_127 {
      %mul3A_133 = arith.constant 632 : i32
      %mul3A_134 = arith.muli %arg1, %mul3A_133 : i32
      %mul3A_135 = arith.constant 632 : i32
      %mul3A_136 = arith.muli %arg1, %mul3A_135 : i32
      %run_scoped3A = arith.constant 1 : i32
      "tpu.region"() ({
        %run_scoped3A_137 = tpu.sem_alloc : memref<!tpu.dma_semaphore, #tpu.memory_space<semaphore_mem>>
        %dma_start3A_138 = arith.constant 0 : i32
        %dma_start3A_139 = tpu.memref_slice %arg8[%arg0, %run_scoped3A, %mul3A_136, %dma_start3A_138] : memref<2x2x10000x64xf32, #tpu.memory_space<hbm>> -> memref<1x1x632x64xf32, #tpu.memory_space<hbm>>
        %dma_start3A_140 = tpu.memref_squeeze %dma_start3A_139 : memref<1x1x632x64xf32, #tpu.memory_space<hbm>> -> memref<632x64xf32, #tpu.memory_space<hbm>>
        %dma_start3A_141 = arith.constant 0 : i32
        %dma_start3A_142 = tpu.memref_slice %arg17[%mul3A_134, %dma_start3A_141] : memref<10000x64xf32, #tpu.memory_space<vmem_shared>> -> memref<632x64xf32, #tpu.memory_space<vmem_shared>>
        tpu.enqueue_dma source(%dma_start3A_142 : memref<632x64xf32, #tpu.memory_space<vmem_shared>>) target(%dma_start3A_140 : memref<632x64xf32, #tpu.memory_space<hbm>>) target_semaphore(%run_scoped3A_137 : memref<!tpu.dma_semaphore, #tpu.memory_space<semaphore_mem>>)
        %dma_wait3A_143 = arith.constant 0 : i32
        %dma_wait3A_144 = tpu.memref_slice %arg8[%arg0, %run_scoped3A, %mul3A_136, %dma_wait3A_143] : memref<2x2x10000x64xf32, #tpu.memory_space<hbm>> -> memref<1x1x632x64xf32, #tpu.memory_space<hbm>>
        %dma_wait3A_145 = tpu.memref_squeeze %dma_wait3A_144 : memref<1x1x632x64xf32, #tpu.memory_space<hbm>> -> memref<632x64xf32, #tpu.memory_space<hbm>>
        %dma_wait3A_146 = arith.constant 0 : i32
        %dma_wait3A_147 = tpu.memref_slice %arg17[%mul3A_134, %dma_wait3A_146] : memref<10000x64xf32, #tpu.memory_space<vmem_shared>> -> memref<632x64xf32, #tpu.memory_space<vmem_shared>>
        tpu.wait_dma2 semaphore(%run_scoped3A_137 : memref<!tpu.dma_semaphore, #tpu.memory_space<semaphore_mem>>) src(%dma_wait3A_147 : memref<632x64xf32, #tpu.memory_space<vmem_shared>>) dst(%dma_wait3A_145 : memref<632x64xf32, #tpu.memory_space<hbm>>)
        tpu.yield
      }) : () -> ()
    } else {
    }
    %eq3A_128 = arith.constant 15 : i32
    %eq3A_129 = arith.cmpi eq, %arg1, %eq3A_128 : i32
    %convert_element_type3A_130 = arith.extui %eq3A_129 : i1 to i32
    %cond3A_131 = arith.constant 0 : i32
    %cond3A_132 = arith.cmpi ne, %convert_element_type3A_130, %cond3A_131 : i32
    scf.if %cond3A_132 {
      %run_scoped3A = arith.constant 1 : i32
      "tpu.region"() ({
        %run_scoped3A_133 = tpu.sem_alloc : memref<!tpu.dma_semaphore, #tpu.memory_space<semaphore_mem>>
        %dma_start3A_134 = arith.constant 9480 : i32
        %dma_start3A_135 = arith.constant 0 : i32
        %dma_start3A_136 = tpu.memref_slice %arg8[%arg0, %run_scoped3A, %dma_start3A_134, %dma_start3A_135] : memref<2x2x10000x64xf32, #tpu.memory_space<hbm>> -> memref<1x1x520x64xf32, #tpu.memory_space<hbm>>
        %dma_start3A_137 = tpu.memref_squeeze %dma_start3A_136 : memref<1x1x520x64xf32, #tpu.memory_space<hbm>> -> memref<520x64xf32, #tpu.memory_space<hbm>>
        %dma_start3A_138 = arith.constant 9480 : i32
        %dma_start3A_139 = arith.constant 0 : i32
        %dma_start3A_140 = tpu.memref_slice %arg17[%dma_start3A_138, %dma_start3A_139] : memref<10000x64xf32, #tpu.memory_space<vmem_shared>> -> memref<520x64xf32, #tpu.memory_space<vmem_shared>>
        tpu.enqueue_dma source(%dma_start3A_140 : memref<520x64xf32, #tpu.memory_space<vmem_shared>>) target(%dma_start3A_137 : memref<520x64xf32, #tpu.memory_space<hbm>>) target_semaphore(%run_scoped3A_133 : memref<!tpu.dma_semaphore, #tpu.memory_space<semaphore_mem>>)
        %dma_wait3A_141 = arith.constant 9480 : i32
        %dma_wait3A_142 = arith.constant 0 : i32
        %dma_wait3A_143 = tpu.memref_slice %arg8[%arg0, %run_scoped3A, %dma_wait3A_141, %dma_wait3A_142] : memref<2x2x10000x64xf32, #tpu.memory_space<hbm>> -> memref<1x1x520x64xf32, #tpu.memory_space<hbm>>
        %dma_wait3A_144 = tpu.memref_squeeze %dma_wait3A_143 : memref<1x1x520x64xf32, #tpu.memory_space<hbm>> -> memref<520x64xf32, #tpu.memory_space<hbm>>
        %dma_wait3A_145 = arith.constant 9480 : i32
        %dma_wait3A_146 = arith.constant 0 : i32
        %dma_wait3A_147 = tpu.memref_slice %arg17[%dma_wait3A_145, %dma_wait3A_146] : memref<10000x64xf32, #tpu.memory_space<vmem_shared>> -> memref<520x64xf32, #tpu.memory_space<vmem_shared>>
        tpu.wait_dma2 semaphore(%run_scoped3A_133 : memref<!tpu.dma_semaphore, #tpu.memory_space<semaphore_mem>>) src(%dma_wait3A_147 : memref<520x64xf32, #tpu.memory_space<vmem_shared>>) dst(%dma_wait3A_144 : memref<520x64xf32, #tpu.memory_space<hbm>>)
        tpu.yield
      }) : () -> ()
    } else {
    }
    return
  }
}

#map = affine_map<(d0, d1) -> (0, 0)>
#map1 = affine_map<(d0, d1) -> (0, 0, 0)>
#map2 = affine_map<(d0, d1) -> (0, 0, 0, 0)>
module attributes {stable_mosaic.version = 14 : i64} {
  func.func @_sc_body(%arg0: i32, %arg1: i32, %arg2: memref<10000x64xf32, #tpu.memory_space<hbm>>, %arg3: memref<10000x64xf32, #tpu.memory_space<hbm>>, %arg4: memref<320000x128xf32, #tpu.memory_space<hbm>>, %arg5: memref<32x80x125xi32, #tpu.memory_space<hbm>>, %arg6: memref<32x80x125xi32, #tpu.memory_space<hbm>>, %arg7: memref<10000x64xf32, #tpu.memory_space<hbm>>, %arg8: memref<2x2x10000x64xf32, #tpu.memory_space<hbm>>, %arg9: memref<80x125xi32, #tpu.memory_space<vmem>>, %arg10: memref<80x125xi32, #tpu.memory_space<vmem>>, %arg11: memref<125x64xf32, #tpu.memory_space<vmem>>, %arg12: memref<125x64xf32, #tpu.memory_space<vmem>>, %arg13: memref<125x64xf32, #tpu.memory_space<vmem>>, %arg14: memref<125x64xf32, #tpu.memory_space<vmem>>, %arg15: memref<125x64xf32, #tpu.memory_space<vmem>>, %arg16: memref<125x64xf32, #tpu.memory_space<vmem>>, %arg17: memref<10000x64xf32, #tpu.memory_space<vmem_shared>>, %arg18: memref<!tpu.dma_semaphore, #tpu.memory_space<semaphore_mem>>, %arg19: memref<!tpu.dma_semaphore, #tpu.memory_space<semaphore_mem>>, %arg20: memref<!tpu.dma_semaphore, #tpu.memory_space<semaphore_mem>>, %arg21: memref<!tpu.dma_semaphore, #tpu.memory_space<semaphore_mem>>, %arg22: memref<!tpu.dma_semaphore, #tpu.memory_space<semaphore_mem>>, %arg23: memref<!tpu.dma_semaphore, #tpu.memory_space<semaphore_mem>>) attributes {dimension_semantics = [#tpu.dimension_semantics<core_parallel>, #tpu.dimension_semantics<subcore_parallel>], iteration_bounds = array<i64: 2, 16>, scalar_prefetch = 0 : i64, scratch_operands = 15 : i64, tpu.core_type = #tpu.core_type<sc_vector_subcore>, window_params = [{transform_indices = #map}, {transform_indices = #map}, {transform_indices = #map}, {transform_indices = #map1}, {transform_indices = #map1}, {transform_indices = #map}, {transform_indices = #map2}]} {
    %mul3A = arith.constant 16 : i32
    %mul3A_0 = arith.muli %arg0, %mul3A : i32
    %add3A = arith.addi %mul3A_0, %arg1 : i32
    "tpu.region"() ({
      %run_scoped3A = tpu.sem_alloc : memref<!tpu.dma_semaphore, #tpu.memory_space<semaphore_mem>>
      %dma_start3A_133 = arith.constant 0 : i32
      %dma_start3A_134 = arith.constant 0 : i32
      %dma_start3A_135 = tpu.memref_slice %arg5[%add3A, %dma_start3A_133, %dma_start3A_134] : memref<32x80x125xi32, #tpu.memory_space<hbm>> -> memref<1x80x125xi32, #tpu.memory_space<hbm>>
      %dma_start3A_136 = tpu.memref_squeeze %dma_start3A_135 : memref<1x80x125xi32, #tpu.memory_space<hbm>> -> memref<80x125xi32, #tpu.memory_space<hbm>>
      %dma_start3A_137 = arith.constant 0 : i32
      %dma_start3A_138 = arith.constant 0 : i32
      %dma_start3A_139 = tpu.memref_slice %arg5[%add3A, %dma_start3A_137, %dma_start3A_138] : memref<32x80x125xi32, #tpu.memory_space<hbm>> -> memref<1x80x125xi32, #tpu.memory_space<hbm>>
      %dma_start3A_140 = tpu.memref_squeeze %dma_start3A_139 : memref<1x80x125xi32, #tpu.memory_space<hbm>> -> memref<80x125xi32, #tpu.memory_space<hbm>>
      tpu.enqueue_dma source(%dma_start3A_140 : memref<80x125xi32, #tpu.memory_space<hbm>>) target(%arg9 : memref<80x125xi32, #tpu.memory_space<vmem>>) target_semaphore(%run_scoped3A : memref<!tpu.dma_semaphore, #tpu.memory_space<semaphore_mem>>)
      %dma_wait3A_141 = arith.constant 0 : i32
      %dma_wait3A_142 = arith.constant 0 : i32
      %dma_wait3A_143 = tpu.memref_slice %arg5[%add3A, %dma_wait3A_141, %dma_wait3A_142] : memref<32x80x125xi32, #tpu.memory_space<hbm>> -> memref<1x80x125xi32, #tpu.memory_space<hbm>>
      %dma_wait3A_144 = tpu.memref_squeeze %dma_wait3A_143 : memref<1x80x125xi32, #tpu.memory_space<hbm>> -> memref<80x125xi32, #tpu.memory_space<hbm>>
      %dma_wait3A_145 = arith.constant 0 : i32
      %dma_wait3A_146 = arith.constant 0 : i32
      %dma_wait3A_147 = tpu.memref_slice %arg5[%add3A, %dma_wait3A_145, %dma_wait3A_146] : memref<32x80x125xi32, #tpu.memory_space<hbm>> -> memref<1x80x125xi32, #tpu.memory_space<hbm>>
      %dma_wait3A_148 = tpu.memref_squeeze %dma_wait3A_147 : memref<1x80x125xi32, #tpu.memory_space<hbm>> -> memref<80x125xi32, #tpu.memory_space<hbm>>
      tpu.wait_dma2 semaphore(%run_scoped3A : memref<!tpu.dma_semaphore, #tpu.memory_space<semaphore_mem>>) src(%dma_wait3A_148 : memref<80x125xi32, #tpu.memory_space<hbm>>) dst(%arg9 : memref<80x125xi32, #tpu.memory_space<vmem>>)
      tpu.yield
    }) : () -> ()
    "tpu.region"() ({
      %run_scoped3A = tpu.sem_alloc : memref<!tpu.dma_semaphore, #tpu.memory_space<semaphore_mem>>
      %dma_start3A_133 = arith.constant 0 : i32
      %dma_start3A_134 = arith.constant 0 : i32
      %dma_start3A_135 = tpu.memref_slice %arg6[%add3A, %dma_start3A_133, %dma_start3A_134] : memref<32x80x125xi32, #tpu.memory_space<hbm>> -> memref<1x80x125xi32, #tpu.memory_space<hbm>>
      %dma_start3A_136 = tpu.memref_squeeze %dma_start3A_135 : memref<1x80x125xi32, #tpu.memory_space<hbm>> -> memref<80x125xi32, #tpu.memory_space<hbm>>
      %dma_start3A_137 = arith.constant 0 : i32
      %dma_start3A_138 = arith.constant 0 : i32
      %dma_start3A_139 = tpu.memref_slice %arg6[%add3A, %dma_start3A_137, %dma_start3A_138] : memref<32x80x125xi32, #tpu.memory_space<hbm>> -> memref<1x80x125xi32, #tpu.memory_space<hbm>>
      %dma_start3A_140 = tpu.memref_squeeze %dma_start3A_139 : memref<1x80x125xi32, #tpu.memory_space<hbm>> -> memref<80x125xi32, #tpu.memory_space<hbm>>
      tpu.enqueue_dma source(%dma_start3A_140 : memref<80x125xi32, #tpu.memory_space<hbm>>) target(%arg10 : memref<80x125xi32, #tpu.memory_space<vmem>>) target_semaphore(%run_scoped3A : memref<!tpu.dma_semaphore, #tpu.memory_space<semaphore_mem>>)
      %dma_wait3A_141 = arith.constant 0 : i32
      %dma_wait3A_142 = arith.constant 0 : i32
      %dma_wait3A_143 = tpu.memref_slice %arg6[%add3A, %dma_wait3A_141, %dma_wait3A_142] : memref<32x80x125xi32, #tpu.memory_space<hbm>> -> memref<1x80x125xi32, #tpu.memory_space<hbm>>
      %dma_wait3A_144 = tpu.memref_squeeze %dma_wait3A_143 : memref<1x80x125xi32, #tpu.memory_space<hbm>> -> memref<80x125xi32, #tpu.memory_space<hbm>>
      %dma_wait3A_145 = arith.constant 0 : i32
      %dma_wait3A_146 = arith.constant 0 : i32
      %dma_wait3A_147 = tpu.memref_slice %arg6[%add3A, %dma_wait3A_145, %dma_wait3A_146] : memref<32x80x125xi32, #tpu.memory_space<hbm>> -> memref<1x80x125xi32, #tpu.memory_space<hbm>>
      %dma_wait3A_148 = tpu.memref_squeeze %dma_wait3A_147 : memref<1x80x125xi32, #tpu.memory_space<hbm>> -> memref<80x125xi32, #tpu.memory_space<hbm>>
      tpu.wait_dma2 semaphore(%run_scoped3A : memref<!tpu.dma_semaphore, #tpu.memory_space<semaphore_mem>>) src(%dma_wait3A_148 : memref<80x125xi32, #tpu.memory_space<hbm>>) dst(%arg10 : memref<80x125xi32, #tpu.memory_space<vmem>>)
      tpu.yield
    }) : () -> ()
    %lt3A = arith.constant 15 : i32
    %lt3A_1 = arith.cmpi slt, %arg1, %lt3A : i32
    %convert_element_type3A = arith.extui %lt3A_1 : i1 to i32
    %cond3A = arith.constant 0 : i32
    %cond3A_2 = arith.cmpi ne, %convert_element_type3A, %cond3A : i32
    scf.if %cond3A_2 {
      %mul3A_133 = arith.constant 632 : i32
      %mul3A_134 = arith.muli %arg1, %mul3A_133 : i32
      %mul3A_135 = arith.constant 632 : i32
      %mul3A_136 = arith.muli %arg1, %mul3A_135 : i32
      "tpu.region"() ({
        %run_scoped3A = tpu.sem_alloc : memref<!tpu.dma_semaphore, #tpu.memory_space<semaphore_mem>>
        %dma_start3A_137 = arith.constant 0 : i32
        %dma_start3A_138 = tpu.memref_slice %arg17[%mul3A_136, %dma_start3A_137] : memref<10000x64xf32, #tpu.memory_space<vmem_shared>> -> memref<632x64xf32, #tpu.memory_space<vmem_shared>>
        %dma_start3A_139 = arith.constant 0 : i32
        %dma_start3A_140 = tpu.memref_slice %arg7[%mul3A_134, %dma_start3A_139] : memref<10000x64xf32, #tpu.memory_space<hbm>> -> memref<632x64xf32, #tpu.memory_space<hbm>>
        tpu.enqueue_dma source(%dma_start3A_140 : memref<632x64xf32, #tpu.memory_space<hbm>>) target(%dma_start3A_138 : memref<632x64xf32, #tpu.memory_space<vmem_shared>>) target_semaphore(%run_scoped3A : memref<!tpu.dma_semaphore, #tpu.memory_space<semaphore_mem>>)
        %dma_wait3A_141 = arith.constant 0 : i32
        %dma_wait3A_142 = tpu.memref_slice %arg17[%mul3A_136, %dma_wait3A_141] : memref<10000x64xf32, #tpu.memory_space<vmem_shared>> -> memref<632x64xf32, #tpu.memory_space<vmem_shared>>
        %dma_wait3A_143 = arith.constant 0 : i32
        %dma_wait3A_144 = tpu.memref_slice %arg7[%mul3A_134, %dma_wait3A_143] : memref<10000x64xf32, #tpu.memory_space<hbm>> -> memref<632x64xf32, #tpu.memory_space<hbm>>
        tpu.wait_dma2 semaphore(%run_scoped3A : memref<!tpu.dma_semaphore, #tpu.memory_space<semaphore_mem>>) src(%dma_wait3A_144 : memref<632x64xf32, #tpu.memory_space<hbm>>) dst(%dma_wait3A_142 : memref<632x64xf32, #tpu.memory_space<vmem_shared>>)
        tpu.yield
      }) : () -> ()
    } else {
    }
    %eq3A = arith.constant 15 : i32
    %eq3A_3 = arith.cmpi eq, %arg1, %eq3A : i32
    %convert_element_type3A_4 = arith.extui %eq3A_3 : i1 to i32
    %cond3A_5 = arith.constant 0 : i32
    %cond3A_6 = arith.cmpi ne, %convert_element_type3A_4, %cond3A_5 : i32
    scf.if %cond3A_6 {
      "tpu.region"() ({
        %run_scoped3A = tpu.sem_alloc : memref<!tpu.dma_semaphore, #tpu.memory_space<semaphore_mem>>
        %dma_start3A_133 = arith.constant 9480 : i32
        %dma_start3A_134 = arith.constant 0 : i32
        %dma_start3A_135 = tpu.memref_slice %arg17[%dma_start3A_133, %dma_start3A_134] : memref<10000x64xf32, #tpu.memory_space<vmem_shared>> -> memref<520x64xf32, #tpu.memory_space<vmem_shared>>
        %dma_start3A_136 = arith.constant 9480 : i32
        %dma_start3A_137 = arith.constant 0 : i32
        %dma_start3A_138 = tpu.memref_slice %arg7[%dma_start3A_136, %dma_start3A_137] : memref<10000x64xf32, #tpu.memory_space<hbm>> -> memref<520x64xf32, #tpu.memory_space<hbm>>
        tpu.enqueue_dma source(%dma_start3A_138 : memref<520x64xf32, #tpu.memory_space<hbm>>) target(%dma_start3A_135 : memref<520x64xf32, #tpu.memory_space<vmem_shared>>) target_semaphore(%run_scoped3A : memref<!tpu.dma_semaphore, #tpu.memory_space<semaphore_mem>>)
        %dma_wait3A_139 = arith.constant 9480 : i32
        %dma_wait3A_140 = arith.constant 0 : i32
        %dma_wait3A_141 = tpu.memref_slice %arg17[%dma_wait3A_139, %dma_wait3A_140] : memref<10000x64xf32, #tpu.memory_space<vmem_shared>> -> memref<520x64xf32, #tpu.memory_space<vmem_shared>>
        %dma_wait3A_142 = arith.constant 9480 : i32
        %dma_wait3A_143 = arith.constant 0 : i32
        %dma_wait3A_144 = tpu.memref_slice %arg7[%dma_wait3A_142, %dma_wait3A_143] : memref<10000x64xf32, #tpu.memory_space<hbm>> -> memref<520x64xf32, #tpu.memory_space<hbm>>
        tpu.wait_dma2 semaphore(%run_scoped3A : memref<!tpu.dma_semaphore, #tpu.memory_space<semaphore_mem>>) src(%dma_wait3A_144 : memref<520x64xf32, #tpu.memory_space<hbm>>) dst(%dma_wait3A_141 : memref<520x64xf32, #tpu.memory_space<vmem_shared>>)
        tpu.yield
      }) : () -> ()
    } else {
    }
    %barrier3A = arith.constant 0 : index
    tpu.barrier barrier_id(%barrier3A)
    %mul3A_7 = arith.constant 10000 : i32
    %mul3A_8 = arith.muli %add3A, %mul3A_7 : i32
    %add3A_9 = arith.constant 0 : i32
    %add3A_10 = arith.addi %mul3A_8, %add3A_9 : i32
    %dma_start3A = arith.constant 0 : i32
    %dma_start3A_11 = tpu.memref_slice %arg4[%add3A_10, %dma_start3A] : memref<320000x128xf32, #tpu.memory_space<hbm>> -> memref<125x64xf32, #tpu.memory_space<hbm>>
    %dma_start3A_12 = arith.constant 0 : i32
    %dma_start3A_13 = tpu.memref_slice %arg4[%add3A_10, %dma_start3A_12] : memref<320000x128xf32, #tpu.memory_space<hbm>> -> memref<125x64xf32, #tpu.memory_space<hbm>>
    tpu.enqueue_dma source(%dma_start3A_13 : memref<125x64xf32, #tpu.memory_space<hbm>>) target(%arg11 : memref<125x64xf32, #tpu.memory_space<vmem>>) target_semaphore(%arg18 : memref<!tpu.dma_semaphore, #tpu.memory_space<semaphore_mem>>)
    %dma_start3A_14 = arith.constant 0 : i32
    %dma_start3A_15 = arith.constant 0 : i32
    %dma_start3A_16 = tpu.memref_slice %arg9[%dma_start3A_14, %dma_start3A_15] : memref<80x125xi32, #tpu.memory_space<vmem>> -> memref<1x125xi32, #tpu.memory_space<vmem>>
    %dma_start3A_17 = tpu.memref_squeeze %dma_start3A_16 : memref<1x125xi32, #tpu.memory_space<vmem>> -> memref<125xi32, #tpu.memory_space<vmem>>
    %dma_start3A_18 = arith.constant 0 : i32
    %dma_start3A_19 = arith.constant 0 : i32
    %dma_start3A_20 = tpu.memref_slice %arg2[%dma_start3A_18, %dma_start3A_19] : memref<10000x64xf32, #tpu.memory_space<hbm>> -> memref<10000x64xf32, #tpu.memory_space<hbm>>
    tpu.enqueue_indirect_dma source(%dma_start3A_20 : memref<10000x64xf32, #tpu.memory_space<hbm>>) target(%arg13 : memref<125x64xf32, #tpu.memory_space<vmem>>) offsets(%dma_start3A_17 : memref<125xi32, #tpu.memory_space<vmem>>) semaphore(%arg20 : memref<!tpu.dma_semaphore, #tpu.memory_space<semaphore_mem>>)
    %add3A_21 = arith.constant 125 : i32
    %add3A_22 = arith.addi %mul3A_8, %add3A_21 : i32
    %dma_start3A_23 = arith.constant 0 : i32
    %dma_start3A_24 = tpu.memref_slice %arg4[%add3A_22, %dma_start3A_23] : memref<320000x128xf32, #tpu.memory_space<hbm>> -> memref<125x64xf32, #tpu.memory_space<hbm>>
    %dma_start3A_25 = arith.constant 0 : i32
    %dma_start3A_26 = tpu.memref_slice %arg4[%add3A_22, %dma_start3A_25] : memref<320000x128xf32, #tpu.memory_space<hbm>> -> memref<125x64xf32, #tpu.memory_space<hbm>>
    tpu.enqueue_dma source(%dma_start3A_26 : memref<125x64xf32, #tpu.memory_space<hbm>>) target(%arg12 : memref<125x64xf32, #tpu.memory_space<vmem>>) target_semaphore(%arg19 : memref<!tpu.dma_semaphore, #tpu.memory_space<semaphore_mem>>)
    %dma_start3A_27 = arith.constant 1 : i32
    %dma_start3A_28 = arith.constant 0 : i32
    %dma_start3A_29 = tpu.memref_slice %arg9[%dma_start3A_27, %dma_start3A_28] : memref<80x125xi32, #tpu.memory_space<vmem>> -> memref<1x125xi32, #tpu.memory_space<vmem>>
    %dma_start3A_30 = tpu.memref_squeeze %dma_start3A_29 : memref<1x125xi32, #tpu.memory_space<vmem>> -> memref<125xi32, #tpu.memory_space<vmem>>
    %dma_start3A_31 = arith.constant 0 : i32
    %dma_start3A_32 = arith.constant 0 : i32
    %dma_start3A_33 = tpu.memref_slice %arg2[%dma_start3A_31, %dma_start3A_32] : memref<10000x64xf32, #tpu.memory_space<hbm>> -> memref<10000x64xf32, #tpu.memory_space<hbm>>
    tpu.enqueue_indirect_dma source(%dma_start3A_33 : memref<10000x64xf32, #tpu.memory_space<hbm>>) target(%arg14 : memref<125x64xf32, #tpu.memory_space<vmem>>) offsets(%dma_start3A_30 : memref<125xi32, #tpu.memory_space<vmem>>) semaphore(%arg21 : memref<!tpu.dma_semaphore, #tpu.memory_space<semaphore_mem>>)
    %scan3A = arith.constant 0 : i32
    %scan3A_34 = arith.constant 0 : i32
    %scan3A_35 = arith.constant 40 : i32
    %scan3A_36 = arith.addi %scan3A_34, %scan3A_35 : i32
    %scan3A_37 = arith.constant 1 : i32
    scf.for %scan3A_133 = %scan3A_34 to %scan3A_36 step %scan3A_37  : i32 {
      %mul3A_134 = arith.constant 2 : i32
      %mul3A_135 = arith.muli %mul3A_134, %scan3A_133 : i32
      %add3A_136 = arith.constant 0 : i32
      %add3A_137 = arith.addi %mul3A_135, %add3A_136 : i32
      %mul3A_138 = arith.constant 125 : i32
      %mul3A_139 = arith.muli %add3A_137, %mul3A_138 : i32
      %add3A_140 = arith.addi %mul3A_8, %mul3A_139 : i32
      %dma_wait3A_141 = arith.constant 0 : i32
      %dma_wait3A_142 = tpu.memref_slice %arg4[%add3A_140, %dma_wait3A_141] : memref<320000x128xf32, #tpu.memory_space<hbm>> -> memref<125x64xf32, #tpu.memory_space<hbm>>
      %dma_wait3A_143 = arith.constant 0 : i32
      %dma_wait3A_144 = tpu.memref_slice %arg4[%add3A_140, %dma_wait3A_143] : memref<320000x128xf32, #tpu.memory_space<hbm>> -> memref<125x64xf32, #tpu.memory_space<hbm>>
      tpu.wait_dma2 semaphore(%arg18 : memref<!tpu.dma_semaphore, #tpu.memory_space<semaphore_mem>>) src(%dma_wait3A_144 : memref<125x64xf32, #tpu.memory_space<hbm>>) dst(%arg11 : memref<125x64xf32, #tpu.memory_space<vmem>>)
      %dma_wait3A_145 = arith.constant 0 : i32
      %dma_wait3A_146 = tpu.memref_slice %arg9[%add3A_137, %dma_wait3A_145] : memref<80x125xi32, #tpu.memory_space<vmem>> -> memref<1x125xi32, #tpu.memory_space<vmem>>
      %dma_wait3A_147 = tpu.memref_squeeze %dma_wait3A_146 : memref<1x125xi32, #tpu.memory_space<vmem>> -> memref<125xi32, #tpu.memory_space<vmem>>
      %dma_wait3A_148 = arith.constant 0 : i32
      %dma_wait3A_149 = arith.constant 0 : i32
      %dma_wait3A_150 = tpu.memref_slice %arg2[%dma_wait3A_148, %dma_wait3A_149] : memref<10000x64xf32, #tpu.memory_space<hbm>> -> memref<10000x64xf32, #tpu.memory_space<hbm>>
      tpu.wait_indirect_dma semaphore(%arg20 : memref<!tpu.dma_semaphore, #tpu.memory_space<semaphore_mem>>) src(%dma_wait3A_150 : memref<10000x64xf32, #tpu.memory_space<hbm>>) dst(%arg13 : memref<125x64xf32, #tpu.memory_space<vmem>>)
      %gt3A = arith.constant 0 : i32
      %gt3A_151 = arith.cmpi sgt, %scan3A_133, %gt3A : i32
      %convert_element_type3A_152 = arith.extui %gt3A_151 : i1 to i32
      %cond3A_153 = arith.constant 0 : i32
      %cond3A_154 = arith.cmpi ne, %convert_element_type3A_152, %cond3A_153 : i32
      scf.if %cond3A_154 {
        %dma_wait3A_208 = arith.constant 0 : i32
        %dma_wait3A_209 = tpu.memref_slice %arg10[%add3A_137, %dma_wait3A_208] : memref<80x125xi32, #tpu.memory_space<vmem>> -> memref<1x125xi32, #tpu.memory_space<vmem>>
        %dma_wait3A_210 = tpu.memref_squeeze %dma_wait3A_209 : memref<1x125xi32, #tpu.memory_space<vmem>> -> memref<125xi32, #tpu.memory_space<vmem>>
        %dma_wait3A_211 = arith.constant 0 : i32
        %dma_wait3A_212 = arith.constant 0 : i32
        %dma_wait3A_213 = tpu.memref_slice %arg17[%dma_wait3A_211, %dma_wait3A_212] : memref<10000x64xf32, #tpu.memory_space<vmem_shared>> -> memref<10000x64xf32, #tpu.memory_space<vmem_shared>>
        tpu.wait_indirect_dma semaphore(%arg22 : memref<!tpu.dma_semaphore, #tpu.memory_space<semaphore_mem>>) src(%arg15 : memref<125x64xf32, #tpu.memory_space<vmem>>) dst(%dma_wait3A_213 : memref<10000x64xf32, #tpu.memory_space<vmem_shared>>)
      } else {
      }
      %parallel_loop3A = arith.constant 0 : i32
      %parallel_loop3A_155 = arith.constant 125 : i32
      %parallel_loop3A_156 = arith.constant 1 : i32
      scf.for %parallel_loop3A_208 = %parallel_loop3A to %parallel_loop3A_155 step %parallel_loop3A_156  : i32 {
        %parallel_loop3A_209 = arith.index_cast %parallel_loop3A_208 : i32 to index
        %parallel_loop3A_210 = arith.constant 0 : index
        %parallel_loop3A_211 = tpu.vector_load %arg13[%parallel_loop3A_209, %parallel_loop3A_210] {strides = array<i32>} : memref<125x64xf32, #tpu.memory_space<vmem>>, vector<1x16xf32>,
        %parallel_loop3A_212 = vector.shape_cast %parallel_loop3A_211 : vector<1x16xf32> to vector<16xf32>
        %parallel_loop3A_213 = arith.index_cast %parallel_loop3A_208 : i32 to index
        %parallel_loop3A_214 = arith.constant 0 : index
        %parallel_loop3A_215 = tpu.vector_load %arg11[%parallel_loop3A_213, %parallel_loop3A_214] {strides = array<i32>} : memref<125x64xf32, #tpu.memory_space<vmem>>, vector<1x16xf32>,
        %parallel_loop3A_216 = vector.shape_cast %parallel_loop3A_215 : vector<1x16xf32> to vector<16xf32>
        %parallel_loop3A_217 = arith.addf %parallel_loop3A_212, %parallel_loop3A_216 : vector<16xf32>
        %parallel_loop3A_218 = arith.constant 0.000000e+00 : f32
        %parallel_loop3A_219 = vector.broadcast %parallel_loop3A_218 : f32 to vector<16xf32>
        %parallel_loop3A_220 = arith.maximumf %parallel_loop3A_217, %parallel_loop3A_219 : vector<16xf32>
        %parallel_loop3A_221 = arith.index_cast %parallel_loop3A_208 : i32 to index
        %parallel_loop3A_222 = arith.constant 0 : index
        %parallel_loop3A_223 = tpu.vector_load %arg15[%parallel_loop3A_221, %parallel_loop3A_222] {strides = array<i32>} : memref<125x64xf32, #tpu.memory_space<vmem>>, vector<1x16xf32>,
        %parallel_loop3A_224 = vector.shape_cast %parallel_loop3A_223 : vector<1x16xf32> to vector<16xf32>
        %parallel_loop3A_225 = vector.shape_cast %parallel_loop3A_220 : vector<16xf32> to vector<1x16xf32>
        tpu.vector_store %arg15[%parallel_loop3A_221, %parallel_loop3A_222], %parallel_loop3A_225 {strides = array<i32>} : memref<125x64xf32, #tpu.memory_space<vmem>>, vector<1x16xf32>,
        %parallel_loop3A_226 = arith.index_cast %parallel_loop3A_208 : i32 to index
        %parallel_loop3A_227 = arith.constant 16 : index
        %parallel_loop3A_228 = tpu.vector_load %arg13[%parallel_loop3A_226, %parallel_loop3A_227] {strides = array<i32>} : memref<125x64xf32, #tpu.memory_space<vmem>>, vector<1x16xf32>,
        %parallel_loop3A_229 = vector.shape_cast %parallel_loop3A_228 : vector<1x16xf32> to vector<16xf32>
        %parallel_loop3A_230 = arith.index_cast %parallel_loop3A_208 : i32 to index
        %parallel_loop3A_231 = arith.constant 16 : index
        %parallel_loop3A_232 = tpu.vector_load %arg11[%parallel_loop3A_230, %parallel_loop3A_231] {strides = array<i32>} : memref<125x64xf32, #tpu.memory_space<vmem>>, vector<1x16xf32>,
        %parallel_loop3A_233 = vector.shape_cast %parallel_loop3A_232 : vector<1x16xf32> to vector<16xf32>
        %parallel_loop3A_234 = arith.addf %parallel_loop3A_229, %parallel_loop3A_233 : vector<16xf32>
        %parallel_loop3A_235 = arith.constant 0.000000e+00 : f32
        %parallel_loop3A_236 = vector.broadcast %parallel_loop3A_235 : f32 to vector<16xf32>
        %parallel_loop3A_237 = arith.maximumf %parallel_loop3A_234, %parallel_loop3A_236 : vector<16xf32>
        %parallel_loop3A_238 = arith.index_cast %parallel_loop3A_208 : i32 to index
        %parallel_loop3A_239 = arith.constant 16 : index
        %parallel_loop3A_240 = tpu.vector_load %arg15[%parallel_loop3A_238, %parallel_loop3A_239] {strides = array<i32>} : memref<125x64xf32, #tpu.memory_space<vmem>>, vector<1x16xf32>,
        %parallel_loop3A_241 = vector.shape_cast %parallel_loop3A_240 : vector<1x16xf32> to vector<16xf32>
        %parallel_loop3A_242 = vector.shape_cast %parallel_loop3A_237 : vector<16xf32> to vector<1x16xf32>
        tpu.vector_store %arg15[%parallel_loop3A_238, %parallel_loop3A_239], %parallel_loop3A_242 {strides = array<i32>} : memref<125x64xf32, #tpu.memory_space<vmem>>, vector<1x16xf32>,
        %parallel_loop3A_243 = arith.index_cast %parallel_loop3A_208 : i32 to index
        %parallel_loop3A_244 = arith.constant 32 : index
        %parallel_loop3A_245 = tpu.vector_load %arg13[%parallel_loop3A_243, %parallel_loop3A_244] {strides = array<i32>} : memref<125x64xf32, #tpu.memory_space<vmem>>, vector<1x16xf32>,
        %parallel_loop3A_246 = vector.shape_cast %parallel_loop3A_245 : vector<1x16xf32> to vector<16xf32>
        %parallel_loop3A_247 = arith.index_cast %parallel_loop3A_208 : i32 to index
        %parallel_loop3A_248 = arith.constant 32 : index
        %parallel_loop3A_249 = tpu.vector_load %arg11[%parallel_loop3A_247, %parallel_loop3A_248] {strides = array<i32>} : memref<125x64xf32, #tpu.memory_space<vmem>>, vector<1x16xf32>,
        %parallel_loop3A_250 = vector.shape_cast %parallel_loop3A_249 : vector<1x16xf32> to vector<16xf32>
        %parallel_loop3A_251 = arith.addf %parallel_loop3A_246, %parallel_loop3A_250 : vector<16xf32>
        %parallel_loop3A_252 = arith.constant 0.000000e+00 : f32
        %parallel_loop3A_253 = vector.broadcast %parallel_loop3A_252 : f32 to vector<16xf32>
        %parallel_loop3A_254 = arith.maximumf %parallel_loop3A_251, %parallel_loop3A_253 : vector<16xf32>
        %parallel_loop3A_255 = arith.index_cast %parallel_loop3A_208 : i32 to index
        %parallel_loop3A_256 = arith.constant 32 : index
        %parallel_loop3A_257 = tpu.vector_load %arg15[%parallel_loop3A_255, %parallel_loop3A_256] {strides = array<i32>} : memref<125x64xf32, #tpu.memory_space<vmem>>, vector<1x16xf32>,
        %parallel_loop3A_258 = vector.shape_cast %parallel_loop3A_257 : vector<1x16xf32> to vector<16xf32>
        %parallel_loop3A_259 = vector.shape_cast %parallel_loop3A_254 : vector<16xf32> to vector<1x16xf32>
        tpu.vector_store %arg15[%parallel_loop3A_255, %parallel_loop3A_256], %parallel_loop3A_259 {strides = array<i32>} : memref<125x64xf32, #tpu.memory_space<vmem>>, vector<1x16xf32>,
        %parallel_loop3A_260 = arith.index_cast %parallel_loop3A_208 : i32 to index
        %parallel_loop3A_261 = arith.constant 48 : index
        %parallel_loop3A_262 = tpu.vector_load %arg13[%parallel_loop3A_260, %parallel_loop3A_261] {strides = array<i32>} : memref<125x64xf32, #tpu.memory_space<vmem>>, vector<1x16xf32>,
        %parallel_loop3A_263 = vector.shape_cast %parallel_loop3A_262 : vector<1x16xf32> to vector<16xf32>
        %parallel_loop3A_264 = arith.index_cast %parallel_loop3A_208 : i32 to index
        %parallel_loop3A_265 = arith.constant 48 : index
        %parallel_loop3A_266 = tpu.vector_load %arg11[%parallel_loop3A_264, %parallel_loop3A_265] {strides = array<i32>} : memref<125x64xf32, #tpu.memory_space<vmem>>, vector<1x16xf32>,
        %parallel_loop3A_267 = vector.shape_cast %parallel_loop3A_266 : vector<1x16xf32> to vector<16xf32>
        %parallel_loop3A_268 = arith.addf %parallel_loop3A_263, %parallel_loop3A_267 : vector<16xf32>
        %parallel_loop3A_269 = arith.constant 0.000000e+00 : f32
        %parallel_loop3A_270 = vector.broadcast %parallel_loop3A_269 : f32 to vector<16xf32>
        %parallel_loop3A_271 = arith.maximumf %parallel_loop3A_268, %parallel_loop3A_270 : vector<16xf32>
        %parallel_loop3A_272 = arith.index_cast %parallel_loop3A_208 : i32 to index
        %parallel_loop3A_273 = arith.constant 48 : index
        %parallel_loop3A_274 = tpu.vector_load %arg15[%parallel_loop3A_272, %parallel_loop3A_273] {strides = array<i32>} : memref<125x64xf32, #tpu.memory_space<vmem>>, vector<1x16xf32>,
        %parallel_loop3A_275 = vector.shape_cast %parallel_loop3A_274 : vector<1x16xf32> to vector<16xf32>
        %parallel_loop3A_276 = vector.shape_cast %parallel_loop3A_271 : vector<16xf32> to vector<1x16xf32>
        tpu.vector_store %arg15[%parallel_loop3A_272, %parallel_loop3A_273], %parallel_loop3A_276 {strides = array<i32>} : memref<125x64xf32, #tpu.memory_space<vmem>>, vector<1x16xf32>,
      } {sc.loop_unroll_factor = 5 : i64, sc.parallel_access}
      %dma_start3A_157 = arith.constant 0 : i32
      %dma_start3A_158 = tpu.memref_slice %arg10[%add3A_137, %dma_start3A_157] : memref<80x125xi32, #tpu.memory_space<vmem>> -> memref<1x125xi32, #tpu.memory_space<vmem>>
      %dma_start3A_159 = tpu.memref_squeeze %dma_start3A_158 : memref<1x125xi32, #tpu.memory_space<vmem>> -> memref<125xi32, #tpu.memory_space<vmem>>
      %dma_start3A_160 = arith.constant 0 : i32
      %dma_start3A_161 = arith.constant 0 : i32
      %dma_start3A_162 = tpu.memref_slice %arg17[%dma_start3A_160, %dma_start3A_161] : memref<10000x64xf32, #tpu.memory_space<vmem_shared>> -> memref<10000x64xf32, #tpu.memory_space<vmem_shared>>
      tpu.enqueue_indirect_dma source(%arg15 : memref<125x64xf32, #tpu.memory_space<vmem>>) target(%dma_start3A_162 : memref<10000x64xf32, #tpu.memory_space<vmem_shared>>) offsets(%dma_start3A_159 : memref<125xi32, #tpu.memory_space<vmem>>) semaphore(%arg22 : memref<!tpu.dma_semaphore, #tpu.memory_space<semaphore_mem>>) {add = true}
      %add3A_163 = arith.constant 2 : i32
      %add3A_164 = arith.addi %add3A_137, %add3A_163 : i32
      %lt3A_165 = arith.constant 80 : i32
      %lt3A_166 = arith.cmpi slt, %add3A_164, %lt3A_165 : i32
      %convert_element_type3A_167 = arith.extui %lt3A_166 : i1 to i32
      %cond3A_168 = arith.constant 0 : i32
      %cond3A_169 = arith.cmpi ne, %convert_element_type3A_167, %cond3A_168 : i32
      scf.if %cond3A_169 {
        %add3A_208 = arith.constant 2 : i32
        %add3A_209 = arith.addi %add3A_137, %add3A_208 : i32
        %mul3A_210 = arith.constant 125 : i32
        %mul3A_211 = arith.muli %add3A_209, %mul3A_210 : i32
        %add3A_212 = arith.addi %mul3A_8, %mul3A_211 : i32
        %dma_start3A_213 = arith.constant 0 : i32
        %dma_start3A_214 = tpu.memref_slice %arg4[%add3A_212, %dma_start3A_213] : memref<320000x128xf32, #tpu.memory_space<hbm>> -> memref<125x64xf32, #tpu.memory_space<hbm>>
        %dma_start3A_215 = arith.constant 0 : i32
        %dma_start3A_216 = tpu.memref_slice %arg4[%add3A_212, %dma_start3A_215] : memref<320000x128xf32, #tpu.memory_space<hbm>> -> memref<125x64xf32, #tpu.memory_space<hbm>>
        tpu.enqueue_dma source(%dma_start3A_216 : memref<125x64xf32, #tpu.memory_space<hbm>>) target(%arg11 : memref<125x64xf32, #tpu.memory_space<vmem>>) target_semaphore(%arg18 : memref<!tpu.dma_semaphore, #tpu.memory_space<semaphore_mem>>)
        %add3A_217 = arith.constant 2 : i32
        %add3A_218 = arith.addi %add3A_137, %add3A_217 : i32
        %dma_start3A_219 = arith.constant 0 : i32
        %dma_start3A_220 = tpu.memref_slice %arg9[%add3A_218, %dma_start3A_219] : memref<80x125xi32, #tpu.memory_space<vmem>> -> memref<1x125xi32, #tpu.memory_space<vmem>>
        %dma_start3A_221 = tpu.memref_squeeze %dma_start3A_220 : memref<1x125xi32, #tpu.memory_space<vmem>> -> memref<125xi32, #tpu.memory_space<vmem>>
        %dma_start3A_222 = arith.constant 0 : i32
        %dma_start3A_223 = arith.constant 0 : i32
        %dma_start3A_224 = tpu.memref_slice %arg2[%dma_start3A_222, %dma_start3A_223] : memref<10000x64xf32, #tpu.memory_space<hbm>> -> memref<10000x64xf32, #tpu.memory_space<hbm>>
        tpu.enqueue_indirect_dma source(%dma_start3A_224 : memref<10000x64xf32, #tpu.memory_space<hbm>>) target(%arg13 : memref<125x64xf32, #tpu.memory_space<vmem>>) offsets(%dma_start3A_221 : memref<125xi32, #tpu.memory_space<vmem>>) semaphore(%arg20 : memref<!tpu.dma_semaphore, #tpu.memory_space<semaphore_mem>>)
      } else {
      }
      %mul3A_170 = arith.constant 2 : i32
      %mul3A_171 = arith.muli %mul3A_170, %scan3A_133 : i32
      %add3A_172 = arith.constant 1 : i32
      %add3A_173 = arith.addi %mul3A_171, %add3A_172 : i32
      %mul3A_174 = arith.constant 125 : i32
      %mul3A_175 = arith.muli %add3A_173, %mul3A_174 : i32
      %add3A_176 = arith.addi %mul3A_8, %mul3A_175 : i32
      %dma_wait3A_177 = arith.constant 0 : i32
      %dma_wait3A_178 = tpu.memref_slice %arg4[%add3A_176, %dma_wait3A_177] : memref<320000x128xf32, #tpu.memory_space<hbm>> -> memref<125x64xf32, #tpu.memory_space<hbm>>
      %dma_wait3A_179 = arith.constant 0 : i32
      %dma_wait3A_180 = tpu.memref_slice %arg4[%add3A_176, %dma_wait3A_179] : memref<320000x128xf32, #tpu.memory_space<hbm>> -> memref<125x64xf32, #tpu.memory_space<hbm>>
      tpu.wait_dma2 semaphore(%arg19 : memref<!tpu.dma_semaphore, #tpu.memory_space<semaphore_mem>>) src(%dma_wait3A_180 : memref<125x64xf32, #tpu.memory_space<hbm>>) dst(%arg12 : memref<125x64xf32, #tpu.memory_space<vmem>>)
      %dma_wait3A_181 = arith.constant 0 : i32
      %dma_wait3A_182 = tpu.memref_slice %arg9[%add3A_173, %dma_wait3A_181] : memref<80x125xi32, #tpu.memory_space<vmem>> -> memref<1x125xi32, #tpu.memory_space<vmem>>
      %dma_wait3A_183 = tpu.memref_squeeze %dma_wait3A_182 : memref<1x125xi32, #tpu.memory_space<vmem>> -> memref<125xi32, #tpu.memory_space<vmem>>
      %dma_wait3A_184 = arith.constant 0 : i32
      %dma_wait3A_185 = arith.constant 0 : i32
      %dma_wait3A_186 = tpu.memref_slice %arg2[%dma_wait3A_184, %dma_wait3A_185] : memref<10000x64xf32, #tpu.memory_space<hbm>> -> memref<10000x64xf32, #tpu.memory_space<hbm>>
      tpu.wait_indirect_dma semaphore(%arg21 : memref<!tpu.dma_semaphore, #tpu.memory_space<semaphore_mem>>) src(%dma_wait3A_186 : memref<10000x64xf32, #tpu.memory_space<hbm>>) dst(%arg14 : memref<125x64xf32, #tpu.memory_space<vmem>>)
      %gt3A_187 = arith.constant 0 : i32
      %gt3A_188 = arith.cmpi sgt, %scan3A_133, %gt3A_187 : i32
      %convert_element_type3A_189 = arith.extui %gt3A_188 : i1 to i32
      %cond3A_190 = arith.constant 0 : i32
      %cond3A_191 = arith.cmpi ne, %convert_element_type3A_189, %cond3A_190 : i32
      scf.if %cond3A_191 {
        %dma_wait3A_208 = arith.constant 0 : i32
        %dma_wait3A_209 = tpu.memref_slice %arg10[%add3A_173, %dma_wait3A_208] : memref<80x125xi32, #tpu.memory_space<vmem>> -> memref<1x125xi32, #tpu.memory_space<vmem>>
        %dma_wait3A_210 = tpu.memref_squeeze %dma_wait3A_209 : memref<1x125xi32, #tpu.memory_space<vmem>> -> memref<125xi32, #tpu.memory_space<vmem>>
        %dma_wait3A_211 = arith.constant 0 : i32
        %dma_wait3A_212 = arith.constant 0 : i32
        %dma_wait3A_213 = tpu.memref_slice %arg17[%dma_wait3A_211, %dma_wait3A_212] : memref<10000x64xf32, #tpu.memory_space<vmem_shared>> -> memref<10000x64xf32, #tpu.memory_space<vmem_shared>>
        tpu.wait_indirect_dma semaphore(%arg23 : memref<!tpu.dma_semaphore, #tpu.memory_space<semaphore_mem>>) src(%arg16 : memref<125x64xf32, #tpu.memory_space<vmem>>) dst(%dma_wait3A_213 : memref<10000x64xf32, #tpu.memory_space<vmem_shared>>)
      } else {
      }
      %parallel_loop3A_192 = arith.constant 0 : i32
      %parallel_loop3A_193 = arith.constant 125 : i32
      %parallel_loop3A_194 = arith.constant 1 : i32
      scf.for %parallel_loop3A_208 = %parallel_loop3A_192 to %parallel_loop3A_193 step %parallel_loop3A_194  : i32 {
        %parallel_loop3A_209 = arith.index_cast %parallel_loop3A_208 : i32 to index
        %parallel_loop3A_210 = arith.constant 0 : index
        %parallel_loop3A_211 = tpu.vector_load %arg14[%parallel_loop3A_209, %parallel_loop3A_210] {strides = array<i32>} : memref<125x64xf32, #tpu.memory_space<vmem>>, vector<1x16xf32>,
        %parallel_loop3A_212 = vector.shape_cast %parallel_loop3A_211 : vector<1x16xf32> to vector<16xf32>
        %parallel_loop3A_213 = arith.index_cast %parallel_loop3A_208 : i32 to index
        %parallel_loop3A_214 = arith.constant 0 : index
        %parallel_loop3A_215 = tpu.vector_load %arg12[%parallel_loop3A_213, %parallel_loop3A_214] {strides = array<i32>} : memref<125x64xf32, #tpu.memory_space<vmem>>, vector<1x16xf32>,
        %parallel_loop3A_216 = vector.shape_cast %parallel_loop3A_215 : vector<1x16xf32> to vector<16xf32>
        %parallel_loop3A_217 = arith.addf %parallel_loop3A_212, %parallel_loop3A_216 : vector<16xf32>
        %parallel_loop3A_218 = arith.constant 0.000000e+00 : f32
        %parallel_loop3A_219 = vector.broadcast %parallel_loop3A_218 : f32 to vector<16xf32>
        %parallel_loop3A_220 = arith.maximumf %parallel_loop3A_217, %parallel_loop3A_219 : vector<16xf32>
        %parallel_loop3A_221 = arith.index_cast %parallel_loop3A_208 : i32 to index
        %parallel_loop3A_222 = arith.constant 0 : index
        %parallel_loop3A_223 = tpu.vector_load %arg16[%parallel_loop3A_221, %parallel_loop3A_222] {strides = array<i32>} : memref<125x64xf32, #tpu.memory_space<vmem>>, vector<1x16xf32>,
        %parallel_loop3A_224 = vector.shape_cast %parallel_loop3A_223 : vector<1x16xf32> to vector<16xf32>
        %parallel_loop3A_225 = vector.shape_cast %parallel_loop3A_220 : vector<16xf32> to vector<1x16xf32>
        tpu.vector_store %arg16[%parallel_loop3A_221, %parallel_loop3A_222], %parallel_loop3A_225 {strides = array<i32>} : memref<125x64xf32, #tpu.memory_space<vmem>>, vector<1x16xf32>,
        %parallel_loop3A_226 = arith.index_cast %parallel_loop3A_208 : i32 to index
        %parallel_loop3A_227 = arith.constant 16 : index
        %parallel_loop3A_228 = tpu.vector_load %arg14[%parallel_loop3A_226, %parallel_loop3A_227] {strides = array<i32>} : memref<125x64xf32, #tpu.memory_space<vmem>>, vector<1x16xf32>,
        %parallel_loop3A_229 = vector.shape_cast %parallel_loop3A_228 : vector<1x16xf32> to vector<16xf32>
        %parallel_loop3A_230 = arith.index_cast %parallel_loop3A_208 : i32 to index
        %parallel_loop3A_231 = arith.constant 16 : index
        %parallel_loop3A_232 = tpu.vector_load %arg12[%parallel_loop3A_230, %parallel_loop3A_231] {strides = array<i32>} : memref<125x64xf32, #tpu.memory_space<vmem>>, vector<1x16xf32>,
        %parallel_loop3A_233 = vector.shape_cast %parallel_loop3A_232 : vector<1x16xf32> to vector<16xf32>
        %parallel_loop3A_234 = arith.addf %parallel_loop3A_229, %parallel_loop3A_233 : vector<16xf32>
        %parallel_loop3A_235 = arith.constant 0.000000e+00 : f32
        %parallel_loop3A_236 = vector.broadcast %parallel_loop3A_235 : f32 to vector<16xf32>
        %parallel_loop3A_237 = arith.maximumf %parallel_loop3A_234, %parallel_loop3A_236 : vector<16xf32>
        %parallel_loop3A_238 = arith.index_cast %parallel_loop3A_208 : i32 to index
        %parallel_loop3A_239 = arith.constant 16 : index
        %parallel_loop3A_240 = tpu.vector_load %arg16[%parallel_loop3A_238, %parallel_loop3A_239] {strides = array<i32>} : memref<125x64xf32, #tpu.memory_space<vmem>>, vector<1x16xf32>,
        %parallel_loop3A_241 = vector.shape_cast %parallel_loop3A_240 : vector<1x16xf32> to vector<16xf32>
        %parallel_loop3A_242 = vector.shape_cast %parallel_loop3A_237 : vector<16xf32> to vector<1x16xf32>
        tpu.vector_store %arg16[%parallel_loop3A_238, %parallel_loop3A_239], %parallel_loop3A_242 {strides = array<i32>} : memref<125x64xf32, #tpu.memory_space<vmem>>, vector<1x16xf32>,
        %parallel_loop3A_243 = arith.index_cast %parallel_loop3A_208 : i32 to index
        %parallel_loop3A_244 = arith.constant 32 : index
        %parallel_loop3A_245 = tpu.vector_load %arg14[%parallel_loop3A_243, %parallel_loop3A_244] {strides = array<i32>} : memref<125x64xf32, #tpu.memory_space<vmem>>, vector<1x16xf32>,
        %parallel_loop3A_246 = vector.shape_cast %parallel_loop3A_245 : vector<1x16xf32> to vector<16xf32>
        %parallel_loop3A_247 = arith.index_cast %parallel_loop3A_208 : i32 to index
        %parallel_loop3A_248 = arith.constant 32 : index
        %parallel_loop3A_249 = tpu.vector_load %arg12[%parallel_loop3A_247, %parallel_loop3A_248] {strides = array<i32>} : memref<125x64xf32, #tpu.memory_space<vmem>>, vector<1x16xf32>,
        %parallel_loop3A_250 = vector.shape_cast %parallel_loop3A_249 : vector<1x16xf32> to vector<16xf32>
        %parallel_loop3A_251 = arith.addf %parallel_loop3A_246, %parallel_loop3A_250 : vector<16xf32>
        %parallel_loop3A_252 = arith.constant 0.000000e+00 : f32
        %parallel_loop3A_253 = vector.broadcast %parallel_loop3A_252 : f32 to vector<16xf32>
        %parallel_loop3A_254 = arith.maximumf %parallel_loop3A_251, %parallel_loop3A_253 : vector<16xf32>
        %parallel_loop3A_255 = arith.index_cast %parallel_loop3A_208 : i32 to index
        %parallel_loop3A_256 = arith.constant 32 : index
        %parallel_loop3A_257 = tpu.vector_load %arg16[%parallel_loop3A_255, %parallel_loop3A_256] {strides = array<i32>} : memref<125x64xf32, #tpu.memory_space<vmem>>, vector<1x16xf32>,
        %parallel_loop3A_258 = vector.shape_cast %parallel_loop3A_257 : vector<1x16xf32> to vector<16xf32>
        %parallel_loop3A_259 = vector.shape_cast %parallel_loop3A_254 : vector<16xf32> to vector<1x16xf32>
        tpu.vector_store %arg16[%parallel_loop3A_255, %parallel_loop3A_256], %parallel_loop3A_259 {strides = array<i32>} : memref<125x64xf32, #tpu.memory_space<vmem>>, vector<1x16xf32>,
        %parallel_loop3A_260 = arith.index_cast %parallel_loop3A_208 : i32 to index
        %parallel_loop3A_261 = arith.constant 48 : index
        %parallel_loop3A_262 = tpu.vector_load %arg14[%parallel_loop3A_260, %parallel_loop3A_261] {strides = array<i32>} : memref<125x64xf32, #tpu.memory_space<vmem>>, vector<1x16xf32>,
        %parallel_loop3A_263 = vector.shape_cast %parallel_loop3A_262 : vector<1x16xf32> to vector<16xf32>
        %parallel_loop3A_264 = arith.index_cast %parallel_loop3A_208 : i32 to index
        %parallel_loop3A_265 = arith.constant 48 : index
        %parallel_loop3A_266 = tpu.vector_load %arg12[%parallel_loop3A_264, %parallel_loop3A_265] {strides = array<i32>} : memref<125x64xf32, #tpu.memory_space<vmem>>, vector<1x16xf32>,
        %parallel_loop3A_267 = vector.shape_cast %parallel_loop3A_266 : vector<1x16xf32> to vector<16xf32>
        %parallel_loop3A_268 = arith.addf %parallel_loop3A_263, %parallel_loop3A_267 : vector<16xf32>
        %parallel_loop3A_269 = arith.constant 0.000000e+00 : f32
        %parallel_loop3A_270 = vector.broadcast %parallel_loop3A_269 : f32 to vector<16xf32>
        %parallel_loop3A_271 = arith.maximumf %parallel_loop3A_268, %parallel_loop3A_270 : vector<16xf32>
        %parallel_loop3A_272 = arith.index_cast %parallel_loop3A_208 : i32 to index
        %parallel_loop3A_273 = arith.constant 48 : index
        %parallel_loop3A_274 = tpu.vector_load %arg16[%parallel_loop3A_272, %parallel_loop3A_273] {strides = array<i32>} : memref<125x64xf32, #tpu.memory_space<vmem>>, vector<1x16xf32>,
        %parallel_loop3A_275 = vector.shape_cast %parallel_loop3A_274 : vector<1x16xf32> to vector<16xf32>
        %parallel_loop3A_276 = vector.shape_cast %parallel_loop3A_271 : vector<16xf32> to vector<1x16xf32>
        tpu.vector_store %arg16[%parallel_loop3A_272, %parallel_loop3A_273], %parallel_loop3A_276 {strides = array<i32>} : memref<125x64xf32, #tpu.memory_space<vmem>>, vector<1x16xf32>,
      } {sc.loop_unroll_factor = 5 : i64, sc.parallel_access}
      %dma_start3A_195 = arith.constant 0 : i32
      %dma_start3A_196 = tpu.memref_slice %arg10[%add3A_173, %dma_start3A_195] : memref<80x125xi32, #tpu.memory_space<vmem>> -> memref<1x125xi32, #tpu.memory_space<vmem>>
      %dma_start3A_197 = tpu.memref_squeeze %dma_start3A_196 : memref<1x125xi32, #tpu.memory_space<vmem>> -> memref<125xi32, #tpu.memory_space<vmem>>
      %dma_start3A_198 = arith.constant 0 : i32
      %dma_start3A_199 = arith.constant 0 : i32
      %dma_start3A_200 = tpu.memref_slice %arg17[%dma_start3A_198, %dma_start3A_199] : memref<10000x64xf32, #tpu.memory_space<vmem_shared>> -> memref<10000x64xf32, #tpu.memory_space<vmem_shared>>
      tpu.enqueue_indirect_dma source(%arg16 : memref<125x64xf32, #tpu.memory_space<vmem>>) target(%dma_start3A_200 : memref<10000x64xf32, #tpu.memory_space<vmem_shared>>) offsets(%dma_start3A_197 : memref<125xi32, #tpu.memory_space<vmem>>) semaphore(%arg23 : memref<!tpu.dma_semaphore, #tpu.memory_space<semaphore_mem>>) {add = true}
      %add3A_201 = arith.constant 2 : i32
      %add3A_202 = arith.addi %add3A_173, %add3A_201 : i32
      %lt3A_203 = arith.constant 80 : i32
      %lt3A_204 = arith.cmpi slt, %add3A_202, %lt3A_203 : i32
      %convert_element_type3A_205 = arith.extui %lt3A_204 : i1 to i32
      %cond3A_206 = arith.constant 0 : i32
      %cond3A_207 = arith.cmpi ne, %convert_element_type3A_205, %cond3A_206 : i32
      scf.if %cond3A_207 {
        %add3A_208 = arith.constant 2 : i32
        %add3A_209 = arith.addi %add3A_173, %add3A_208 : i32
        %mul3A_210 = arith.constant 125 : i32
        %mul3A_211 = arith.muli %add3A_209, %mul3A_210 : i32
        %add3A_212 = arith.addi %mul3A_8, %mul3A_211 : i32
        %dma_start3A_213 = arith.constant 0 : i32
        %dma_start3A_214 = tpu.memref_slice %arg4[%add3A_212, %dma_start3A_213] : memref<320000x128xf32, #tpu.memory_space<hbm>> -> memref<125x64xf32, #tpu.memory_space<hbm>>
        %dma_start3A_215 = arith.constant 0 : i32
        %dma_start3A_216 = tpu.memref_slice %arg4[%add3A_212, %dma_start3A_215] : memref<320000x128xf32, #tpu.memory_space<hbm>> -> memref<125x64xf32, #tpu.memory_space<hbm>>
        tpu.enqueue_dma source(%dma_start3A_216 : memref<125x64xf32, #tpu.memory_space<hbm>>) target(%arg12 : memref<125x64xf32, #tpu.memory_space<vmem>>) target_semaphore(%arg19 : memref<!tpu.dma_semaphore, #tpu.memory_space<semaphore_mem>>)
        %add3A_217 = arith.constant 2 : i32
        %add3A_218 = arith.addi %add3A_173, %add3A_217 : i32
        %dma_start3A_219 = arith.constant 0 : i32
        %dma_start3A_220 = tpu.memref_slice %arg9[%add3A_218, %dma_start3A_219] : memref<80x125xi32, #tpu.memory_space<vmem>> -> memref<1x125xi32, #tpu.memory_space<vmem>>
        %dma_start3A_221 = tpu.memref_squeeze %dma_start3A_220 : memref<1x125xi32, #tpu.memory_space<vmem>> -> memref<125xi32, #tpu.memory_space<vmem>>
        %dma_start3A_222 = arith.constant 0 : i32
        %dma_start3A_223 = arith.constant 0 : i32
        %dma_start3A_224 = tpu.memref_slice %arg2[%dma_start3A_222, %dma_start3A_223] : memref<10000x64xf32, #tpu.memory_space<hbm>> -> memref<10000x64xf32, #tpu.memory_space<hbm>>
        tpu.enqueue_indirect_dma source(%dma_start3A_224 : memref<10000x64xf32, #tpu.memory_space<hbm>>) target(%arg14 : memref<125x64xf32, #tpu.memory_space<vmem>>) offsets(%dma_start3A_221 : memref<125xi32, #tpu.memory_space<vmem>>) semaphore(%arg21 : memref<!tpu.dma_semaphore, #tpu.memory_space<semaphore_mem>>)
      } else {
      }
    }
    %scan3A_38 = arith.constant 40 : i32
    %dma_wait3A = arith.constant 78 : i32
    %dma_wait3A_39 = arith.constant 0 : i32
    %dma_wait3A_40 = tpu.memref_slice %arg10[%dma_wait3A, %dma_wait3A_39] : memref<80x125xi32, #tpu.memory_space<vmem>> -> memref<1x125xi32, #tpu.memory_space<vmem>>
    %dma_wait3A_41 = tpu.memref_squeeze %dma_wait3A_40 : memref<1x125xi32, #tpu.memory_space<vmem>> -> memref<125xi32, #tpu.memory_space<vmem>>
    %dma_wait3A_42 = arith.constant 0 : i32
    %dma_wait3A_43 = arith.constant 0 : i32
    %dma_wait3A_44 = tpu.memref_slice %arg17[%dma_wait3A_42, %dma_wait3A_43] : memref<10000x64xf32, #tpu.memory_space<vmem_shared>> -> memref<10000x64xf32, #tpu.memory_space<vmem_shared>>
    tpu.wait_indirect_dma semaphore(%arg22 : memref<!tpu.dma_semaphore, #tpu.memory_space<semaphore_mem>>) src(%arg15 : memref<125x64xf32, #tpu.memory_space<vmem>>) dst(%dma_wait3A_44 : memref<10000x64xf32, #tpu.memory_space<vmem_shared>>)
    %dma_wait3A_45 = arith.constant 79 : i32
    %dma_wait3A_46 = arith.constant 0 : i32
    %dma_wait3A_47 = tpu.memref_slice %arg10[%dma_wait3A_45, %dma_wait3A_46] : memref<80x125xi32, #tpu.memory_space<vmem>> -> memref<1x125xi32, #tpu.memory_space<vmem>>
    %dma_wait3A_48 = tpu.memref_squeeze %dma_wait3A_47 : memref<1x125xi32, #tpu.memory_space<vmem>> -> memref<125xi32, #tpu.memory_space<vmem>>
    %dma_wait3A_49 = arith.constant 0 : i32
    %dma_wait3A_50 = arith.constant 0 : i32
    %dma_wait3A_51 = tpu.memref_slice %arg17[%dma_wait3A_49, %dma_wait3A_50] : memref<10000x64xf32, #tpu.memory_space<vmem_shared>> -> memref<10000x64xf32, #tpu.memory_space<vmem_shared>>
    tpu.wait_indirect_dma semaphore(%arg23 : memref<!tpu.dma_semaphore, #tpu.memory_space<semaphore_mem>>) src(%arg16 : memref<125x64xf32, #tpu.memory_space<vmem>>) dst(%dma_wait3A_51 : memref<10000x64xf32, #tpu.memory_space<vmem_shared>>)
    %barrier3A_52 = arith.constant 0 : index
    tpu.barrier barrier_id(%barrier3A_52)
    %lt3A_53 = arith.constant 15 : i32
    %lt3A_54 = arith.cmpi slt, %arg1, %lt3A_53 : i32
    %convert_element_type3A_55 = arith.extui %lt3A_54 : i1 to i32
    %cond3A_56 = arith.constant 0 : i32
    %cond3A_57 = arith.cmpi ne, %convert_element_type3A_55, %cond3A_56 : i32
    scf.if %cond3A_57 {
      %mul3A_133 = arith.constant 632 : i32
      %mul3A_134 = arith.muli %arg1, %mul3A_133 : i32
      %mul3A_135 = arith.constant 632 : i32
      %mul3A_136 = arith.muli %arg1, %mul3A_135 : i32
      %run_scoped3A = arith.constant 0 : i32
      "tpu.region"() ({
        %run_scoped3A_137 = tpu.sem_alloc : memref<!tpu.dma_semaphore, #tpu.memory_space<semaphore_mem>>
        %dma_start3A_138 = arith.constant 0 : i32
        %dma_start3A_139 = tpu.memref_slice %arg8[%arg0, %run_scoped3A, %mul3A_136, %dma_start3A_138] : memref<2x2x10000x64xf32, #tpu.memory_space<hbm>> -> memref<1x1x632x64xf32, #tpu.memory_space<hbm>>
        %dma_start3A_140 = tpu.memref_squeeze %dma_start3A_139 : memref<1x1x632x64xf32, #tpu.memory_space<hbm>> -> memref<632x64xf32, #tpu.memory_space<hbm>>
        %dma_start3A_141 = arith.constant 0 : i32
        %dma_start3A_142 = tpu.memref_slice %arg17[%mul3A_134, %dma_start3A_141] : memref<10000x64xf32, #tpu.memory_space<vmem_shared>> -> memref<632x64xf32, #tpu.memory_space<vmem_shared>>
        tpu.enqueue_dma source(%dma_start3A_142 : memref<632x64xf32, #tpu.memory_space<vmem_shared>>) target(%dma_start3A_140 : memref<632x64xf32, #tpu.memory_space<hbm>>) target_semaphore(%run_scoped3A_137 : memref<!tpu.dma_semaphore, #tpu.memory_space<semaphore_mem>>)
        %dma_wait3A_143 = arith.constant 0 : i32
        %dma_wait3A_144 = tpu.memref_slice %arg8[%arg0, %run_scoped3A, %mul3A_136, %dma_wait3A_143] : memref<2x2x10000x64xf32, #tpu.memory_space<hbm>> -> memref<1x1x632x64xf32, #tpu.memory_space<hbm>>
        %dma_wait3A_145 = tpu.memref_squeeze %dma_wait3A_144 : memref<1x1x632x64xf32, #tpu.memory_space<hbm>> -> memref<632x64xf32, #tpu.memory_space<hbm>>
        %dma_wait3A_146 = arith.constant 0 : i32
        %dma_wait3A_147 = tpu.memref_slice %arg17[%mul3A_134, %dma_wait3A_146] : memref<10000x64xf32, #tpu.memory_space<vmem_shared>> -> memref<632x64xf32, #tpu.memory_space<vmem_shared>>
        tpu.wait_dma2 semaphore(%run_scoped3A_137 : memref<!tpu.dma_semaphore, #tpu.memory_space<semaphore_mem>>) src(%dma_wait3A_147 : memref<632x64xf32, #tpu.memory_space<vmem_shared>>) dst(%dma_wait3A_145 : memref<632x64xf32, #tpu.memory_space<hbm>>)
        tpu.yield
      }) : () -> ()
    } else {
    }
    %eq3A_58 = arith.constant 15 : i32
    %eq3A_59 = arith.cmpi eq, %arg1, %eq3A_58 : i32
    %convert_element_type3A_60 = arith.extui %eq3A_59 : i1 to i32
    %cond3A_61 = arith.constant 0 : i32
    %cond3A_62 = arith.cmpi ne, %convert_element_type3A_60, %cond3A_61 : i32
    scf.if %cond3A_62 {
      %run_scoped3A = arith.constant 0 : i32
      "tpu.region"() ({
        %run_scoped3A_133 = tpu.sem_alloc : memref<!tpu.dma_semaphore, #tpu.memory_space<semaphore_mem>>
        %dma_start3A_134 = arith.constant 9480 : i32
        %dma_start3A_135 = arith.constant 0 : i32
        %dma_start3A_136 = tpu.memref_slice %arg8[%arg0, %run_scoped3A, %dma_start3A_134, %dma_start3A_135] : memref<2x2x10000x64xf32, #tpu.memory_space<hbm>> -> memref<1x1x520x64xf32, #tpu.memory_space<hbm>>
        %dma_start3A_137 = tpu.memref_squeeze %dma_start3A_136 : memref<1x1x520x64xf32, #tpu.memory_space<hbm>> -> memref<520x64xf32, #tpu.memory_space<hbm>>
        %dma_start3A_138 = arith.constant 9480 : i32
        %dma_start3A_139 = arith.constant 0 : i32
        %dma_start3A_140 = tpu.memref_slice %arg17[%dma_start3A_138, %dma_start3A_139] : memref<10000x64xf32, #tpu.memory_space<vmem_shared>> -> memref<520x64xf32, #tpu.memory_space<vmem_shared>>
        tpu.enqueue_dma source(%dma_start3A_140 : memref<520x64xf32, #tpu.memory_space<vmem_shared>>) target(%dma_start3A_137 : memref<520x64xf32, #tpu.memory_space<hbm>>) target_semaphore(%run_scoped3A_133 : memref<!tpu.dma_semaphore, #tpu.memory_space<semaphore_mem>>)
        %dma_wait3A_141 = arith.constant 9480 : i32
        %dma_wait3A_142 = arith.constant 0 : i32
        %dma_wait3A_143 = tpu.memref_slice %arg8[%arg0, %run_scoped3A, %dma_wait3A_141, %dma_wait3A_142] : memref<2x2x10000x64xf32, #tpu.memory_space<hbm>> -> memref<1x1x520x64xf32, #tpu.memory_space<hbm>>
        %dma_wait3A_144 = tpu.memref_squeeze %dma_wait3A_143 : memref<1x1x520x64xf32, #tpu.memory_space<hbm>> -> memref<520x64xf32, #tpu.memory_space<hbm>>
        %dma_wait3A_145 = arith.constant 9480 : i32
        %dma_wait3A_146 = arith.constant 0 : i32
        %dma_wait3A_147 = tpu.memref_slice %arg17[%dma_wait3A_145, %dma_wait3A_146] : memref<10000x64xf32, #tpu.memory_space<vmem_shared>> -> memref<520x64xf32, #tpu.memory_space<vmem_shared>>
        tpu.wait_dma2 semaphore(%run_scoped3A_133 : memref<!tpu.dma_semaphore, #tpu.memory_space<semaphore_mem>>) src(%dma_wait3A_147 : memref<520x64xf32, #tpu.memory_space<vmem_shared>>) dst(%dma_wait3A_144 : memref<520x64xf32, #tpu.memory_space<hbm>>)
        tpu.yield
      }) : () -> ()
    } else {
    }
    %lt3A_63 = arith.constant 15 : i32
    %lt3A_64 = arith.cmpi slt, %arg1, %lt3A_63 : i32
    %convert_element_type3A_65 = arith.extui %lt3A_64 : i1 to i32
    %cond3A_66 = arith.constant 0 : i32
    %cond3A_67 = arith.cmpi ne, %convert_element_type3A_65, %cond3A_66 : i32
    scf.if %cond3A_67 {
      %mul3A_133 = arith.constant 632 : i32
      %mul3A_134 = arith.muli %arg1, %mul3A_133 : i32
      %mul3A_135 = arith.constant 632 : i32
      %mul3A_136 = arith.muli %arg1, %mul3A_135 : i32
      "tpu.region"() ({
        %run_scoped3A = tpu.sem_alloc : memref<!tpu.dma_semaphore, #tpu.memory_space<semaphore_mem>>
        %dma_start3A_137 = arith.constant 0 : i32
        %dma_start3A_138 = tpu.memref_slice %arg17[%mul3A_136, %dma_start3A_137] : memref<10000x64xf32, #tpu.memory_space<vmem_shared>> -> memref<632x64xf32, #tpu.memory_space<vmem_shared>>
        %dma_start3A_139 = arith.constant 0 : i32
        %dma_start3A_140 = tpu.memref_slice %arg7[%mul3A_134, %dma_start3A_139] : memref<10000x64xf32, #tpu.memory_space<hbm>> -> memref<632x64xf32, #tpu.memory_space<hbm>>
        tpu.enqueue_dma source(%dma_start3A_140 : memref<632x64xf32, #tpu.memory_space<hbm>>) target(%dma_start3A_138 : memref<632x64xf32, #tpu.memory_space<vmem_shared>>) target_semaphore(%run_scoped3A : memref<!tpu.dma_semaphore, #tpu.memory_space<semaphore_mem>>)
        %dma_wait3A_141 = arith.constant 0 : i32
        %dma_wait3A_142 = tpu.memref_slice %arg17[%mul3A_136, %dma_wait3A_141] : memref<10000x64xf32, #tpu.memory_space<vmem_shared>> -> memref<632x64xf32, #tpu.memory_space<vmem_shared>>
        %dma_wait3A_143 = arith.constant 0 : i32
        %dma_wait3A_144 = tpu.memref_slice %arg7[%mul3A_134, %dma_wait3A_143] : memref<10000x64xf32, #tpu.memory_space<hbm>> -> memref<632x64xf32, #tpu.memory_space<hbm>>
        tpu.wait_dma2 semaphore(%run_scoped3A : memref<!tpu.dma_semaphore, #tpu.memory_space<semaphore_mem>>) src(%dma_wait3A_144 : memref<632x64xf32, #tpu.memory_space<hbm>>) dst(%dma_wait3A_142 : memref<632x64xf32, #tpu.memory_space<vmem_shared>>)
        tpu.yield
      }) : () -> ()
    } else {
    }
    %eq3A_68 = arith.constant 15 : i32
    %eq3A_69 = arith.cmpi eq, %arg1, %eq3A_68 : i32
    %convert_element_type3A_70 = arith.extui %eq3A_69 : i1 to i32
    %cond3A_71 = arith.constant 0 : i32
    %cond3A_72 = arith.cmpi ne, %convert_element_type3A_70, %cond3A_71 : i32
    scf.if %cond3A_72 {
      "tpu.region"() ({
        %run_scoped3A = tpu.sem_alloc : memref<!tpu.dma_semaphore, #tpu.memory_space<semaphore_mem>>
        %dma_start3A_133 = arith.constant 9480 : i32
        %dma_start3A_134 = arith.constant 0 : i32
        %dma_start3A_135 = tpu.memref_slice %arg17[%dma_start3A_133, %dma_start3A_134] : memref<10000x64xf32, #tpu.memory_space<vmem_shared>> -> memref<520x64xf32, #tpu.memory_space<vmem_shared>>
        %dma_start3A_136 = arith.constant 9480 : i32
        %dma_start3A_137 = arith.constant 0 : i32
        %dma_start3A_138 = tpu.memref_slice %arg7[%dma_start3A_136, %dma_start3A_137] : memref<10000x64xf32, #tpu.memory_space<hbm>> -> memref<520x64xf32, #tpu.memory_space<hbm>>
        tpu.enqueue_dma source(%dma_start3A_138 : memref<520x64xf32, #tpu.memory_space<hbm>>) target(%dma_start3A_135 : memref<520x64xf32, #tpu.memory_space<vmem_shared>>) target_semaphore(%run_scoped3A : memref<!tpu.dma_semaphore, #tpu.memory_space<semaphore_mem>>)
        %dma_wait3A_139 = arith.constant 9480 : i32
        %dma_wait3A_140 = arith.constant 0 : i32
        %dma_wait3A_141 = tpu.memref_slice %arg17[%dma_wait3A_139, %dma_wait3A_140] : memref<10000x64xf32, #tpu.memory_space<vmem_shared>> -> memref<520x64xf32, #tpu.memory_space<vmem_shared>>
        %dma_wait3A_142 = arith.constant 9480 : i32
        %dma_wait3A_143 = arith.constant 0 : i32
        %dma_wait3A_144 = tpu.memref_slice %arg7[%dma_wait3A_142, %dma_wait3A_143] : memref<10000x64xf32, #tpu.memory_space<hbm>> -> memref<520x64xf32, #tpu.memory_space<hbm>>
        tpu.wait_dma2 semaphore(%run_scoped3A : memref<!tpu.dma_semaphore, #tpu.memory_space<semaphore_mem>>) src(%dma_wait3A_144 : memref<520x64xf32, #tpu.memory_space<hbm>>) dst(%dma_wait3A_141 : memref<520x64xf32, #tpu.memory_space<vmem_shared>>)
        tpu.yield
      }) : () -> ()
    } else {
    }
    %barrier3A_73 = arith.constant 0 : index
    tpu.barrier barrier_id(%barrier3A_73)
    %mul3A_74 = arith.constant 10000 : i32
    %mul3A_75 = arith.muli %add3A, %mul3A_74 : i32
    %add3A_76 = arith.constant 0 : i32
    %add3A_77 = arith.addi %mul3A_75, %add3A_76 : i32
    %dma_start3A_78 = arith.constant 64 : i32
    %dma_start3A_79 = tpu.memref_slice %arg4[%add3A_77, %dma_start3A_78] : memref<320000x128xf32, #tpu.memory_space<hbm>> -> memref<125x64xf32, #tpu.memory_space<hbm>>
    %dma_start3A_80 = arith.constant 64 : i32
    %dma_start3A_81 = tpu.memref_slice %arg4[%add3A_77, %dma_start3A_80] : memref<320000x128xf32, #tpu.memory_space<hbm>> -> memref<125x64xf32, #tpu.memory_space<hbm>>
    tpu.enqueue_dma source(%dma_start3A_81 : memref<125x64xf32, #tpu.memory_space<hbm>>) target(%arg11 : memref<125x64xf32, #tpu.memory_space<vmem>>) target_semaphore(%arg18 : memref<!tpu.dma_semaphore, #tpu.memory_space<semaphore_mem>>)
    %dma_start3A_82 = arith.constant 0 : i32
    %dma_start3A_83 = arith.constant 0 : i32
    %dma_start3A_84 = tpu.memref_slice %arg9[%dma_start3A_82, %dma_start3A_83] : memref<80x125xi32, #tpu.memory_space<vmem>> -> memref<1x125xi32, #tpu.memory_space<vmem>>
    %dma_start3A_85 = tpu.memref_squeeze %dma_start3A_84 : memref<1x125xi32, #tpu.memory_space<vmem>> -> memref<125xi32, #tpu.memory_space<vmem>>
    %dma_start3A_86 = arith.constant 0 : i32
    %dma_start3A_87 = arith.constant 0 : i32
    %dma_start3A_88 = tpu.memref_slice %arg3[%dma_start3A_86, %dma_start3A_87] : memref<10000x64xf32, #tpu.memory_space<hbm>> -> memref<10000x64xf32, #tpu.memory_space<hbm>>
    tpu.enqueue_indirect_dma source(%dma_start3A_88 : memref<10000x64xf32, #tpu.memory_space<hbm>>) target(%arg13 : memref<125x64xf32, #tpu.memory_space<vmem>>) offsets(%dma_start3A_85 : memref<125xi32, #tpu.memory_space<vmem>>) semaphore(%arg20 : memref<!tpu.dma_semaphore, #tpu.memory_space<semaphore_mem>>)
    %add3A_89 = arith.constant 125 : i32
    %add3A_90 = arith.addi %mul3A_75, %add3A_89 : i32
    %dma_start3A_91 = arith.constant 64 : i32
    %dma_start3A_92 = tpu.memref_slice %arg4[%add3A_90, %dma_start3A_91] : memref<320000x128xf32, #tpu.memory_space<hbm>> -> memref<125x64xf32, #tpu.memory_space<hbm>>
    %dma_start3A_93 = arith.constant 64 : i32
    %dma_start3A_94 = tpu.memref_slice %arg4[%add3A_90, %dma_start3A_93] : memref<320000x128xf32, #tpu.memory_space<hbm>> -> memref<125x64xf32, #tpu.memory_space<hbm>>
    tpu.enqueue_dma source(%dma_start3A_94 : memref<125x64xf32, #tpu.memory_space<hbm>>) target(%arg12 : memref<125x64xf32, #tpu.memory_space<vmem>>) target_semaphore(%arg19 : memref<!tpu.dma_semaphore, #tpu.memory_space<semaphore_mem>>)
    %dma_start3A_95 = arith.constant 1 : i32
    %dma_start3A_96 = arith.constant 0 : i32
    %dma_start3A_97 = tpu.memref_slice %arg9[%dma_start3A_95, %dma_start3A_96] : memref<80x125xi32, #tpu.memory_space<vmem>> -> memref<1x125xi32, #tpu.memory_space<vmem>>
    %dma_start3A_98 = tpu.memref_squeeze %dma_start3A_97 : memref<1x125xi32, #tpu.memory_space<vmem>> -> memref<125xi32, #tpu.memory_space<vmem>>
    %dma_start3A_99 = arith.constant 0 : i32
    %dma_start3A_100 = arith.constant 0 : i32
    %dma_start3A_101 = tpu.memref_slice %arg3[%dma_start3A_99, %dma_start3A_100] : memref<10000x64xf32, #tpu.memory_space<hbm>> -> memref<10000x64xf32, #tpu.memory_space<hbm>>
    tpu.enqueue_indirect_dma source(%dma_start3A_101 : memref<10000x64xf32, #tpu.memory_space<hbm>>) target(%arg14 : memref<125x64xf32, #tpu.memory_space<vmem>>) offsets(%dma_start3A_98 : memref<125xi32, #tpu.memory_space<vmem>>) semaphore(%arg21 : memref<!tpu.dma_semaphore, #tpu.memory_space<semaphore_mem>>)
    %scan3A_102 = arith.constant 0 : i32
    %scan3A_103 = arith.constant 0 : i32
    %scan3A_104 = arith.constant 40 : i32
    %scan3A_105 = arith.addi %scan3A_103, %scan3A_104 : i32
    %scan3A_106 = arith.constant 1 : i32
    scf.for %scan3A_133 = %scan3A_103 to %scan3A_105 step %scan3A_106  : i32 {
      %mul3A_134 = arith.constant 2 : i32
      %mul3A_135 = arith.muli %mul3A_134, %scan3A_133 : i32
      %add3A_136 = arith.constant 0 : i32
      %add3A_137 = arith.addi %mul3A_135, %add3A_136 : i32
      %mul3A_138 = arith.constant 125 : i32
      %mul3A_139 = arith.muli %add3A_137, %mul3A_138 : i32
      %add3A_140 = arith.addi %mul3A_75, %mul3A_139 : i32
      %dma_wait3A_141 = arith.constant 64 : i32
      %dma_wait3A_142 = tpu.memref_slice %arg4[%add3A_140, %dma_wait3A_141] : memref<320000x128xf32, #tpu.memory_space<hbm>> -> memref<125x64xf32, #tpu.memory_space<hbm>>
      %dma_wait3A_143 = arith.constant 64 : i32
      %dma_wait3A_144 = tpu.memref_slice %arg4[%add3A_140, %dma_wait3A_143] : memref<320000x128xf32, #tpu.memory_space<hbm>> -> memref<125x64xf32, #tpu.memory_space<hbm>>
      tpu.wait_dma2 semaphore(%arg18 : memref<!tpu.dma_semaphore, #tpu.memory_space<semaphore_mem>>) src(%dma_wait3A_144 : memref<125x64xf32, #tpu.memory_space<hbm>>) dst(%arg11 : memref<125x64xf32, #tpu.memory_space<vmem>>)
      %dma_wait3A_145 = arith.constant 0 : i32
      %dma_wait3A_146 = tpu.memref_slice %arg9[%add3A_137, %dma_wait3A_145] : memref<80x125xi32, #tpu.memory_space<vmem>> -> memref<1x125xi32, #tpu.memory_space<vmem>>
      %dma_wait3A_147 = tpu.memref_squeeze %dma_wait3A_146 : memref<1x125xi32, #tpu.memory_space<vmem>> -> memref<125xi32, #tpu.memory_space<vmem>>
      %dma_wait3A_148 = arith.constant 0 : i32
      %dma_wait3A_149 = arith.constant 0 : i32
      %dma_wait3A_150 = tpu.memref_slice %arg3[%dma_wait3A_148, %dma_wait3A_149] : memref<10000x64xf32, #tpu.memory_space<hbm>> -> memref<10000x64xf32, #tpu.memory_space<hbm>>
      tpu.wait_indirect_dma semaphore(%arg20 : memref<!tpu.dma_semaphore, #tpu.memory_space<semaphore_mem>>) src(%dma_wait3A_150 : memref<10000x64xf32, #tpu.memory_space<hbm>>) dst(%arg13 : memref<125x64xf32, #tpu.memory_space<vmem>>)
      %gt3A = arith.constant 0 : i32
      %gt3A_151 = arith.cmpi sgt, %scan3A_133, %gt3A : i32
      %convert_element_type3A_152 = arith.extui %gt3A_151 : i1 to i32
      %cond3A_153 = arith.constant 0 : i32
      %cond3A_154 = arith.cmpi ne, %convert_element_type3A_152, %cond3A_153 : i32
      scf.if %cond3A_154 {
        %dma_wait3A_208 = arith.constant 0 : i32
        %dma_wait3A_209 = tpu.memref_slice %arg10[%add3A_137, %dma_wait3A_208] : memref<80x125xi32, #tpu.memory_space<vmem>> -> memref<1x125xi32, #tpu.memory_space<vmem>>
        %dma_wait3A_210 = tpu.memref_squeeze %dma_wait3A_209 : memref<1x125xi32, #tpu.memory_space<vmem>> -> memref<125xi32, #tpu.memory_space<vmem>>
        %dma_wait3A_211 = arith.constant 0 : i32
        %dma_wait3A_212 = arith.constant 0 : i32
        %dma_wait3A_213 = tpu.memref_slice %arg17[%dma_wait3A_211, %dma_wait3A_212] : memref<10000x64xf32, #tpu.memory_space<vmem_shared>> -> memref<10000x64xf32, #tpu.memory_space<vmem_shared>>
        tpu.wait_indirect_dma semaphore(%arg22 : memref<!tpu.dma_semaphore, #tpu.memory_space<semaphore_mem>>) src(%arg15 : memref<125x64xf32, #tpu.memory_space<vmem>>) dst(%dma_wait3A_213 : memref<10000x64xf32, #tpu.memory_space<vmem_shared>>)
      } else {
      }
      %parallel_loop3A = arith.constant 0 : i32
      %parallel_loop3A_155 = arith.constant 125 : i32
      %parallel_loop3A_156 = arith.constant 1 : i32
      scf.for %parallel_loop3A_208 = %parallel_loop3A to %parallel_loop3A_155 step %parallel_loop3A_156  : i32 {
        %parallel_loop3A_209 = arith.index_cast %parallel_loop3A_208 : i32 to index
        %parallel_loop3A_210 = arith.constant 0 : index
        %parallel_loop3A_211 = tpu.vector_load %arg13[%parallel_loop3A_209, %parallel_loop3A_210] {strides = array<i32>} : memref<125x64xf32, #tpu.memory_space<vmem>>, vector<1x16xf32>,
        %parallel_loop3A_212 = vector.shape_cast %parallel_loop3A_211 : vector<1x16xf32> to vector<16xf32>
        %parallel_loop3A_213 = arith.index_cast %parallel_loop3A_208 : i32 to index
        %parallel_loop3A_214 = arith.constant 0 : index
        %parallel_loop3A_215 = tpu.vector_load %arg11[%parallel_loop3A_213, %parallel_loop3A_214] {strides = array<i32>} : memref<125x64xf32, #tpu.memory_space<vmem>>, vector<1x16xf32>,
        %parallel_loop3A_216 = vector.shape_cast %parallel_loop3A_215 : vector<1x16xf32> to vector<16xf32>
        %parallel_loop3A_217 = arith.addf %parallel_loop3A_212, %parallel_loop3A_216 : vector<16xf32>
        %parallel_loop3A_218 = arith.constant 0.000000e+00 : f32
        %parallel_loop3A_219 = vector.broadcast %parallel_loop3A_218 : f32 to vector<16xf32>
        %parallel_loop3A_220 = arith.maximumf %parallel_loop3A_217, %parallel_loop3A_219 : vector<16xf32>
        %parallel_loop3A_221 = arith.index_cast %parallel_loop3A_208 : i32 to index
        %parallel_loop3A_222 = arith.constant 0 : index
        %parallel_loop3A_223 = tpu.vector_load %arg15[%parallel_loop3A_221, %parallel_loop3A_222] {strides = array<i32>} : memref<125x64xf32, #tpu.memory_space<vmem>>, vector<1x16xf32>,
        %parallel_loop3A_224 = vector.shape_cast %parallel_loop3A_223 : vector<1x16xf32> to vector<16xf32>
        %parallel_loop3A_225 = vector.shape_cast %parallel_loop3A_220 : vector<16xf32> to vector<1x16xf32>
        tpu.vector_store %arg15[%parallel_loop3A_221, %parallel_loop3A_222], %parallel_loop3A_225 {strides = array<i32>} : memref<125x64xf32, #tpu.memory_space<vmem>>, vector<1x16xf32>,
        %parallel_loop3A_226 = arith.index_cast %parallel_loop3A_208 : i32 to index
        %parallel_loop3A_227 = arith.constant 16 : index
        %parallel_loop3A_228 = tpu.vector_load %arg13[%parallel_loop3A_226, %parallel_loop3A_227] {strides = array<i32>} : memref<125x64xf32, #tpu.memory_space<vmem>>, vector<1x16xf32>,
        %parallel_loop3A_229 = vector.shape_cast %parallel_loop3A_228 : vector<1x16xf32> to vector<16xf32>
        %parallel_loop3A_230 = arith.index_cast %parallel_loop3A_208 : i32 to index
        %parallel_loop3A_231 = arith.constant 16 : index
        %parallel_loop3A_232 = tpu.vector_load %arg11[%parallel_loop3A_230, %parallel_loop3A_231] {strides = array<i32>} : memref<125x64xf32, #tpu.memory_space<vmem>>, vector<1x16xf32>,
        %parallel_loop3A_233 = vector.shape_cast %parallel_loop3A_232 : vector<1x16xf32> to vector<16xf32>
        %parallel_loop3A_234 = arith.addf %parallel_loop3A_229, %parallel_loop3A_233 : vector<16xf32>
        %parallel_loop3A_235 = arith.constant 0.000000e+00 : f32
        %parallel_loop3A_236 = vector.broadcast %parallel_loop3A_235 : f32 to vector<16xf32>
        %parallel_loop3A_237 = arith.maximumf %parallel_loop3A_234, %parallel_loop3A_236 : vector<16xf32>
        %parallel_loop3A_238 = arith.index_cast %parallel_loop3A_208 : i32 to index
        %parallel_loop3A_239 = arith.constant 16 : index
        %parallel_loop3A_240 = tpu.vector_load %arg15[%parallel_loop3A_238, %parallel_loop3A_239] {strides = array<i32>} : memref<125x64xf32, #tpu.memory_space<vmem>>, vector<1x16xf32>,
        %parallel_loop3A_241 = vector.shape_cast %parallel_loop3A_240 : vector<1x16xf32> to vector<16xf32>
        %parallel_loop3A_242 = vector.shape_cast %parallel_loop3A_237 : vector<16xf32> to vector<1x16xf32>
        tpu.vector_store %arg15[%parallel_loop3A_238, %parallel_loop3A_239], %parallel_loop3A_242 {strides = array<i32>} : memref<125x64xf32, #tpu.memory_space<vmem>>, vector<1x16xf32>,
        %parallel_loop3A_243 = arith.index_cast %parallel_loop3A_208 : i32 to index
        %parallel_loop3A_244 = arith.constant 32 : index
        %parallel_loop3A_245 = tpu.vector_load %arg13[%parallel_loop3A_243, %parallel_loop3A_244] {strides = array<i32>} : memref<125x64xf32, #tpu.memory_space<vmem>>, vector<1x16xf32>,
        %parallel_loop3A_246 = vector.shape_cast %parallel_loop3A_245 : vector<1x16xf32> to vector<16xf32>
        %parallel_loop3A_247 = arith.index_cast %parallel_loop3A_208 : i32 to index
        %parallel_loop3A_248 = arith.constant 32 : index
        %parallel_loop3A_249 = tpu.vector_load %arg11[%parallel_loop3A_247, %parallel_loop3A_248] {strides = array<i32>} : memref<125x64xf32, #tpu.memory_space<vmem>>, vector<1x16xf32>,
        %parallel_loop3A_250 = vector.shape_cast %parallel_loop3A_249 : vector<1x16xf32> to vector<16xf32>
        %parallel_loop3A_251 = arith.addf %parallel_loop3A_246, %parallel_loop3A_250 : vector<16xf32>
        %parallel_loop3A_252 = arith.constant 0.000000e+00 : f32
        %parallel_loop3A_253 = vector.broadcast %parallel_loop3A_252 : f32 to vector<16xf32>
        %parallel_loop3A_254 = arith.maximumf %parallel_loop3A_251, %parallel_loop3A_253 : vector<16xf32>
        %parallel_loop3A_255 = arith.index_cast %parallel_loop3A_208 : i32 to index
        %parallel_loop3A_256 = arith.constant 32 : index
        %parallel_loop3A_257 = tpu.vector_load %arg15[%parallel_loop3A_255, %parallel_loop3A_256] {strides = array<i32>} : memref<125x64xf32, #tpu.memory_space<vmem>>, vector<1x16xf32>,
        %parallel_loop3A_258 = vector.shape_cast %parallel_loop3A_257 : vector<1x16xf32> to vector<16xf32>
        %parallel_loop3A_259 = vector.shape_cast %parallel_loop3A_254 : vector<16xf32> to vector<1x16xf32>
        tpu.vector_store %arg15[%parallel_loop3A_255, %parallel_loop3A_256], %parallel_loop3A_259 {strides = array<i32>} : memref<125x64xf32, #tpu.memory_space<vmem>>, vector<1x16xf32>,
        %parallel_loop3A_260 = arith.index_cast %parallel_loop3A_208 : i32 to index
        %parallel_loop3A_261 = arith.constant 48 : index
        %parallel_loop3A_262 = tpu.vector_load %arg13[%parallel_loop3A_260, %parallel_loop3A_261] {strides = array<i32>} : memref<125x64xf32, #tpu.memory_space<vmem>>, vector<1x16xf32>,
        %parallel_loop3A_263 = vector.shape_cast %parallel_loop3A_262 : vector<1x16xf32> to vector<16xf32>
        %parallel_loop3A_264 = arith.index_cast %parallel_loop3A_208 : i32 to index
        %parallel_loop3A_265 = arith.constant 48 : index
        %parallel_loop3A_266 = tpu.vector_load %arg11[%parallel_loop3A_264, %parallel_loop3A_265] {strides = array<i32>} : memref<125x64xf32, #tpu.memory_space<vmem>>, vector<1x16xf32>,
        %parallel_loop3A_267 = vector.shape_cast %parallel_loop3A_266 : vector<1x16xf32> to vector<16xf32>
        %parallel_loop3A_268 = arith.addf %parallel_loop3A_263, %parallel_loop3A_267 : vector<16xf32>
        %parallel_loop3A_269 = arith.constant 0.000000e+00 : f32
        %parallel_loop3A_270 = vector.broadcast %parallel_loop3A_269 : f32 to vector<16xf32>
        %parallel_loop3A_271 = arith.maximumf %parallel_loop3A_268, %parallel_loop3A_270 : vector<16xf32>
        %parallel_loop3A_272 = arith.index_cast %parallel_loop3A_208 : i32 to index
        %parallel_loop3A_273 = arith.constant 48 : index
        %parallel_loop3A_274 = tpu.vector_load %arg15[%parallel_loop3A_272, %parallel_loop3A_273] {strides = array<i32>} : memref<125x64xf32, #tpu.memory_space<vmem>>, vector<1x16xf32>,
        %parallel_loop3A_275 = vector.shape_cast %parallel_loop3A_274 : vector<1x16xf32> to vector<16xf32>
        %parallel_loop3A_276 = vector.shape_cast %parallel_loop3A_271 : vector<16xf32> to vector<1x16xf32>
        tpu.vector_store %arg15[%parallel_loop3A_272, %parallel_loop3A_273], %parallel_loop3A_276 {strides = array<i32>} : memref<125x64xf32, #tpu.memory_space<vmem>>, vector<1x16xf32>,
      } {sc.loop_unroll_factor = 5 : i64, sc.parallel_access}
      %dma_start3A_157 = arith.constant 0 : i32
      %dma_start3A_158 = tpu.memref_slice %arg10[%add3A_137, %dma_start3A_157] : memref<80x125xi32, #tpu.memory_space<vmem>> -> memref<1x125xi32, #tpu.memory_space<vmem>>
      %dma_start3A_159 = tpu.memref_squeeze %dma_start3A_158 : memref<1x125xi32, #tpu.memory_space<vmem>> -> memref<125xi32, #tpu.memory_space<vmem>>
      %dma_start3A_160 = arith.constant 0 : i32
      %dma_start3A_161 = arith.constant 0 : i32
      %dma_start3A_162 = tpu.memref_slice %arg17[%dma_start3A_160, %dma_start3A_161] : memref<10000x64xf32, #tpu.memory_space<vmem_shared>> -> memref<10000x64xf32, #tpu.memory_space<vmem_shared>>
      tpu.enqueue_indirect_dma source(%arg15 : memref<125x64xf32, #tpu.memory_space<vmem>>) target(%dma_start3A_162 : memref<10000x64xf32, #tpu.memory_space<vmem_shared>>) offsets(%dma_start3A_159 : memref<125xi32, #tpu.memory_space<vmem>>) semaphore(%arg22 : memref<!tpu.dma_semaphore, #tpu.memory_space<semaphore_mem>>) {add = true}
      %add3A_163 = arith.constant 2 : i32
      %add3A_164 = arith.addi %add3A_137, %add3A_163 : i32
      %lt3A_165 = arith.constant 80 : i32
      %lt3A_166 = arith.cmpi slt, %add3A_164, %lt3A_165 : i32
      %convert_element_type3A_167 = arith.extui %lt3A_166 : i1 to i32
      %cond3A_168 = arith.constant 0 : i32
      %cond3A_169 = arith.cmpi ne, %convert_element_type3A_167, %cond3A_168 : i32
      scf.if %cond3A_169 {
        %add3A_208 = arith.constant 2 : i32
        %add3A_209 = arith.addi %add3A_137, %add3A_208 : i32
        %mul3A_210 = arith.constant 125 : i32
        %mul3A_211 = arith.muli %add3A_209, %mul3A_210 : i32
        %add3A_212 = arith.addi %mul3A_75, %mul3A_211 : i32
        %dma_start3A_213 = arith.constant 64 : i32
        %dma_start3A_214 = tpu.memref_slice %arg4[%add3A_212, %dma_start3A_213] : memref<320000x128xf32, #tpu.memory_space<hbm>> -> memref<125x64xf32, #tpu.memory_space<hbm>>
        %dma_start3A_215 = arith.constant 64 : i32
        %dma_start3A_216 = tpu.memref_slice %arg4[%add3A_212, %dma_start3A_215] : memref<320000x128xf32, #tpu.memory_space<hbm>> -> memref<125x64xf32, #tpu.memory_space<hbm>>
        tpu.enqueue_dma source(%dma_start3A_216 : memref<125x64xf32, #tpu.memory_space<hbm>>) target(%arg11 : memref<125x64xf32, #tpu.memory_space<vmem>>) target_semaphore(%arg18 : memref<!tpu.dma_semaphore, #tpu.memory_space<semaphore_mem>>)
        %add3A_217 = arith.constant 2 : i32
        %add3A_218 = arith.addi %add3A_137, %add3A_217 : i32
        %dma_start3A_219 = arith.constant 0 : i32
        %dma_start3A_220 = tpu.memref_slice %arg9[%add3A_218, %dma_start3A_219] : memref<80x125xi32, #tpu.memory_space<vmem>> -> memref<1x125xi32, #tpu.memory_space<vmem>>
        %dma_start3A_221 = tpu.memref_squeeze %dma_start3A_220 : memref<1x125xi32, #tpu.memory_space<vmem>> -> memref<125xi32, #tpu.memory_space<vmem>>
        %dma_start3A_222 = arith.constant 0 : i32
        %dma_start3A_223 = arith.constant 0 : i32
        %dma_start3A_224 = tpu.memref_slice %arg3[%dma_start3A_222, %dma_start3A_223] : memref<10000x64xf32, #tpu.memory_space<hbm>> -> memref<10000x64xf32, #tpu.memory_space<hbm>>
        tpu.enqueue_indirect_dma source(%dma_start3A_224 : memref<10000x64xf32, #tpu.memory_space<hbm>>) target(%arg13 : memref<125x64xf32, #tpu.memory_space<vmem>>) offsets(%dma_start3A_221 : memref<125xi32, #tpu.memory_space<vmem>>) semaphore(%arg20 : memref<!tpu.dma_semaphore, #tpu.memory_space<semaphore_mem>>)
      } else {
      }
      %mul3A_170 = arith.constant 2 : i32
      %mul3A_171 = arith.muli %mul3A_170, %scan3A_133 : i32
      %add3A_172 = arith.constant 1 : i32
      %add3A_173 = arith.addi %mul3A_171, %add3A_172 : i32
      %mul3A_174 = arith.constant 125 : i32
      %mul3A_175 = arith.muli %add3A_173, %mul3A_174 : i32
      %add3A_176 = arith.addi %mul3A_75, %mul3A_175 : i32
      %dma_wait3A_177 = arith.constant 64 : i32
      %dma_wait3A_178 = tpu.memref_slice %arg4[%add3A_176, %dma_wait3A_177] : memref<320000x128xf32, #tpu.memory_space<hbm>> -> memref<125x64xf32, #tpu.memory_space<hbm>>
      %dma_wait3A_179 = arith.constant 64 : i32
      %dma_wait3A_180 = tpu.memref_slice %arg4[%add3A_176, %dma_wait3A_179] : memref<320000x128xf32, #tpu.memory_space<hbm>> -> memref<125x64xf32, #tpu.memory_space<hbm>>
      tpu.wait_dma2 semaphore(%arg19 : memref<!tpu.dma_semaphore, #tpu.memory_space<semaphore_mem>>) src(%dma_wait3A_180 : memref<125x64xf32, #tpu.memory_space<hbm>>) dst(%arg12 : memref<125x64xf32, #tpu.memory_space<vmem>>)
      %dma_wait3A_181 = arith.constant 0 : i32
      %dma_wait3A_182 = tpu.memref_slice %arg9[%add3A_173, %dma_wait3A_181] : memref<80x125xi32, #tpu.memory_space<vmem>> -> memref<1x125xi32, #tpu.memory_space<vmem>>
      %dma_wait3A_183 = tpu.memref_squeeze %dma_wait3A_182 : memref<1x125xi32, #tpu.memory_space<vmem>> -> memref<125xi32, #tpu.memory_space<vmem>>
      %dma_wait3A_184 = arith.constant 0 : i32
      %dma_wait3A_185 = arith.constant 0 : i32
      %dma_wait3A_186 = tpu.memref_slice %arg3[%dma_wait3A_184, %dma_wait3A_185] : memref<10000x64xf32, #tpu.memory_space<hbm>> -> memref<10000x64xf32, #tpu.memory_space<hbm>>
      tpu.wait_indirect_dma semaphore(%arg21 : memref<!tpu.dma_semaphore, #tpu.memory_space<semaphore_mem>>) src(%dma_wait3A_186 : memref<10000x64xf32, #tpu.memory_space<hbm>>) dst(%arg14 : memref<125x64xf32, #tpu.memory_space<vmem>>)
      %gt3A_187 = arith.constant 0 : i32
      %gt3A_188 = arith.cmpi sgt, %scan3A_133, %gt3A_187 : i32
      %convert_element_type3A_189 = arith.extui %gt3A_188 : i1 to i32
      %cond3A_190 = arith.constant 0 : i32
      %cond3A_191 = arith.cmpi ne, %convert_element_type3A_189, %cond3A_190 : i32
      scf.if %cond3A_191 {
        %dma_wait3A_208 = arith.constant 0 : i32
        %dma_wait3A_209 = tpu.memref_slice %arg10[%add3A_173, %dma_wait3A_208] : memref<80x125xi32, #tpu.memory_space<vmem>> -> memref<1x125xi32, #tpu.memory_space<vmem>>
        %dma_wait3A_210 = tpu.memref_squeeze %dma_wait3A_209 : memref<1x125xi32, #tpu.memory_space<vmem>> -> memref<125xi32, #tpu.memory_space<vmem>>
        %dma_wait3A_211 = arith.constant 0 : i32
        %dma_wait3A_212 = arith.constant 0 : i32
        %dma_wait3A_213 = tpu.memref_slice %arg17[%dma_wait3A_211, %dma_wait3A_212] : memref<10000x64xf32, #tpu.memory_space<vmem_shared>> -> memref<10000x64xf32, #tpu.memory_space<vmem_shared>>
        tpu.wait_indirect_dma semaphore(%arg23 : memref<!tpu.dma_semaphore, #tpu.memory_space<semaphore_mem>>) src(%arg16 : memref<125x64xf32, #tpu.memory_space<vmem>>) dst(%dma_wait3A_213 : memref<10000x64xf32, #tpu.memory_space<vmem_shared>>)
      } else {
      }
      %parallel_loop3A_192 = arith.constant 0 : i32
      %parallel_loop3A_193 = arith.constant 125 : i32
      %parallel_loop3A_194 = arith.constant 1 : i32
      scf.for %parallel_loop3A_208 = %parallel_loop3A_192 to %parallel_loop3A_193 step %parallel_loop3A_194  : i32 {
        %parallel_loop3A_209 = arith.index_cast %parallel_loop3A_208 : i32 to index
        %parallel_loop3A_210 = arith.constant 0 : index
        %parallel_loop3A_211 = tpu.vector_load %arg14[%parallel_loop3A_209, %parallel_loop3A_210] {strides = array<i32>} : memref<125x64xf32, #tpu.memory_space<vmem>>, vector<1x16xf32>,
        %parallel_loop3A_212 = vector.shape_cast %parallel_loop3A_211 : vector<1x16xf32> to vector<16xf32>
        %parallel_loop3A_213 = arith.index_cast %parallel_loop3A_208 : i32 to index
        %parallel_loop3A_214 = arith.constant 0 : index
        %parallel_loop3A_215 = tpu.vector_load %arg12[%parallel_loop3A_213, %parallel_loop3A_214] {strides = array<i32>} : memref<125x64xf32, #tpu.memory_space<vmem>>, vector<1x16xf32>,
        %parallel_loop3A_216 = vector.shape_cast %parallel_loop3A_215 : vector<1x16xf32> to vector<16xf32>
        %parallel_loop3A_217 = arith.addf %parallel_loop3A_212, %parallel_loop3A_216 : vector<16xf32>
        %parallel_loop3A_218 = arith.constant 0.000000e+00 : f32
        %parallel_loop3A_219 = vector.broadcast %parallel_loop3A_218 : f32 to vector<16xf32>
        %parallel_loop3A_220 = arith.maximumf %parallel_loop3A_217, %parallel_loop3A_219 : vector<16xf32>
        %parallel_loop3A_221 = arith.index_cast %parallel_loop3A_208 : i32 to index
        %parallel_loop3A_222 = arith.constant 0 : index
        %parallel_loop3A_223 = tpu.vector_load %arg16[%parallel_loop3A_221, %parallel_loop3A_222] {strides = array<i32>} : memref<125x64xf32, #tpu.memory_space<vmem>>, vector<1x16xf32>,
        %parallel_loop3A_224 = vector.shape_cast %parallel_loop3A_223 : vector<1x16xf32> to vector<16xf32>
        %parallel_loop3A_225 = vector.shape_cast %parallel_loop3A_220 : vector<16xf32> to vector<1x16xf32>
        tpu.vector_store %arg16[%parallel_loop3A_221, %parallel_loop3A_222], %parallel_loop3A_225 {strides = array<i32>} : memref<125x64xf32, #tpu.memory_space<vmem>>, vector<1x16xf32>,
        %parallel_loop3A_226 = arith.index_cast %parallel_loop3A_208 : i32 to index
        %parallel_loop3A_227 = arith.constant 16 : index
        %parallel_loop3A_228 = tpu.vector_load %arg14[%parallel_loop3A_226, %parallel_loop3A_227] {strides = array<i32>} : memref<125x64xf32, #tpu.memory_space<vmem>>, vector<1x16xf32>,
        %parallel_loop3A_229 = vector.shape_cast %parallel_loop3A_228 : vector<1x16xf32> to vector<16xf32>
        %parallel_loop3A_230 = arith.index_cast %parallel_loop3A_208 : i32 to index
        %parallel_loop3A_231 = arith.constant 16 : index
        %parallel_loop3A_232 = tpu.vector_load %arg12[%parallel_loop3A_230, %parallel_loop3A_231] {strides = array<i32>} : memref<125x64xf32, #tpu.memory_space<vmem>>, vector<1x16xf32>,
        %parallel_loop3A_233 = vector.shape_cast %parallel_loop3A_232 : vector<1x16xf32> to vector<16xf32>
        %parallel_loop3A_234 = arith.addf %parallel_loop3A_229, %parallel_loop3A_233 : vector<16xf32>
        %parallel_loop3A_235 = arith.constant 0.000000e+00 : f32
        %parallel_loop3A_236 = vector.broadcast %parallel_loop3A_235 : f32 to vector<16xf32>
        %parallel_loop3A_237 = arith.maximumf %parallel_loop3A_234, %parallel_loop3A_236 : vector<16xf32>
        %parallel_loop3A_238 = arith.index_cast %parallel_loop3A_208 : i32 to index
        %parallel_loop3A_239 = arith.constant 16 : index
        %parallel_loop3A_240 = tpu.vector_load %arg16[%parallel_loop3A_238, %parallel_loop3A_239] {strides = array<i32>} : memref<125x64xf32, #tpu.memory_space<vmem>>, vector<1x16xf32>,
        %parallel_loop3A_241 = vector.shape_cast %parallel_loop3A_240 : vector<1x16xf32> to vector<16xf32>
        %parallel_loop3A_242 = vector.shape_cast %parallel_loop3A_237 : vector<16xf32> to vector<1x16xf32>
        tpu.vector_store %arg16[%parallel_loop3A_238, %parallel_loop3A_239], %parallel_loop3A_242 {strides = array<i32>} : memref<125x64xf32, #tpu.memory_space<vmem>>, vector<1x16xf32>,
        %parallel_loop3A_243 = arith.index_cast %parallel_loop3A_208 : i32 to index
        %parallel_loop3A_244 = arith.constant 32 : index
        %parallel_loop3A_245 = tpu.vector_load %arg14[%parallel_loop3A_243, %parallel_loop3A_244] {strides = array<i32>} : memref<125x64xf32, #tpu.memory_space<vmem>>, vector<1x16xf32>,
        %parallel_loop3A_246 = vector.shape_cast %parallel_loop3A_245 : vector<1x16xf32> to vector<16xf32>
        %parallel_loop3A_247 = arith.index_cast %parallel_loop3A_208 : i32 to index
        %parallel_loop3A_248 = arith.constant 32 : index
        %parallel_loop3A_249 = tpu.vector_load %arg12[%parallel_loop3A_247, %parallel_loop3A_248] {strides = array<i32>} : memref<125x64xf32, #tpu.memory_space<vmem>>, vector<1x16xf32>,
        %parallel_loop3A_250 = vector.shape_cast %parallel_loop3A_249 : vector<1x16xf32> to vector<16xf32>
        %parallel_loop3A_251 = arith.addf %parallel_loop3A_246, %parallel_loop3A_250 : vector<16xf32>
        %parallel_loop3A_252 = arith.constant 0.000000e+00 : f32
        %parallel_loop3A_253 = vector.broadcast %parallel_loop3A_252 : f32 to vector<16xf32>
        %parallel_loop3A_254 = arith.maximumf %parallel_loop3A_251, %parallel_loop3A_253 : vector<16xf32>
        %parallel_loop3A_255 = arith.index_cast %parallel_loop3A_208 : i32 to index
        %parallel_loop3A_256 = arith.constant 32 : index
        %parallel_loop3A_257 = tpu.vector_load %arg16[%parallel_loop3A_255, %parallel_loop3A_256] {strides = array<i32>} : memref<125x64xf32, #tpu.memory_space<vmem>>, vector<1x16xf32>,
        %parallel_loop3A_258 = vector.shape_cast %parallel_loop3A_257 : vector<1x16xf32> to vector<16xf32>
        %parallel_loop3A_259 = vector.shape_cast %parallel_loop3A_254 : vector<16xf32> to vector<1x16xf32>
        tpu.vector_store %arg16[%parallel_loop3A_255, %parallel_loop3A_256], %parallel_loop3A_259 {strides = array<i32>} : memref<125x64xf32, #tpu.memory_space<vmem>>, vector<1x16xf32>,
        %parallel_loop3A_260 = arith.index_cast %parallel_loop3A_208 : i32 to index
        %parallel_loop3A_261 = arith.constant 48 : index
        %parallel_loop3A_262 = tpu.vector_load %arg14[%parallel_loop3A_260, %parallel_loop3A_261] {strides = array<i32>} : memref<125x64xf32, #tpu.memory_space<vmem>>, vector<1x16xf32>,
        %parallel_loop3A_263 = vector.shape_cast %parallel_loop3A_262 : vector<1x16xf32> to vector<16xf32>
        %parallel_loop3A_264 = arith.index_cast %parallel_loop3A_208 : i32 to index
        %parallel_loop3A_265 = arith.constant 48 : index
        %parallel_loop3A_266 = tpu.vector_load %arg12[%parallel_loop3A_264, %parallel_loop3A_265] {strides = array<i32>} : memref<125x64xf32, #tpu.memory_space<vmem>>, vector<1x16xf32>,
        %parallel_loop3A_267 = vector.shape_cast %parallel_loop3A_266 : vector<1x16xf32> to vector<16xf32>
        %parallel_loop3A_268 = arith.addf %parallel_loop3A_263, %parallel_loop3A_267 : vector<16xf32>
        %parallel_loop3A_269 = arith.constant 0.000000e+00 : f32
        %parallel_loop3A_270 = vector.broadcast %parallel_loop3A_269 : f32 to vector<16xf32>
        %parallel_loop3A_271 = arith.maximumf %parallel_loop3A_268, %parallel_loop3A_270 : vector<16xf32>
        %parallel_loop3A_272 = arith.index_cast %parallel_loop3A_208 : i32 to index
        %parallel_loop3A_273 = arith.constant 48 : index
        %parallel_loop3A_274 = tpu.vector_load %arg16[%parallel_loop3A_272, %parallel_loop3A_273] {strides = array<i32>} : memref<125x64xf32, #tpu.memory_space<vmem>>, vector<1x16xf32>,
        %parallel_loop3A_275 = vector.shape_cast %parallel_loop3A_274 : vector<1x16xf32> to vector<16xf32>
        %parallel_loop3A_276 = vector.shape_cast %parallel_loop3A_271 : vector<16xf32> to vector<1x16xf32>
        tpu.vector_store %arg16[%parallel_loop3A_272, %parallel_loop3A_273], %parallel_loop3A_276 {strides = array<i32>} : memref<125x64xf32, #tpu.memory_space<vmem>>, vector<1x16xf32>,
      } {sc.loop_unroll_factor = 5 : i64, sc.parallel_access}
      %dma_start3A_195 = arith.constant 0 : i32
      %dma_start3A_196 = tpu.memref_slice %arg10[%add3A_173, %dma_start3A_195] : memref<80x125xi32, #tpu.memory_space<vmem>> -> memref<1x125xi32, #tpu.memory_space<vmem>>
      %dma_start3A_197 = tpu.memref_squeeze %dma_start3A_196 : memref<1x125xi32, #tpu.memory_space<vmem>> -> memref<125xi32, #tpu.memory_space<vmem>>
      %dma_start3A_198 = arith.constant 0 : i32
      %dma_start3A_199 = arith.constant 0 : i32
      %dma_start3A_200 = tpu.memref_slice %arg17[%dma_start3A_198, %dma_start3A_199] : memref<10000x64xf32, #tpu.memory_space<vmem_shared>> -> memref<10000x64xf32, #tpu.memory_space<vmem_shared>>
      tpu.enqueue_indirect_dma source(%arg16 : memref<125x64xf32, #tpu.memory_space<vmem>>) target(%dma_start3A_200 : memref<10000x64xf32, #tpu.memory_space<vmem_shared>>) offsets(%dma_start3A_197 : memref<125xi32, #tpu.memory_space<vmem>>) semaphore(%arg23 : memref<!tpu.dma_semaphore, #tpu.memory_space<semaphore_mem>>) {add = true}
      %add3A_201 = arith.constant 2 : i32
      %add3A_202 = arith.addi %add3A_173, %add3A_201 : i32
      %lt3A_203 = arith.constant 80 : i32
      %lt3A_204 = arith.cmpi slt, %add3A_202, %lt3A_203 : i32
      %convert_element_type3A_205 = arith.extui %lt3A_204 : i1 to i32
      %cond3A_206 = arith.constant 0 : i32
      %cond3A_207 = arith.cmpi ne, %convert_element_type3A_205, %cond3A_206 : i32
      scf.if %cond3A_207 {
        %add3A_208 = arith.constant 2 : i32
        %add3A_209 = arith.addi %add3A_173, %add3A_208 : i32
        %mul3A_210 = arith.constant 125 : i32
        %mul3A_211 = arith.muli %add3A_209, %mul3A_210 : i32
        %add3A_212 = arith.addi %mul3A_75, %mul3A_211 : i32
        %dma_start3A_213 = arith.constant 64 : i32
        %dma_start3A_214 = tpu.memref_slice %arg4[%add3A_212, %dma_start3A_213] : memref<320000x128xf32, #tpu.memory_space<hbm>> -> memref<125x64xf32, #tpu.memory_space<hbm>>
        %dma_start3A_215 = arith.constant 64 : i32
        %dma_start3A_216 = tpu.memref_slice %arg4[%add3A_212, %dma_start3A_215] : memref<320000x128xf32, #tpu.memory_space<hbm>> -> memref<125x64xf32, #tpu.memory_space<hbm>>
        tpu.enqueue_dma source(%dma_start3A_216 : memref<125x64xf32, #tpu.memory_space<hbm>>) target(%arg12 : memref<125x64xf32, #tpu.memory_space<vmem>>) target_semaphore(%arg19 : memref<!tpu.dma_semaphore, #tpu.memory_space<semaphore_mem>>)
        %add3A_217 = arith.constant 2 : i32
        %add3A_218 = arith.addi %add3A_173, %add3A_217 : i32
        %dma_start3A_219 = arith.constant 0 : i32
        %dma_start3A_220 = tpu.memref_slice %arg9[%add3A_218, %dma_start3A_219] : memref<80x125xi32, #tpu.memory_space<vmem>> -> memref<1x125xi32, #tpu.memory_space<vmem>>
        %dma_start3A_221 = tpu.memref_squeeze %dma_start3A_220 : memref<1x125xi32, #tpu.memory_space<vmem>> -> memref<125xi32, #tpu.memory_space<vmem>>
        %dma_start3A_222 = arith.constant 0 : i32
        %dma_start3A_223 = arith.constant 0 : i32
        %dma_start3A_224 = tpu.memref_slice %arg3[%dma_start3A_222, %dma_start3A_223] : memref<10000x64xf32, #tpu.memory_space<hbm>> -> memref<10000x64xf32, #tpu.memory_space<hbm>>
        tpu.enqueue_indirect_dma source(%dma_start3A_224 : memref<10000x64xf32, #tpu.memory_space<hbm>>) target(%arg14 : memref<125x64xf32, #tpu.memory_space<vmem>>) offsets(%dma_start3A_221 : memref<125xi32, #tpu.memory_space<vmem>>) semaphore(%arg21 : memref<!tpu.dma_semaphore, #tpu.memory_space<semaphore_mem>>)
      } else {
      }
    }
    %scan3A_107 = arith.constant 40 : i32
    %dma_wait3A_108 = arith.constant 78 : i32
    %dma_wait3A_109 = arith.constant 0 : i32
    %dma_wait3A_110 = tpu.memref_slice %arg10[%dma_wait3A_108, %dma_wait3A_109] : memref<80x125xi32, #tpu.memory_space<vmem>> -> memref<1x125xi32, #tpu.memory_space<vmem>>
    %dma_wait3A_111 = tpu.memref_squeeze %dma_wait3A_110 : memref<1x125xi32, #tpu.memory_space<vmem>> -> memref<125xi32, #tpu.memory_space<vmem>>
    %dma_wait3A_112 = arith.constant 0 : i32
    %dma_wait3A_113 = arith.constant 0 : i32
    %dma_wait3A_114 = tpu.memref_slice %arg17[%dma_wait3A_112, %dma_wait3A_113] : memref<10000x64xf32, #tpu.memory_space<vmem_shared>> -> memref<10000x64xf32, #tpu.memory_space<vmem_shared>>
    tpu.wait_indirect_dma semaphore(%arg22 : memref<!tpu.dma_semaphore, #tpu.memory_space<semaphore_mem>>) src(%arg15 : memref<125x64xf32, #tpu.memory_space<vmem>>) dst(%dma_wait3A_114 : memref<10000x64xf32, #tpu.memory_space<vmem_shared>>)
    %dma_wait3A_115 = arith.constant 79 : i32
    %dma_wait3A_116 = arith.constant 0 : i32
    %dma_wait3A_117 = tpu.memref_slice %arg10[%dma_wait3A_115, %dma_wait3A_116] : memref<80x125xi32, #tpu.memory_space<vmem>> -> memref<1x125xi32, #tpu.memory_space<vmem>>
    %dma_wait3A_118 = tpu.memref_squeeze %dma_wait3A_117 : memref<1x125xi32, #tpu.memory_space<vmem>> -> memref<125xi32, #tpu.memory_space<vmem>>
    %dma_wait3A_119 = arith.constant 0 : i32
    %dma_wait3A_120 = arith.constant 0 : i32
    %dma_wait3A_121 = tpu.memref_slice %arg17[%dma_wait3A_119, %dma_wait3A_120] : memref<10000x64xf32, #tpu.memory_space<vmem_shared>> -> memref<10000x64xf32, #tpu.memory_space<vmem_shared>>
    tpu.wait_indirect_dma semaphore(%arg23 : memref<!tpu.dma_semaphore, #tpu.memory_space<semaphore_mem>>) src(%arg16 : memref<125x64xf32, #tpu.memory_space<vmem>>) dst(%dma_wait3A_121 : memref<10000x64xf32, #tpu.memory_space<vmem_shared>>)
    %barrier3A_122 = arith.constant 0 : index
    tpu.barrier barrier_id(%barrier3A_122)
    %lt3A_123 = arith.constant 15 : i32
    %lt3A_124 = arith.cmpi slt, %arg1, %lt3A_123 : i32
    %convert_element_type3A_125 = arith.extui %lt3A_124 : i1 to i32
    %cond3A_126 = arith.constant 0 : i32
    %cond3A_127 = arith.cmpi ne, %convert_element_type3A_125, %cond3A_126 : i32
    scf.if %cond3A_127 {
      %mul3A_133 = arith.constant 632 : i32
      %mul3A_134 = arith.muli %arg1, %mul3A_133 : i32
      %mul3A_135 = arith.constant 632 : i32
      %mul3A_136 = arith.muli %arg1, %mul3A_135 : i32
      %run_scoped3A = arith.constant 1 : i32
      "tpu.region"() ({
        %run_scoped3A_137 = tpu.sem_alloc : memref<!tpu.dma_semaphore, #tpu.memory_space<semaphore_mem>>
        %dma_start3A_138 = arith.constant 0 : i32
        %dma_start3A_139 = tpu.memref_slice %arg8[%arg0, %run_scoped3A, %mul3A_136, %dma_start3A_138] : memref<2x2x10000x64xf32, #tpu.memory_space<hbm>> -> memref<1x1x632x64xf32, #tpu.memory_space<hbm>>
        %dma_start3A_140 = tpu.memref_squeeze %dma_start3A_139 : memref<1x1x632x64xf32, #tpu.memory_space<hbm>> -> memref<632x64xf32, #tpu.memory_space<hbm>>
        %dma_start3A_141 = arith.constant 0 : i32
        %dma_start3A_142 = tpu.memref_slice %arg17[%mul3A_134, %dma_start3A_141] : memref<10000x64xf32, #tpu.memory_space<vmem_shared>> -> memref<632x64xf32, #tpu.memory_space<vmem_shared>>
        tpu.enqueue_dma source(%dma_start3A_142 : memref<632x64xf32, #tpu.memory_space<vmem_shared>>) target(%dma_start3A_140 : memref<632x64xf32, #tpu.memory_space<hbm>>) target_semaphore(%run_scoped3A_137 : memref<!tpu.dma_semaphore, #tpu.memory_space<semaphore_mem>>)
        %dma_wait3A_143 = arith.constant 0 : i32
        %dma_wait3A_144 = tpu.memref_slice %arg8[%arg0, %run_scoped3A, %mul3A_136, %dma_wait3A_143] : memref<2x2x10000x64xf32, #tpu.memory_space<hbm>> -> memref<1x1x632x64xf32, #tpu.memory_space<hbm>>
        %dma_wait3A_145 = tpu.memref_squeeze %dma_wait3A_144 : memref<1x1x632x64xf32, #tpu.memory_space<hbm>> -> memref<632x64xf32, #tpu.memory_space<hbm>>
        %dma_wait3A_146 = arith.constant 0 : i32
        %dma_wait3A_147 = tpu.memref_slice %arg17[%mul3A_134, %dma_wait3A_146] : memref<10000x64xf32, #tpu.memory_space<vmem_shared>> -> memref<632x64xf32, #tpu.memory_space<vmem_shared>>
        tpu.wait_dma2 semaphore(%run_scoped3A_137 : memref<!tpu.dma_semaphore, #tpu.memory_space<semaphore_mem>>) src(%dma_wait3A_147 : memref<632x64xf32, #tpu.memory_space<vmem_shared>>) dst(%dma_wait3A_145 : memref<632x64xf32, #tpu.memory_space<hbm>>)
        tpu.yield
      }) : () -> ()
    } else {
    }
    %eq3A_128 = arith.constant 15 : i32
    %eq3A_129 = arith.cmpi eq, %arg1, %eq3A_128 : i32
    %convert_element_type3A_130 = arith.extui %eq3A_129 : i1 to i32
    %cond3A_131 = arith.constant 0 : i32
    %cond3A_132 = arith.cmpi ne, %convert_element_type3A_130, %cond3A_131 : i32
    scf.if %cond3A_132 {
      %run_scoped3A = arith.constant 1 : i32
      "tpu.region"() ({
        %run_scoped3A_133 = tpu.sem_alloc : memref<!tpu.dma_semaphore, #tpu.memory_space<semaphore_mem>>
        %dma_start3A_134 = arith.constant 9480 : i32
        %dma_start3A_135 = arith.constant 0 : i32
        %dma_start3A_136 = tpu.memref_slice %arg8[%arg0, %run_scoped3A, %dma_start3A_134, %dma_start3A_135] : memref<2x2x10000x64xf32, #tpu.memory_space<hbm>> -> memref<1x1x520x64xf32, #tpu.memory_space<hbm>>
        %dma_start3A_137 = tpu.memref_squeeze %dma_start3A_136 : memref<1x1x520x64xf32, #tpu.memory_space<hbm>> -> memref<520x64xf32, #tpu.memory_space<hbm>>
        %dma_start3A_138 = arith.constant 9480 : i32
        %dma_start3A_139 = arith.constant 0 : i32
        %dma_start3A_140 = tpu.memref_slice %arg17[%dma_start3A_138, %dma_start3A_139] : memref<10000x64xf32, #tpu.memory_space<vmem_shared>> -> memref<520x64xf32, #tpu.memory_space<vmem_shared>>
        tpu.enqueue_dma source(%dma_start3A_140 : memref<520x64xf32, #tpu.memory_space<vmem_shared>>) target(%dma_start3A_137 : memref<520x64xf32, #tpu.memory_space<hbm>>) target_semaphore(%run_scoped3A_133 : memref<!tpu.dma_semaphore, #tpu.memory_space<semaphore_mem>>)
        %dma_wait3A_141 = arith.constant 9480 : i32
        %dma_wait3A_142 = arith.constant 0 : i32
        %dma_wait3A_143 = tpu.memref_slice %arg8[%arg0, %run_scoped3A, %dma_wait3A_141, %dma_wait3A_142] : memref<2x2x10000x64xf32, #tpu.memory_space<hbm>> -> memref<1x1x520x64xf32, #tpu.memory_space<hbm>>
        %dma_wait3A_144 = tpu.memref_squeeze %dma_wait3A_143 : memref<1x1x520x64xf32, #tpu.memory_space<hbm>> -> memref<520x64xf32, #tpu.memory_space<hbm>>
        %dma_wait3A_145 = arith.constant 9480 : i32
        %dma_wait3A_146 = arith.constant 0 : i32
        %dma_wait3A_147 = tpu.memref_slice %arg17[%dma_wait3A_145, %dma_wait3A_146] : memref<10000x64xf32, #tpu.memory_space<vmem_shared>> -> memref<520x64xf32, #tpu.memory_space<vmem_shared>>
        tpu.wait_dma2 semaphore(%run_scoped3A_133 : memref<!tpu.dma_semaphore, #tpu.memory_space<semaphore_mem>>) src(%dma_wait3A_147 : memref<520x64xf32, #tpu.memory_space<vmem_shared>>) dst(%dma_wait3A_144 : memref<520x64xf32, #tpu.memory_space<hbm>>)
        tpu.yield
      }) : () -> ()
    } else {
    }
    return
  }
}

module attributes {stable_mosaic.version = 14 : i64} {
  func.func @_edge_lin_body(%arg0: i32, %arg1: memref<4000x16xf32, #tpu.memory_space<vmem>>, %arg2: memref<16x128xf32, #tpu.memory_space<vmem>>, %arg3: memref<1x128xf32, #tpu.memory_space<vmem>>, %arg4: memref<4000x128xf32, #tpu.memory_space<vmem>>) attributes {dimension_semantics = [#tpu.dimension_semantics<arbitrary>], iteration_bounds = array<i64: 80>, scalar_prefetch = 0 : i64, scratch_operands = 0 : i64, tpu.core_type = #tpu.core_type<tc>, window_params = [{transform_indices = @transform_0, window_bounds = array<i64: 4000, 16>}, {pipeline_mode = #tpu.pipeline_mode<synchronous>, transform_indices = @transform_1, window_bounds = array<i64: 16, 128>}, {pipeline_mode = #tpu.pipeline_mode<synchronous>, transform_indices = @transform_2, window_bounds = array<i64: 1, 128>}, {transform_indices = @transform_3, window_bounds = array<i64: 4000, 128>}]} {
    %get3A = arith.constant 0 : index
    %get3A_0 = arith.constant 0 : index
    %get3A_1 = vector.load %arg1[%get3A, %get3A_0] : memref<4000x16xf32, #tpu.memory_space<vmem>>, vector<4000x16xf32>
    %get3A_2 = arith.constant 0 : index
    %get3A_3 = arith.constant 0 : index
    %get3A_4 = vector.load %arg2[%get3A_2, %get3A_3] : memref<16x128xf32, #tpu.memory_space<vmem>>, vector<16x128xf32>
    %dot_general3A = arith.constant dense<0.000000e+00> : vector<4000x128xf32>
    %dot_general3A_5 = tpu.matmul %get3A_1, %get3A_4, %dot_general3A {dimension_numbers = #tpu.dot_dimension_numbers<[1], [0], [0], [1], [0, 0, 1, 1], [], []>, transpose_lhs_hint = false} : vector<4000x16xf32>, vector<16x128xf32>, vector<4000x128xf32> -> vector<4000x128xf32>
    %get3A_6 = arith.constant 0 : index
    %get3A_7 = arith.constant 0 : index
    %get3A_8 = vector.load %arg3[%get3A_6, %get3A_7] : memref<1x128xf32, #tpu.memory_space<vmem>>, vector<1x128xf32>
    %add3A = vector.broadcast %get3A_8 : vector<1x128xf32> to vector<4000x128xf32>
    %add3A_9 = arith.addf %dot_general3A_5, %add3A : vector<4000x128xf32>
    %swap3A = arith.constant 0 : index
    %swap3A_10 = arith.constant 0 : index
    %swap3A_11 = vector.load %arg4[%swap3A, %swap3A_10] : memref<4000x128xf32, #tpu.memory_space<vmem>>, vector<4000x128xf32>
    tpu.vector_store %arg4[%swap3A, %swap3A_10], %add3A_9 {strides = array<i32>} : memref<4000x128xf32, #tpu.memory_space<vmem>>, vector<4000x128xf32>,
    return
  }
  func.func @transform_0(%arg0: i32) -> (i32, i32) {
    %c0_i32 = arith.constant 0 : i32
    %c0_i32_0 = arith.constant 0 : i32
    return %arg0, %c0_i32 : i32, i32
  }
  func.func @transform_1(%arg0: i32) -> (i32, i32) {
    %c0_i32 = arith.constant 0 : i32
    %c0_i32_0 = arith.constant 0 : i32
    %c0_i32_1 = arith.constant 0 : i32
    return %c0_i32, %c0_i32_0 : i32, i32
  }
  func.func @transform_2(%arg0: i32) -> (i32, i32) {
    %c0_i32 = arith.constant 0 : i32
    %c0_i32_0 = arith.constant 0 : i32
    %c0_i32_1 = arith.constant 0 : i32
    return %c0_i32, %c0_i32_0 : i32, i32
  }
  func.func @transform_3(%arg0: i32) -> (i32, i32) {
    %c0_i32 = arith.constant 0 : i32
    %c0_i32_0 = arith.constant 0 : i32
    return %arg0, %c0_i32 : i32, i32
  }
}

module attributes {stable_mosaic.version = 14 : i64} {
  func.func @_mlp_body(%arg0: i32, %arg1: memref<1000x128xf32, #tpu.memory_space<vmem>>, %arg2: memref<2x2x1000x64xf32, #tpu.memory_space<vmem>>, %arg3: memref<128x128xf32, #tpu.memory_space<vmem>>, %arg4: memref<1x128xf32, #tpu.memory_space<vmem>>, %arg5: memref<128x128xf32, #tpu.memory_space<vmem>>, %arg6: memref<1x128xf32, #tpu.memory_space<vmem>>, %arg7: memref<1000x64xf32, #tpu.memory_space<vmem>>, %arg8: memref<1000x64xf32, #tpu.memory_space<vmem>>) attributes {dimension_semantics = [#tpu.dimension_semantics<arbitrary>], iteration_bounds = array<i64: 10>, scalar_prefetch = 0 : i64, scratch_operands = 0 : i64, tpu.core_type = #tpu.core_type<tc>, window_params = [{transform_indices = @transform_0, window_bounds = array<i64: 1000, 128>}, {transform_indices = @transform_1, window_bounds = array<i64: 2, 2, 1000, 64>}, {pipeline_mode = #tpu.pipeline_mode<synchronous>, transform_indices = @transform_2, window_bounds = array<i64: 128, 128>}, {pipeline_mode = #tpu.pipeline_mode<synchronous>, transform_indices = @transform_3, window_bounds = array<i64: 1, 128>}, {pipeline_mode = #tpu.pipeline_mode<synchronous>, transform_indices = @transform_4, window_bounds = array<i64: 128, 128>}, {pipeline_mode = #tpu.pipeline_mode<synchronous>, transform_indices = @transform_5, window_bounds = array<i64: 1, 128>}, {transform_indices = @transform_6, window_bounds = array<i64: 1000, 64>}, {transform_indices = @transform_7, window_bounds = array<i64: 1000, 64>}]} {
    %get3A = arith.constant 0 : index
    %get3A_0 = arith.constant 0 : index
    %get3A_1 = arith.constant 0 : index
    %get3A_2 = arith.constant 0 : index
    %get3A_3 = vector.load %arg2[%get3A, %get3A_0, %get3A_1, %get3A_2] : memref<2x2x1000x64xf32, #tpu.memory_space<vmem>>, vector<1x2x1000x64xf32>
    %get3A_4 = vector.shape_cast %get3A_3 : vector<1x2x1000x64xf32> to vector<2x1000x64xf32>
    %get3A_5 = arith.constant 1 : index
    %get3A_6 = arith.constant 0 : index
    %get3A_7 = arith.constant 0 : index
    %get3A_8 = arith.constant 0 : index
    %get3A_9 = vector.load %arg2[%get3A_5, %get3A_6, %get3A_7, %get3A_8] : memref<2x2x1000x64xf32, #tpu.memory_space<vmem>>, vector<1x2x1000x64xf32>
    %get3A_10 = vector.shape_cast %get3A_9 : vector<1x2x1000x64xf32> to vector<2x1000x64xf32>
    %add3A = arith.addf %get3A_4, %get3A_10 : vector<2x1000x64xf32>
    %get3A_11 = arith.constant 0 : index
    %get3A_12 = arith.constant 0 : index
    %get3A_13 = vector.load %arg1[%get3A_11, %get3A_12] : memref<1000x128xf32, #tpu.memory_space<vmem>>, vector<1000x128xf32>
    %slice3A = vector.extract_strided_slice %add3A {offsets = [0, 0, 0], sizes = [1, 1000, 64], strides = [1, 1, 1]} : vector<2x1000x64xf32> to vector<1x1000x64xf32>
    %squeeze3A = vector.shape_cast %slice3A : vector<1x1000x64xf32> to vector<1000x64xf32>
    %slice3A_14 = vector.extract_strided_slice %add3A {offsets = [1, 0, 0], sizes = [1, 1000, 64], strides = [1, 1, 1]} : vector<2x1000x64xf32> to vector<1x1000x64xf32>
    %squeeze3A_15 = vector.shape_cast %slice3A_14 : vector<1x1000x64xf32> to vector<1000x64xf32>
    %concatenate3A = tpu.concatenate %squeeze3A, %squeeze3A_15 in 1 : vector<1000x64xf32>, vector<1000x64xf32> -> vector<1000x128xf32>
    %add3A_16 = arith.addf %get3A_13, %concatenate3A : vector<1000x128xf32>
    %get3A_17 = arith.constant 0 : index
    %get3A_18 = arith.constant 0 : index
    %get3A_19 = vector.load %arg3[%get3A_17, %get3A_18] : memref<128x128xf32, #tpu.memory_space<vmem>>, vector<128x128xf32>
    %dot_general3A = arith.constant dense<0.000000e+00> : vector<1000x128xf32>
    %dot_general3A_20 = tpu.matmul %add3A_16, %get3A_19, %dot_general3A {dimension_numbers = #tpu.dot_dimension_numbers<[1], [0], [0], [1], [0, 0, 1, 1], [], []>, transpose_lhs_hint = false} : vector<1000x128xf32>, vector<128x128xf32>, vector<1000x128xf32> -> vector<1000x128xf32>
    %get3A_21 = arith.constant 0 : index
    %get3A_22 = arith.constant 0 : index
    %get3A_23 = vector.load %arg4[%get3A_21, %get3A_22] : memref<1x128xf32, #tpu.memory_space<vmem>>, vector<1x128xf32>
    %add3A_24 = vector.broadcast %get3A_23 : vector<1x128xf32> to vector<1000x128xf32>
    %add3A_25 = arith.addf %dot_general3A_20, %add3A_24 : vector<1000x128xf32>
    %max3A = arith.constant 0.000000e+00 : f32
    %max3A_26 = vector.broadcast %max3A : f32 to vector<1000x128xf32>
    %max3A_27 = arith.maximumf %add3A_25, %max3A_26 : vector<1000x128xf32>
    %get3A_28 = arith.constant 0 : index
    %get3A_29 = arith.constant 0 : index
    %get3A_30 = vector.load %arg5[%get3A_28, %get3A_29] : memref<128x128xf32, #tpu.memory_space<vmem>>, vector<128x128xf32>
    %dot_general3A_31 = arith.constant dense<0.000000e+00> : vector<1000x128xf32>
    %dot_general3A_32 = tpu.matmul %max3A_27, %get3A_30, %dot_general3A_31 {dimension_numbers = #tpu.dot_dimension_numbers<[1], [0], [0], [1], [0, 0, 1, 1], [], []>, transpose_lhs_hint = false} : vector<1000x128xf32>, vector<128x128xf32>, vector<1000x128xf32> -> vector<1000x128xf32>
    %get3A_33 = arith.constant 0 : index
    %get3A_34 = arith.constant 0 : index
    %get3A_35 = vector.load %arg6[%get3A_33, %get3A_34] : memref<1x128xf32, #tpu.memory_space<vmem>>, vector<1x128xf32>
    %add3A_36 = vector.broadcast %get3A_35 : vector<1x128xf32> to vector<1000x128xf32>
    %add3A_37 = arith.addf %dot_general3A_32, %add3A_36 : vector<1000x128xf32>
    %max3A_38 = arith.constant 0.000000e+00 : f32
    %max3A_39 = vector.broadcast %max3A_38 : f32 to vector<1000x128xf32>
    %max3A_40 = arith.maximumf %add3A_37, %max3A_39 : vector<1000x128xf32>
    %slice3A_41 = vector.extract_strided_slice %max3A_40 {offsets = [0, 0], sizes = [1000, 64], strides = [1, 1]} : vector<1000x128xf32> to vector<1000x64xf32>
    %swap3A = arith.constant 0 : index
    %swap3A_42 = arith.constant 0 : index
    %swap3A_43 = vector.load %arg7[%swap3A, %swap3A_42] : memref<1000x64xf32, #tpu.memory_space<vmem>>, vector<1000x64xf32>
    tpu.vector_store %arg7[%swap3A, %swap3A_42], %slice3A_41 {strides = array<i32>} : memref<1000x64xf32, #tpu.memory_space<vmem>>, vector<1000x64xf32>,
    %slice3A_44 = vector.extract_strided_slice %max3A_40 {offsets = [0, 64], sizes = [1000, 64], strides = [1, 1]} : vector<1000x128xf32> to vector<1000x64xf32>
    %swap3A_45 = arith.constant 0 : index
    %swap3A_46 = arith.constant 0 : index
    %swap3A_47 = vector.load %arg8[%swap3A_45, %swap3A_46] : memref<1000x64xf32, #tpu.memory_space<vmem>>, vector<1000x64xf32>
    tpu.vector_store %arg8[%swap3A_45, %swap3A_46], %slice3A_44 {strides = array<i32>} : memref<1000x64xf32, #tpu.memory_space<vmem>>, vector<1000x64xf32>,
    return
  }
  func.func @transform_0(%arg0: i32) -> (i32, i32) {
    %c0_i32 = arith.constant 0 : i32
    %c0_i32_0 = arith.constant 0 : i32
    return %arg0, %c0_i32 : i32, i32
  }
  func.func @transform_1(%arg0: i32) -> (i32, i32, i32, i32) {
    %c0_i32 = arith.constant 0 : i32
    %c0_i32_0 = arith.constant 0 : i32
    %c0_i32_1 = arith.constant 0 : i32
    %c0_i32_2 = arith.constant 0 : i32
    return %c0_i32, %c0_i32_0, %arg0, %c0_i32_1 : i32, i32, i32, i32
  }
  func.func @transform_2(%arg0: i32) -> (i32, i32) {
    %c0_i32 = arith.constant 0 : i32
    %c0_i32_0 = arith.constant 0 : i32
    %c0_i32_1 = arith.constant 0 : i32
    return %c0_i32, %c0_i32_0 : i32, i32
  }
  func.func @transform_3(%arg0: i32) -> (i32, i32) {
    %c0_i32 = arith.constant 0 : i32
    %c0_i32_0 = arith.constant 0 : i32
    %c0_i32_1 = arith.constant 0 : i32
    return %c0_i32, %c0_i32_0 : i32, i32
  }
  func.func @transform_4(%arg0: i32) -> (i32, i32) {
    %c0_i32 = arith.constant 0 : i32
    %c0_i32_0 = arith.constant 0 : i32
    %c0_i32_1 = arith.constant 0 : i32
    return %c0_i32, %c0_i32_0 : i32, i32
  }
  func.func @transform_5(%arg0: i32) -> (i32, i32) {
    %c0_i32 = arith.constant 0 : i32
    %c0_i32_0 = arith.constant 0 : i32
    %c0_i32_1 = arith.constant 0 : i32
    return %c0_i32, %c0_i32_0 : i32, i32
  }
  func.func @transform_6(%arg0: i32) -> (i32, i32) {
    %c0_i32 = arith.constant 0 : i32
    %c0_i32_0 = arith.constant 0 : i32
    return %arg0, %c0_i32 : i32, i32
  }
  func.func @transform_7(%arg0: i32) -> (i32, i32) {
    %c0_i32 = arith.constant 0 : i32
    %c0_i32_0 = arith.constant 0 : i32
    return %arg0, %c0_i32 : i32, i32
  }
}

module attributes {stable_mosaic.version = 14 : i64} {
  func.func @_head_body(%arg0: i32, %arg1: memref<1000x64xf32, #tpu.memory_space<vmem>>, %arg2: memref<1000x64xf32, #tpu.memory_space<vmem>>, %arg3: memref<2x2x1000x64xf32, #tpu.memory_space<vmem>>, %arg4: memref<128x128xf32, #tpu.memory_space<vmem>>, %arg5: memref<1x128xf32, #tpu.memory_space<vmem>>, %arg6: memref<128x128xf32, #tpu.memory_space<vmem>>, %arg7: memref<1x128xf32, #tpu.memory_space<vmem>>, %arg8: memref<128x128xf32, #tpu.memory_space<vmem>>, %arg9: memref<1x128xf32, #tpu.memory_space<vmem>>, %arg10: memref<128x128xf32, #tpu.memory_space<vmem>>, %arg11: memref<1x128xf32, #tpu.memory_space<vmem>>, %arg12: memref<1000x128xf32, #tpu.memory_space<vmem>>) attributes {dimension_semantics = [#tpu.dimension_semantics<arbitrary>], iteration_bounds = array<i64: 10>, scalar_prefetch = 0 : i64, scratch_operands = 0 : i64, tpu.core_type = #tpu.core_type<tc>, window_params = [{transform_indices = @transform_0, window_bounds = array<i64: 1000, 64>}, {transform_indices = @transform_1, window_bounds = array<i64: 1000, 64>}, {transform_indices = @transform_2, window_bounds = array<i64: 2, 2, 1000, 64>}, {pipeline_mode = #tpu.pipeline_mode<synchronous>, transform_indices = @transform_3, window_bounds = array<i64: 128, 128>}, {pipeline_mode = #tpu.pipeline_mode<synchronous>, transform_indices = @transform_4, window_bounds = array<i64: 1, 128>}, {pipeline_mode = #tpu.pipeline_mode<synchronous>, transform_indices = @transform_5, window_bounds = array<i64: 128, 128>}, {pipeline_mode = #tpu.pipeline_mode<synchronous>, transform_indices = @transform_6, window_bounds = array<i64: 1, 128>}, {pipeline_mode = #tpu.pipeline_mode<synchronous>, transform_indices = @transform_7, window_bounds = array<i64: 128, 128>}, {pipeline_mode = #tpu.pipeline_mode<synchronous>, transform_indices = @transform_8, window_bounds = array<i64: 1, 128>}, {pipeline_mode = #tpu.pipeline_mode<synchronous>, transform_indices = @transform_9, window_bounds = array<i64: 128, 128>}, {pipeline_mode = #tpu.pipeline_mode<synchronous>, transform_indices = @transform_10, window_bounds = array<i64: 1, 128>}, {transform_indices = @transform_11, window_bounds = array<i64: 1000, 128>}]} {
    %get3A = arith.constant 0 : index
    %get3A_0 = arith.constant 0 : index
    %get3A_1 = arith.constant 0 : index
    %get3A_2 = arith.constant 0 : index
    %get3A_3 = vector.load %arg3[%get3A, %get3A_0, %get3A_1, %get3A_2] : memref<2x2x1000x64xf32, #tpu.memory_space<vmem>>, vector<1x2x1000x64xf32>
    %get3A_4 = vector.shape_cast %get3A_3 : vector<1x2x1000x64xf32> to vector<2x1000x64xf32>
    %get3A_5 = arith.constant 1 : index
    %get3A_6 = arith.constant 0 : index
    %get3A_7 = arith.constant 0 : index
    %get3A_8 = arith.constant 0 : index
    %get3A_9 = vector.load %arg3[%get3A_5, %get3A_6, %get3A_7, %get3A_8] : memref<2x2x1000x64xf32, #tpu.memory_space<vmem>>, vector<1x2x1000x64xf32>
    %get3A_10 = vector.shape_cast %get3A_9 : vector<1x2x1000x64xf32> to vector<2x1000x64xf32>
    %add3A = arith.addf %get3A_4, %get3A_10 : vector<2x1000x64xf32>
    %get3A_11 = arith.constant 0 : index
    %get3A_12 = arith.constant 0 : index
    %get3A_13 = vector.load %arg1[%get3A_11, %get3A_12] : memref<1000x64xf32, #tpu.memory_space<vmem>>, vector<1000x64xf32>
    %slice3A = vector.extract_strided_slice %add3A {offsets = [0, 0, 0], sizes = [1, 1000, 64], strides = [1, 1, 1]} : vector<2x1000x64xf32> to vector<1x1000x64xf32>
    %squeeze3A = vector.shape_cast %slice3A : vector<1x1000x64xf32> to vector<1000x64xf32>
    %add3A_14 = arith.addf %get3A_13, %squeeze3A : vector<1000x64xf32>
    %get3A_15 = arith.constant 0 : index
    %get3A_16 = arith.constant 0 : index
    %get3A_17 = vector.load %arg2[%get3A_15, %get3A_16] : memref<1000x64xf32, #tpu.memory_space<vmem>>, vector<1000x64xf32>
    %slice3A_18 = vector.extract_strided_slice %add3A {offsets = [1, 0, 0], sizes = [1, 1000, 64], strides = [1, 1, 1]} : vector<2x1000x64xf32> to vector<1x1000x64xf32>
    %squeeze3A_19 = vector.shape_cast %slice3A_18 : vector<1x1000x64xf32> to vector<1000x64xf32>
    %add3A_20 = arith.addf %get3A_17, %squeeze3A_19 : vector<1000x64xf32>
    %concatenate3A = tpu.concatenate %add3A_14, %add3A_20 in 1 : vector<1000x64xf32>, vector<1000x64xf32> -> vector<1000x128xf32>
    %get3A_21 = arith.constant 0 : index
    %get3A_22 = arith.constant 0 : index
    %get3A_23 = vector.load %arg4[%get3A_21, %get3A_22] : memref<128x128xf32, #tpu.memory_space<vmem>>, vector<128x128xf32>
    %dot_general3A = arith.constant dense<0.000000e+00> : vector<1000x128xf32>
    %dot_general3A_24 = tpu.matmul %concatenate3A, %get3A_23, %dot_general3A {dimension_numbers = #tpu.dot_dimension_numbers<[1], [0], [0], [1], [0, 0, 1, 1], [], []>, transpose_lhs_hint = false} : vector<1000x128xf32>, vector<128x128xf32>, vector<1000x128xf32> -> vector<1000x128xf32>
    %get3A_25 = arith.constant 0 : index
    %get3A_26 = arith.constant 0 : index
    %get3A_27 = vector.load %arg5[%get3A_25, %get3A_26] : memref<1x128xf32, #tpu.memory_space<vmem>>, vector<1x128xf32>
    %add3A_28 = vector.broadcast %get3A_27 : vector<1x128xf32> to vector<1000x128xf32>
    %add3A_29 = arith.addf %dot_general3A_24, %add3A_28 : vector<1000x128xf32>
    %max3A = arith.constant 0.000000e+00 : f32
    %max3A_30 = vector.broadcast %max3A : f32 to vector<1000x128xf32>
    %max3A_31 = arith.maximumf %add3A_29, %max3A_30 : vector<1000x128xf32>
    %get3A_32 = arith.constant 0 : index
    %get3A_33 = arith.constant 0 : index
    %get3A_34 = vector.load %arg6[%get3A_32, %get3A_33] : memref<128x128xf32, #tpu.memory_space<vmem>>, vector<128x128xf32>
    %dot_general3A_35 = arith.constant dense<0.000000e+00> : vector<1000x128xf32>
    %dot_general3A_36 = tpu.matmul %max3A_31, %get3A_34, %dot_general3A_35 {dimension_numbers = #tpu.dot_dimension_numbers<[1], [0], [0], [1], [0, 0, 1, 1], [], []>, transpose_lhs_hint = false} : vector<1000x128xf32>, vector<128x128xf32>, vector<1000x128xf32> -> vector<1000x128xf32>
    %get3A_37 = arith.constant 0 : index
    %get3A_38 = arith.constant 0 : index
    %get3A_39 = vector.load %arg7[%get3A_37, %get3A_38] : memref<1x128xf32, #tpu.memory_space<vmem>>, vector<1x128xf32>
    %add3A_40 = vector.broadcast %get3A_39 : vector<1x128xf32> to vector<1000x128xf32>
    %add3A_41 = arith.addf %dot_general3A_36, %add3A_40 : vector<1000x128xf32>
    %max3A_42 = arith.constant 0.000000e+00 : f32
    %max3A_43 = vector.broadcast %max3A_42 : f32 to vector<1000x128xf32>
    %max3A_44 = arith.maximumf %add3A_41, %max3A_43 : vector<1000x128xf32>
    %get3A_45 = arith.constant 0 : index
    %get3A_46 = arith.constant 0 : index
    %get3A_47 = vector.load %arg8[%get3A_45, %get3A_46] : memref<128x128xf32, #tpu.memory_space<vmem>>, vector<128x128xf32>
    %dot_general3A_48 = arith.constant dense<0.000000e+00> : vector<1000x128xf32>
    %dot_general3A_49 = tpu.matmul %max3A_44, %get3A_47, %dot_general3A_48 {dimension_numbers = #tpu.dot_dimension_numbers<[1], [0], [0], [1], [0, 0, 1, 1], [], []>, transpose_lhs_hint = false} : vector<1000x128xf32>, vector<128x128xf32>, vector<1000x128xf32> -> vector<1000x128xf32>
    %get3A_50 = arith.constant 0 : index
    %get3A_51 = arith.constant 0 : index
    %get3A_52 = vector.load %arg9[%get3A_50, %get3A_51] : memref<1x128xf32, #tpu.memory_space<vmem>>, vector<1x128xf32>
    %add3A_53 = vector.broadcast %get3A_52 : vector<1x128xf32> to vector<1000x128xf32>
    %add3A_54 = arith.addf %dot_general3A_49, %add3A_53 : vector<1000x128xf32>
    %max3A_55 = arith.constant 0.000000e+00 : f32
    %max3A_56 = vector.broadcast %max3A_55 : f32 to vector<1000x128xf32>
    %max3A_57 = arith.maximumf %add3A_54, %max3A_56 : vector<1000x128xf32>
    %get3A_58 = arith.constant 0 : index
    %get3A_59 = arith.constant 0 : index
    %get3A_60 = vector.load %arg10[%get3A_58, %get3A_59] : memref<128x128xf32, #tpu.memory_space<vmem>>, vector<128x128xf32>
    %dot_general3A_61 = arith.constant dense<0.000000e+00> : vector<1000x128xf32>
    %dot_general3A_62 = tpu.matmul %max3A_57, %get3A_60, %dot_general3A_61 {dimension_numbers = #tpu.dot_dimension_numbers<[1], [0], [0], [1], [0, 0, 1, 1], [], []>, transpose_lhs_hint = false} : vector<1000x128xf32>, vector<128x128xf32>, vector<1000x128xf32> -> vector<1000x128xf32>
    %get3A_63 = arith.constant 0 : index
    %get3A_64 = arith.constant 0 : index
    %get3A_65 = vector.load %arg11[%get3A_63, %get3A_64] : memref<1x128xf32, #tpu.memory_space<vmem>>, vector<1x128xf32>
    %add3A_66 = vector.broadcast %get3A_65 : vector<1x128xf32> to vector<1000x128xf32>
    %add3A_67 = arith.addf %dot_general3A_62, %add3A_66 : vector<1000x128xf32>
    %swap3A = arith.constant 0 : index
    %swap3A_68 = arith.constant 0 : index
    %swap3A_69 = vector.load %arg12[%swap3A, %swap3A_68] : memref<1000x128xf32, #tpu.memory_space<vmem>>, vector<1000x128xf32>
    tpu.vector_store %arg12[%swap3A, %swap3A_68], %add3A_67 {strides = array<i32>} : memref<1000x128xf32, #tpu.memory_space<vmem>>, vector<1000x128xf32>,
    return
  }
  func.func @transform_0(%arg0: i32) -> (i32, i32) {
    %c0_i32 = arith.constant 0 : i32
    %c0_i32_0 = arith.constant 0 : i32
    return %arg0, %c0_i32 : i32, i32
  }
  func.func @transform_1(%arg0: i32) -> (i32, i32) {
    %c0_i32 = arith.constant 0 : i32
    %c0_i32_0 = arith.constant 0 : i32
    return %arg0, %c0_i32 : i32, i32
  }
  func.func @transform_2(%arg0: i32) -> (i32, i32, i32, i32) {
    %c0_i32 = arith.constant 0 : i32
    %c0_i32_0 = arith.constant 0 : i32
    %c0_i32_1 = arith.constant 0 : i32
    %c0_i32_2 = arith.constant 0 : i32
    return %c0_i32, %c0_i32_0, %arg0, %c0_i32_1 : i32, i32, i32, i32
  }
  func.func @transform_3(%arg0: i32) -> (i32, i32) {
    %c0_i32 = arith.constant 0 : i32
    %c0_i32_0 = arith.constant 0 : i32
    %c0_i32_1 = arith.constant 0 : i32
    return %c0_i32, %c0_i32_0 : i32, i32
  }
  func.func @transform_4(%arg0: i32) -> (i32, i32) {
    %c0_i32 = arith.constant 0 : i32
    %c0_i32_0 = arith.constant 0 : i32
    %c0_i32_1 = arith.constant 0 : i32
    return %c0_i32, %c0_i32_0 : i32, i32
  }
  func.func @transform_5(%arg0: i32) -> (i32, i32) {
    %c0_i32 = arith.constant 0 : i32
    %c0_i32_0 = arith.constant 0 : i32
    %c0_i32_1 = arith.constant 0 : i32
    return %c0_i32, %c0_i32_0 : i32, i32
  }
  func.func @transform_6(%arg0: i32) -> (i32, i32) {
    %c0_i32 = arith.constant 0 : i32
    %c0_i32_0 = arith.constant 0 : i32
    %c0_i32_1 = arith.constant 0 : i32
    return %c0_i32, %c0_i32_0 : i32, i32
  }
  func.func @transform_7(%arg0: i32) -> (i32, i32) {
    %c0_i32 = arith.constant 0 : i32
    %c0_i32_0 = arith.constant 0 : i32
    %c0_i32_1 = arith.constant 0 : i32
    return %c0_i32, %c0_i32_0 : i32, i32
  }
  func.func @transform_8(%arg0: i32) -> (i32, i32) {
    %c0_i32 = arith.constant 0 : i32
    %c0_i32_0 = arith.constant 0 : i32
    %c0_i32_1 = arith.constant 0 : i32
    return %c0_i32, %c0_i32_0 : i32, i32
  }
  func.func @transform_9(%arg0: i32) -> (i32, i32) {
    %c0_i32 = arith.constant 0 : i32
    %c0_i32_0 = arith.constant 0 : i32
    %c0_i32_1 = arith.constant 0 : i32
    return %c0_i32, %c0_i32_0 : i32, i32
  }
  func.func @transform_10(%arg0: i32) -> (i32, i32) {
    %c0_i32 = arith.constant 0 : i32
    %c0_i32_0 = arith.constant 0 : i32
    %c0_i32_1 = arith.constant 0 : i32
    return %c0_i32, %c0_i32_0 : i32, i32
  }
  func.func @transform_11(%arg0: i32) -> (i32, i32) {
    %c0_i32 = arith.constant 0 : i32
    %c0_i32_0 = arith.constant 0 : i32
    return %arg0, %c0_i32 : i32, i32
  }
}

</mosaic_0001>

<sc_bundles>
// kernel: kernel.11.cloned.1.call-start
scs
__scs_entry_jumppad:
0x0: {  	(pc) =	sbr.rel $0x88, $3  }
0x1: {  	(tag) =	ssettag $0x0;
	lr =	simm.s32 $0x1  }
0x2: {  	[smem:$0x3F8E] =	sst lr;
	_ =	strace $0xD0000000  }
0x3: {  	_ = 	snop  }
0x4: {  	_ = 	snop  }
0x5: {  	_ = 	snop  }
0x6: {  	_ = 	snop  }
0x7: {  	_ = 	snop  }
__scs_overlays_trampoline_lowered:
0x8: {  	[smem:$0x3F9D] =	sst s0  }
0x9: {  	[smem:$0x3F9E] =	sst s1  }
0xa: {  	[smem:$0x3F9F] =	sst s2  }
0xb: {  	[smem:$0x3FA0] =	sst s3  }
0xc: {  	[smem:$0x3FA1] =	sst s4  }
0xd: {  	[smem:$0x3FA2] =	sst s5  }
0xe: {  	[smem:$0x3FA3] =	sst s6  }
0xf: {  	[smem:$0x3FA4] =	sst s7  }
0x10: {  	[smem:$0x3FA5] =	sst s8  }
0x11: {  	[smem:$0x3FA6] =	sst s9;
	s0 =	simm.s32 @!p0 $0x0  }
0x12: {  	s1 =	sld [smem:$0x3F8C];
	s0 =	simm.s32 @p0 $0x1  }
0x13: {  	[smem:$0x3FA7] =	sst s0;
	s0 =	simm.s32 @!p1 $0x0  }
0x14: {  	s2 =	sld [smem:$0x3F8B];
	s0 =	simm.s32 @p1 $0x1  }
0x15: {  	[smem:$0x3FA8] =	sst s0;
	s0 =	simm.s32 @!p2 $0x0  }
0x16: {  	s3 =	sld [smem:$0x3FDB];
	s0 =	simm.s32 @p2 $0x1  }
0x17: {  	s4 =	simm.s32 $0x1BF5;
	[smem:$0x3FAA] =	sst s0  }
0x18: {  	s0 =	sld [smem:$0x3F8D];
	_ =	swait.ge [sflag:s4], $0x0  }
0x19: {  	s7 =	sld [smem:$0x3F8E]  }
0x1a: {  	s8 =	sadd.s32 $0xFFFFE003, lr  }
0x1b: {  	s9 =	sadd.s32 $0xFFFFFEF7, lr;
	s5 =	simm.s32 $0xFFFFFFFF;
	p2 =	slt.u32 s8, $0xFFFFF086  }
0x1c: {  	p1 =	slt.u32 s9, $0xF7A;
	s5 =	simm.s32 @!p2 $0x0  }
0x1d: {  	s5 =	simm.s32 @p1 $0x1;
	p0 =	seq.s32 s7, s2  }
0x1e: {  	s7 =	smul.u32 @!p0 $0xF7A, s2;
	p2 =	seq.s32 @!p0 s5, $0x0  }
0x1f: {  	s9 =	smul.u32 $0xF7A, s1;
	s8 =	simm.s32 @!p0 $0x1BF5;
	p2 =	por !p2, p0  }
0x20: {  	[sflag:s8] =	ssyncset.s32 @!p0 $0xFFFFF086;
	s6 =	sadd.s32 @!p0 s3, s7;
	s7 =	simm.s32 @!p0 $0x108  }
0x21: {  	s3 =	sadd.s32 s3, s9;
	s6 =	sadd.s32 @!p0 $0x88, s6;
	s7 =	simm.s32 @p2 $0x1082  }
0x22: {  	[simem:s7], [sflag:s8] =	dma.local @!p0 [hbm:s6], $0xF7A  }
0x23: {  	s9 =	sor.u32 $0xD0000000, s2;
	s6 =	simm.s32 $0x108;
	_ =	swait.ge @!p0 [sflag:s8], $0x0  }
0x24: {  	s3 =	sadd.s32 $0x88, s3;
	s6 =	simm.s32 @!p1 $0x1082;
	[sflag:s4] =	ssyncset.s32 $0xFFFFF086  }
0x25: {  	[simem:s6], [sflag:s4] =	dma.local [hbm:s3], $0xF7A  }
0x26: {  	[smem:$0x3F8E] =	sst s1;
	(tag) =	ssettag s2;
	_ =	strace s9  }
0x27: {  	s1 =	sld [smem:$0x3F9E]  }
0x28: {  	s2 =	sld [smem:$0x3F9F]  }
0x29: {  	s4 =	sld [smem:$0x3FA1]  }
0x2a: {  	p0 =	seq.s32 s5, $0x0;
	s5 =	sld [smem:$0x3FA2]  }
0x2b: {  	s6 =	sld [smem:$0x3FA3]  }
0x2c: {  	s7 =	sld [smem:$0x3FA4]  }
0x2d: {  	s3 =	simm.s32 $0x108;
	s8 =	sld [smem:$0x3FA5]  }
0x2e: {  	s3 =	simm.s32 @!p0 $0x1082;
	s9 =	sld [smem:$0x3FA6]  }
0x2f: {  	lr =	sadd.s32 s0, s3;
	s0 =	sld [smem:$0x3F9D]  }
0x30: {  	s3 =	sld [smem:$0x3FA0]  }
0x31: {  	[smem:$0x3FA9] =	sst s10  }
0x32: {  	s10 =	sld [smem:$0x3FA7];
	_ =	sdelay $0x3  }
0x33: {  	p0 =	seq.s32 s10, $0x1;
	s10 =	sld [smem:$0x3FA9];
	_ =	sdelay $0x3  }
0x34: {  	[smem:$0x3FA9] =	sst s10  }
0x35: {  	s10 =	sld [smem:$0x3FA8];
	_ =	sdelay $0x3  }
0x36: {  	p1 =	seq.s32 s10, $0x1;
	s10 =	sld [smem:$0x3FA9];
	_ =	sdelay $0x3  }
0x37: {  	[smem:$0x3FA9] =	sst s10  }
0x38: {  	s10 =	sld [smem:$0x3FAA]  }
0x39: {  	_ = 	snop;
	(pc) =	sbr.ind lr, $3  }
0x3a: {  	_ = 	snop  }
0x3b: {  	_ = 	snop  }
0x3c: {  	p2 =	seq.s32 s10, $0x1;
	s10 =	sld [smem:$0x3FA9]  }
0x3d: {  	_ =	shalt  }
0x3e: {  	_ =	shalt  }
0x3f: {  	_ =	shalt  }
0x40: {  	_ =	shalt  }
0x41: {  	_ =	shalt  }
0x42: {  	_ =	shalt  }
0x43: {  	_ =	shalt  }
0x44: {  	_ =	shalt  }
0x45: {  	_ =	shalt  }
0x46: {  	_ =	shalt  }
0x47: {  	_ =	shalt  }
0x48: {  	_ =	shalt  }
0x49: {  	_ =	shalt  }
0x4a: {  	_ =	shalt  }
0x4b: {  	_ =	shalt  }
0x4c: {  	_ =	shalt  }
0x4d: {  	_ =	shalt  }
0x4e: {  	_ =	shalt  }
0x4f: {  	_ =	shalt  }
0x50: {  	_ =	shalt  }
0x51: {  	_ =	shalt  }
0x52: {  	_ =	shalt  }
0x53: {  	_ =	shalt  }
0x54: {  	_ =	shalt  }
0x55: {  	_ =	shalt  }
0x56: {  	_ =	shalt  }
0x57: {  	_ =	shalt  }
0x58: {  	_ =	shalt  }
0x59: {  	_ =	shalt  }
0x5a: {  	_ =	shalt  }
0x5b: {  	_ =	shalt  }
0x5c: {  	_ =	shalt  }
0x5d: {  	_ =	shalt  }
0x5e: {  	_ =	shalt  }
0x5f: {  	_ =	shalt  }
0x60: {  	_ =	shalt  }
0x61: {  	_ =	shalt  }
0x62: {  	_ =	shalt  }
0x63: {  	_ =	shalt  }
0x64: {  	_ =	shalt  }
0x65: {  	_ =	shalt  }
0x66: {  	_ =	shalt  }
0x67: {  	_ =	shalt  }
0x68: {  	_ =	shalt  }
0x69: {  	_ =	shalt  }
0x6a: {  	_ =	shalt  }
0x6b: {  	_ =	shalt  }
0x6c: {  	_ =	shalt  }
0x6d: {  	_ =	shalt  }
0x6e: {  	_ =	shalt  }
0x6f: {  	_ =	shalt  }
0x70: {  	_ =	shalt  }
0x71: {  	_ =	shalt  }
0x72: {  	_ =	shalt  }
0x73: {  	_ =	shalt  }
0x74: {  	_ =	shalt  }
0x75: {  	_ =	shalt  }
0x76: {  	_ =	shalt  }
0x77: {  	_ =	shalt  }
0x78: {  	_ =	shalt  }
0x79: {  	_ =	shalt  }
0x7a: {  	_ =	shalt  }
0x7b: {  	_ =	shalt  }
0x7c: {  	_ =	shalt  }
0x7d: {  	_ =	shalt  }
0x7e: {  	_ =	shalt  }
0x7f: {  	_ =	shalt  }
0x80: {  	_ =	shalt  }
0x81: {  	_ =	shalt  }
0x82: {  	_ =	shalt  }
0x83: {  	_ =	shalt  }
0x84: {  	_ =	shalt  }
0x85: {  	_ =	shalt  }
0x86: {  	_ =	shalt  }
0x87: {  	_ =	shalt  }
.Lfunc_end0:
.L_simem_size_0:
called_computation.1_lowered:
.L_overlay_start_0:
0x88: {  	s2 =	sld [smem:$0x3FD9]  }
0x89: {  	s3 =	sld [smem:$0x3FFE];
	_ =	sdelay $0x1  }
0x8a: {  	s1 =	srdreg.scid  }
0x8b: {  	s0 =	sand.u32 $0x1, s1  }
0x8c: {  	s16 =	sshll.u32 s0, $0xA;
	s2 =	sadd.s32 s3, s2  }
0x8d: {  	s2 =	sadd.s32 s2, s16  }
0x8e: {  	[smem:$0x3FB5] =	sst s2  }
0x8f: {  	_ = 	snop  }
0x90: {  	(tm) =	ssettm $0x1  }
0x91: {  	s17 =	sld [smem:$0x3FFB];
	_ =	sdelay $0x3  }
0x92: {  	_ =	strace s17  }
0x93: {  	s2 =	sld [smem:$0x3FFC];
	_ =	sdelay $0x3  }
0x94: {  	_ =	strace s2  }
0x95: {  	s2 =	sld [smem:$0x3FFD];
	_ =	sdelay $0x3  }
0x96: {  	_ =	strace s2  }
0x97: {  	_ =	strace $0x8FFFFFFF  }
0x98: {  	s18 =	sld [smem:$0x3FDB];
	_ =	sdelay $0x1  }
0x99: {  	s19 =	simm.s32 $_scs_section_size  }
0x9a: {  	s4 =	simm.s32 $_size__tile_overlayer_lowered;
	s5 =	simm.s32 $_tile_overlayer_lowered  }
0x9b: {  	s22 =	simm.s32 $0x1BFF;
	s21 =	sshll.u32 s5, $0x1;
	s2 =	sadd.s32 s19, s18  }
0x9c: {  	s6 =	simm.s32 $0x0;
	s20 =	sshll.u32 s4, $0x1;
	s4 =	sadd.s32 s21, s2  }
0x9d: {  	[timem:s6], [sflag:s22] =	dma.local [hbm:s4], s20  }
0x9e: {  	_ =	swait.ge [sflag:s22], s20  }
0x9f: {  	s3 =	ssub.s32 $0x0, s20;
	[sflag:s22] =	ssyncset.done $0x0  }
0xa0: {  	[sflag:s22] =	ssyncadd.s32 s3;
	_ =	sdelay $0x1  }
0xa1: {  	s23 =	simm.s32 $0x1B8B  }
0xa2: {  	_ =	swait.ge [sflag:s23], $0x1  }
0xa3: {  	[sflag:s23] =	ssyncset.done $0x0  }
0xa4: {  	s25 =	simm.s32 $0x1B8E;
	s24 =	sld [smem:$0x3FFE];
	[sflag:s23] =	ssyncadd.s32 $0xFFFFFFFF  }
0xa5: {  	s26 =	simm.s32 $execute0_lowered;
	[smem:$0x3FD2] =	sst s25  }
0xa6: {  	s4 =	sshll.u32 s26, $0x1;
	_ =	strace $0x80000049;
	[dreg:$0x1] =	wrdreg $0xFFFFFFFF  }
0xa7: {  	s28 =	simm.s32 $_size_execute0_lowered;
	s2 =	sadd.s32 s2, s4;
	[dreg:$0x0] =	wrdreg $0x0  }
0xa8: {  	s4 =	sshll.u32 s28, $0x1;
	[dreg:$0x2] =	wrdreg s2  }
0xa9: {  	[dreg:$0x3] =	wrdreg s4  }
0xaa: {  	[dreg:$0x4] =	wrdreg $0xC0  }
0xab: {  	_ =	task [dreg:s6], $0x5FFFF  }
0xac: {  	[dreg:$0x1] =	wrdreg $0xFFFFFFFF  }
0xad: {  	[dreg:$0x0] =	wrdreg $0x60  }
0xae: {  	[dreg:$0x2] =	wrdreg s24  }
0xaf: {  	[dreg:$0x3] =	wrdreg $0x10B800  }
0xb0: {  	[dreg:$0x4] =	wrdreg $0x9  }
0xb1: {  	_ =	task.clear_ibuf [dreg:s6], $0x5FFFF;
	_ =	strace $0x90000049  }
0xb2: {  	s29 =	simm.s32 $0x9;
	_ =	strace $0x8000004B  }
0xb3: {  	_ =	swait.ge [sflag:s29], $0x1  }
0xb4: {  	[sflag:s29] =	ssyncadd.s32 $0xFFFFFFFF  }
0xb5: {  	_ =	strace $0x9000004B  }
0xb6: {  	_ =	sfence  }
0xb7: {  	s30 =	sld [smem:$0x0];
	_ =	sdelay $0x2  }
0xb8: {  	s31 =	sshll.u32 s1, $0xD;
	s1 =	sshrl.u32 s1, $0x2  }
0xb9: {  	s3 =	sand.u32 $0x4000, s31;
	s1 =	sadd.s32 s1, s30  }
0xba: {  	s0 =	sor.u32 s3, s0;
	s1 =	sshll.u32 s1, $0x11  }
0xbb: {  	s0 =	sor.u32 s1, s0  }
0xbc: {  	s0 =	sadd.s32 $0x8F2B, s0  }
0xbd: {  	[sflag:s0] =	ssyncadd.remote.s32 $0x1  }
0xbe: {  	_ =	sfence.sel $0xFFFF  }
0xbf: {  	[dreg:$0x0] =	wrdreg $0xFFFFFFFF;
	(pc) =	sbr.abs _section_cstart, $3  }
0xc0: {  	[dreg:$0x1] =	wrdreg $0xFFFFFFFF  }
0xc1: {  	_ =	task.clear_ibuf [dreg:s6], $0x2FFFF;
	_ =	strace $0x9FFFFFFF  }
0xc2: {  	(tm) =	ssettm $0x7FFFFFFF  }
0xc3: {  	_ =	shalt  }
tec
execute0_lowered:
.L_overlay_start_1:
0x0: {  	(tag) =	ssettag $0x1  }
0x1: {  	s0 =	rddreg [dreg:$0x0]  }
0x2: {  	s1 =	rddreg [dreg:$0x1];
	s2 =	srdreg.scid  }
0x3: {  	s3 =	simm.s32 $0x0;
	s14 =	stileid.u32;
	s28 =	simm.s32 $0x80  }
0x4: {  	s30 =	simm.s32 $0x7D;
	s29 =	simm.s32 $0xEC40;
	s2 =	sand.u32 $0x1, s2  }
0x5: {  	[smem:$0x7FF] =	sst s3;
	s7 =	smul.u32 $0x9E00, s14;
	s5 =	sadd.s32 $0xA29C00, s0  }
0x6: {  	s4 =	sadd.s32 $0x17600, s0;
	s6 =	sadd.s32 $0xA50C00, s0;
	s12 =	sadd.s32 $0x2B000, s0  }
0x7: {  	s19 =	sadd.s32 $0x94200, s1;
	s20 =	sadd.s32 $0xA01840, s0;
	p0 =	seq.s32 s14, $0xF  }
0x8: {  	s15 =	sshll.u32 s2, $0x4;
	_ =	strace $0x8000004A;
	[dreg:$0x7] =	wrdreg s19  }
0x9: {  	s10 =	ssub.s32 $0x2, s2;
	s2 =	smul.u32 $0x138800, s2;
	[dreg:$0x8] =	wrdreg s20  }
0xa: {  	s3 =	sor.u32 s14, s15;
	s9 =	sshrl.u32 s7, $0x3;
	s11 =	sshrl.u32 s10, $0x1  }
0xb: {  	s17 =	sadd.s32 s7, s1;
	s8 =	smul.u32 $0x500, s3;
	s9 =	sadd.s32 s9, s0  }
0xc: {  	s10 =	ssub.s32 s10, s11;
	[dreg:$0x5] =	wrdreg s17;
	s18 =	smul.u32 $0x138800, s3  }
0xd: {  	s13 =	smul.u32 $0x2710, s3;
	s7 =	sadd.s32 s7, s2;
	s2 =	sshrl.u32 s2, $0x3  }
0xe: {  	s11 =	simm.s32 $0x4;
	s17 =	simm.s32 $0x0;
	s9 =	sadd.s32 $0x9EF000, s9  }
0xf: {  	s2 =	sadd.s32 s12, s2;
	s31 =	smax.u32 s10, $0x1;
	[dreg:$0x6] =	wrdreg s9  }
0x10: {  	s7 =	sshrl.u32 s7, $0x3;
	s23 =	sadd.s32 $0x12840, s2;
	[dreg:$0x11] =	wrdreg s31  }
0x11: {  	s8 =	sadd.s32 s8, s0;
	s7 =	sadd.s32 s12, s7;
	[dreg:$0xc] =	wrdreg s23  }
0x12: {  	s21 =	sshrl.u32 s18, $0x3;
	s26 =	sadd.s32 $0x260C0, s2;
	[dreg:$0xb] =	wrdreg s7  }
0x13: {  	s18 =	sadd.s32 $0xA50C08, s0;
	s16 =	sadd.s32 $0x3600, s8;
	[dreg:$0x10] =	wrdreg s26  }
0x14: {  	s2 =	simm.s32 $0x1;
	s8 =	sadd.s32 $0xD600, s8;
	[dreg:$0x3] =	wrdreg s16  }
0x15: {  	s9 =	simm.s32 $0x2;
	s0 =	sadd.s32 s21, s18;
	[dreg:$0x4] =	wrdreg s8  }
.Ltmp0:
0x16: {  	s25 =	sadd.s32 $0x13880, s7;
	[dreg:$0xd] =	wrdreg s0;
	(pc) =	sbr.rel .LBB2_1-.Ltmp0, $4  }
0x17: {  	s26 =	simm.s32 $0x40;
	s8 =	sadd.s32 s6, s21;
	[dreg:$0xf] =	wrdreg s25  }
0x18: {  	s7 =	simm.s32 $0x3;
	s22 =	sadd.s32 $0x7D0, s8;
	[dreg:$0x9] =	wrdreg s8  }
0x19: {  	s0 =	simm.s32 $0x6F40;
	s24 =	sadd.s32 $0x7D8, s8;
	[dreg:$0xa] =	wrdreg s22  }
0x1a: {  	s25 =	simm.s32 $0xADC0;
	s8 =	simm.s32 $0xCD00;
	[dreg:$0xe] =	wrdreg s24  }
.LBB2_15:
0x1b: {  	s3 =	simm.s32 $0x5  }
0x1c: {  	_ =	swait.ge [sflag:s3], $0x1F40  }
0x1d: {  	[sflag:s3] =	ssyncset.done $0x0  }
0x1e: {  	s24 =	simm.s32 $0x6;
	[sflag:s3] =	ssyncadd.s32 $0xFFFFE0C0  }
0x1f: {  	_ =	swait.ge [sflag:s24], $0x1F40  }
0x20: {  	[sflag:s24] =	ssyncset.done $0x0  }
0x21: {  	[sflag:s24] =	ssyncadd.s32 $0xFFFFE0C0  }
0x22: {  	[bflag:$0x0] =	sbarrier.arrive $0xFFFF  }
0x23: {  	s3 =	simm.s32 @p0 $0x1FC7;
	s10 =	rddreg [dreg:$0x10]  }
0x24: {  	[hbm:s10], [sflag:s3] =	dma.local @p0 [spmem:s19], $0x1040  }
0x25: {  	s3 =	simm.s32 @p0 $0x7  }
0x26: {  	_ =	swait.ge @p0 [sflag:s3], $0x1040  }
0x27: {  	[sflag:s3] =	ssyncset.done @p0 $0x0  }
0x28: {  	[sflag:s3] =	ssyncadd.s32 @p0 $0xFFFFEFC0;
	s3 =	rddreg [dreg:$0xf]  }
0x29: {  	[hbm:s3], [sflag:s20] =	dma.local @!p0 [spmem:s21], $0x13C0  }
0x2a: {  	s3 =	simm.s32 @!p0 $0x7  }
0x2b: {  	_ =	swait.ge @!p0 [sflag:s3], $0x13C0  }
0x2c: {  	s17 =	sadd.s32 $0x1, s17;
	s31 =	rddreg [dreg:$0x11]  }
0x2d: {  	p1 =	sne.s32 s17, s31  }
.Ltmp1:
0x2e: {  	_ = 	snop;
	(pc) =	sbr.rel @!p1 .LBB2_16-.Ltmp1, $3  }
0x2f: {  	_ =	sdelay $0x1  }
0x30: {  	[sflag:s3] =	ssyncset.done @!p0 $0x0  }
0x31: {  	[sflag:s3] =	ssyncadd.s32 @!p0 $0xFFFFEC40  }
.LBB2_1:
0x32: {  	s12 =	simm.s32 $0x0;
	s3 =	rddreg [dreg:$0x3];
	s10 =	simm.s32 $0x7  }
0x33: {  	[tilespmem:s12], [sflag:$0x7] =	stream.linear.gather [hbm4b:s3+s12], $0x2800, $0x38;
	[tilespmem:$0x1A7C0] =	vst v63  }
0x34: {  	_ =	swait.ge [sflag:s10], $0x2800  }
0x35: {  	[sflag:s10] =	ssyncset.done $0x0  }
0x36: {  	s14 =	simm.s32 $0x2800;
	s21 =	rddreg [dreg:$0x4];
	[sflag:s10] =	ssyncadd.s32 $0xFFFFD800  }
0x37: {  	[tilespmem:s14], [sflag:$0x7] =	stream.linear.gather [hbm4b:s21+s12], $0x2800, $0x38;
	[tilespmem:$0x1A7C0] =	vst v63  }
0x38: {  	_ =	swait.ge [sflag:s10], $0x2800  }
0x39: {  	[sflag:s10] =	ssyncset.done $0x0  }
0x3a: {  	s3 =	rddreg [dreg:$0x7];
	[sflag:s10] =	ssyncadd.s32 $0xFFFFD800  }
0x3b: {  	s19 =	sshrl.u32 @p0 s3, $0x3;
	s3 =	simm.s32 @p0 $0x1FC7;
	s10 =	rddreg [dreg:$0x8]  }
0x3c: {  	[spmem:s19], [sflag:s3] =	dma.local @p0 [hbm:s10], $0x1040  }
0x3d: {  	s3 =	simm.s32 @p0 $0x7  }
0x3e: {  	_ =	swait.ge @p0 [sflag:s3], $0x1040  }
0x3f: {  	s10 =	stileid.u32;
	[sflag:s3] =	ssyncset.done @p0 $0x0  }
0x40: {  	s10 =	sshll.u32 @!p0 s10, $0x6;
	[sflag:s3] =	ssyncadd.s32 @p0 $0xFFFFEFC0;
	s3 =	rddreg [dreg:$0x5]  }
0x41: {  	s20 =	sor.u32 @!p0 $0x1C07, s10;
	s21 =	sshrl.u32 @!p0 s3, $0x3;
	s3 =	rddreg [dreg:$0x6]  }
0x42: {  	[spmem:s21], [sflag:s20] =	dma.local @!p0 [hbm:s3], $0x13C0  }
0x43: {  	s3 =	simm.s32 @!p0 $0x7  }
0x44: {  	_ =	swait.ge @!p0 [sflag:s3], $0x13C0  }
0x45: {  	[sflag:s3] =	ssyncset.done @!p0 $0x0  }
0x46: {  	[sflag:s3] =	ssyncadd.s32 @!p0 $0xFFFFEC40  }
0x47: {  	[bflag:$0x0] =	sbarrier.arrive $0xFFFF  }
0x48: {  	s23 =	simm.s32 $0x5000;
	s22 =	rddreg [dreg:$0x9]  }
0x49: {  	[tilespmem:s23], [sflag:$0x1] =	stream.strided.gather [hbm4b:s22+s26], $0x1F40, s28, s26, $0x38;
	[tilespmem:$0x1A7C0] =	vst v63  }
0x4a: {  	s24 =	simm.s32 $0x8E80  }
0x4b: {  	[tilespmem:s24], [sflag:$0x3] =	stream.indirect.gather [hbm4b:s4+s30], $0x40, s12, s30, $0xb8;
	[tilespmem:$0x1A7C0] =	vst v63  }
0x4c: {  	s31 =	rddreg [dreg:$0xa]  }
0x4d: {  	[tilespmem:s0], [sflag:$0x2] =	stream.strided.gather [hbm4b:s31+s26], $0x1F40, s28, s26, $0x38;
	[tilespmem:$0x1A7C0] =	vst v63  }
0x4e: {  	s22 =	simm.s32 $0x0  }
0x4f: {  	[tilespmem:s25], [sflag:$0x4] =	stream.indirect.gather [hbm4b:s4+s30], $0x40, s28, s30, $0xb8;
	[tilespmem:$0x1A7C0] =	vst v63  }
.LBB2_2:
0x50: {  	_ =	swait.ge [sflag:s2], $0x1F40  }
0x51: {  	[sflag:s2] =	ssyncset.done $0x0  }
0x52: {  	[sflag:s2] =	ssyncadd.s32 $0xFFFFE0C0  }
0x53: {  	_ =	swait.ge [sflag:s7], $0x1F40  }
0x54: {  	p1 =	seq.s32 s22, $0x0;
	[sflag:s7] =	ssyncset.done $0x0  }
0x55: {  	s3 =	simm.s32 @!p1 $0x5;
	[sflag:s7] =	ssyncadd.s32 $0xFFFFE0C0  }
0x56: {  	_ =	swait.ge @!p1 [sflag:s3], $0x1F40  }
0x57: {  	[sflag:s3] =	ssyncset.done @!p1 $0x0  }
0x58: {  	s14 =	simm.s32 $0x8F20;
	[sflag:s3] =	ssyncadd.s32 @!p1 $0xFFFFE0C0  }
0x59: {  	s3 =	simm.s32 $0x50A0;
	v0 =	vld [tilespmem:s14+$0x60]  }
0x5a: {  	v1 =	vld [tilespmem:s3+$0x60];
	_ =	sdelay $0x2  }
0x5b: {  	v2 =	vld [tilespmem:s14+$0xFFFFFFA0]  }
0x5c: {  	v3 =	vld [tilespmem:s3+$0xFFFFFFA0]  }
0x5d: {  	v4 =	vld [tilespmem:s14+$0xFFFFFFE0];
	v0 =	vadd.f32 v1, v0  }
0x5e: {  	v1 =	vld [tilespmem:s3+$0xFFFFFFE0]  }
0x5f: {  	s16 =	simm.s32 $0xCDA0;
	v5 =	vld [tilespmem:s3+$0xFFFFFF60];
	v0 =	vmax.f32 v0, $0.0e+00  }
0x60: {  	v6 =	vld [tilespmem:s14+$0xFFFFFF60];
	[tilespmem:s16+$0x60] =	vst v0  }
0x61: {  	v0 =	vadd.f32 v3, v2;
	v2 =	vld [tilespmem:s14+$0x70]  }
0x62: {  	v3 =	vld [tilespmem:s3+$0x70]  }
0x63: {  	v7 =	vld [tilespmem:s14+$0x20];
	v0 =	vmax.f32 v0, $0.0e+00;
	v1 =	vadd.f32 v1, v4  }
0x64: {  	v4 =	vld [tilespmem:s3+$0x20];
	[tilespmem:s16+$0xFFFFFFA0] =	vst v0  }
0x65: {  	v5 =	vadd.f32 v5, v6;
	v0 =	vld [tilespmem:s14+$0xFFFFFFB0];
	v1 =	vmax.f32 v1, $0.0e+00  }
0x66: {  	v6 =	vld [tilespmem:s3+$0xFFFFFFB0];
	[tilespmem:s16+$0xFFFFFFE0] =	vst v1  }
0x67: {  	v5 =	vmax.f32 v5, $0.0e+00;
	v1 =	vld [tilespmem:s14+$0xFFFFFFF0];
	v2 =	vadd.f32 v3, v2  }
0x68: {  	[tilespmem:s16+$0xFFFFFF60] =	vst v5;
	v3 =	vld [tilespmem:s3+$0xFFFFFFF0]  }
0x69: {  	v5 =	vld [tilespmem:s14+$0xFFFFFF70];
	v4 =	vadd.f32 v4, v7;
	v2 =	vmax.f32 v2, $0.0e+00  }
0x6a: {  	v7 =	vld [tilespmem:s3+$0xFFFFFF70];
	[tilespmem:s16+$0x70] =	vst v2  }
0x6b: {  	v2 =	vmax.f32 v4, $0.0e+00;
	v0 =	vadd.f32 v6, v0;
	v4 =	vld [tilespmem:s14+$0x80]  }
0x6c: {  	[tilespmem:s16+$0x20] =	vst v2;
	v2 =	vld [tilespmem:s3+$0x80]  }
0x6d: {  	v6 =	vld [tilespmem:s14+$0x30];
	v0 =	vmax.f32 v0, $0.0e+00;
	v1 =	vadd.f32 v3, v1  }
0x6e: {  	[tilespmem:s16+$0xFFFFFFB0] =	vst v0;
	v0 =	vld [tilespmem:s3+$0x30]  }
0x6f: {  	v5 =	vadd.f32 v7, v5;
	v3 =	vld [tilespmem:s14+$0xFFFFFFC0];
	v1 =	vmax.f32 v1, $0.0e+00  }
0x70: {  	v7 =	vld [tilespmem:s3+$0xFFFFFFC0];
	[tilespmem:s16+$0xFFFFFFF0] =	vst v1  }
0x71: {  	v5 =	vmax.f32 v5, $0.0e+00;
	v1 =	vld [tilespmem:s14+$0x0];
	v2 =	vadd.f32 v2, v4  }
0x72: {  	v4 =	vld [tilespmem:s3+$0x0];
	[tilespmem:s16+$0xFFFFFF70] =	vst v5  }
0x73: {  	v5 =	vld [tilespmem:s14+$0xFFFFFF80];
	v0 =	vadd.f32 v0, v6;
	v2 =	vmax.f32 v2, $0.0e+00  }
0x74: {  	v6 =	vld [tilespmem:s3+$0xFFFFFF80];
	[tilespmem:s16+$0x80] =	vst v2  }
0x75: {  	v2 =	vadd.f32 v7, v3;
	v0 =	vmax.f32 v0, $0.0e+00;
	v3 =	vld [tilespmem:s14+$0x90]  }
0x76: {  	v7 =	vld [tilespmem:s3+$0x90];
	[tilespmem:s16+$0x30] =	vst v0  }
0x77: {  	v0 =	vmax.f32 v2, $0.0e+00;
	v1 =	vadd.f32 v4, v1;
	v8 =	vld [tilespmem:s14+$0x40]  }
0x78: {  	[tilespmem:s16+$0xFFFFFFC0] =	vst v0;
	v9 =	vld [tilespmem:s3+$0x40]  }
0x79: {  	v1 =	vmax.f32 v1, $0.0e+00;
	v4 =	vadd.f32 v6, v5;
	v0 =	vld [tilespmem:s14+$0xFFFFFFD0]  }
0x7a: {  	v2 =	vld [tilespmem:s3+$0xFFFFFFD0];
	[tilespmem:s16+$0x0] =	vst v1  }
0x7b: {  	v4 =	vmax.f32 v4, $0.0e+00;
	v1 =	vld [tilespmem:s14+$0x10];
	v5 =	vadd.f32 v7, v3  }
0x7c: {  	[tilespmem:s16+$0xFFFFFF80] =	vst v4;
	v4 =	vld [tilespmem:s3+$0x10]  }
0x7d: {  	s23 =	sshll.u32 s22, $0x1;
	s12 =	simm.s32 $0x0;
	v3 =	vld [tilespmem:s14+$0xFFFFFF90];
	v7 =	vmax.f32 v5, $0.0e+00;
	v6 =	vadd.f32 v9, v8  }
0x7e: {  	s31 =	simm.s32 $0x9060;
	s24 =	simm.s32 $0x50A0;
	s10 =	simm.s32 $0xCDA0;
	v5 =	vld [tilespmem:s3+$0xFFFFFF90];
	[tilespmem:s16+$0x90] =	vst v7  }
.LBB2_3:
0x7f: {  	v7 =	vld [tilespmem:s31+$0x60];
	v0 =	vadd.f32 v2, v0;
	v2 =	vmax.f32 v6, $0.0e+00;
	s3 =	sadd.s32 $0x140, s3  }
0x80: {  	v6 =	vld [tilespmem:s3+$0x60];
	[tilespmem:s16+$0x40] =	vst v2  }
0x81: {  	v2 =	vld [tilespmem:s3+$0xFFFFFF60];
	v0 =	vmax.f32 v0, $0.0e+00;
	v1 =	vadd.f32 v4, v1  }
0x82: {  	v4 =	vld [tilespmem:s31+$0xFFFFFFA0];
	[tilespmem:s16+$0xFFFFFFD0] =	vst v0  }
0x83: {  	s12 =	sadd.s32 $0x5, s12;
	v0 =	vld [tilespmem:s3+$0xFFFFFFA0];
	v3 =	vadd.f32 v5, v3;
	v1 =	vmax.f32 v1, $0.0e+00  }
0x84: {  	p2 =	slt.u32 s12, $0x78;
	v5 =	vld [tilespmem:s31+$0xFFFFFFE0];
	[tilespmem:s16+$0x10] =	vst v1  }
0x85: {  	v1 =	vld [tilespmem:s3+$0xFFFFFFE0];
	v6 =	vadd.f32 v6, v7;
	v3 =	vmax.f32 v3, $0.0e+00  }
0x86: {  	v7 =	vld [tilespmem:s31+$0x20];
	[tilespmem:s16+$0xFFFFFF90] =	vst v3  }
0x87: {  	s16 =	sadd.s32 $0x140, s16;
	v3 =	vld [tilespmem:s3+$0x20];
	v6 =	vmax.f32 v6, $0.0e+00  }
0x88: {  	v8 =	vld [tilespmem:s31+$0xFFFFFF60];
	v0 =	vadd.f32 v0, v4;
	[tilespmem:s16+$0x60] =	vst v6  }
0x89: {  	v4 =	vld [tilespmem:s31+$0x70]  }
0x8a: {  	v0 =	vmax.f32 v0, $0.0e+00;
	v1 =	vadd.f32 v1, v5;
	v5 =	vld [tilespmem:s3+$0x70]  }
0x8b: {  	[tilespmem:s16+$0xFFFFFFA0] =	vst v0;
	v0 =	vld [tilespmem:s14+$0x50];
	s14 =	smov.u32 s31  }
0x8c: {  	v6 =	vld [tilespmem:s31+$0xFFFFFFB0];
	v1 =	vmax.f32 v1, $0.0e+00;
	v3 =	vadd.f32 v3, v7  }
0x8d: {  	v2 =	vadd.f32 v2, v8;
	v7 =	vld [tilespmem:s3+$0xFFFFFFB0];
	[tilespmem:s16+$0xFFFFFFE0] =	vst v1  }
0x8e: {  	v1 =	vld [tilespmem:s31+$0xFFFFFFF0];
	v3 =	vmax.f32 v3, $0.0e+00  }
0x8f: {  	v2 =	vmax.f32 v2, $0.0e+00;
	v8 =	vld [tilespmem:s3+$0xFFFFFFF0];
	[tilespmem:s16+$0x20] =	vst v3;
	v3 =	vadd.f32 v5, v4  }
0x90: {  	[tilespmem:s16+$0xFFFFFF60] =	vst v2;
	v2 =	vld [tilespmem:s31+$0x30]  }
0x91: {  	v4 =	vld [tilespmem:s31+$0xFFFFFF70];
	v3 =	vmax.f32 v3, $0.0e+00  }
0x92: {  	v5 =	vld [tilespmem:s3+$0xFFFFFF70];
	v6 =	vadd.f32 v7, v6;
	[tilespmem:s16+$0x70] =	vst v3  }
0x93: {  	v3 =	vld [tilespmem:s31+$0x80]  }
0x94: {  	v6 =	vmax.f32 v6, $0.0e+00;
	v1 =	vadd.f32 v8, v1;
	v7 =	vld [tilespmem:s3+$0x80]  }
0x95: {  	[tilespmem:s16+$0xFFFFFFB0] =	vst v6;
	v6 =	vld [tilespmem:s3+$0x30]  }
0x96: {  	v8 =	vld [tilespmem:s31+$0xFFFFFFC0];
	v1 =	vmax.f32 v1, $0.0e+00  }
0x97: {  	v4 =	vadd.f32 v5, v4;
	v5 =	vld [tilespmem:s3+$0xFFFFFFC0];
	[tilespmem:s16+$0xFFFFFFF0] =	vst v1  }
0x98: {  	v1 =	vld [tilespmem:s31+$0x0]  }
0x99: {  	v4 =	vmax.f32 v4, $0.0e+00;
	v9 =	vld [tilespmem:s3+$0x0];
	v3 =	vadd.f32 v7, v3  }
0x9a: {  	[tilespmem:s16+$0xFFFFFF70] =	vst v4;
	v2 =	vadd.f32 v6, v2;
	v4 =	vld [tilespmem:s24+$0x50];
	s24 =	smov.u32 s3  }
0x9b: {  	v6 =	vld [tilespmem:s31+$0xFFFFFF80];
	v3 =	vmax.f32 v3, $0.0e+00  }
0x9c: {  	v7 =	vld [tilespmem:s3+$0xFFFFFF80];
	v5 =	vadd.f32 v5, v8;
	v2 =	vmax.f32 v2, $0.0e+00;
	[tilespmem:s16+$0x80] =	vst v3  }
0x9d: {  	[tilespmem:s16+$0x30] =	vst v2;
	v3 =	vld [tilespmem:s31+$0x90]  }
0x9e: {  	v2 =	vmax.f32 v5, $0.0e+00;
	v1 =	vadd.f32 v9, v1;
	v5 =	vld [tilespmem:s3+$0x90]  }
0x9f: {  	[tilespmem:s16+$0xFFFFFFC0] =	vst v2;
	v8 =	vld [tilespmem:s31+$0x40];
	v2 =	vadd.f32 v4, v0  }
0xa0: {  	v1 =	vmax.f32 v1, $0.0e+00;
	v9 =	vld [tilespmem:s3+$0x40]  }
0xa1: {  	v4 =	vadd.f32 v7, v6;
	v0 =	vld [tilespmem:s31+$0xFFFFFFD0];
	[tilespmem:s16+$0x0] =	vst v1;
	v1 =	vmax.f32 v2, $0.0e+00  }
.Ltmp2:
0xa2: {  	v2 =	vld [tilespmem:s3+$0xFFFFFFD0];
	[tilespmem:s10+$0x50] =	vst v1;
	s10 =	smov.u32 s16;
	(pc) =	sbr.rel @p2 .LBB2_3-.Ltmp2, $4  }
0xa3: {  	v4 =	vmax.f32 v4, $0.0e+00;
	v1 =	vld [tilespmem:s31+$0x10];
	v5 =	vadd.f32 v5, v3  }
0xa4: {  	[tilespmem:s16+$0xFFFFFF80] =	vst v4;
	v4 =	vld [tilespmem:s3+$0x10]  }
0xa5: {  	v3 =	vld [tilespmem:s31+$0xFFFFFF90];
	v6 =	vadd.f32 v9, v8;
	v7 =	vmax.f32 v5, $0.0e+00  }
0xa6: {  	s31 =	sadd.s32 $0x140, s31;
	v5 =	vld [tilespmem:s3+$0xFFFFFF90];
	[tilespmem:s16+$0x90] =	vst v7  }
0xa7: {  	v6 =	vmax.f32 v6, $0.0e+00  }
0xa8: {  	[tilespmem:s16+$0x40] =	vst v6  }
0xa9: {  	v6 =	vld [tilespmem:s14+$0x50]  }
0xaa: {  	v0 =	vadd.f32 v2, v0;
	v7 =	vld [tilespmem:s24+$0x50]  }
0xab: {  	v1 =	vadd.f32 v4, v1  }
0xac: {  	v0 =	vmax.f32 v0, $0.0e+00;
	v2 =	vadd.f32 v5, v3  }
0xad: {  	[tilespmem:s16+$0xFFFFFFD0] =	vst v0;
	v0 =	vmax.f32 v1, $0.0e+00  }
0xae: {  	s3 =	sshll.u32 s22, $0x8;
	p2 =	seq.s32 s22, $0x27;
	[tilespmem:s16+$0x10] =	vst v0;
	v0 =	vmax.f32 v2, $0.0e+00  }
0xaf: {  	v1 =	vadd.f32 v7, v6;
	[tilespmem:s16+$0xFFFFFF90] =	vst v0;
	s16 =	sand.u32 $0x3FFFFF00, s3;
	s3 =	sadd.s32 @!p2 $0x2, s23  }
0xb0: {  	s12 =	smul.u32 @!p2 $0x7D, s3  }
0xb1: {  	v0 =	vmax.f32 v1, $0.0e+00  }
0xb2: {  	s24 =	sadd.s32 $0x2800, s16;
	[tilespmem:s10+$0x50] =	vst v0;
	s10 =	sadd.s32 @!p2 s13, s12  }
0xb3: {  	[spmem:s1] =	stream.indirect.scatter.add.f32 [tilespmem:s8], [sflag:$0x5], $0x40, s24, s30, $0xb8;
	[tilespmem:$0x1A7C0] =	vst v63  }
0xb4: {  	s10 =	sshll.u32 @!p2 s10, $0x4  }
0xb5: {  	s15 =	simm.s32 @!p2 $0x5000;
	s14 =	simm.s32 @!p2 $0x80;
	s10 =	sand.u32 @!p2 $0x1FFFFFE0, s10  }
0xb6: {  	s3 =	sshll.u32 @!p2 s3, $0x7;
	s12 =	simm.s32 @!p2 $0x40;
	s10 =	sadd.s32 @!p2 s6, s10  }
0xb7: {  	[tilespmem:s15], [sflag:$0x1] =	stream.strided.gather @!p2 [hbm4b:s10+s12], $0x1F40, s14, s12, $0x38;
	[tilespmem:$0x1A7C0] =	vst v63  }
0xb8: {  	s3 =	sand.u32 @!p2 $0x3FFFFF80, s3;
	s10 =	simm.s32 @!p2 $0x7D;
	s12 =	simm.s32 @!p2 $0x8E80  }
0xb9: {  	[tilespmem:s12], [sflag:$0x3] =	stream.indirect.gather @!p2 [hbm4b:s4+s10], $0x40, s3, s10, $0xb8;
	[tilespmem:$0x1A7C0] =	vst v63  }
0xba: {  	_ =	swait.ge [sflag:s9], $0x1F40  }
0xbb: {  	[sflag:s9] =	ssyncset.done $0x0  }
0xbc: {  	[sflag:s9] =	ssyncadd.s32 $0xFFFFE0C0  }
0xbd: {  	_ =	swait.ge [sflag:s11], $0x1F40  }
0xbe: {  	[sflag:s11] =	ssyncset.done $0x0  }
0xbf: {  	s3 =	simm.s32 @!p1 $0x6;
	[sflag:s11] =	ssyncadd.s32 $0xFFFFE0C0  }
0xc0: {  	_ =	swait.ge @!p1 [sflag:s3], $0x1F40  }
0xc1: {  	[sflag:s3] =	ssyncset.done @!p1 $0x0  }
0xc2: {  	[sflag:s3] =	ssyncadd.s32 @!p1 $0xFFFFE0C0;
	s3 =	simm.s32 $0xAE60  }
0xc3: {  	s10 =	simm.s32 $0x6FE0;
	v0 =	vld [tilespmem:s3+$0x60]  }
0xc4: {  	v1 =	vld [tilespmem:s10+$0x60];
	_ =	sdelay $0x2  }
0xc5: {  	v2 =	vld [tilespmem:s3+$0xFFFFFFA0]  }
0xc6: {  	v3 =	vld [tilespmem:s10+$0xFFFFFFA0]  }
0xc7: {  	v4 =	vld [tilespmem:s3+$0xFFFFFFE0];
	v0 =	vadd.f32 v1, v0  }
0xc8: {  	v1 =	vld [tilespmem:s10+$0xFFFFFFE0]  }
0xc9: {  	s14 =	simm.s32 $0xECE0;
	v5 =	vld [tilespmem:s10+$0xFFFFFF60];
	v0 =	vmax.f32 v0, $0.0e+00  }
0xca: {  	v6 =	vld [tilespmem:s3+$0xFFFFFF60];
	[tilespmem:s14+$0x60] =	vst v0  }
0xcb: {  	v0 =	vadd.f32 v3, v2;
	v2 =	vld [tilespmem:s3+$0x70]  }
0xcc: {  	v3 =	vld [tilespmem:s10+$0x70]  }
0xcd: {  	v7 =	vld [tilespmem:s3+$0x20];
	v0 =	vmax.f32 v0, $0.0e+00;
	v1 =	vadd.f32 v1, v4  }
0xce: {  	v4 =	vld [tilespmem:s10+$0x20];
	[tilespmem:s14+$0xFFFFFFA0] =	vst v0  }
0xcf: {  	v5 =	vadd.f32 v5, v6;
	v0 =	vld [tilespmem:s3+$0xFFFFFFB0];
	v1 =	vmax.f32 v1, $0.0e+00  }
0xd0: {  	v6 =	vld [tilespmem:s10+$0xFFFFFFB0];
	[tilespmem:s14+$0xFFFFFFE0] =	vst v1  }
0xd1: {  	v5 =	vmax.f32 v5, $0.0e+00;
	v1 =	vld [tilespmem:s3+$0xFFFFFFF0];
	v2 =	vadd.f32 v3, v2  }
0xd2: {  	[tilespmem:s14+$0xFFFFFF60] =	vst v5;
	v3 =	vld [tilespmem:s10+$0xFFFFFFF0]  }
0xd3: {  	v5 =	vld [tilespmem:s3+$0xFFFFFF70];
	v4 =	vadd.f32 v4, v7;
	v2 =	vmax.f32 v2, $0.0e+00  }
0xd4: {  	v7 =	vld [tilespmem:s10+$0xFFFFFF70];
	[tilespmem:s14+$0x70] =	vst v2  }
0xd5: {  	v2 =	vmax.f32 v4, $0.0e+00;
	v0 =	vadd.f32 v6, v0;
	v4 =	vld [tilespmem:s3+$0x80]  }
0xd6: {  	[tilespmem:s14+$0x20] =	vst v2;
	v2 =	vld [tilespmem:s10+$0x80]  }
0xd7: {  	v6 =	vld [tilespmem:s3+$0x30];
	v0 =	vmax.f32 v0, $0.0e+00;
	v1 =	vadd.f32 v3, v1  }
0xd8: {  	[tilespmem:s14+$0xFFFFFFB0] =	vst v0;
	v0 =	vld [tilespmem:s10+$0x30]  }
0xd9: {  	v5 =	vadd.f32 v7, v5;
	v3 =	vld [tilespmem:s3+$0xFFFFFFC0];
	v1 =	vmax.f32 v1, $0.0e+00  }
0xda: {  	v7 =	vld [tilespmem:s10+$0xFFFFFFC0];
	[tilespmem:s14+$0xFFFFFFF0] =	vst v1  }
0xdb: {  	v5 =	vmax.f32 v5, $0.0e+00;
	v1 =	vld [tilespmem:s3+$0x0];
	v2 =	vadd.f32 v2, v4  }
0xdc: {  	v4 =	vld [tilespmem:s10+$0x0];
	[tilespmem:s14+$0xFFFFFF70] =	vst v5  }
0xdd: {  	v5 =	vld [tilespmem:s3+$0xFFFFFF80];
	v0 =	vadd.f32 v0, v6;
	v2 =	vmax.f32 v2, $0.0e+00  }
0xde: {  	v6 =	vld [tilespmem:s10+$0xFFFFFF80];
	[tilespmem:s14+$0x80] =	vst v2  }
0xdf: {  	v2 =	vadd.f32 v7, v3;
	v0 =	vmax.f32 v0, $0.0e+00;
	v7 =	vld [tilespmem:s3+$0x90]  }
0xe0: {  	v8 =	vld [tilespmem:s10+$0x90];
	[tilespmem:s14+$0x30] =	vst v0  }
0xe1: {  	v0 =	vmax.f32 v2, $0.0e+00;
	v1 =	vadd.f32 v4, v1;
	v9 =	vld [tilespmem:s3+$0x40]  }
0xe2: {  	[tilespmem:s14+$0xFFFFFFC0] =	vst v0;
	v10 =	vld [tilespmem:s10+$0x40]  }
0xe3: {  	v1 =	vmax.f32 v1, $0.0e+00;
	v2 =	vadd.f32 v6, v5;
	v0 =	vld [tilespmem:s3+$0xFFFFFFD0]  }
0xe4: {  	v3 =	vld [tilespmem:s10+$0xFFFFFFD0];
	[tilespmem:s14+$0x0] =	vst v1  }
0xe5: {  	v2 =	vmax.f32 v2, $0.0e+00;
	v1 =	vld [tilespmem:s3+$0x10];
	v5 =	vadd.f32 v8, v7  }
0xe6: {  	v4 =	vld [tilespmem:s10+$0x10];
	[tilespmem:s14+$0xFFFFFF80] =	vst v2  }
0xe7: {  	s31 =	simm.s32 $0x6FE0;
	v2 =	vld [tilespmem:s3+$0xFFFFFF90];
	v7 =	vmax.f32 v5, $0.0e+00;
	v6 =	vadd.f32 v10, v9  }
0xe8: {  	s24 =	simm.s32 $0x0;
	s15 =	simm.s32 $0xAFA0;
	s12 =	simm.s32 $0xECE0;
	v5 =	vld [tilespmem:s10+$0xFFFFFF90];
	[tilespmem:s14+$0x90] =	vst v7  }
.LBB2_5:
0xe9: {  	v7 =	vld [tilespmem:s15+$0x60];
	v0 =	vadd.f32 v3, v0;
	v3 =	vmax.f32 v6, $0.0e+00;
	s10 =	sadd.s32 $0x140, s10  }
0xea: {  	v6 =	vld [tilespmem:s10+$0x60];
	[tilespmem:s14+$0x40] =	vst v3  }
0xeb: {  	v3 =	vld [tilespmem:s10+$0xFFFFFF60];
	v0 =	vmax.f32 v0, $0.0e+00;
	v1 =	vadd.f32 v4, v1  }
0xec: {  	v4 =	vld [tilespmem:s15+$0xFFFFFFA0];
	[tilespmem:s14+$0xFFFFFFD0] =	vst v0  }
0xed: {  	s24 =	sadd.s32 $0x5, s24;
	v0 =	vld [tilespmem:s10+$0xFFFFFFA0];
	v2 =	vadd.f32 v5, v2;
	v1 =	vmax.f32 v1, $0.0e+00  }
0xee: {  	p1 =	slt.u32 s24, $0x78;
	v5 =	vld [tilespmem:s15+$0xFFFFFFE0];
	[tilespmem:s14+$0x10] =	vst v1  }
0xef: {  	v1 =	vld [tilespmem:s10+$0xFFFFFFE0];
	v6 =	vadd.f32 v6, v7;
	v2 =	vmax.f32 v2, $0.0e+00  }
0xf0: {  	v7 =	vld [tilespmem:s15+$0x20];
	[tilespmem:s14+$0xFFFFFF90] =	vst v2  }
0xf1: {  	s14 =	sadd.s32 $0x140, s14;
	v2 =	vld [tilespmem:s10+$0x20];
	v6 =	vmax.f32 v6, $0.0e+00  }
0xf2: {  	v8 =	vld [tilespmem:s15+$0xFFFFFF60];
	v0 =	vadd.f32 v0, v4;
	[tilespmem:s14+$0x60] =	vst v6  }
0xf3: {  	v4 =	vld [tilespmem:s15+$0x70]  }
0xf4: {  	v0 =	vmax.f32 v0, $0.0e+00;
	v1 =	vadd.f32 v1, v5;
	v5 =	vld [tilespmem:s10+$0x70]  }
0xf5: {  	[tilespmem:s14+$0xFFFFFFA0] =	vst v0;
	v0 =	vld [tilespmem:s3+$0x50];
	s3 =	smov.u32 s15  }
0xf6: {  	v6 =	vld [tilespmem:s15+$0xFFFFFFB0];
	v1 =	vmax.f32 v1, $0.0e+00;
	v2 =	vadd.f32 v2, v7  }
0xf7: {  	v3 =	vadd.f32 v3, v8;
	v7 =	vld [tilespmem:s10+$0xFFFFFFB0];
	[tilespmem:s14+$0xFFFFFFE0] =	vst v1  }
0xf8: {  	v1 =	vld [tilespmem:s15+$0xFFFFFFF0];
	v2 =	vmax.f32 v2, $0.0e+00  }
0xf9: {  	v3 =	vmax.f32 v3, $0.0e+00;
	v8 =	vld [tilespmem:s10+$0xFFFFFFF0];
	[tilespmem:s14+$0x20] =	vst v2;
	v2 =	vadd.f32 v5, v4  }
0xfa: {  	[tilespmem:s14+$0xFFFFFF60] =	vst v3;
	v3 =	vld [tilespmem:s15+$0x30]  }
0xfb: {  	v4 =	vld [tilespmem:s15+$0xFFFFFF70];
	v2 =	vmax.f32 v2, $0.0e+00  }
0xfc: {  	v5 =	vld [tilespmem:s10+$0xFFFFFF70];
	v6 =	vadd.f32 v7, v6;
	[tilespmem:s14+$0x70] =	vst v2  }
0xfd: {  	v2 =	vld [tilespmem:s15+$0x80]  }
0xfe: {  	v6 =	vmax.f32 v6, $0.0e+00;
	v1 =	vadd.f32 v8, v1;
	v7 =	vld [tilespmem:s10+$0x80]  }
0xff: {  	[tilespmem:s14+$0xFFFFFFB0] =	vst v6;
	v6 =	vld [tilespmem:s10+$0x30]  }
0x100: {  	v8 =	vld [tilespmem:s15+$0xFFFFFFC0];
	v1 =	vmax.f32 v1, $0.0e+00  }
0x101: {  	v4 =	vadd.f32 v5, v4;
	v5 =	vld [tilespmem:s10+$0xFFFFFFC0];
	[tilespmem:s14+$0xFFFFFFF0] =	vst v1  }
0x102: {  	v1 =	vld [tilespmem:s15+$0x0]  }
0x103: {  	v4 =	vmax.f32 v4, $0.0e+00;
	v9 =	vld [tilespmem:s10+$0x0];
	v2 =	vadd.f32 v7, v2  }
0x104: {  	[tilespmem:s14+$0xFFFFFF70] =	vst v4;
	v3 =	vadd.f32 v6, v3;
	v4 =	vld [tilespmem:s31+$0x50];
	s31 =	smov.u32 s10  }
0x105: {  	v6 =	vld [tilespmem:s15+$0xFFFFFF80];
	v2 =	vmax.f32 v2, $0.0e+00  }
0x106: {  	v7 =	vld [tilespmem:s10+$0xFFFFFF80];
	v5 =	vadd.f32 v5, v8;
	v3 =	vmax.f32 v3, $0.0e+00;
	[tilespmem:s14+$0x80] =	vst v2  }
0x107: {  	[tilespmem:s14+$0x30] =	vst v3;
	v2 =	vld [tilespmem:s15+$0x90]  }
0x108: {  	v3 =	vmax.f32 v5, $0.0e+00;
	v1 =	vadd.f32 v9, v1;
	v5 =	vld [tilespmem:s10+$0x90]  }
0x109: {  	[tilespmem:s14+$0xFFFFFFC0] =	vst v3;
	v8 =	vld [tilespmem:s15+$0x40];
	v3 =	vadd.f32 v4, v0  }
0x10a: {  	v1 =	vmax.f32 v1, $0.0e+00;
	v9 =	vld [tilespmem:s10+$0x40]  }
0x10b: {  	v4 =	vadd.f32 v7, v6;
	v0 =	vld [tilespmem:s15+$0xFFFFFFD0];
	[tilespmem:s14+$0x0] =	vst v1;
	v1 =	vmax.f32 v3, $0.0e+00  }
.Ltmp3:
0x10c: {  	v3 =	vld [tilespmem:s10+$0xFFFFFFD0];
	[tilespmem:s12+$0x50] =	vst v1;
	s12 =	smov.u32 s14;
	(pc) =	sbr.rel @p1 .LBB2_5-.Ltmp3, $4  }
0x10d: {  	v4 =	vmax.f32 v4, $0.0e+00;
	v1 =	vld [tilespmem:s15+$0x10];
	v5 =	vadd.f32 v5, v2  }
0x10e: {  	[tilespmem:s14+$0xFFFFFF80] =	vst v4;
	v4 =	vld [tilespmem:s10+$0x10]  }
0x10f: {  	v2 =	vld [tilespmem:s15+$0xFFFFFF90];
	v6 =	vadd.f32 v9, v8;
	v7 =	vmax.f32 v5, $0.0e+00  }
0x110: {  	s15 =	sadd.s32 $0x140, s15;
	v5 =	vld [tilespmem:s10+$0xFFFFFF90];
	[tilespmem:s14+$0x90] =	vst v7  }
0x111: {  	v6 =	vmax.f32 v6, $0.0e+00  }
0x112: {  	[tilespmem:s14+$0x40] =	vst v6  }
0x113: {  	v6 =	vld [tilespmem:s3+$0x50]  }
0x114: {  	v7 =	vld [tilespmem:s31+$0x50];
	_ =	sdelay $0x1  }
0x115: {  	v0 =	vadd.f32 v3, v0  }
0x116: {  	v1 =	vadd.f32 v4, v1  }
0x117: {  	v0 =	vmax.f32 v0, $0.0e+00;
	v2 =	vadd.f32 v5, v2  }
.Ltmp4:
0x118: {  	[tilespmem:s14+$0xFFFFFFD0] =	vst v0;
	v60 =	vmax.f32 v1, $0.0e+00;
	v61 =	vadd.f32 v7, v6;
	(pc) =	sbr.rel @p2 .LBB2_8-.Ltmp4, $4  }
0x119: {  	[tilespmem:s14+$0x10] =	vst v60;
	v62 =	vmax.f32 v2, $0.0e+00  }
0x11a: {  	[tilespmem:s14+$0xFFFFFF90] =	vst v62;
	v63 =	vmax.f32 v61, $0.0e+00  }
0x11b: {  	s31 =	sadd.s32 $0x2880, s16;
	[tilespmem:s12+$0x50] =	vst v63  }
0x11c: {  	[spmem:s1] =	stream.indirect.scatter.add.f32 [tilespmem:s29], [sflag:$0x6], $0x40, s31, s30, $0xb8;
	[tilespmem:$0x1A7C0] =	vst v63  }
0x11d: {  	s3 =	sadd.s32 $0x3, s23  }
0x11e: {  	s10 =	smul.u32 $0x7D, s3;
	_ =	sdelay $0x1  }
0x11f: {  	s10 =	sadd.s32 s13, s10  }
0x120: {  	s10 =	sshll.u32 s10, $0x4  }
.Ltmp5:
0x121: {  	s10 =	sand.u32 $0x1FFFFFF0, s10;
	(pc) =	sbr.rel .LBB2_2-.Ltmp5, $4  }
0x122: {  	s3 =	sshll.u32 s3, $0x7;
	s10 =	sadd.s32 s6, s10  }
0x123: {  	[tilespmem:s0], [sflag:$0x2] =	stream.strided.gather [hbm4b:s10+s26], $0x1F40, s28, s26, $0x38;
	[tilespmem:$0x1A7C0] =	vst v63  }
0x124: {  	s22 =	sadd.s32 $0x1, s22;
	s3 =	sand.u32 $0x3FFFFF80, s3  }
0x125: {  	[tilespmem:s25], [sflag:$0x4] =	stream.indirect.gather [hbm4b:s4+s30], $0x40, s3, s30, $0xb8;
	[tilespmem:$0x1A7C0] =	vst v63  }
.LBB2_8:
0x126: {  	s3 =	simm.s32 $0x5  }
0x127: {  	_ =	swait.ge [sflag:s3], $0x1F40  }
0x128: {  	[sflag:s3] =	ssyncset.done $0x0  }
0x129: {  	s16 =	simm.s32 $0x6;
	[sflag:s3] =	ssyncadd.s32 $0xFFFFE0C0  }
0x12a: {  	_ =	swait.ge [sflag:s16], $0x1F40  }
0x12b: {  	[sflag:s16] =	ssyncset.done $0x0  }
0x12c: {  	[sflag:s16] =	ssyncadd.s32 $0xFFFFE0C0  }
0x12d: {  	[bflag:$0x0] =	sbarrier.arrive $0xFFFF  }
0x12e: {  	s3 =	simm.s32 @p0 $0x1FC7;
	s10 =	rddreg [dreg:$0xc]  }
0x12f: {  	[hbm:s10], [sflag:s3] =	dma.local @p0 [spmem:s19], $0x1040  }
0x130: {  	s10 =	simm.s32 @p0 $0x7  }
0x131: {  	_ =	swait.ge @p0 [sflag:s10], $0x1040  }
0x132: {  	[sflag:s10] =	ssyncset.done @p0 $0x0  }
0x133: {  	s12 =	rddreg [dreg:$0x8];
	[sflag:s10] =	ssyncadd.s32 @p0 $0xFFFFEFC0  }
0x134: {  	[spmem:s19], [sflag:s3] =	dma.local @p0 [hbm:s12], $0x1040  }
0x135: {  	_ =	swait.ge @p0 [sflag:s10], $0x1040  }
0x136: {  	[sflag:s10] =	ssyncset.done @p0 $0x0  }
0x137: {  	s3 =	rddreg [dreg:$0xb];
	[sflag:s10] =	ssyncadd.s32 @p0 $0xFFFFEFC0  }
0x138: {  	[hbm:s3], [sflag:s20] =	dma.local @!p0 [spmem:s21], $0x13C0  }
0x139: {  	s3 =	simm.s32 @!p0 $0x7  }
0x13a: {  	_ =	swait.ge @!p0 [sflag:s3], $0x13C0  }
0x13b: {  	[sflag:s3] =	ssyncset.done @!p0 $0x0  }
0x13c: {  	s10 =	rddreg [dreg:$0x6];
	[sflag:s3] =	ssyncadd.s32 @!p0 $0xFFFFEC40  }
0x13d: {  	[spmem:s21], [sflag:s20] =	dma.local @!p0 [hbm:s10], $0x13C0  }
0x13e: {  	_ =	swait.ge @!p0 [sflag:s3], $0x13C0  }
0x13f: {  	[sflag:s3] =	ssyncset.done @!p0 $0x0  }
0x140: {  	[sflag:s3] =	ssyncadd.s32 @!p0 $0xFFFFEC40  }
0x141: {  	[bflag:$0x0] =	sbarrier.arrive $0xFFFF  }
0x142: {  	s23 =	simm.s32 $0x5000;
	s22 =	rddreg [dreg:$0xd]  }
0x143: {  	[tilespmem:s23], [sflag:$0x1] =	stream.strided.gather [hbm4b:s22+s26], $0x1F40, s28, s26, $0x38;
	[tilespmem:$0x1A7C0] =	vst v63  }
0x144: {  	s24 =	simm.s32 $0x8E80;
	s22 =	simm.s32 $0x0  }
0x145: {  	[tilespmem:s24], [sflag:$0x3] =	stream.indirect.gather [hbm4b:s5+s30], $0x40, s22, s30, $0xb8;
	[tilespmem:$0x1A7C0] =	vst v63  }
0x146: {  	s31 =	rddreg [dreg:$0xe]  }
0x147: {  	[tilespmem:s0], [sflag:$0x2] =	stream.strided.gather [hbm4b:s31+s26], $0x1F40, s28, s26, $0x38;
	[tilespmem:$0x1A7C0] =	vst v63  }
0x148: {  	_ = 	snop  }
0x149: {  	[tilespmem:s25], [sflag:$0x4] =	stream.indirect.gather [hbm4b:s5+s30], $0x40, s28, s30, $0xb8;
	[tilespmem:$0x1A7C0] =	vst v63  }
.LBB2_9:
0x14a: {  	_ =	swait.ge [sflag:s2], $0x1F40  }
0x14b: {  	[sflag:s2] =	ssyncset.done $0x0  }
0x14c: {  	[sflag:s2] =	ssyncadd.s32 $0xFFFFE0C0  }
0x14d: {  	_ =	swait.ge [sflag:s7], $0x1F40  }
0x14e: {  	p1 =	seq.s32 s22, $0x0;
	[sflag:s7] =	ssyncset.done $0x0  }
0x14f: {  	s3 =	simm.s32 @!p1 $0x5;
	[sflag:s7] =	ssyncadd.s32 $0xFFFFE0C0  }
0x150: {  	_ =	swait.ge @!p1 [sflag:s3], $0x1F40  }
0x151: {  	[sflag:s3] =	ssyncset.done @!p1 $0x0  }
0x152: {  	s14 =	simm.s32 $0x8F20;
	[sflag:s3] =	ssyncadd.s32 @!p1 $0xFFFFE0C0  }
0x153: {  	s3 =	simm.s32 $0x50A0;
	v0 =	vld [tilespmem:s14+$0x60]  }
0x154: {  	v1 =	vld [tilespmem:s3+$0x60];
	_ =	sdelay $0x2  }
0x155: {  	v2 =	vld [tilespmem:s14+$0xFFFFFFA0]  }
0x156: {  	v3 =	vld [tilespmem:s3+$0xFFFFFFA0]  }
0x157: {  	v4 =	vld [tilespmem:s14+$0xFFFFFFE0];
	v0 =	vadd.f32 v1, v0  }
0x158: {  	v1 =	vld [tilespmem:s3+$0xFFFFFFE0]  }
0x159: {  	s16 =	simm.s32 $0xCDA0;
	v5 =	vld [tilespmem:s3+$0xFFFFFF60];
	v0 =	vmax.f32 v0, $0.0e+00  }
0x15a: {  	v6 =	vld [tilespmem:s14+$0xFFFFFF60];
	[tilespmem:s16+$0x60] =	vst v0  }
0x15b: {  	v0 =	vadd.f32 v3, v2;
	v2 =	vld [tilespmem:s14+$0x70]  }
0x15c: {  	v3 =	vld [tilespmem:s3+$0x70]  }
0x15d: {  	v7 =	vld [tilespmem:s14+$0x20];
	v0 =	vmax.f32 v0, $0.0e+00;
	v1 =	vadd.f32 v1, v4  }
0x15e: {  	v4 =	vld [tilespmem:s3+$0x20];
	[tilespmem:s16+$0xFFFFFFA0] =	vst v0  }
0x15f: {  	v5 =	vadd.f32 v5, v6;
	v0 =	vld [tilespmem:s14+$0xFFFFFFB0];
	v1 =	vmax.f32 v1, $0.0e+00  }
0x160: {  	v6 =	vld [tilespmem:s3+$0xFFFFFFB0];
	[tilespmem:s16+$0xFFFFFFE0] =	vst v1  }
0x161: {  	v5 =	vmax.f32 v5, $0.0e+00;
	v1 =	vld [tilespmem:s14+$0xFFFFFFF0];
	v2 =	vadd.f32 v3, v2  }
0x162: {  	[tilespmem:s16+$0xFFFFFF60] =	vst v5;
	v3 =	vld [tilespmem:s3+$0xFFFFFFF0]  }
0x163: {  	v5 =	vld [tilespmem:s14+$0xFFFFFF70];
	v4 =	vadd.f32 v4, v7;
	v2 =	vmax.f32 v2, $0.0e+00  }
0x164: {  	v7 =	vld [tilespmem:s3+$0xFFFFFF70];
	[tilespmem:s16+$0x70] =	vst v2  }
0x165: {  	v2 =	vmax.f32 v4, $0.0e+00;
	v0 =	vadd.f32 v6, v0;
	v4 =	vld [tilespmem:s14+$0x80]  }
0x166: {  	[tilespmem:s16+$0x20] =	vst v2;
	v2 =	vld [tilespmem:s3+$0x80]  }
0x167: {  	v6 =	vld [tilespmem:s14+$0x30];
	v0 =	vmax.f32 v0, $0.0e+00;
	v1 =	vadd.f32 v3, v1  }
0x168: {  	[tilespmem:s16+$0xFFFFFFB0] =	vst v0;
	v0 =	vld [tilespmem:s3+$0x30]  }
0x169: {  	v5 =	vadd.f32 v7, v5;
	v3 =	vld [tilespmem:s14+$0xFFFFFFC0];
	v1 =	vmax.f32 v1, $0.0e+00  }
0x16a: {  	v7 =	vld [tilespmem:s3+$0xFFFFFFC0];
	[tilespmem:s16+$0xFFFFFFF0] =	vst v1  }
0x16b: {  	v5 =	vmax.f32 v5, $0.0e+00;
	v1 =	vld [tilespmem:s14+$0x0];
	v2 =	vadd.f32 v2, v4  }
0x16c: {  	v4 =	vld [tilespmem:s3+$0x0];
	[tilespmem:s16+$0xFFFFFF70] =	vst v5  }
0x16d: {  	v5 =	vld [tilespmem:s14+$0xFFFFFF80];
	v0 =	vadd.f32 v0, v6;
	v2 =	vmax.f32 v2, $0.0e+00  }
0x16e: {  	v6 =	vld [tilespmem:s3+$0xFFFFFF80];
	[tilespmem:s16+$0x80] =	vst v2  }
0x16f: {  	v2 =	vadd.f32 v7, v3;
	v0 =	vmax.f32 v0, $0.0e+00;
	v3 =	vld [tilespmem:s14+$0x90]  }
0x170: {  	v7 =	vld [tilespmem:s3+$0x90];
	[tilespmem:s16+$0x30] =	vst v0  }
0x171: {  	v0 =	vmax.f32 v2, $0.0e+00;
	v1 =	vadd.f32 v4, v1;
	v8 =	vld [tilespmem:s14+$0x40]  }
0x172: {  	[tilespmem:s16+$0xFFFFFFC0] =	vst v0;
	v9 =	vld [tilespmem:s3+$0x40]  }
0x173: {  	v1 =	vmax.f32 v1, $0.0e+00;
	v4 =	vadd.f32 v6, v5;
	v0 =	vld [tilespmem:s14+$0xFFFFFFD0]  }
0x174: {  	v2 =	vld [tilespmem:s3+$0xFFFFFFD0];
	[tilespmem:s16+$0x0] =	vst v1  }
0x175: {  	v4 =	vmax.f32 v4, $0.0e+00;
	v1 =	vld [tilespmem:s14+$0x10];
	v5 =	vadd.f32 v7, v3  }
0x176: {  	[tilespmem:s16+$0xFFFFFF80] =	vst v4;
	v4 =	vld [tilespmem:s3+$0x10]  }
0x177: {  	s23 =	sshll.u32 s22, $0x1;
	s12 =	simm.s32 $0x0;
	v3 =	vld [tilespmem:s14+$0xFFFFFF90];
	v7 =	vmax.f32 v5, $0.0e+00;
	v6 =	vadd.f32 v9, v8  }
0x178: {  	s15 =	simm.s32 $0x9060;
	s24 =	simm.s32 $0x50A0;
	s10 =	simm.s32 $0xCDA0;
	v5 =	vld [tilespmem:s3+$0xFFFFFF90];
	[tilespmem:s16+$0x90] =	vst v7  }
.LBB2_10:
0x179: {  	v7 =	vld [tilespmem:s15+$0x60];
	v0 =	vadd.f32 v2, v0;
	v2 =	vmax.f32 v6, $0.0e+00;
	s3 =	sadd.s32 $0x140, s3  }
0x17a: {  	v6 =	vld [tilespmem:s3+$0x60];
	[tilespmem:s16+$0x40] =	vst v2  }
0x17b: {  	v2 =	vld [tilespmem:s3+$0xFFFFFF60];
	v0 =	vmax.f32 v0, $0.0e+00;
	v1 =	vadd.f32 v4, v1  }
0x17c: {  	v4 =	vld [tilespmem:s15+$0xFFFFFFA0];
	[tilespmem:s16+$0xFFFFFFD0] =	vst v0  }
0x17d: {  	s12 =	sadd.s32 $0x5, s12;
	v0 =	vld [tilespmem:s3+$0xFFFFFFA0];
	v3 =	vadd.f32 v5, v3;
	v1 =	vmax.f32 v1, $0.0e+00  }
0x17e: {  	p2 =	slt.u32 s12, $0x78;
	v5 =	vld [tilespmem:s15+$0xFFFFFFE0];
	[tilespmem:s16+$0x10] =	vst v1  }
0x17f: {  	v1 =	vld [tilespmem:s3+$0xFFFFFFE0];
	v6 =	vadd.f32 v6, v7;
	v3 =	vmax.f32 v3, $0.0e+00  }
0x180: {  	v7 =	vld [tilespmem:s15+$0x20];
	[tilespmem:s16+$0xFFFFFF90] =	vst v3  }
0x181: {  	s16 =	sadd.s32 $0x140, s16;
	v3 =	vld [tilespmem:s3+$0x20];
	v6 =	vmax.f32 v6, $0.0e+00  }
0x182: {  	v8 =	vld [tilespmem:s15+$0xFFFFFF60];
	v0 =	vadd.f32 v0, v4;
	[tilespmem:s16+$0x60] =	vst v6  }
0x183: {  	v4 =	vld [tilespmem:s15+$0x70]  }
0x184: {  	v0 =	vmax.f32 v0, $0.0e+00;
	v1 =	vadd.f32 v1, v5;
	v5 =	vld [tilespmem:s3+$0x70]  }
0x185: {  	[tilespmem:s16+$0xFFFFFFA0] =	vst v0;
	v0 =	vld [tilespmem:s14+$0x50];
	s14 =	smov.u32 s15  }
0x186: {  	v6 =	vld [tilespmem:s15+$0xFFFFFFB0];
	v1 =	vmax.f32 v1, $0.0e+00;
	v3 =	vadd.f32 v3, v7  }
0x187: {  	v2 =	vadd.f32 v2, v8;
	v7 =	vld [tilespmem:s3+$0xFFFFFFB0];
	[tilespmem:s16+$0xFFFFFFE0] =	vst v1  }
0x188: {  	v1 =	vld [tilespmem:s15+$0xFFFFFFF0];
	v3 =	vmax.f32 v3, $0.0e+00  }
0x189: {  	v2 =	vmax.f32 v2, $0.0e+00;
	v8 =	vld [tilespmem:s3+$0xFFFFFFF0];
	[tilespmem:s16+$0x20] =	vst v3;
	v3 =	vadd.f32 v5, v4  }
0x18a: {  	[tilespmem:s16+$0xFFFFFF60] =	vst v2;
	v2 =	vld [tilespmem:s15+$0x30]  }
0x18b: {  	v4 =	vld [tilespmem:s15+$0xFFFFFF70];
	v3 =	vmax.f32 v3, $0.0e+00  }
0x18c: {  	v5 =	vld [tilespmem:s3+$0xFFFFFF70];
	v6 =	vadd.f32 v7, v6;
	[tilespmem:s16+$0x70] =	vst v3  }
0x18d: {  	v3 =	vld [tilespmem:s15+$0x80]  }
0x18e: {  	v6 =	vmax.f32 v6, $0.0e+00;
	v1 =	vadd.f32 v8, v1;
	v7 =	vld [tilespmem:s3+$0x80]  }
0x18f: {  	[tilespmem:s16+$0xFFFFFFB0] =	vst v6;
	v6 =	vld [tilespmem:s3+$0x30]  }
0x190: {  	v8 =	vld [tilespmem:s15+$0xFFFFFFC0];
	v1 =	vmax.f32 v1, $0.0e+00  }
0x191: {  	v4 =	vadd.f32 v5, v4;
	v5 =	vld [tilespmem:s3+$0xFFFFFFC0];
	[tilespmem:s16+$0xFFFFFFF0] =	vst v1  }
0x192: {  	v1 =	vld [tilespmem:s15+$0x0]  }
0x193: {  	v4 =	vmax.f32 v4, $0.0e+00;
	v9 =	vld [tilespmem:s3+$0x0];
	v3 =	vadd.f32 v7, v3  }
0x194: {  	[tilespmem:s16+$0xFFFFFF70] =	vst v4;
	v2 =	vadd.f32 v6, v2;
	v4 =	vld [tilespmem:s24+$0x50];
	s24 =	smov.u32 s3  }
0x195: {  	v6 =	vld [tilespmem:s15+$0xFFFFFF80];
	v3 =	vmax.f32 v3, $0.0e+00  }
0x196: {  	v7 =	vld [tilespmem:s3+$0xFFFFFF80];
	v5 =	vadd.f32 v5, v8;
	v2 =	vmax.f32 v2, $0.0e+00;
	[tilespmem:s16+$0x80] =	vst v3  }
0x197: {  	[tilespmem:s16+$0x30] =	vst v2;
	v3 =	vld [tilespmem:s15+$0x90]  }
0x198: {  	v2 =	vmax.f32 v5, $0.0e+00;
	v1 =	vadd.f32 v9, v1;
	v5 =	vld [tilespmem:s3+$0x90]  }
0x199: {  	[tilespmem:s16+$0xFFFFFFC0] =	vst v2;
	v8 =	vld [tilespmem:s15+$0x40];
	v2 =	vadd.f32 v4, v0  }
0x19a: {  	v1 =	vmax.f32 v1, $0.0e+00;
	v9 =	vld [tilespmem:s3+$0x40]  }
0x19b: {  	v4 =	vadd.f32 v7, v6;
	v0 =	vld [tilespmem:s15+$0xFFFFFFD0];
	[tilespmem:s16+$0x0] =	vst v1;
	v1 =	vmax.f32 v2, $0.0e+00  }
.Ltmp6:
0x19c: {  	v2 =	vld [tilespmem:s3+$0xFFFFFFD0];
	[tilespmem:s10+$0x50] =	vst v1;
	s10 =	smov.u32 s16;
	(pc) =	sbr.rel @p2 .LBB2_10-.Ltmp6, $4  }
0x19d: {  	v4 =	vmax.f32 v4, $0.0e+00;
	v1 =	vld [tilespmem:s15+$0x10];
	v5 =	vadd.f32 v5, v3  }
0x19e: {  	[tilespmem:s16+$0xFFFFFF80] =	vst v4;
	v4 =	vld [tilespmem:s3+$0x10]  }
0x19f: {  	v3 =	vld [tilespmem:s15+$0xFFFFFF90];
	v6 =	vadd.f32 v9, v8;
	v7 =	vmax.f32 v5, $0.0e+00  }
0x1a0: {  	s15 =	sadd.s32 $0x140, s15;
	v5 =	vld [tilespmem:s3+$0xFFFFFF90];
	[tilespmem:s16+$0x90] =	vst v7  }
0x1a1: {  	v6 =	vmax.f32 v6, $0.0e+00  }
0x1a2: {  	[tilespmem:s16+$0x40] =	vst v6  }
0x1a3: {  	v6 =	vld [tilespmem:s14+$0x50]  }
0x1a4: {  	v0 =	vadd.f32 v2, v0;
	v7 =	vld [tilespmem:s24+$0x50]  }
0x1a5: {  	v1 =	vadd.f32 v4, v1  }
0x1a6: {  	v0 =	vmax.f32 v0, $0.0e+00;
	v2 =	vadd.f32 v5, v3  }
0x1a7: {  	[tilespmem:s16+$0xFFFFFFD0] =	vst v0;
	v0 =	vmax.f32 v1, $0.0e+00  }
0x1a8: {  	s3 =	sshll.u32 s22, $0x8;
	p2 =	seq.s32 s22, $0x27;
	[tilespmem:s16+$0x10] =	vst v0;
	v0 =	vmax.f32 v2, $0.0e+00  }
0x1a9: {  	v1 =	vadd.f32 v7, v6;
	[tilespmem:s16+$0xFFFFFF90] =	vst v0;
	s16 =	sand.u32 $0x3FFFFF00, s3;
	s3 =	sadd.s32 @!p2 $0x2, s23  }
0x1aa: {  	s12 =	smul.u32 @!p2 $0x7D, s3  }
0x1ab: {  	v0 =	vmax.f32 v1, $0.0e+00  }
0x1ac: {  	s24 =	sadd.s32 $0x2800, s16;
	[tilespmem:s10+$0x50] =	vst v0;
	s10 =	sadd.s32 @!p2 s13, s12  }
0x1ad: {  	[spmem:s1] =	stream.indirect.scatter.add.f32 [tilespmem:s8], [sflag:$0x5], $0x40, s24, s30, $0xb8;
	[tilespmem:$0x1A7C0] =	vst v63  }
0x1ae: {  	s10 =	sshll.u32 @!p2 s10, $0x4  }
0x1af: {  	s15 =	simm.s32 @!p2 $0x5000;
	s14 =	simm.s32 @!p2 $0x80;
	s10 =	sand.u32 @!p2 $0x1FFFFFE0, s10  }
0x1b0: {  	s3 =	sshll.u32 @!p2 s3, $0x7;
	s12 =	simm.s32 @!p2 $0x40;
	s10 =	sadd.s32 @!p2 s10, s18  }
0x1b1: {  	[tilespmem:s15], [sflag:$0x1] =	stream.strided.gather @!p2 [hbm4b:s10+s12], $0x1F40, s14, s12, $0x38;
	[tilespmem:$0x1A7C0] =	vst v63  }
0x1b2: {  	s3 =	sand.u32 @!p2 $0x3FFFFF80, s3;
	s10 =	simm.s32 @!p2 $0x7D;
	s12 =	simm.s32 @!p2 $0x8E80  }
0x1b3: {  	[tilespmem:s12], [sflag:$0x3] =	stream.indirect.gather @!p2 [hbm4b:s5+s10], $0x40, s3, s10, $0xb8;
	[tilespmem:$0x1A7C0] =	vst v63  }
0x1b4: {  	_ =	swait.ge [sflag:s9], $0x1F40  }
0x1b5: {  	[sflag:s9] =	ssyncset.done $0x0  }
0x1b6: {  	[sflag:s9] =	ssyncadd.s32 $0xFFFFE0C0  }
0x1b7: {  	_ =	swait.ge [sflag:s11], $0x1F40  }
0x1b8: {  	[sflag:s11] =	ssyncset.done $0x0  }
0x1b9: {  	s3 =	simm.s32 @!p1 $0x6;
	[sflag:s11] =	ssyncadd.s32 $0xFFFFE0C0  }
0x1ba: {  	_ =	swait.ge @!p1 [sflag:s3], $0x1F40  }
0x1bb: {  	[sflag:s3] =	ssyncset.done @!p1 $0x0  }
0x1bc: {  	[sflag:s3] =	ssyncadd.s32 @!p1 $0xFFFFE0C0;
	s3 =	simm.s32 $0xAE60  }
0x1bd: {  	s10 =	simm.s32 $0x6FE0;
	v0 =	vld [tilespmem:s3+$0x60]  }
0x1be: {  	v1 =	vld [tilespmem:s10+$0x60];
	_ =	sdelay $0x2  }
0x1bf: {  	v2 =	vld [tilespmem:s3+$0xFFFFFFA0]  }
0x1c0: {  	v3 =	vld [tilespmem:s10+$0xFFFFFFA0]  }
0x1c1: {  	v4 =	vld [tilespmem:s3+$0xFFFFFFE0];
	v0 =	vadd.f32 v1, v0  }
0x1c2: {  	v1 =	vld [tilespmem:s10+$0xFFFFFFE0]  }
0x1c3: {  	s14 =	simm.s32 $0xECE0;
	v5 =	vld [tilespmem:s10+$0xFFFFFF60];
	v0 =	vmax.f32 v0, $0.0e+00  }
0x1c4: {  	v6 =	vld [tilespmem:s3+$0xFFFFFF60];
	[tilespmem:s14+$0x60] =	vst v0  }
0x1c5: {  	v0 =	vadd.f32 v3, v2;
	v2 =	vld [tilespmem:s3+$0x70]  }
0x1c6: {  	v3 =	vld [tilespmem:s10+$0x70]  }
0x1c7: {  	v7 =	vld [tilespmem:s3+$0x20];
	v0 =	vmax.f32 v0, $0.0e+00;
	v1 =	vadd.f32 v1, v4  }
0x1c8: {  	v4 =	vld [tilespmem:s10+$0x20];
	[tilespmem:s14+$0xFFFFFFA0] =	vst v0  }
0x1c9: {  	v5 =	vadd.f32 v5, v6;
	v0 =	vld [tilespmem:s3+$0xFFFFFFB0];
	v1 =	vmax.f32 v1, $0.0e+00  }
0x1ca: {  	v6 =	vld [tilespmem:s10+$0xFFFFFFB0];
	[tilespmem:s14+$0xFFFFFFE0] =	vst v1  }
0x1cb: {  	v5 =	vmax.f32 v5, $0.0e+00;
	v1 =	vld [tilespmem:s3+$0xFFFFFFF0];
	v2 =	vadd.f32 v3, v2  }
0x1cc: {  	[tilespmem:s14+$0xFFFFFF60] =	vst v5;
	v3 =	vld [tilespmem:s10+$0xFFFFFFF0]  }
0x1cd: {  	v5 =	vld [tilespmem:s3+$0xFFFFFF70];
	v4 =	vadd.f32 v4, v7;
	v2 =	vmax.f32 v2, $0.0e+00  }
0x1ce: {  	v7 =	vld [tilespmem:s10+$0xFFFFFF70];
	[tilespmem:s14+$0x70] =	vst v2  }
0x1cf: {  	v2 =	vmax.f32 v4, $0.0e+00;
	v0 =	vadd.f32 v6, v0;
	v4 =	vld [tilespmem:s3+$0x80]  }
0x1d0: {  	[tilespmem:s14+$0x20] =	vst v2;
	v2 =	vld [tilespmem:s10+$0x80]  }
0x1d1: {  	v6 =	vld [tilespmem:s3+$0x30];
	v0 =	vmax.f32 v0, $0.0e+00;
	v1 =	vadd.f32 v3, v1  }
0x1d2: {  	[tilespmem:s14+$0xFFFFFFB0] =	vst v0;
	v0 =	vld [tilespmem:s10+$0x30]  }
0x1d3: {  	v5 =	vadd.f32 v7, v5;
	v3 =	vld [tilespmem:s3+$0xFFFFFFC0];
	v1 =	vmax.f32 v1, $0.0e+00  }
0x1d4: {  	v7 =	vld [tilespmem:s10+$0xFFFFFFC0];
	[tilespmem:s14+$0xFFFFFFF0] =	vst v1  }
0x1d5: {  	v5 =	vmax.f32 v5, $0.0e+00;
	v1 =	vld [tilespmem:s3+$0x0];
	v2 =	vadd.f32 v2, v4  }
0x1d6: {  	v4 =	vld [tilespmem:s10+$0x0];
	[tilespmem:s14+$0xFFFFFF70] =	vst v5  }
0x1d7: {  	v5 =	vld [tilespmem:s3+$0xFFFFFF80];
	v0 =	vadd.f32 v0, v6;
	v2 =	vmax.f32 v2, $0.0e+00  }
0x1d8: {  	v6 =	vld [tilespmem:s10+$0xFFFFFF80];
	[tilespmem:s14+$0x80] =	vst v2  }
0x1d9: {  	v2 =	vadd.f32 v7, v3;
	v0 =	vmax.f32 v0, $0.0e+00;
	v7 =	vld [tilespmem:s3+$0x90]  }
0x1da: {  	v8 =	vld [tilespmem:s10+$0x90];
	[tilespmem:s14+$0x30] =	vst v0  }
0x1db: {  	v0 =	vmax.f32 v2, $0.0e+00;
	v1 =	vadd.f32 v4, v1;
	v9 =	vld [tilespmem:s3+$0x40]  }
0x1dc: {  	[tilespmem:s14+$0xFFFFFFC0] =	vst v0;
	v10 =	vld [tilespmem:s10+$0x40]  }
0x1dd: {  	v1 =	vmax.f32 v1, $0.0e+00;
	v2 =	vadd.f32 v6, v5;
	v0 =	vld [tilespmem:s3+$0xFFFFFFD0]  }
0x1de: {  	v3 =	vld [tilespmem:s10+$0xFFFFFFD0];
	[tilespmem:s14+$0x0] =	vst v1  }
0x1df: {  	v2 =	vmax.f32 v2, $0.0e+00;
	v1 =	vld [tilespmem:s3+$0x10];
	v5 =	vadd.f32 v8, v7  }
0x1e0: {  	v4 =	vld [tilespmem:s10+$0x10];
	[tilespmem:s14+$0xFFFFFF80] =	vst v2  }
0x1e1: {  	s31 =	simm.s32 $0x6FE0;
	v2 =	vld [tilespmem:s3+$0xFFFFFF90];
	v7 =	vmax.f32 v5, $0.0e+00;
	v6 =	vadd.f32 v10, v9  }
0x1e2: {  	s24 =	simm.s32 $0x0;
	s15 =	simm.s32 $0xAFA0;
	s12 =	simm.s32 $0xECE0;
	v5 =	vld [tilespmem:s10+$0xFFFFFF90];
	[tilespmem:s14+$0x90] =	vst v7  }
.LBB2_12:
0x1e3: {  	v7 =	vld [tilespmem:s15+$0x60];
	v0 =	vadd.f32 v3, v0;
	v3 =	vmax.f32 v6, $0.0e+00;
	s10 =	sadd.s32 $0x140, s10  }
0x1e4: {  	v6 =	vld [tilespmem:s10+$0x60];
	[tilespmem:s14+$0x40] =	vst v3  }
0x1e5: {  	v3 =	vld [tilespmem:s10+$0xFFFFFF60];
	v0 =	vmax.f32 v0, $0.0e+00;
	v1 =	vadd.f32 v4, v1  }
0x1e6: {  	v4 =	vld [tilespmem:s15+$0xFFFFFFA0];
	[tilespmem:s14+$0xFFFFFFD0] =	vst v0  }
0x1e7: {  	s24 =	sadd.s32 $0x5, s24;
	v0 =	vld [tilespmem:s10+$0xFFFFFFA0];
	v2 =	vadd.f32 v5, v2;
	v1 =	vmax.f32 v1, $0.0e+00  }
0x1e8: {  	p1 =	slt.u32 s24, $0x78;
	v5 =	vld [tilespmem:s15+$0xFFFFFFE0];
	[tilespmem:s14+$0x10] =	vst v1  }
0x1e9: {  	v1 =	vld [tilespmem:s10+$0xFFFFFFE0];
	v6 =	vadd.f32 v6, v7;
	v2 =	vmax.f32 v2, $0.0e+00  }
0x1ea: {  	v7 =	vld [tilespmem:s15+$0x20];
	[tilespmem:s14+$0xFFFFFF90] =	vst v2  }
0x1eb: {  	s14 =	sadd.s32 $0x140, s14;
	v2 =	vld [tilespmem:s10+$0x20];
	v6 =	vmax.f32 v6, $0.0e+00  }
0x1ec: {  	v8 =	vld [tilespmem:s15+$0xFFFFFF60];
	v0 =	vadd.f32 v0, v4;
	[tilespmem:s14+$0x60] =	vst v6  }
0x1ed: {  	v4 =	vld [tilespmem:s15+$0x70]  }
0x1ee: {  	v0 =	vmax.f32 v0, $0.0e+00;
	v1 =	vadd.f32 v1, v5;
	v5 =	vld [tilespmem:s10+$0x70]  }
0x1ef: {  	[tilespmem:s14+$0xFFFFFFA0] =	vst v0;
	v0 =	vld [tilespmem:s3+$0x50];
	s3 =	smov.u32 s15  }
0x1f0: {  	v6 =	vld [tilespmem:s15+$0xFFFFFFB0];
	v1 =	vmax.f32 v1, $0.0e+00;
	v2 =	vadd.f32 v2, v7  }
0x1f1: {  	v3 =	vadd.f32 v3, v8;
	v7 =	vld [tilespmem:s10+$0xFFFFFFB0];
	[tilespmem:s14+$0xFFFFFFE0] =	vst v1  }
0x1f2: {  	v1 =	vld [tilespmem:s15+$0xFFFFFFF0];
	v2 =	vmax.f32 v2, $0.0e+00  }
0x1f3: {  	v3 =	vmax.f32 v3, $0.0e+00;
	v8 =	vld [tilespmem:s10+$0xFFFFFFF0];
	[tilespmem:s14+$0x20] =	vst v2;
	v2 =	vadd.f32 v5, v4  }
0x1f4: {  	[tilespmem:s14+$0xFFFFFF60] =	vst v3;
	v3 =	vld [tilespmem:s15+$0x30]  }
0x1f5: {  	v4 =	vld [tilespmem:s15+$0xFFFFFF70];
	v2 =	vmax.f32 v2, $0.0e+00  }
0x1f6: {  	v5 =	vld [tilespmem:s10+$0xFFFFFF70];
	v6 =	vadd.f32 v7, v6;
	[tilespmem:s14+$0x70] =	vst v2  }
0x1f7: {  	v2 =	vld [tilespmem:s15+$0x80]  }
0x1f8: {  	v6 =	vmax.f32 v6, $0.0e+00;
	v1 =	vadd.f32 v8, v1;
	v7 =	vld [tilespmem:s10+$0x80]  }
0x1f9: {  	[tilespmem:s14+$0xFFFFFFB0] =	vst v6;
	v6 =	vld [tilespmem:s10+$0x30]  }
0x1fa: {  	v8 =	vld [tilespmem:s15+$0xFFFFFFC0];
	v1 =	vmax.f32 v1, $0.0e+00  }
0x1fb: {  	v4 =	vadd.f32 v5, v4;
	v5 =	vld [tilespmem:s10+$0xFFFFFFC0];
	[tilespmem:s14+$0xFFFFFFF0] =	vst v1  }
0x1fc: {  	v1 =	vld [tilespmem:s15+$0x0]  }
0x1fd: {  	v4 =	vmax.f32 v4, $0.0e+00;
	v9 =	vld [tilespmem:s10+$0x0];
	v2 =	vadd.f32 v7, v2  }
0x1fe: {  	[tilespmem:s14+$0xFFFFFF70] =	vst v4;
	v3 =	vadd.f32 v6, v3;
	v4 =	vld [tilespmem:s31+$0x50];
	s31 =	smov.u32 s10  }
0x1ff: {  	v6 =	vld [tilespmem:s15+$0xFFFFFF80];
	v2 =	vmax.f32 v2, $0.0e+00  }
0x200: {  	v7 =	vld [tilespmem:s10+$0xFFFFFF80];
	v5 =	vadd.f32 v5, v8;
	v3 =	vmax.f32 v3, $0.0e+00;
	[tilespmem:s14+$0x80] =	vst v2  }
0x201: {  	[tilespmem:s14+$0x30] =	vst v3;
	v2 =	vld [tilespmem:s15+$0x90]  }
0x202: {  	v3 =	vmax.f32 v5, $0.0e+00;
	v1 =	vadd.f32 v9, v1;
	v5 =	vld [tilespmem:s10+$0x90]  }
0x203: {  	[tilespmem:s14+$0xFFFFFFC0] =	vst v3;
	v8 =	vld [tilespmem:s15+$0x40];
	v3 =	vadd.f32 v4, v0  }
0x204: {  	v1 =	vmax.f32 v1, $0.0e+00;
	v9 =	vld [tilespmem:s10+$0x40]  }
0x205: {  	v4 =	vadd.f32 v7, v6;
	v0 =	vld [tilespmem:s15+$0xFFFFFFD0];
	[tilespmem:s14+$0x0] =	vst v1;
	v1 =	vmax.f32 v3, $0.0e+00  }
.Ltmp7:
0x206: {  	v3 =	vld [tilespmem:s10+$0xFFFFFFD0];
	[tilespmem:s12+$0x50] =	vst v1;
	s12 =	smov.u32 s14;
	(pc) =	sbr.rel @p1 .LBB2_12-.Ltmp7, $4  }
0x207: {  	v4 =	vmax.f32 v4, $0.0e+00;
	v1 =	vld [tilespmem:s15+$0x10];
	v5 =	vadd.f32 v5, v2  }
0x208: {  	[tilespmem:s14+$0xFFFFFF80] =	vst v4;
	v4 =	vld [tilespmem:s10+$0x10]  }
0x209: {  	v2 =	vld [tilespmem:s15+$0xFFFFFF90];
	v6 =	vadd.f32 v9, v8;
	v7 =	vmax.f32 v5, $0.0e+00  }
0x20a: {  	s15 =	sadd.s32 $0x140, s15;
	v5 =	vld [tilespmem:s10+$0xFFFFFF90];
	[tilespmem:s14+$0x90] =	vst v7  }
0x20b: {  	v6 =	vmax.f32 v6, $0.0e+00  }
0x20c: {  	[tilespmem:s14+$0x40] =	vst v6  }
0x20d: {  	v6 =	vld [tilespmem:s3+$0x50]  }
0x20e: {  	v7 =	vld [tilespmem:s31+$0x50];
	_ =	sdelay $0x1  }
0x20f: {  	v0 =	vadd.f32 v3, v0  }
0x210: {  	v1 =	vadd.f32 v4, v1  }
0x211: {  	v0 =	vmax.f32 v0, $0.0e+00;
	v2 =	vadd.f32 v5, v2  }
.Ltmp8:
0x212: {  	[tilespmem:s14+$0xFFFFFFD0] =	vst v0;
	v60 =	vmax.f32 v1, $0.0e+00;
	v61 =	vadd.f32 v7, v6;
	(pc) =	sbr.rel @p2 .LBB2_15-.Ltmp8, $4  }
0x213: {  	[tilespmem:s14+$0x10] =	vst v60;
	v62 =	vmax.f32 v2, $0.0e+00  }
0x214: {  	[tilespmem:s14+$0xFFFFFF90] =	vst v62;
	v63 =	vmax.f32 v61, $0.0e+00  }
0x215: {  	s31 =	sadd.s32 $0x2880, s16;
	[tilespmem:s12+$0x50] =	vst v63  }
0x216: {  	[spmem:s1] =	stream.indirect.scatter.add.f32 [tilespmem:s29], [sflag:$0x6], $0x40, s31, s30, $0xb8;
	[tilespmem:$0x1A7C0] =	vst v63  }
0x217: {  	s3 =	sadd.s32 $0x3, s23  }
0x218: {  	s10 =	smul.u32 $0x7D, s3;
	_ =	sdelay $0x1  }
0x219: {  	s10 =	sadd.s32 s13, s10  }
0x21a: {  	s10 =	sshll.u32 s10, $0x4  }
.Ltmp9:
0x21b: {  	s10 =	sand.u32 $0x1FFFFFF0, s10;
	(pc) =	sbr.rel .LBB2_9-.Ltmp9, $4  }
0x21c: {  	s3 =	sshll.u32 s3, $0x7;
	s10 =	sadd.s32 s10, s18  }
0x21d: {  	[tilespmem:s0], [sflag:$0x2] =	stream.strided.gather [hbm4b:s10+s26], $0x1F40, s28, s26, $0x38;
	[tilespmem:$0x1A7C0] =	vst v63  }
0x21e: {  	s22 =	sadd.s32 $0x1, s22;
	s3 =	sand.u32 $0x3FFFFF80, s3  }
0x21f: {  	[tilespmem:s25], [sflag:$0x4] =	stream.indirect.gather [hbm4b:s5+s30], $0x40, s3, s30, $0xb8;
	[tilespmem:$0x1A7C0] =	vst v63  }
.LBB2_16:
0x220: {  	_ =	sfence.sel $0x180000  }
0x221: {  	[bflag:$0x0] =	sbarrier.arrive $0xFFFF  }
0x222: {  	_ =	strace $0x9000004A  }
0x223: {  	s0 =	stileid.u32;
	[bflag:$0x2] =	sbarrier.arrive $0xFFFF  }
0x224: {  	p0 =	sne.s32 s0, $0x0;
	s0 =	rddreg [dreg:$0x2]  }
0x225: {  	s0 =	sadd.s32 @!p0 $0x100000, s0  }
0x226: {  	[sflag:s0] =	ssyncadd.tile.s32 @!p0 $0x1;
	_ =	shalt  }
.Lfunc_end2:
_tile_overlayer_lowered:
.L_overlay_start_2:
0x227: {  	(tag) =	ssettag $0x2  }
0x228: {  	s0 =	rddreg [dreg:$0x0];
	s2 =	stileid.u32  }
0x229: {  	s1 =	rddreg [dreg:$0x1];
	p0 =	sne.s32 s2, $0x0  }
0x22a: {  	s3 =	rddreg [dreg:$0x2];
	[bflag:$0x3] =	sbarrier.arrive $0xFFFF;
	s2 =	simm.s32 @!p0 $0x1C07  }
0x22b: {  	[timem:s3], [sflag:s2] =	dma.local @!p0 [hbm:s0], s1  }
0x22c: {  	s0 =	simm.s32 @!p0 $0x7  }
0x22d: {  	_ =	swait.ge @!p0 [sflag:s0], s1  }
0x22e: {  	s1 =	ssub.s32 @!p0 $0x0, s1;
	[sflag:s0] =	ssyncset.done @!p0 $0x0  }
0x22f: {  	[sflag:s0] =	ssyncadd.s32 @!p0 s1  }
0x230: {  	[bflag:$0x3] =	sbarrier.arrive $0xFFFF  }
0x231: {  	_ =	shalt  }

// kernel: kernel.8.cloned.1.call-start
scs
__scs_entry_jumppad:
0x0: {  	(pc) =	sbr.rel $0x88, $3  }
0x1: {  	(tag) =	ssettag $0x0;
	lr =	simm.s32 $0x1  }
0x2: {  	[smem:$0x3F8E] =	sst lr;
	_ =	strace $0xD0000000  }
0x3: {  	_ = 	snop  }
0x4: {  	_ = 	snop  }
0x5: {  	_ = 	snop  }
0x6: {  	_ = 	snop  }
0x7: {  	_ = 	snop  }
__scs_overlays_trampoline_lowered:
0x8: {  	[smem:$0x3F9D] =	sst s0  }
0x9: {  	[smem:$0x3F9E] =	sst s1  }
0xa: {  	[smem:$0x3F9F] =	sst s2  }
0xb: {  	[smem:$0x3FA0] =	sst s3  }
0xc: {  	[smem:$0x3FA1] =	sst s4  }
0xd: {  	[smem:$0x3FA2] =	sst s5  }
0xe: {  	[smem:$0x3FA3] =	sst s6  }
0xf: {  	[smem:$0x3FA4] =	sst s7  }
0x10: {  	[smem:$0x3FA5] =	sst s8  }
0x11: {  	[smem:$0x3FA6] =	sst s9;
	s0 =	simm.s32 @!p0 $0x0  }
0x12: {  	s1 =	sld [smem:$0x3F8C];
	s0 =	simm.s32 @p0 $0x1  }
0x13: {  	[smem:$0x3FA7] =	sst s0;
	s0 =	simm.s32 @!p1 $0x0  }
0x14: {  	s2 =	sld [smem:$0x3F8B];
	s0 =	simm.s32 @p1 $0x1  }
0x15: {  	[smem:$0x3FA8] =	sst s0;
	s0 =	simm.s32 @!p2 $0x0  }
0x16: {  	s3 =	sld [smem:$0x3FDB];
	s0 =	simm.s32 @p2 $0x1  }
0x17: {  	s4 =	simm.s32 $0x1BF5;
	[smem:$0x3FAA] =	sst s0  }
0x18: {  	s0 =	sld [smem:$0x3F8D];
	_ =	swait.ge [sflag:s4], $0x0  }
0x19: {  	s7 =	sld [smem:$0x3F8E]  }
0x1a: {  	s8 =	sadd.s32 $0xFFFFE003, lr  }
0x1b: {  	s9 =	sadd.s32 $0xFFFFFEF7, lr;
	s5 =	simm.s32 $0xFFFFFFFF;
	p2 =	slt.u32 s8, $0xFFFFF086  }
0x1c: {  	p1 =	slt.u32 s9, $0xF7A;
	s5 =	simm.s32 @!p2 $0x0  }
0x1d: {  	s5 =	simm.s32 @p1 $0x1;
	p0 =	seq.s32 s7, s2  }
0x1e: {  	s7 =	smul.u32 @!p0 $0xF7A, s2;
	p2 =	seq.s32 @!p0 s5, $0x0  }
0x1f: {  	s9 =	smul.u32 $0xF7A, s1;
	s8 =	simm.s32 @!p0 $0x1BF5;
	p2 =	por !p2, p0  }
0x20: {  	[sflag:s8] =	ssyncset.s32 @!p0 $0xFFFFF086;
	s6 =	sadd.s32 @!p0 s3, s7;
	s7 =	simm.s32 @!p0 $0x108  }
0x21: {  	s3 =	sadd.s32 s3, s9;
	s6 =	sadd.s32 @!p0 $0x88, s6;
	s7 =	simm.s32 @p2 $0x1082  }
0x22: {  	[simem:s7], [sflag:s8] =	dma.local @!p0 [hbm:s6], $0xF7A  }
0x23: {  	s9 =	sor.u32 $0xD0000000, s2;
	s6 =	simm.s32 $0x108;
	_ =	swait.ge @!p0 [sflag:s8], $0x0  }
0x24: {  	s3 =	sadd.s32 $0x88, s3;
	s6 =	simm.s32 @!p1 $0x1082;
	[sflag:s4] =	ssyncset.s32 $0xFFFFF086  }
0x25: {  	[simem:s6], [sflag:s4] =	dma.local [hbm:s3], $0xF7A  }
0x26: {  	[smem:$0x3F8E] =	sst s1;
	(tag) =	ssettag s2;
	_ =	strace s9  }
0x27: {  	s1 =	sld [smem:$0x3F9E]  }
0x28: {  	s2 =	sld [smem:$0x3F9F]  }
0x29: {  	s4 =	sld [smem:$0x3FA1]  }
0x2a: {  	p0 =	seq.s32 s5, $0x0;
	s5 =	sld [smem:$0x3FA2]  }
0x2b: {  	s6 =	sld [smem:$0x3FA3]  }
0x2c: {  	s7 =	sld [smem:$0x3FA4]  }
0x2d: {  	s3 =	simm.s32 $0x108;
	s8 =	sld [smem:$0x3FA5]  }
0x2e: {  	s3 =	simm.s32 @!p0 $0x1082;
	s9 =	sld [smem:$0x3FA6]  }
0x2f: {  	lr =	sadd.s32 s0, s3;
	s0 =	sld [smem:$0x3F9D]  }
0x30: {  	s3 =	sld [smem:$0x3FA0]  }
0x31: {  	[smem:$0x3FA9] =	sst s10  }
0x32: {  	s10 =	sld [smem:$0x3FA7];
	_ =	sdelay $0x3  }
0x33: {  	p0 =	seq.s32 s10, $0x1;
	s10 =	sld [smem:$0x3FA9];
	_ =	sdelay $0x3  }
0x34: {  	[smem:$0x3FA9] =	sst s10  }
0x35: {  	s10 =	sld [smem:$0x3FA8];
	_ =	sdelay $0x3  }
0x36: {  	p1 =	seq.s32 s10, $0x1;
	s10 =	sld [smem:$0x3FA9];
	_ =	sdelay $0x3  }
0x37: {  	[smem:$0x3FA9] =	sst s10  }
0x38: {  	s10 =	sld [smem:$0x3FAA]  }
0x39: {  	_ = 	snop;
	(pc) =	sbr.ind lr, $3  }
0x3a: {  	_ = 	snop  }
0x3b: {  	_ = 	snop  }
0x3c: {  	p2 =	seq.s32 s10, $0x1;
	s10 =	sld [smem:$0x3FA9]  }
0x3d: {  	_ =	shalt  }
0x3e: {  	_ =	shalt  }
0x3f: {  	_ =	shalt  }
0x40: {  	_ =	shalt  }
0x41: {  	_ =	shalt  }
0x42: {  	_ =	shalt  }
0x43: {  	_ =	shalt  }
0x44: {  	_ =	shalt  }
0x45: {  	_ =	shalt  }
0x46: {  	_ =	shalt  }
0x47: {  	_ =	shalt  }
0x48: {  	_ =	shalt  }
0x49: {  	_ =	shalt  }
0x4a: {  	_ =	shalt  }
0x4b: {  	_ =	shalt  }
0x4c: {  	_ =	shalt  }
0x4d: {  	_ =	shalt  }
0x4e: {  	_ =	shalt  }
0x4f: {  	_ =	shalt  }
0x50: {  	_ =	shalt  }
0x51: {  	_ =	shalt  }
0x52: {  	_ =	shalt  }
0x53: {  	_ =	shalt  }
0x54: {  	_ =	shalt  }
0x55: {  	_ =	shalt  }
0x56: {  	_ =	shalt  }
0x57: {  	_ =	shalt  }
0x58: {  	_ =	shalt  }
0x59: {  	_ =	shalt  }
0x5a: {  	_ =	shalt  }
0x5b: {  	_ =	shalt  }
0x5c: {  	_ =	shalt  }
0x5d: {  	_ =	shalt  }
0x5e: {  	_ =	shalt  }
0x5f: {  	_ =	shalt  }
0x60: {  	_ =	shalt  }
0x61: {  	_ =	shalt  }
0x62: {  	_ =	shalt  }
0x63: {  	_ =	shalt  }
0x64: {  	_ =	shalt  }
0x65: {  	_ =	shalt  }
0x66: {  	_ =	shalt  }
0x67: {  	_ =	shalt  }
0x68: {  	_ =	shalt  }
0x69: {  	_ =	shalt  }
0x6a: {  	_ =	shalt  }
0x6b: {  	_ =	shalt  }
0x6c: {  	_ =	shalt  }
0x6d: {  	_ =	shalt  }
0x6e: {  	_ =	shalt  }
0x6f: {  	_ =	shalt  }
0x70: {  	_ =	shalt  }
0x71: {  	_ =	shalt  }
0x72: {  	_ =	shalt  }
0x73: {  	_ =	shalt  }
0x74: {  	_ =	shalt  }
0x75: {  	_ =	shalt  }
0x76: {  	_ =	shalt  }
0x77: {  	_ =	shalt  }
0x78: {  	_ =	shalt  }
0x79: {  	_ =	shalt  }
0x7a: {  	_ =	shalt  }
0x7b: {  	_ =	shalt  }
0x7c: {  	_ =	shalt  }
0x7d: {  	_ =	shalt  }
0x7e: {  	_ =	shalt  }
0x7f: {  	_ =	shalt  }
0x80: {  	_ =	shalt  }
0x81: {  	_ =	shalt  }
0x82: {  	_ =	shalt  }
0x83: {  	_ =	shalt  }
0x84: {  	_ =	shalt  }
0x85: {  	_ =	shalt  }
0x86: {  	_ =	shalt  }
0x87: {  	_ =	shalt  }
.Lfunc_end0:
.L_simem_size_0:
called_computation_lowered:
.L_overlay_start_0:
0x88: {  	s2 =	sld [smem:$0x3FD9]  }
0x89: {  	s3 =	sld [smem:$0x3FFE];
	_ =	sdelay $0x1  }
0x8a: {  	s1 =	srdreg.scid  }
0x8b: {  	s0 =	sand.u32 $0x1, s1  }
0x8c: {  	s17 =	sshll.u32 s0, $0xA;
	s2 =	sadd.s32 s3, s2  }
0x8d: {  	s2 =	sadd.s32 s2, s17  }
0x8e: {  	[smem:$0x3FB5] =	sst s2  }
0x8f: {  	_ = 	snop  }
0x90: {  	s2 =	sld [smem:$0x3FD0];
	(tm) =	ssettm $0x1  }
0x91: {  	s18 =	sld [smem:$0x3FFB];
	_ =	sdelay $0x3  }
0x92: {  	_ =	strace s18  }
0x93: {  	s3 =	sld [smem:$0x3FFC];
	_ =	sdelay $0x3  }
0x94: {  	_ =	strace s3  }
0x95: {  	s3 =	sld [smem:$0x3FFD];
	_ =	sdelay $0x3  }
0x96: {  	_ =	strace s3  }
0x97: {  	_ =	strace $0x8FFFFFFF  }
0x98: {  	s19 =	sld [smem:$0x3FDB];
	_ =	sdelay $0x1  }
0x99: {  	s4 =	simm.s32 $_scs_section_size  }
0x9a: {  	s5 =	simm.s32 $_size__tile_overlayer_lowered;
	s6 =	simm.s32 $_tile_overlayer_lowered  }
0x9b: {  	s22 =	simm.s32 $0x1BFF;
	s21 =	sshll.u32 s6, $0x1;
	s3 =	sadd.s32 s4, s19  }
0x9c: {  	s7 =	simm.s32 $0x0;
	s20 =	sshll.u32 s5, $0x1;
	s5 =	sadd.s32 s21, s3  }
0x9d: {  	[timem:s7], [sflag:s22] =	dma.local [hbm:s5], s20  }
0x9e: {  	_ =	swait.ge [sflag:s22], s20  }
0x9f: {  	s4 =	ssub.s32 $0x0, s20;
	[sflag:s22] =	ssyncset.done $0x0  }
0xa0: {  	[sflag:s22] =	ssyncadd.s32 s4;
	_ =	sdelay $0x1  }
0xa1: {  	s23 =	simm.s32 $0x1B8B  }
0xa2: {  	_ =	swait.ge [sflag:s23], $0x1  }
0xa3: {  	[sflag:s23] =	ssyncset.done $0x0  }
0xa4: {  	s25 =	simm.s32 $0x1B8E;
	s24 =	sld [smem:$0x3FFE];
	[sflag:s23] =	ssyncadd.s32 $0xFFFFFFFF  }
0xa5: {  	s26 =	simm.s32 $execute0_lowered;
	[smem:$0x3FD2] =	sst s25  }
0xa6: {  	s5 =	sshll.u32 s26, $0x1;
	_ =	strace $0x80000046;
	[dreg:$0x1] =	wrdreg $0xFFFFFFFF  }
0xa7: {  	s28 =	simm.s32 $_size_execute0_lowered;
	s3 =	sadd.s32 s3, s5;
	[dreg:$0x0] =	wrdreg $0x0  }
0xa8: {  	s5 =	sshll.u32 s28, $0x1;
	[dreg:$0x2] =	wrdreg s3  }
0xa9: {  	[dreg:$0x3] =	wrdreg s5  }
0xaa: {  	[dreg:$0x4] =	wrdreg $0xC0  }
0xab: {  	_ =	task [dreg:s7], $0x5FFFF  }
0xac: {  	[dreg:$0x1] =	wrdreg $0xFFFFFFFF  }
0xad: {  	[dreg:$0x0] =	wrdreg $0x60  }
0xae: {  	[dreg:$0x2] =	wrdreg s2  }
0xaf: {  	[dreg:$0x3] =	wrdreg s24  }
0xb0: {  	[dreg:$0x4] =	wrdreg $0x10B800  }
0xb1: {  	[dreg:$0x5] =	wrdreg $0x9  }
0xb2: {  	_ =	task.clear_ibuf [dreg:s7], $0x6FFFF;
	_ =	strace $0x90000046  }
0xb3: {  	s29 =	simm.s32 $0x9;
	_ =	strace $0x80000048  }
0xb4: {  	_ =	swait.ge [sflag:s29], $0x1  }
0xb5: {  	[sflag:s29] =	ssyncadd.s32 $0xFFFFFFFF  }
0xb6: {  	_ =	strace $0x90000048  }
0xb7: {  	_ =	sfence  }
0xb8: {  	s30 =	sld [smem:$0x0];
	_ =	sdelay $0x2  }
0xb9: {  	s31 =	sshll.u32 s1, $0xD;
	s1 =	sshrl.u32 s1, $0x2  }
0xba: {  	s3 =	sand.u32 $0x4000, s31;
	s1 =	sadd.s32 s1, s30  }
0xbb: {  	s0 =	sor.u32 s3, s0;
	s1 =	sshll.u32 s1, $0x11  }
0xbc: {  	s0 =	sor.u32 s1, s0  }
0xbd: {  	s0 =	sadd.s32 $0x8F2B, s0  }
0xbe: {  	[sflag:s0] =	ssyncadd.remote.s32 $0x1  }
0xbf: {  	_ =	sfence.sel $0xFFFF  }
0xc0: {  	[dreg:$0x0] =	wrdreg $0xFFFFFFFF;
	(pc) =	sbr.abs _section_cstart, $3  }
0xc1: {  	[dreg:$0x1] =	wrdreg $0xFFFFFFFF  }
0xc2: {  	_ =	task.clear_ibuf [dreg:s7], $0x2FFFF;
	_ =	strace $0x9FFFFFFF  }
0xc3: {  	(tm) =	ssettm $0x7FFFFFFF  }
tec
execute0_lowered:
.L_overlay_start_1:
0x0: {  	(tag) =	ssettag $0x1  }
0x1: {  	s1 =	rddreg [dreg:$0x0]  }
0x2: {  	s0 =	rddreg [dreg:$0x1]  }
0x3: {  	s2 =	rddreg [dreg:$0x2]  }
0x4: {  	s3 =	srdreg.scid;
	s4 =	simm.s32 $0x0;
	s14 =	stileid.u32  }
0x5: {  	s28 =	simm.s32 $0x80;
	s30 =	simm.s32 $0x7D;
	s29 =	simm.s32 $0xEC40  }
0x6: {  	s3 =	sand.u32 $0x1, s3;
	[smem:$0x7FF] =	sst s4;
	s5 =	sadd.s32 $0x4F9600, s0  }
0x7: {  	s7 =	smul.u32 $0x9E00, s14;
	s6 =	sadd.s32 $0x50D000, s0;
	s12 =	sadd.s32 $0xA02A00, s0  }
0x8: {  	s19 =	sadd.s32 $0x94200, s2;
	s20 =	sadd.s32 $0xA01840, s0;
	p0 =	seq.s32 s14, $0xF  }
0x9: {  	s15 =	sshll.u32 s3, $0x4;
	_ =	strace $0x80000047;
	[dreg:$0x8] =	wrdreg s19  }
0xa: {  	s10 =	ssub.s32 $0x2, s3;
	s3 =	smul.u32 $0x138800, s3;
	[dreg:$0x9] =	wrdreg s20  }
0xb: {  	s4 =	sor.u32 s14, s15;
	s9 =	sshrl.u32 s7, $0x3;
	s11 =	sshrl.u32 s10, $0x1  }
0xc: {  	s17 =	sadd.s32 s7, s2;
	s8 =	smul.u32 $0x500, s4;
	s9 =	sadd.s32 s9, s0  }
0xd: {  	s10 =	ssub.s32 s10, s11;
	[dreg:$0x6] =	wrdreg s17;
	s18 =	smul.u32 $0x138800, s4  }
0xe: {  	s13 =	smul.u32 $0x2710, s4;
	s7 =	sadd.s32 s7, s3;
	s3 =	sshrl.u32 s3, $0x3  }
0xf: {  	s11 =	simm.s32 $0x4;
	s17 =	simm.s32 $0x0;
	s9 =	sadd.s32 $0x9EF000, s9  }
0x10: {  	s3 =	sadd.s32 s12, s3;
	s31 =	smax.u32 s10, $0x1;
	[dreg:$0x7] =	wrdreg s9  }
0x11: {  	s7 =	sshrl.u32 s7, $0x3;
	s23 =	sadd.s32 $0x12840, s3;
	[dreg:$0x12] =	wrdreg s31  }
0x12: {  	s8 =	sadd.s32 s8, s0;
	s7 =	sadd.s32 s12, s7;
	[dreg:$0xd] =	wrdreg s23  }
0x13: {  	s21 =	sshrl.u32 s18, $0x3;
	s26 =	sadd.s32 $0x260C0, s3;
	[dreg:$0xc] =	wrdreg s7  }
0x14: {  	s18 =	sadd.s32 $0x50D008, s0;
	s16 =	sadd.s32 $0x3600, s8;
	[dreg:$0x11] =	wrdreg s26  }
0x15: {  	s3 =	simm.s32 $0x1;
	s8 =	sadd.s32 $0xD600, s8;
	[dreg:$0x4] =	wrdreg s16  }
0x16: {  	s9 =	simm.s32 $0x2;
	s0 =	sadd.s32 s21, s18;
	[dreg:$0x5] =	wrdreg s8  }
.Ltmp0:
0x17: {  	s25 =	sadd.s32 $0x13880, s7;
	[dreg:$0xe] =	wrdreg s0;
	(pc) =	sbr.rel .LBB2_1-.Ltmp0, $4  }
0x18: {  	s26 =	simm.s32 $0x40;
	s8 =	sadd.s32 s6, s21;
	[dreg:$0x10] =	wrdreg s25  }
0x19: {  	s7 =	simm.s32 $0x3;
	s22 =	sadd.s32 $0x7D0, s8;
	[dreg:$0xa] =	wrdreg s8  }
0x1a: {  	s0 =	simm.s32 $0x6F40;
	s24 =	sadd.s32 $0x7D8, s8;
	[dreg:$0xb] =	wrdreg s22  }
0x1b: {  	s25 =	simm.s32 $0xADC0;
	s8 =	simm.s32 $0xCD00;
	[dreg:$0xf] =	wrdreg s24  }
.LBB2_15:
0x1c: {  	s4 =	simm.s32 $0x5  }
0x1d: {  	_ =	swait.ge [sflag:s4], $0x1F40  }
0x1e: {  	[sflag:s4] =	ssyncset.done $0x0  }
0x1f: {  	s24 =	simm.s32 $0x6;
	[sflag:s4] =	ssyncadd.s32 $0xFFFFE0C0  }
0x20: {  	_ =	swait.ge [sflag:s24], $0x1F40  }
0x21: {  	[sflag:s24] =	ssyncset.done $0x0  }
0x22: {  	[sflag:s24] =	ssyncadd.s32 $0xFFFFE0C0  }
0x23: {  	[bflag:$0x0] =	sbarrier.arrive $0xFFFF  }
0x24: {  	s4 =	simm.s32 @p0 $0x1FC7;
	s10 =	rddreg [dreg:$0x11]  }
0x25: {  	[hbm:s10], [sflag:s4] =	dma.local @p0 [spmem:s19], $0x1040  }
0x26: {  	s4 =	simm.s32 @p0 $0x7  }
0x27: {  	_ =	swait.ge @p0 [sflag:s4], $0x1040  }
0x28: {  	[sflag:s4] =	ssyncset.done @p0 $0x0  }
0x29: {  	[sflag:s4] =	ssyncadd.s32 @p0 $0xFFFFEFC0;
	s4 =	rddreg [dreg:$0x10]  }
0x2a: {  	[hbm:s4], [sflag:s20] =	dma.local @!p0 [spmem:s21], $0x13C0  }
0x2b: {  	s4 =	simm.s32 @!p0 $0x7  }
0x2c: {  	_ =	swait.ge @!p0 [sflag:s4], $0x13C0  }
0x2d: {  	s17 =	sadd.s32 $0x1, s17;
	s31 =	rddreg [dreg:$0x12]  }
0x2e: {  	p1 =	sne.s32 s17, s31  }
.Ltmp1:
0x2f: {  	_ = 	snop;
	(pc) =	sbr.rel @!p1 .LBB2_16-.Ltmp1, $3  }
0x30: {  	_ =	sdelay $0x1  }
0x31: {  	[sflag:s4] =	ssyncset.done @!p0 $0x0  }
0x32: {  	[sflag:s4] =	ssyncadd.s32 @!p0 $0xFFFFEC40  }
.LBB2_1:
0x33: {  	s12 =	simm.s32 $0x0;
	s4 =	rddreg [dreg:$0x4];
	s10 =	simm.s32 $0x7  }
0x34: {  	[tilespmem:s12], [sflag:$0x7] =	stream.linear.gather [hbm4b:s4+s12], $0x2800, $0x38;
	[tilespmem:$0x1A7C0] =	vst v63  }
0x35: {  	_ =	swait.ge [sflag:s10], $0x2800  }
0x36: {  	[sflag:s10] =	ssyncset.done $0x0  }
0x37: {  	s14 =	simm.s32 $0x2800;
	s21 =	rddreg [dreg:$0x5];
	[sflag:s10] =	ssyncadd.s32 $0xFFFFD800  }
0x38: {  	[tilespmem:s14], [sflag:$0x7] =	stream.linear.gather [hbm4b:s21+s12], $0x2800, $0x38;
	[tilespmem:$0x1A7C0] =	vst v63  }
0x39: {  	_ =	swait.ge [sflag:s10], $0x2800  }
0x3a: {  	[sflag:s10] =	ssyncset.done $0x0  }
0x3b: {  	s4 =	rddreg [dreg:$0x8];
	[sflag:s10] =	ssyncadd.s32 $0xFFFFD800  }
0x3c: {  	s19 =	sshrl.u32 @p0 s4, $0x3;
	s4 =	simm.s32 @p0 $0x1FC7;
	s10 =	rddreg [dreg:$0x9]  }
0x3d: {  	[spmem:s19], [sflag:s4] =	dma.local @p0 [hbm:s10], $0x1040  }
0x3e: {  	s4 =	simm.s32 @p0 $0x7  }
0x3f: {  	_ =	swait.ge @p0 [sflag:s4], $0x1040  }
0x40: {  	s10 =	stileid.u32;
	[sflag:s4] =	ssyncset.done @p0 $0x0  }
0x41: {  	s10 =	sshll.u32 @!p0 s10, $0x6;
	[sflag:s4] =	ssyncadd.s32 @p0 $0xFFFFEFC0;
	s4 =	rddreg [dreg:$0x6]  }
0x42: {  	s20 =	sor.u32 @!p0 $0x1C07, s10;
	s21 =	sshrl.u32 @!p0 s4, $0x3;
	s4 =	rddreg [dreg:$0x7]  }
0x43: {  	[spmem:s21], [sflag:s20] =	dma.local @!p0 [hbm:s4], $0x13C0  }
0x44: {  	s4 =	simm.s32 @!p0 $0x7  }
0x45: {  	_ =	swait.ge @!p0 [sflag:s4], $0x13C0  }
0x46: {  	[sflag:s4] =	ssyncset.done @!p0 $0x0  }
0x47: {  	[sflag:s4] =	ssyncadd.s32 @!p0 $0xFFFFEC40  }
0x48: {  	[bflag:$0x0] =	sbarrier.arrive $0xFFFF  }
0x49: {  	s23 =	simm.s32 $0x5000;
	s22 =	rddreg [dreg:$0xa]  }
0x4a: {  	[tilespmem:s23], [sflag:$0x1] =	stream.strided.gather [hbm4b:s22+s26], $0x1F40, s28, s26, $0x38;
	[tilespmem:$0x1A7C0] =	vst v63  }
0x4b: {  	s24 =	simm.s32 $0x8E80  }
0x4c: {  	[tilespmem:s24], [sflag:$0x3] =	stream.indirect.gather [hbm4b:s1+s30], $0x40, s12, s30, $0xb8;
	[tilespmem:$0x1A7C0] =	vst v63  }
0x4d: {  	s31 =	rddreg [dreg:$0xb]  }
0x4e: {  	[tilespmem:s0], [sflag:$0x2] =	stream.strided.gather [hbm4b:s31+s26], $0x1F40, s28, s26, $0x38;
	[tilespmem:$0x1A7C0] =	vst v63  }
0x4f: {  	s22 =	simm.s32 $0x0  }
0x50: {  	[tilespmem:s25], [sflag:$0x4] =	stream.indirect.gather [hbm4b:s1+s30], $0x40, s28, s30, $0xb8;
	[tilespmem:$0x1A7C0] =	vst v63  }
.LBB2_2:
0x51: {  	_ =	swait.ge [sflag:s3], $0x1F40  }
0x52: {  	[sflag:s3] =	ssyncset.done $0x0  }
0x53: {  	[sflag:s3] =	ssyncadd.s32 $0xFFFFE0C0  }
0x54: {  	_ =	swait.ge [sflag:s7], $0x1F40  }
0x55: {  	p1 =	seq.s32 s22, $0x0;
	[sflag:s7] =	ssyncset.done $0x0  }
0x56: {  	s4 =	simm.s32 @!p1 $0x5;
	[sflag:s7] =	ssyncadd.s32 $0xFFFFE0C0  }
0x57: {  	_ =	swait.ge @!p1 [sflag:s4], $0x1F40  }
0x58: {  	[sflag:s4] =	ssyncset.done @!p1 $0x0  }
0x59: {  	s14 =	simm.s32 $0x8F20;
	[sflag:s4] =	ssyncadd.s32 @!p1 $0xFFFFE0C0  }
0x5a: {  	s4 =	simm.s32 $0x50A0;
	v0 =	vld [tilespmem:s14+$0x60]  }
0x5b: {  	v1 =	vld [tilespmem:s4+$0x60];
	_ =	sdelay $0x2  }
0x5c: {  	v2 =	vld [tilespmem:s14+$0xFFFFFFA0]  }
0x5d: {  	v3 =	vld [tilespmem:s4+$0xFFFFFFA0]  }
0x5e: {  	v4 =	vld [tilespmem:s14+$0xFFFFFFE0];
	v0 =	vadd.f32 v1, v0  }
0x5f: {  	v1 =	vld [tilespmem:s4+$0xFFFFFFE0]  }
0x60: {  	s16 =	simm.s32 $0xCDA0;
	v5 =	vld [tilespmem:s4+$0xFFFFFF60];
	v0 =	vmax.f32 v0, $0.0e+00  }
0x61: {  	v6 =	vld [tilespmem:s14+$0xFFFFFF60];
	[tilespmem:s16+$0x60] =	vst v0  }
0x62: {  	v0 =	vadd.f32 v3, v2;
	v2 =	vld [tilespmem:s14+$0x70]  }
0x63: {  	v3 =	vld [tilespmem:s4+$0x70]  }
0x64: {  	v7 =	vld [tilespmem:s14+$0x20];
	v0 =	vmax.f32 v0, $0.0e+00;
	v1 =	vadd.f32 v1, v4  }
0x65: {  	v4 =	vld [tilespmem:s4+$0x20];
	[tilespmem:s16+$0xFFFFFFA0] =	vst v0  }
0x66: {  	v5 =	vadd.f32 v5, v6;
	v0 =	vld [tilespmem:s14+$0xFFFFFFB0];
	v1 =	vmax.f32 v1, $0.0e+00  }
0x67: {  	v6 =	vld [tilespmem:s4+$0xFFFFFFB0];
	[tilespmem:s16+$0xFFFFFFE0] =	vst v1  }
0x68: {  	v5 =	vmax.f32 v5, $0.0e+00;
	v1 =	vld [tilespmem:s14+$0xFFFFFFF0];
	v2 =	vadd.f32 v3, v2  }
0x69: {  	[tilespmem:s16+$0xFFFFFF60] =	vst v5;
	v3 =	vld [tilespmem:s4+$0xFFFFFFF0]  }
0x6a: {  	v5 =	vld [tilespmem:s14+$0xFFFFFF70];
	v4 =	vadd.f32 v4, v7;
	v2 =	vmax.f32 v2, $0.0e+00  }
0x6b: {  	v7 =	vld [tilespmem:s4+$0xFFFFFF70];
	[tilespmem:s16+$0x70] =	vst v2  }
0x6c: {  	v2 =	vmax.f32 v4, $0.0e+00;
	v0 =	vadd.f32 v6, v0;
	v4 =	vld [tilespmem:s14+$0x80]  }
0x6d: {  	[tilespmem:s16+$0x20] =	vst v2;
	v2 =	vld [tilespmem:s4+$0x80]  }
0x6e: {  	v6 =	vld [tilespmem:s14+$0x30];
	v0 =	vmax.f32 v0, $0.0e+00;
	v1 =	vadd.f32 v3, v1  }
0x6f: {  	[tilespmem:s16+$0xFFFFFFB0] =	vst v0;
	v0 =	vld [tilespmem:s4+$0x30]  }
0x70: {  	v5 =	vadd.f32 v7, v5;
	v3 =	vld [tilespmem:s14+$0xFFFFFFC0];
	v1 =	vmax.f32 v1, $0.0e+00  }
0x71: {  	v7 =	vld [tilespmem:s4+$0xFFFFFFC0];
	[tilespmem:s16+$0xFFFFFFF0] =	vst v1  }
0x72: {  	v5 =	vmax.f32 v5, $0.0e+00;
	v1 =	vld [tilespmem:s14+$0x0];
	v2 =	vadd.f32 v2, v4  }
0x73: {  	v4 =	vld [tilespmem:s4+$0x0];
	[tilespmem:s16+$0xFFFFFF70] =	vst v5  }
0x74: {  	v5 =	vld [tilespmem:s14+$0xFFFFFF80];
	v0 =	vadd.f32 v0, v6;
	v2 =	vmax.f32 v2, $0.0e+00  }
0x75: {  	v6 =	vld [tilespmem:s4+$0xFFFFFF80];
	[tilespmem:s16+$0x80] =	vst v2  }
0x76: {  	v2 =	vadd.f32 v7, v3;
	v0 =	vmax.f32 v0, $0.0e+00;
	v3 =	vld [tilespmem:s14+$0x90]  }
0x77: {  	v7 =	vld [tilespmem:s4+$0x90];
	[tilespmem:s16+$0x30] =	vst v0  }
0x78: {  	v0 =	vmax.f32 v2, $0.0e+00;
	v1 =	vadd.f32 v4, v1;
	v8 =	vld [tilespmem:s14+$0x40]  }
0x79: {  	[tilespmem:s16+$0xFFFFFFC0] =	vst v0;
	v9 =	vld [tilespmem:s4+$0x40]  }
0x7a: {  	v1 =	vmax.f32 v1, $0.0e+00;
	v4 =	vadd.f32 v6, v5;
	v0 =	vld [tilespmem:s14+$0xFFFFFFD0]  }
0x7b: {  	v2 =	vld [tilespmem:s4+$0xFFFFFFD0];
	[tilespmem:s16+$0x0] =	vst v1  }
0x7c: {  	v4 =	vmax.f32 v4, $0.0e+00;
	v1 =	vld [tilespmem:s14+$0x10];
	v5 =	vadd.f32 v7, v3  }
0x7d: {  	[tilespmem:s16+$0xFFFFFF80] =	vst v4;
	v4 =	vld [tilespmem:s4+$0x10]  }
0x7e: {  	s23 =	sshll.u32 s22, $0x1;
	s12 =	simm.s32 $0x0;
	v3 =	vld [tilespmem:s14+$0xFFFFFF90];
	v7 =	vmax.f32 v5, $0.0e+00;
	v6 =	vadd.f32 v9, v8  }
0x7f: {  	s31 =	simm.s32 $0x9060;
	s24 =	simm.s32 $0x50A0;
	s10 =	simm.s32 $0xCDA0;
	v5 =	vld [tilespmem:s4+$0xFFFFFF90];
	[tilespmem:s16+$0x90] =	vst v7  }
.LBB2_3:
0x80: {  	v7 =	vld [tilespmem:s31+$0x60];
	v0 =	vadd.f32 v2, v0;
	v2 =	vmax.f32 v6, $0.0e+00;
	s4 =	sadd.s32 $0x140, s4  }
0x81: {  	v6 =	vld [tilespmem:s4+$0x60];
	[tilespmem:s16+$0x40] =	vst v2  }
0x82: {  	v2 =	vld [tilespmem:s4+$0xFFFFFF60];
	v0 =	vmax.f32 v0, $0.0e+00;
	v1 =	vadd.f32 v4, v1  }
0x83: {  	v4 =	vld [tilespmem:s31+$0xFFFFFFA0];
	[tilespmem:s16+$0xFFFFFFD0] =	vst v0  }
0x84: {  	s12 =	sadd.s32 $0x5, s12;
	v0 =	vld [tilespmem:s4+$0xFFFFFFA0];
	v3 =	vadd.f32 v5, v3;
	v1 =	vmax.f32 v1, $0.0e+00  }
0x85: {  	p2 =	slt.u32 s12, $0x78;
	v5 =	vld [tilespmem:s31+$0xFFFFFFE0];
	[tilespmem:s16+$0x10] =	vst v1  }
0x86: {  	v1 =	vld [tilespmem:s4+$0xFFFFFFE0];
	v6 =	vadd.f32 v6, v7;
	v3 =	vmax.f32 v3, $0.0e+00  }
0x87: {  	v7 =	vld [tilespmem:s31+$0x20];
	[tilespmem:s16+$0xFFFFFF90] =	vst v3  }
0x88: {  	s16 =	sadd.s32 $0x140, s16;
	v3 =	vld [tilespmem:s4+$0x20];
	v6 =	vmax.f32 v6, $0.0e+00  }
0x89: {  	v8 =	vld [tilespmem:s31+$0xFFFFFF60];
	v0 =	vadd.f32 v0, v4;
	[tilespmem:s16+$0x60] =	vst v6  }
0x8a: {  	v4 =	vld [tilespmem:s31+$0x70]  }
0x8b: {  	v0 =	vmax.f32 v0, $0.0e+00;
	v1 =	vadd.f32 v1, v5;
	v5 =	vld [tilespmem:s4+$0x70]  }
0x8c: {  	[tilespmem:s16+$0xFFFFFFA0] =	vst v0;
	v0 =	vld [tilespmem:s14+$0x50];
	s14 =	smov.u32 s31  }
0x8d: {  	v6 =	vld [tilespmem:s31+$0xFFFFFFB0];
	v1 =	vmax.f32 v1, $0.0e+00;
	v3 =	vadd.f32 v3, v7  }
0x8e: {  	v2 =	vadd.f32 v2, v8;
	v7 =	vld [tilespmem:s4+$0xFFFFFFB0];
	[tilespmem:s16+$0xFFFFFFE0] =	vst v1  }
0x8f: {  	v1 =	vld [tilespmem:s31+$0xFFFFFFF0];
	v3 =	vmax.f32 v3, $0.0e+00  }
0x90: {  	v2 =	vmax.f32 v2, $0.0e+00;
	v8 =	vld [tilespmem:s4+$0xFFFFFFF0];
	[tilespmem:s16+$0x20] =	vst v3;
	v3 =	vadd.f32 v5, v4  }
0x91: {  	[tilespmem:s16+$0xFFFFFF60] =	vst v2;
	v2 =	vld [tilespmem:s31+$0x30]  }
0x92: {  	v4 =	vld [tilespmem:s31+$0xFFFFFF70];
	v3 =	vmax.f32 v3, $0.0e+00  }
0x93: {  	v5 =	vld [tilespmem:s4+$0xFFFFFF70];
	v6 =	vadd.f32 v7, v6;
	[tilespmem:s16+$0x70] =	vst v3  }
0x94: {  	v3 =	vld [tilespmem:s31+$0x80]  }
0x95: {  	v6 =	vmax.f32 v6, $0.0e+00;
	v1 =	vadd.f32 v8, v1;
	v7 =	vld [tilespmem:s4+$0x80]  }
0x96: {  	[tilespmem:s16+$0xFFFFFFB0] =	vst v6;
	v6 =	vld [tilespmem:s4+$0x30]  }
0x97: {  	v8 =	vld [tilespmem:s31+$0xFFFFFFC0];
	v1 =	vmax.f32 v1, $0.0e+00  }
0x98: {  	v4 =	vadd.f32 v5, v4;
	v5 =	vld [tilespmem:s4+$0xFFFFFFC0];
	[tilespmem:s16+$0xFFFFFFF0] =	vst v1  }
0x99: {  	v1 =	vld [tilespmem:s31+$0x0]  }
0x9a: {  	v4 =	vmax.f32 v4, $0.0e+00;
	v9 =	vld [tilespmem:s4+$0x0];
	v3 =	vadd.f32 v7, v3  }
0x9b: {  	[tilespmem:s16+$0xFFFFFF70] =	vst v4;
	v2 =	vadd.f32 v6, v2;
	v4 =	vld [tilespmem:s24+$0x50];
	s24 =	smov.u32 s4  }
0x9c: {  	v6 =	vld [tilespmem:s31+$0xFFFFFF80];
	v3 =	vmax.f32 v3, $0.0e+00  }
0x9d: {  	v7 =	vld [tilespmem:s4+$0xFFFFFF80];
	v5 =	vadd.f32 v5, v8;
	v2 =	vmax.f32 v2, $0.0e+00;
	[tilespmem:s16+$0x80] =	vst v3  }
0x9e: {  	[tilespmem:s16+$0x30] =	vst v2;
	v3 =	vld [tilespmem:s31+$0x90]  }
0x9f: {  	v2 =	vmax.f32 v5, $0.0e+00;
	v1 =	vadd.f32 v9, v1;
	v5 =	vld [tilespmem:s4+$0x90]  }
0xa0: {  	[tilespmem:s16+$0xFFFFFFC0] =	vst v2;
	v8 =	vld [tilespmem:s31+$0x40];
	v2 =	vadd.f32 v4, v0  }
0xa1: {  	v1 =	vmax.f32 v1, $0.0e+00;
	v9 =	vld [tilespmem:s4+$0x40]  }
0xa2: {  	v4 =	vadd.f32 v7, v6;
	v0 =	vld [tilespmem:s31+$0xFFFFFFD0];
	[tilespmem:s16+$0x0] =	vst v1;
	v1 =	vmax.f32 v2, $0.0e+00  }
.Ltmp2:
0xa3: {  	v2 =	vld [tilespmem:s4+$0xFFFFFFD0];
	[tilespmem:s10+$0x50] =	vst v1;
	s10 =	smov.u32 s16;
	(pc) =	sbr.rel @p2 .LBB2_3-.Ltmp2, $4  }
0xa4: {  	v4 =	vmax.f32 v4, $0.0e+00;
	v1 =	vld [tilespmem:s31+$0x10];
	v5 =	vadd.f32 v5, v3  }
0xa5: {  	[tilespmem:s16+$0xFFFFFF80] =	vst v4;
	v4 =	vld [tilespmem:s4+$0x10]  }
0xa6: {  	v3 =	vld [tilespmem:s31+$0xFFFFFF90];
	v6 =	vadd.f32 v9, v8;
	v7 =	vmax.f32 v5, $0.0e+00  }
0xa7: {  	s31 =	sadd.s32 $0x140, s31;
	v5 =	vld [tilespmem:s4+$0xFFFFFF90];
	[tilespmem:s16+$0x90] =	vst v7  }
0xa8: {  	v6 =	vmax.f32 v6, $0.0e+00  }
0xa9: {  	[tilespmem:s16+$0x40] =	vst v6  }
0xaa: {  	v6 =	vld [tilespmem:s14+$0x50]  }
0xab: {  	v0 =	vadd.f32 v2, v0;
	v7 =	vld [tilespmem:s24+$0x50]  }
0xac: {  	v1 =	vadd.f32 v4, v1  }
0xad: {  	v0 =	vmax.f32 v0, $0.0e+00;
	v2 =	vadd.f32 v5, v3  }
0xae: {  	[tilespmem:s16+$0xFFFFFFD0] =	vst v0;
	v0 =	vmax.f32 v1, $0.0e+00  }
0xaf: {  	s4 =	sshll.u32 s22, $0x8;
	p2 =	seq.s32 s22, $0x27;
	[tilespmem:s16+$0x10] =	vst v0;
	v0 =	vmax.f32 v2, $0.0e+00  }
0xb0: {  	v1 =	vadd.f32 v7, v6;
	[tilespmem:s16+$0xFFFFFF90] =	vst v0;
	s16 =	sand.u32 $0x3FFFFF00, s4;
	s4 =	sadd.s32 @!p2 $0x2, s23  }
0xb1: {  	s12 =	smul.u32 @!p2 $0x7D, s4  }
0xb2: {  	v0 =	vmax.f32 v1, $0.0e+00  }
0xb3: {  	s24 =	sadd.s32 $0x2800, s16;
	[tilespmem:s10+$0x50] =	vst v0;
	s10 =	sadd.s32 @!p2 s13, s12  }
0xb4: {  	[spmem:s2] =	stream.indirect.scatter.add.f32 [tilespmem:s8], [sflag:$0x5], $0x40, s24, s30, $0xb8;
	[tilespmem:$0x1A7C0] =	vst v63  }
0xb5: {  	s10 =	sshll.u32 @!p2 s10, $0x4  }
0xb6: {  	s15 =	simm.s32 @!p2 $0x5000;
	s14 =	simm.s32 @!p2 $0x80;
	s10 =	sand.u32 @!p2 $0x1FFFFFE0, s10  }
0xb7: {  	s4 =	sshll.u32 @!p2 s4, $0x7;
	s12 =	simm.s32 @!p2 $0x40;
	s10 =	sadd.s32 @!p2 s6, s10  }
0xb8: {  	[tilespmem:s15], [sflag:$0x1] =	stream.strided.gather @!p2 [hbm4b:s10+s12], $0x1F40, s14, s12, $0x38;
	[tilespmem:$0x1A7C0] =	vst v63  }
0xb9: {  	s4 =	sand.u32 @!p2 $0x3FFFFF80, s4;
	s10 =	simm.s32 @!p2 $0x7D;
	s12 =	simm.s32 @!p2 $0x8E80  }
0xba: {  	[tilespmem:s12], [sflag:$0x3] =	stream.indirect.gather @!p2 [hbm4b:s1+s10], $0x40, s4, s10, $0xb8;
	[tilespmem:$0x1A7C0] =	vst v63  }
0xbb: {  	_ =	swait.ge [sflag:s9], $0x1F40  }
0xbc: {  	[sflag:s9] =	ssyncset.done $0x0  }
0xbd: {  	[sflag:s9] =	ssyncadd.s32 $0xFFFFE0C0  }
0xbe: {  	_ =	swait.ge [sflag:s11], $0x1F40  }
0xbf: {  	[sflag:s11] =	ssyncset.done $0x0  }
0xc0: {  	s4 =	simm.s32 @!p1 $0x6;
	[sflag:s11] =	ssyncadd.s32 $0xFFFFE0C0  }
0xc1: {  	_ =	swait.ge @!p1 [sflag:s4], $0x1F40  }
0xc2: {  	[sflag:s4] =	ssyncset.done @!p1 $0x0  }
0xc3: {  	[sflag:s4] =	ssyncadd.s32 @!p1 $0xFFFFE0C0;
	s4 =	simm.s32 $0xAE60  }
0xc4: {  	s10 =	simm.s32 $0x6FE0;
	v0 =	vld [tilespmem:s4+$0x60]  }
0xc5: {  	v1 =	vld [tilespmem:s10+$0x60];
	_ =	sdelay $0x2  }
0xc6: {  	v2 =	vld [tilespmem:s4+$0xFFFFFFA0]  }
0xc7: {  	v3 =	vld [tilespmem:s10+$0xFFFFFFA0]  }
0xc8: {  	v4 =	vld [tilespmem:s4+$0xFFFFFFE0];
	v0 =	vadd.f32 v1, v0  }
0xc9: {  	v1 =	vld [tilespmem:s10+$0xFFFFFFE0]  }
0xca: {  	s14 =	simm.s32 $0xECE0;
	v5 =	vld [tilespmem:s10+$0xFFFFFF60];
	v0 =	vmax.f32 v0, $0.0e+00  }
0xcb: {  	v6 =	vld [tilespmem:s4+$0xFFFFFF60];
	[tilespmem:s14+$0x60] =	vst v0  }
0xcc: {  	v0 =	vadd.f32 v3, v2;
	v2 =	vld [tilespmem:s4+$0x70]  }
0xcd: {  	v3 =	vld [tilespmem:s10+$0x70]  }
0xce: {  	v7 =	vld [tilespmem:s4+$0x20];
	v0 =	vmax.f32 v0, $0.0e+00;
	v1 =	vadd.f32 v1, v4  }
0xcf: {  	v4 =	vld [tilespmem:s10+$0x20];
	[tilespmem:s14+$0xFFFFFFA0] =	vst v0  }
0xd0: {  	v5 =	vadd.f32 v5, v6;
	v0 =	vld [tilespmem:s4+$0xFFFFFFB0];
	v1 =	vmax.f32 v1, $0.0e+00  }
0xd1: {  	v6 =	vld [tilespmem:s10+$0xFFFFFFB0];
	[tilespmem:s14+$0xFFFFFFE0] =	vst v1  }
0xd2: {  	v5 =	vmax.f32 v5, $0.0e+00;
	v1 =	vld [tilespmem:s4+$0xFFFFFFF0];
	v2 =	vadd.f32 v3, v2  }
0xd3: {  	[tilespmem:s14+$0xFFFFFF60] =	vst v5;
	v3 =	vld [tilespmem:s10+$0xFFFFFFF0]  }
0xd4: {  	v5 =	vld [tilespmem:s4+$0xFFFFFF70];
	v4 =	vadd.f32 v4, v7;
	v2 =	vmax.f32 v2, $0.0e+00  }
0xd5: {  	v7 =	vld [tilespmem:s10+$0xFFFFFF70];
	[tilespmem:s14+$0x70] =	vst v2  }
0xd6: {  	v2 =	vmax.f32 v4, $0.0e+00;
	v0 =	vadd.f32 v6, v0;
	v4 =	vld [tilespmem:s4+$0x80]  }
0xd7: {  	[tilespmem:s14+$0x20] =	vst v2;
	v2 =	vld [tilespmem:s10+$0x80]  }
0xd8: {  	v6 =	vld [tilespmem:s4+$0x30];
	v0 =	vmax.f32 v0, $0.0e+00;
	v1 =	vadd.f32 v3, v1  }
0xd9: {  	[tilespmem:s14+$0xFFFFFFB0] =	vst v0;
	v0 =	vld [tilespmem:s10+$0x30]  }
0xda: {  	v5 =	vadd.f32 v7, v5;
	v3 =	vld [tilespmem:s4+$0xFFFFFFC0];
	v1 =	vmax.f32 v1, $0.0e+00  }
0xdb: {  	v7 =	vld [tilespmem:s10+$0xFFFFFFC0];
	[tilespmem:s14+$0xFFFFFFF0] =	vst v1  }
0xdc: {  	v5 =	vmax.f32 v5, $0.0e+00;
	v1 =	vld [tilespmem:s4+$0x0];
	v2 =	vadd.f32 v2, v4  }
0xdd: {  	v4 =	vld [tilespmem:s10+$0x0];
	[tilespmem:s14+$0xFFFFFF70] =	vst v5  }
0xde: {  	v5 =	vld [tilespmem:s4+$0xFFFFFF80];
	v0 =	vadd.f32 v0, v6;
	v2 =	vmax.f32 v2, $0.0e+00  }
0xdf: {  	v6 =	vld [tilespmem:s10+$0xFFFFFF80];
	[tilespmem:s14+$0x80] =	vst v2  }
0xe0: {  	v2 =	vadd.f32 v7, v3;
	v0 =	vmax.f32 v0, $0.0e+00;
	v7 =	vld [tilespmem:s4+$0x90]  }
0xe1: {  	v8 =	vld [tilespmem:s10+$0x90];
	[tilespmem:s14+$0x30] =	vst v0  }
0xe2: {  	v0 =	vmax.f32 v2, $0.0e+00;
	v1 =	vadd.f32 v4, v1;
	v9 =	vld [tilespmem:s4+$0x40]  }
0xe3: {  	[tilespmem:s14+$0xFFFFFFC0] =	vst v0;
	v10 =	vld [tilespmem:s10+$0x40]  }
0xe4: {  	v1 =	vmax.f32 v1, $0.0e+00;
	v2 =	vadd.f32 v6, v5;
	v0 =	vld [tilespmem:s4+$0xFFFFFFD0]  }
0xe5: {  	v3 =	vld [tilespmem:s10+$0xFFFFFFD0];
	[tilespmem:s14+$0x0] =	vst v1  }
0xe6: {  	v2 =	vmax.f32 v2, $0.0e+00;
	v1 =	vld [tilespmem:s4+$0x10];
	v5 =	vadd.f32 v8, v7  }
0xe7: {  	v4 =	vld [tilespmem:s10+$0x10];
	[tilespmem:s14+$0xFFFFFF80] =	vst v2  }
0xe8: {  	s31 =	simm.s32 $0x6FE0;
	v2 =	vld [tilespmem:s4+$0xFFFFFF90];
	v7 =	vmax.f32 v5, $0.0e+00;
	v6 =	vadd.f32 v10, v9  }
0xe9: {  	s24 =	simm.s32 $0x0;
	s15 =	simm.s32 $0xAFA0;
	s12 =	simm.s32 $0xECE0;
	v5 =	vld [tilespmem:s10+$0xFFFFFF90];
	[tilespmem:s14+$0x90] =	vst v7  }
.LBB2_5:
0xea: {  	v7 =	vld [tilespmem:s15+$0x60];
	v0 =	vadd.f32 v3, v0;
	v3 =	vmax.f32 v6, $0.0e+00;
	s10 =	sadd.s32 $0x140, s10  }
0xeb: {  	v6 =	vld [tilespmem:s10+$0x60];
	[tilespmem:s14+$0x40] =	vst v3  }
0xec: {  	v3 =	vld [tilespmem:s10+$0xFFFFFF60];
	v0 =	vmax.f32 v0, $0.0e+00;
	v1 =	vadd.f32 v4, v1  }
0xed: {  	v4 =	vld [tilespmem:s15+$0xFFFFFFA0];
	[tilespmem:s14+$0xFFFFFFD0] =	vst v0  }
0xee: {  	s24 =	sadd.s32 $0x5, s24;
	v0 =	vld [tilespmem:s10+$0xFFFFFFA0];
	v2 =	vadd.f32 v5, v2;
	v1 =	vmax.f32 v1, $0.0e+00  }
0xef: {  	p1 =	slt.u32 s24, $0x78;
	v5 =	vld [tilespmem:s15+$0xFFFFFFE0];
	[tilespmem:s14+$0x10] =	vst v1  }
0xf0: {  	v1 =	vld [tilespmem:s10+$0xFFFFFFE0];
	v6 =	vadd.f32 v6, v7;
	v2 =	vmax.f32 v2, $0.0e+00  }
0xf1: {  	v7 =	vld [tilespmem:s15+$0x20];
	[tilespmem:s14+$0xFFFFFF90] =	vst v2  }
0xf2: {  	s14 =	sadd.s32 $0x140, s14;
	v2 =	vld [tilespmem:s10+$0x20];
	v6 =	vmax.f32 v6, $0.0e+00  }
0xf3: {  	v8 =	vld [tilespmem:s15+$0xFFFFFF60];
	v0 =	vadd.f32 v0, v4;
	[tilespmem:s14+$0x60] =	vst v6  }
0xf4: {  	v4 =	vld [tilespmem:s15+$0x70]  }
0xf5: {  	v0 =	vmax.f32 v0, $0.0e+00;
	v1 =	vadd.f32 v1, v5;
	v5 =	vld [tilespmem:s10+$0x70]  }
0xf6: {  	[tilespmem:s14+$0xFFFFFFA0] =	vst v0;
	v0 =	vld [tilespmem:s4+$0x50];
	s4 =	smov.u32 s15  }
0xf7: {  	v6 =	vld [tilespmem:s15+$0xFFFFFFB0];
	v1 =	vmax.f32 v1, $0.0e+00;
	v2 =	vadd.f32 v2, v7  }
0xf8: {  	v3 =	vadd.f32 v3, v8;
	v7 =	vld [tilespmem:s10+$0xFFFFFFB0];
	[tilespmem:s14+$0xFFFFFFE0] =	vst v1  }
0xf9: {  	v1 =	vld [tilespmem:s15+$0xFFFFFFF0];
	v2 =	vmax.f32 v2, $0.0e+00  }
0xfa: {  	v3 =	vmax.f32 v3, $0.0e+00;
	v8 =	vld [tilespmem:s10+$0xFFFFFFF0];
	[tilespmem:s14+$0x20] =	vst v2;
	v2 =	vadd.f32 v5, v4  }
0xfb: {  	[tilespmem:s14+$0xFFFFFF60] =	vst v3;
	v3 =	vld [tilespmem:s15+$0x30]  }
0xfc: {  	v4 =	vld [tilespmem:s15+$0xFFFFFF70];
	v2 =	vmax.f32 v2, $0.0e+00  }
0xfd: {  	v5 =	vld [tilespmem:s10+$0xFFFFFF70];
	v6 =	vadd.f32 v7, v6;
	[tilespmem:s14+$0x70] =	vst v2  }
0xfe: {  	v2 =	vld [tilespmem:s15+$0x80]  }
0xff: {  	v6 =	vmax.f32 v6, $0.0e+00;
	v1 =	vadd.f32 v8, v1;
	v7 =	vld [tilespmem:s10+$0x80]  }
0x100: {  	[tilespmem:s14+$0xFFFFFFB0] =	vst v6;
	v6 =	vld [tilespmem:s10+$0x30]  }
0x101: {  	v8 =	vld [tilespmem:s15+$0xFFFFFFC0];
	v1 =	vmax.f32 v1, $0.0e+00  }
0x102: {  	v4 =	vadd.f32 v5, v4;
	v5 =	vld [tilespmem:s10+$0xFFFFFFC0];
	[tilespmem:s14+$0xFFFFFFF0] =	vst v1  }
0x103: {  	v1 =	vld [tilespmem:s15+$0x0]  }
0x104: {  	v4 =	vmax.f32 v4, $0.0e+00;
	v9 =	vld [tilespmem:s10+$0x0];
	v2 =	vadd.f32 v7, v2  }
0x105: {  	[tilespmem:s14+$0xFFFFFF70] =	vst v4;
	v3 =	vadd.f32 v6, v3;
	v4 =	vld [tilespmem:s31+$0x50];
	s31 =	smov.u32 s10  }
0x106: {  	v6 =	vld [tilespmem:s15+$0xFFFFFF80];
	v2 =	vmax.f32 v2, $0.0e+00  }
0x107: {  	v7 =	vld [tilespmem:s10+$0xFFFFFF80];
	v5 =	vadd.f32 v5, v8;
	v3 =	vmax.f32 v3, $0.0e+00;
	[tilespmem:s14+$0x80] =	vst v2  }
0x108: {  	[tilespmem:s14+$0x30] =	vst v3;
	v2 =	vld [tilespmem:s15+$0x90]  }
0x109: {  	v3 =	vmax.f32 v5, $0.0e+00;
	v1 =	vadd.f32 v9, v1;
	v5 =	vld [tilespmem:s10+$0x90]  }
0x10a: {  	[tilespmem:s14+$0xFFFFFFC0] =	vst v3;
	v8 =	vld [tilespmem:s15+$0x40];
	v3 =	vadd.f32 v4, v0  }
0x10b: {  	v1 =	vmax.f32 v1, $0.0e+00;
	v9 =	vld [tilespmem:s10+$0x40]  }
0x10c: {  	v4 =	vadd.f32 v7, v6;
	v0 =	vld [tilespmem:s15+$0xFFFFFFD0];
	[tilespmem:s14+$0x0] =	vst v1;
	v1 =	vmax.f32 v3, $0.0e+00  }
.Ltmp3:
0x10d: {  	v3 =	vld [tilespmem:s10+$0xFFFFFFD0];
	[tilespmem:s12+$0x50] =	vst v1;
	s12 =	smov.u32 s14;
	(pc) =	sbr.rel @p1 .LBB2_5-.Ltmp3, $4  }
0x10e: {  	v4 =	vmax.f32 v4, $0.0e+00;
	v1 =	vld [tilespmem:s15+$0x10];
	v5 =	vadd.f32 v5, v2  }
0x10f: {  	[tilespmem:s14+$0xFFFFFF80] =	vst v4;
	v4 =	vld [tilespmem:s10+$0x10]  }
0x110: {  	v2 =	vld [tilespmem:s15+$0xFFFFFF90];
	v6 =	vadd.f32 v9, v8;
	v7 =	vmax.f32 v5, $0.0e+00  }
0x111: {  	s15 =	sadd.s32 $0x140, s15;
	v5 =	vld [tilespmem:s10+$0xFFFFFF90];
	[tilespmem:s14+$0x90] =	vst v7  }
0x112: {  	v6 =	vmax.f32 v6, $0.0e+00  }
0x113: {  	[tilespmem:s14+$0x40] =	vst v6  }
0x114: {  	v6 =	vld [tilespmem:s4+$0x50]  }
0x115: {  	v7 =	vld [tilespmem:s31+$0x50];
	_ =	sdelay $0x1  }
0x116: {  	v0 =	vadd.f32 v3, v0  }
0x117: {  	v1 =	vadd.f32 v4, v1  }
0x118: {  	v0 =	vmax.f32 v0, $0.0e+00;
	v2 =	vadd.f32 v5, v2  }
.Ltmp4:
0x119: {  	[tilespmem:s14+$0xFFFFFFD0] =	vst v0;
	v60 =	vmax.f32 v1, $0.0e+00;
	v61 =	vadd.f32 v7, v6;
	(pc) =	sbr.rel @p2 .LBB2_8-.Ltmp4, $4  }
0x11a: {  	[tilespmem:s14+$0x10] =	vst v60;
	v62 =	vmax.f32 v2, $0.0e+00  }
0x11b: {  	[tilespmem:s14+$0xFFFFFF90] =	vst v62;
	v63 =	vmax.f32 v61, $0.0e+00  }
0x11c: {  	s31 =	sadd.s32 $0x2880, s16;
	[tilespmem:s12+$0x50] =	vst v63  }
0x11d: {  	[spmem:s2] =	stream.indirect.scatter.add.f32 [tilespmem:s29], [sflag:$0x6], $0x40, s31, s30, $0xb8;
	[tilespmem:$0x1A7C0] =	vst v63  }
0x11e: {  	s4 =	sadd.s32 $0x3, s23  }
0x11f: {  	s10 =	smul.u32 $0x7D, s4;
	_ =	sdelay $0x1  }
0x120: {  	s10 =	sadd.s32 s13, s10  }
0x121: {  	s10 =	sshll.u32 s10, $0x4  }
.Ltmp5:
0x122: {  	s10 =	sand.u32 $0x1FFFFFF0, s10;
	(pc) =	sbr.rel .LBB2_2-.Ltmp5, $4  }
0x123: {  	s4 =	sshll.u32 s4, $0x7;
	s10 =	sadd.s32 s6, s10  }
0x124: {  	[tilespmem:s0], [sflag:$0x2] =	stream.strided.gather [hbm4b:s10+s26], $0x1F40, s28, s26, $0x38;
	[tilespmem:$0x1A7C0] =	vst v63  }
0x125: {  	s22 =	sadd.s32 $0x1, s22;
	s4 =	sand.u32 $0x3FFFFF80, s4  }
0x126: {  	[tilespmem:s25], [sflag:$0x4] =	stream.indirect.gather [hbm4b:s1+s30], $0x40, s4, s30, $0xb8;
	[tilespmem:$0x1A7C0] =	vst v63  }
.LBB2_8:
0x127: {  	s4 =	simm.s32 $0x5  }
0x128: {  	_ =	swait.ge [sflag:s4], $0x1F40  }
0x129: {  	[sflag:s4] =	ssyncset.done $0x0  }
0x12a: {  	s16 =	simm.s32 $0x6;
	[sflag:s4] =	ssyncadd.s32 $0xFFFFE0C0  }
0x12b: {  	_ =	swait.ge [sflag:s16], $0x1F40  }
0x12c: {  	[sflag:s16] =	ssyncset.done $0x0  }
0x12d: {  	[sflag:s16] =	ssyncadd.s32 $0xFFFFE0C0  }
0x12e: {  	[bflag:$0x0] =	sbarrier.arrive $0xFFFF  }
0x12f: {  	s4 =	simm.s32 @p0 $0x1FC7;
	s10 =	rddreg [dreg:$0xd]  }
0x130: {  	[hbm:s10], [sflag:s4] =	dma.local @p0 [spmem:s19], $0x1040  }
0x131: {  	s10 =	simm.s32 @p0 $0x7  }
0x132: {  	_ =	swait.ge @p0 [sflag:s10], $0x1040  }
0x133: {  	[sflag:s10] =	ssyncset.done @p0 $0x0  }
0x134: {  	s12 =	rddreg [dreg:$0x9];
	[sflag:s10] =	ssyncadd.s32 @p0 $0xFFFFEFC0  }
0x135: {  	[spmem:s19], [sflag:s4] =	dma.local @p0 [hbm:s12], $0x1040  }
0x136: {  	_ =	swait.ge @p0 [sflag:s10], $0x1040  }
0x137: {  	[sflag:s10] =	ssyncset.done @p0 $0x0  }
0x138: {  	s4 =	rddreg [dreg:$0xc];
	[sflag:s10] =	ssyncadd.s32 @p0 $0xFFFFEFC0  }
0x139: {  	[hbm:s4], [sflag:s20] =	dma.local @!p0 [spmem:s21], $0x13C0  }
0x13a: {  	s4 =	simm.s32 @!p0 $0x7  }
0x13b: {  	_ =	swait.ge @!p0 [sflag:s4], $0x13C0  }
0x13c: {  	[sflag:s4] =	ssyncset.done @!p0 $0x0  }
0x13d: {  	s10 =	rddreg [dreg:$0x7];
	[sflag:s4] =	ssyncadd.s32 @!p0 $0xFFFFEC40  }
0x13e: {  	[spmem:s21], [sflag:s20] =	dma.local @!p0 [hbm:s10], $0x13C0  }
0x13f: {  	_ =	swait.ge @!p0 [sflag:s4], $0x13C0  }
0x140: {  	[sflag:s4] =	ssyncset.done @!p0 $0x0  }
0x141: {  	[sflag:s4] =	ssyncadd.s32 @!p0 $0xFFFFEC40  }
0x142: {  	[bflag:$0x0] =	sbarrier.arrive $0xFFFF  }
0x143: {  	s23 =	simm.s32 $0x5000;
	s22 =	rddreg [dreg:$0xe]  }
0x144: {  	[tilespmem:s23], [sflag:$0x1] =	stream.strided.gather [hbm4b:s22+s26], $0x1F40, s28, s26, $0x38;
	[tilespmem:$0x1A7C0] =	vst v63  }
0x145: {  	s24 =	simm.s32 $0x8E80;
	s22 =	simm.s32 $0x0  }
0x146: {  	[tilespmem:s24], [sflag:$0x3] =	stream.indirect.gather [hbm4b:s5+s30], $0x40, s22, s30, $0xb8;
	[tilespmem:$0x1A7C0] =	vst v63  }
0x147: {  	s31 =	rddreg [dreg:$0xf]  }
0x148: {  	[tilespmem:s0], [sflag:$0x2] =	stream.strided.gather [hbm4b:s31+s26], $0x1F40, s28, s26, $0x38;
	[tilespmem:$0x1A7C0] =	vst v63  }
0x149: {  	_ = 	snop  }
0x14a: {  	[tilespmem:s25], [sflag:$0x4] =	stream.indirect.gather [hbm4b:s5+s30], $0x40, s28, s30, $0xb8;
	[tilespmem:$0x1A7C0] =	vst v63  }
.LBB2_9:
0x14b: {  	_ =	swait.ge [sflag:s3], $0x1F40  }
0x14c: {  	[sflag:s3] =	ssyncset.done $0x0  }
0x14d: {  	[sflag:s3] =	ssyncadd.s32 $0xFFFFE0C0  }
0x14e: {  	_ =	swait.ge [sflag:s7], $0x1F40  }
0x14f: {  	p1 =	seq.s32 s22, $0x0;
	[sflag:s7] =	ssyncset.done $0x0  }
0x150: {  	s4 =	simm.s32 @!p1 $0x5;
	[sflag:s7] =	ssyncadd.s32 $0xFFFFE0C0  }
0x151: {  	_ =	swait.ge @!p1 [sflag:s4], $0x1F40  }
0x152: {  	[sflag:s4] =	ssyncset.done @!p1 $0x0  }
0x153: {  	s14 =	simm.s32 $0x8F20;
	[sflag:s4] =	ssyncadd.s32 @!p1 $0xFFFFE0C0  }
0x154: {  	s4 =	simm.s32 $0x50A0;
	v0 =	vld [tilespmem:s14+$0x60]  }
0x155: {  	v1 =	vld [tilespmem:s4+$0x60];
	_ =	sdelay $0x2  }
0x156: {  	v2 =	vld [tilespmem:s14+$0xFFFFFFA0]  }
0x157: {  	v3 =	vld [tilespmem:s4+$0xFFFFFFA0]  }
0x158: {  	v4 =	vld [tilespmem:s14+$0xFFFFFFE0];
	v0 =	vadd.f32 v1, v0  }
0x159: {  	v1 =	vld [tilespmem:s4+$0xFFFFFFE0]  }
0x15a: {  	s16 =	simm.s32 $0xCDA0;
	v5 =	vld [tilespmem:s4+$0xFFFFFF60];
	v0 =	vmax.f32 v0, $0.0e+00  }
0x15b: {  	v6 =	vld [tilespmem:s14+$0xFFFFFF60];
	[tilespmem:s16+$0x60] =	vst v0  }
0x15c: {  	v0 =	vadd.f32 v3, v2;
	v2 =	vld [tilespmem:s14+$0x70]  }
0x15d: {  	v3 =	vld [tilespmem:s4+$0x70]  }
0x15e: {  	v7 =	vld [tilespmem:s14+$0x20];
	v0 =	vmax.f32 v0, $0.0e+00;
	v1 =	vadd.f32 v1, v4  }
0x15f: {  	v4 =	vld [tilespmem:s4+$0x20];
	[tilespmem:s16+$0xFFFFFFA0] =	vst v0  }
0x160: {  	v5 =	vadd.f32 v5, v6;
	v0 =	vld [tilespmem:s14+$0xFFFFFFB0];
	v1 =	vmax.f32 v1, $0.0e+00  }
0x161: {  	v6 =	vld [tilespmem:s4+$0xFFFFFFB0];
	[tilespmem:s16+$0xFFFFFFE0] =	vst v1  }
0x162: {  	v5 =	vmax.f32 v5, $0.0e+00;
	v1 =	vld [tilespmem:s14+$0xFFFFFFF0];
	v2 =	vadd.f32 v3, v2  }
0x163: {  	[tilespmem:s16+$0xFFFFFF60] =	vst v5;
	v3 =	vld [tilespmem:s4+$0xFFFFFFF0]  }
0x164: {  	v5 =	vld [tilespmem:s14+$0xFFFFFF70];
	v4 =	vadd.f32 v4, v7;
	v2 =	vmax.f32 v2, $0.0e+00  }
0x165: {  	v7 =	vld [tilespmem:s4+$0xFFFFFF70];
	[tilespmem:s16+$0x70] =	vst v2  }
0x166: {  	v2 =	vmax.f32 v4, $0.0e+00;
	v0 =	vadd.f32 v6, v0;
	v4 =	vld [tilespmem:s14+$0x80]  }
0x167: {  	[tilespmem:s16+$0x20] =	vst v2;
	v2 =	vld [tilespmem:s4+$0x80]  }
0x168: {  	v6 =	vld [tilespmem:s14+$0x30];
	v0 =	vmax.f32 v0, $0.0e+00;
	v1 =	vadd.f32 v3, v1  }
0x169: {  	[tilespmem:s16+$0xFFFFFFB0] =	vst v0;
	v0 =	vld [tilespmem:s4+$0x30]  }
0x16a: {  	v5 =	vadd.f32 v7, v5;
	v3 =	vld [tilespmem:s14+$0xFFFFFFC0];
	v1 =	vmax.f32 v1, $0.0e+00  }
0x16b: {  	v7 =	vld [tilespmem:s4+$0xFFFFFFC0];
	[tilespmem:s16+$0xFFFFFFF0] =	vst v1  }
0x16c: {  	v5 =	vmax.f32 v5, $0.0e+00;
	v1 =	vld [tilespmem:s14+$0x0];
	v2 =	vadd.f32 v2, v4  }
0x16d: {  	v4 =	vld [tilespmem:s4+$0x0];
	[tilespmem:s16+$0xFFFFFF70] =	vst v5  }
0x16e: {  	v5 =	vld [tilespmem:s14+$0xFFFFFF80];
	v0 =	vadd.f32 v0, v6;
	v2 =	vmax.f32 v2, $0.0e+00  }
0x16f: {  	v6 =	vld [tilespmem:s4+$0xFFFFFF80];
	[tilespmem:s16+$0x80] =	vst v2  }
0x170: {  	v2 =	vadd.f32 v7, v3;
	v0 =	vmax.f32 v0, $0.0e+00;
	v3 =	vld [tilespmem:s14+$0x90]  }
0x171: {  	v7 =	vld [tilespmem:s4+$0x90];
	[tilespmem:s16+$0x30] =	vst v0  }
0x172: {  	v0 =	vmax.f32 v2, $0.0e+00;
	v1 =	vadd.f32 v4, v1;
	v8 =	vld [tilespmem:s14+$0x40]  }
0x173: {  	[tilespmem:s16+$0xFFFFFFC0] =	vst v0;
	v9 =	vld [tilespmem:s4+$0x40]  }
0x174: {  	v1 =	vmax.f32 v1, $0.0e+00;
	v4 =	vadd.f32 v6, v5;
	v0 =	vld [tilespmem:s14+$0xFFFFFFD0]  }
0x175: {  	v2 =	vld [tilespmem:s4+$0xFFFFFFD0];
	[tilespmem:s16+$0x0] =	vst v1  }
0x176: {  	v4 =	vmax.f32 v4, $0.0e+00;
	v1 =	vld [tilespmem:s14+$0x10];
	v5 =	vadd.f32 v7, v3  }
0x177: {  	[tilespmem:s16+$0xFFFFFF80] =	vst v4;
	v4 =	vld [tilespmem:s4+$0x10]  }
0x178: {  	s23 =	sshll.u32 s22, $0x1;
	s12 =	simm.s32 $0x0;
	v3 =	vld [tilespmem:s14+$0xFFFFFF90];
	v7 =	vmax.f32 v5, $0.0e+00;
	v6 =	vadd.f32 v9, v8  }
0x179: {  	s15 =	simm.s32 $0x9060;
	s24 =	simm.s32 $0x50A0;
	s10 =	simm.s32 $0xCDA0;
	v5 =	vld [tilespmem:s4+$0xFFFFFF90];
	[tilespmem:s16+$0x90] =	vst v7  }
.LBB2_10:
0x17a: {  	v7 =	vld [tilespmem:s15+$0x60];
	v0 =	vadd.f32 v2, v0;
	v2 =	vmax.f32 v6, $0.0e+00;
	s4 =	sadd.s32 $0x140, s4  }
0x17b: {  	v6 =	vld [tilespmem:s4+$0x60];
	[tilespmem:s16+$0x40] =	vst v2  }
0x17c: {  	v2 =	vld [tilespmem:s4+$0xFFFFFF60];
	v0 =	vmax.f32 v0, $0.0e+00;
	v1 =	vadd.f32 v4, v1  }
0x17d: {  	v4 =	vld [tilespmem:s15+$0xFFFFFFA0];
	[tilespmem:s16+$0xFFFFFFD0] =	vst v0  }
0x17e: {  	s12 =	sadd.s32 $0x5, s12;
	v0 =	vld [tilespmem:s4+$0xFFFFFFA0];
	v3 =	vadd.f32 v5, v3;
	v1 =	vmax.f32 v1, $0.0e+00  }
0x17f: {  	p2 =	slt.u32 s12, $0x78;
	v5 =	vld [tilespmem:s15+$0xFFFFFFE0];
	[tilespmem:s16+$0x10] =	vst v1  }
0x180: {  	v1 =	vld [tilespmem:s4+$0xFFFFFFE0];
	v6 =	vadd.f32 v6, v7;
	v3 =	vmax.f32 v3, $0.0e+00  }
0x181: {  	v7 =	vld [tilespmem:s15+$0x20];
	[tilespmem:s16+$0xFFFFFF90] =	vst v3  }
0x182: {  	s16 =	sadd.s32 $0x140, s16;
	v3 =	vld [tilespmem:s4+$0x20];
	v6 =	vmax.f32 v6, $0.0e+00  }
0x183: {  	v8 =	vld [tilespmem:s15+$0xFFFFFF60];
	v0 =	vadd.f32 v0, v4;
	[tilespmem:s16+$0x60] =	vst v6  }
0x184: {  	v4 =	vld [tilespmem:s15+$0x70]  }
0x185: {  	v0 =	vmax.f32 v0, $0.0e+00;
	v1 =	vadd.f32 v1, v5;
	v5 =	vld [tilespmem:s4+$0x70]  }
0x186: {  	[tilespmem:s16+$0xFFFFFFA0] =	vst v0;
	v0 =	vld [tilespmem:s14+$0x50];
	s14 =	smov.u32 s15  }
0x187: {  	v6 =	vld [tilespmem:s15+$0xFFFFFFB0];
	v1 =	vmax.f32 v1, $0.0e+00;
	v3 =	vadd.f32 v3, v7  }
0x188: {  	v2 =	vadd.f32 v2, v8;
	v7 =	vld [tilespmem:s4+$0xFFFFFFB0];
	[tilespmem:s16+$0xFFFFFFE0] =	vst v1  }
0x189: {  	v1 =	vld [tilespmem:s15+$0xFFFFFFF0];
	v3 =	vmax.f32 v3, $0.0e+00  }
0x18a: {  	v2 =	vmax.f32 v2, $0.0e+00;
	v8 =	vld [tilespmem:s4+$0xFFFFFFF0];
	[tilespmem:s16+$0x20] =	vst v3;
	v3 =	vadd.f32 v5, v4  }
0x18b: {  	[tilespmem:s16+$0xFFFFFF60] =	vst v2;
	v2 =	vld [tilespmem:s15+$0x30]  }
0x18c: {  	v4 =	vld [tilespmem:s15+$0xFFFFFF70];
	v3 =	vmax.f32 v3, $0.0e+00  }
0x18d: {  	v5 =	vld [tilespmem:s4+$0xFFFFFF70];
	v6 =	vadd.f32 v7, v6;
	[tilespmem:s16+$0x70] =	vst v3  }
0x18e: {  	v3 =	vld [tilespmem:s15+$0x80]  }
0x18f: {  	v6 =	vmax.f32 v6, $0.0e+00;
	v1 =	vadd.f32 v8, v1;
	v7 =	vld [tilespmem:s4+$0x80]  }
0x190: {  	[tilespmem:s16+$0xFFFFFFB0] =	vst v6;
	v6 =	vld [tilespmem:s4+$0x30]  }
0x191: {  	v8 =	vld [tilespmem:s15+$0xFFFFFFC0];
	v1 =	vmax.f32 v1, $0.0e+00  }
0x192: {  	v4 =	vadd.f32 v5, v4;
	v5 =	vld [tilespmem:s4+$0xFFFFFFC0];
	[tilespmem:s16+$0xFFFFFFF0] =	vst v1  }
0x193: {  	v1 =	vld [tilespmem:s15+$0x0]  }
0x194: {  	v4 =	vmax.f32 v4, $0.0e+00;
	v9 =	vld [tilespmem:s4+$0x0];
	v3 =	vadd.f32 v7, v3  }
0x195: {  	[tilespmem:s16+$0xFFFFFF70] =	vst v4;
	v2 =	vadd.f32 v6, v2;
	v4 =	vld [tilespmem:s24+$0x50];
	s24 =	smov.u32 s4  }
0x196: {  	v6 =	vld [tilespmem:s15+$0xFFFFFF80];
	v3 =	vmax.f32 v3, $0.0e+00  }
0x197: {  	v7 =	vld [tilespmem:s4+$0xFFFFFF80];
	v5 =	vadd.f32 v5, v8;
	v2 =	vmax.f32 v2, $0.0e+00;
	[tilespmem:s16+$0x80] =	vst v3  }
0x198: {  	[tilespmem:s16+$0x30] =	vst v2;
	v3 =	vld [tilespmem:s15+$0x90]  }
0x199: {  	v2 =	vmax.f32 v5, $0.0e+00;
	v1 =	vadd.f32 v9, v1;
	v5 =	vld [tilespmem:s4+$0x90]  }
0x19a: {  	[tilespmem:s16+$0xFFFFFFC0] =	vst v2;
	v8 =	vld [tilespmem:s15+$0x40];
	v2 =	vadd.f32 v4, v0  }
0x19b: {  	v1 =	vmax.f32 v1, $0.0e+00;
	v9 =	vld [tilespmem:s4+$0x40]  }
0x19c: {  	v4 =	vadd.f32 v7, v6;
	v0 =	vld [tilespmem:s15+$0xFFFFFFD0];
	[tilespmem:s16+$0x0] =	vst v1;
	v1 =	vmax.f32 v2, $0.0e+00  }
.Ltmp6:
0x19d: {  	v2 =	vld [tilespmem:s4+$0xFFFFFFD0];
	[tilespmem:s10+$0x50] =	vst v1;
	s10 =	smov.u32 s16;
	(pc) =	sbr.rel @p2 .LBB2_10-.Ltmp6, $4  }
0x19e: {  	v4 =	vmax.f32 v4, $0.0e+00;
	v1 =	vld [tilespmem:s15+$0x10];
	v5 =	vadd.f32 v5, v3  }
0x19f: {  	[tilespmem:s16+$0xFFFFFF80] =	vst v4;
	v4 =	vld [tilespmem:s4+$0x10]  }
0x1a0: {  	v3 =	vld [tilespmem:s15+$0xFFFFFF90];
	v6 =	vadd.f32 v9, v8;
	v7 =	vmax.f32 v5, $0.0e+00  }
0x1a1: {  	s15 =	sadd.s32 $0x140, s15;
	v5 =	vld [tilespmem:s4+$0xFFFFFF90];
	[tilespmem:s16+$0x90] =	vst v7  }
0x1a2: {  	v6 =	vmax.f32 v6, $0.0e+00  }
0x1a3: {  	[tilespmem:s16+$0x40] =	vst v6  }
0x1a4: {  	v6 =	vld [tilespmem:s14+$0x50]  }
0x1a5: {  	v0 =	vadd.f32 v2, v0;
	v7 =	vld [tilespmem:s24+$0x50]  }
0x1a6: {  	v1 =	vadd.f32 v4, v1  }
0x1a7: {  	v0 =	vmax.f32 v0, $0.0e+00;
	v2 =	vadd.f32 v5, v3  }
0x1a8: {  	[tilespmem:s16+$0xFFFFFFD0] =	vst v0;
	v0 =	vmax.f32 v1, $0.0e+00  }
0x1a9: {  	s4 =	sshll.u32 s22, $0x8;
	p2 =	seq.s32 s22, $0x27;
	[tilespmem:s16+$0x10] =	vst v0;
	v0 =	vmax.f32 v2, $0.0e+00  }
0x1aa: {  	v1 =	vadd.f32 v7, v6;
	[tilespmem:s16+$0xFFFFFF90] =	vst v0;
	s16 =	sand.u32 $0x3FFFFF00, s4;
	s4 =	sadd.s32 @!p2 $0x2, s23  }
0x1ab: {  	s12 =	smul.u32 @!p2 $0x7D, s4  }
0x1ac: {  	v0 =	vmax.f32 v1, $0.0e+00  }
0x1ad: {  	s24 =	sadd.s32 $0x2800, s16;
	[tilespmem:s10+$0x50] =	vst v0;
	s10 =	sadd.s32 @!p2 s13, s12  }
0x1ae: {  	[spmem:s2] =	stream.indirect.scatter.add.f32 [tilespmem:s8], [sflag:$0x5], $0x40, s24, s30, $0xb8;
	[tilespmem:$0x1A7C0] =	vst v63  }
0x1af: {  	s10 =	sshll.u32 @!p2 s10, $0x4  }
0x1b0: {  	s15 =	simm.s32 @!p2 $0x5000;
	s14 =	simm.s32 @!p2 $0x80;
	s10 =	sand.u32 @!p2 $0x1FFFFFE0, s10  }
0x1b1: {  	s4 =	sshll.u32 @!p2 s4, $0x7;
	s12 =	simm.s32 @!p2 $0x40;
	s10 =	sadd.s32 @!p2 s10, s18  }
0x1b2: {  	[tilespmem:s15], [sflag:$0x1] =	stream.strided.gather @!p2 [hbm4b:s10+s12], $0x1F40, s14, s12, $0x38;
	[tilespmem:$0x1A7C0] =	vst v63  }
0x1b3: {  	s4 =	sand.u32 @!p2 $0x3FFFFF80, s4;
	s10 =	simm.s32 @!p2 $0x7D;
	s12 =	simm.s32 @!p2 $0x8E80  }
0x1b4: {  	[tilespmem:s12], [sflag:$0x3] =	stream.indirect.gather @!p2 [hbm4b:s5+s10], $0x40, s4, s10, $0xb8;
	[tilespmem:$0x1A7C0] =	vst v63  }
0x1b5: {  	_ =	swait.ge [sflag:s9], $0x1F40  }
0x1b6: {  	[sflag:s9] =	ssyncset.done $0x0  }
0x1b7: {  	[sflag:s9] =	ssyncadd.s32 $0xFFFFE0C0  }
0x1b8: {  	_ =	swait.ge [sflag:s11], $0x1F40  }
0x1b9: {  	[sflag:s11] =	ssyncset.done $0x0  }
0x1ba: {  	s4 =	simm.s32 @!p1 $0x6;
	[sflag:s11] =	ssyncadd.s32 $0xFFFFE0C0  }
0x1bb: {  	_ =	swait.ge @!p1 [sflag:s4], $0x1F40  }
0x1bc: {  	[sflag:s4] =	ssyncset.done @!p1 $0x0  }
0x1bd: {  	[sflag:s4] =	ssyncadd.s32 @!p1 $0xFFFFE0C0;
	s4 =	simm.s32 $0xAE60  }
0x1be: {  	s10 =	simm.s32 $0x6FE0;
	v0 =	vld [tilespmem:s4+$0x60]  }
0x1bf: {  	v1 =	vld [tilespmem:s10+$0x60];
	_ =	sdelay $0x2  }
0x1c0: {  	v2 =	vld [tilespmem:s4+$0xFFFFFFA0]  }
0x1c1: {  	v3 =	vld [tilespmem:s10+$0xFFFFFFA0]  }
0x1c2: {  	v4 =	vld [tilespmem:s4+$0xFFFFFFE0];
	v0 =	vadd.f32 v1, v0  }
0x1c3: {  	v1 =	vld [tilespmem:s10+$0xFFFFFFE0]  }
0x1c4: {  	s14 =	simm.s32 $0xECE0;
	v5 =	vld [tilespmem:s10+$0xFFFFFF60];
	v0 =	vmax.f32 v0, $0.0e+00  }
0x1c5: {  	v6 =	vld [tilespmem:s4+$0xFFFFFF60];
	[tilespmem:s14+$0x60] =	vst v0  }
0x1c6: {  	v0 =	vadd.f32 v3, v2;
	v2 =	vld [tilespmem:s4+$0x70]  }
0x1c7: {  	v3 =	vld [tilespmem:s10+$0x70]  }
0x1c8: {  	v7 =	vld [tilespmem:s4+$0x20];
	v0 =	vmax.f32 v0, $0.0e+00;
	v1 =	vadd.f32 v1, v4  }
0x1c9: {  	v4 =	vld [tilespmem:s10+$0x20];
	[tilespmem:s14+$0xFFFFFFA0] =	vst v0  }
0x1ca: {  	v5 =	vadd.f32 v5, v6;
	v0 =	vld [tilespmem:s4+$0xFFFFFFB0];
	v1 =	vmax.f32 v1, $0.0e+00  }
0x1cb: {  	v6 =	vld [tilespmem:s10+$0xFFFFFFB0];
	[tilespmem:s14+$0xFFFFFFE0] =	vst v1  }
0x1cc: {  	v5 =	vmax.f32 v5, $0.0e+00;
	v1 =	vld [tilespmem:s4+$0xFFFFFFF0];
	v2 =	vadd.f32 v3, v2  }
0x1cd: {  	[tilespmem:s14+$0xFFFFFF60] =	vst v5;
	v3 =	vld [tilespmem:s10+$0xFFFFFFF0]  }
0x1ce: {  	v5 =	vld [tilespmem:s4+$0xFFFFFF70];
	v4 =	vadd.f32 v4, v7;
	v2 =	vmax.f32 v2, $0.0e+00  }
0x1cf: {  	v7 =	vld [tilespmem:s10+$0xFFFFFF70];
	[tilespmem:s14+$0x70] =	vst v2  }
0x1d0: {  	v2 =	vmax.f32 v4, $0.0e+00;
	v0 =	vadd.f32 v6, v0;
	v4 =	vld [tilespmem:s4+$0x80]  }
0x1d1: {  	[tilespmem:s14+$0x20] =	vst v2;
	v2 =	vld [tilespmem:s10+$0x80]  }
0x1d2: {  	v6 =	vld [tilespmem:s4+$0x30];
	v0 =	vmax.f32 v0, $0.0e+00;
	v1 =	vadd.f32 v3, v1  }
0x1d3: {  	[tilespmem:s14+$0xFFFFFFB0] =	vst v0;
	v0 =	vld [tilespmem:s10+$0x30]  }
0x1d4: {  	v5 =	vadd.f32 v7, v5;
	v3 =	vld [tilespmem:s4+$0xFFFFFFC0];
	v1 =	vmax.f32 v1, $0.0e+00  }
0x1d5: {  	v7 =	vld [tilespmem:s10+$0xFFFFFFC0];
	[tilespmem:s14+$0xFFFFFFF0] =	vst v1  }
0x1d6: {  	v5 =	vmax.f32 v5, $0.0e+00;
	v1 =	vld [tilespmem:s4+$0x0];
	v2 =	vadd.f32 v2, v4  }
0x1d7: {  	v4 =	vld [tilespmem:s10+$0x0];
	[tilespmem:s14+$0xFFFFFF70] =	vst v5  }
0x1d8: {  	v5 =	vld [tilespmem:s4+$0xFFFFFF80];
	v0 =	vadd.f32 v0, v6;
	v2 =	vmax.f32 v2, $0.0e+00  }
0x1d9: {  	v6 =	vld [tilespmem:s10+$0xFFFFFF80];
	[tilespmem:s14+$0x80] =	vst v2  }
0x1da: {  	v2 =	vadd.f32 v7, v3;
	v0 =	vmax.f32 v0, $0.0e+00;
	v7 =	vld [tilespmem:s4+$0x90]  }
0x1db: {  	v8 =	vld [tilespmem:s10+$0x90];
	[tilespmem:s14+$0x30] =	vst v0  }
0x1dc: {  	v0 =	vmax.f32 v2, $0.0e+00;
	v1 =	vadd.f32 v4, v1;
	v9 =	vld [tilespmem:s4+$0x40]  }
0x1dd: {  	[tilespmem:s14+$0xFFFFFFC0] =	vst v0;
	v10 =	vld [tilespmem:s10+$0x40]  }
0x1de: {  	v1 =	vmax.f32 v1, $0.0e+00;
	v2 =	vadd.f32 v6, v5;
	v0 =	vld [tilespmem:s4+$0xFFFFFFD0]  }
0x1df: {  	v3 =	vld [tilespmem:s10+$0xFFFFFFD0];
	[tilespmem:s14+$0x0] =	vst v1  }
0x1e0: {  	v2 =	vmax.f32 v2, $0.0e+00;
	v1 =	vld [tilespmem:s4+$0x10];
	v5 =	vadd.f32 v8, v7  }
0x1e1: {  	v4 =	vld [tilespmem:s10+$0x10];
	[tilespmem:s14+$0xFFFFFF80] =	vst v2  }
0x1e2: {  	s31 =	simm.s32 $0x6FE0;
	v2 =	vld [tilespmem:s4+$0xFFFFFF90];
	v7 =	vmax.f32 v5, $0.0e+00;
	v6 =	vadd.f32 v10, v9  }
0x1e3: {  	s24 =	simm.s32 $0x0;
	s15 =	simm.s32 $0xAFA0;
	s12 =	simm.s32 $0xECE0;
	v5 =	vld [tilespmem:s10+$0xFFFFFF90];
	[tilespmem:s14+$0x90] =	vst v7  }
.LBB2_12:
0x1e4: {  	v7 =	vld [tilespmem:s15+$0x60];
	v0 =	vadd.f32 v3, v0;
	v3 =	vmax.f32 v6, $0.0e+00;
	s10 =	sadd.s32 $0x140, s10  }
0x1e5: {  	v6 =	vld [tilespmem:s10+$0x60];
	[tilespmem:s14+$0x40] =	vst v3  }
0x1e6: {  	v3 =	vld [tilespmem:s10+$0xFFFFFF60];
	v0 =	vmax.f32 v0, $0.0e+00;
	v1 =	vadd.f32 v4, v1  }
0x1e7: {  	v4 =	vld [tilespmem:s15+$0xFFFFFFA0];
	[tilespmem:s14+$0xFFFFFFD0] =	vst v0  }
0x1e8: {  	s24 =	sadd.s32 $0x5, s24;
	v0 =	vld [tilespmem:s10+$0xFFFFFFA0];
	v2 =	vadd.f32 v5, v2;
	v1 =	vmax.f32 v1, $0.0e+00  }
0x1e9: {  	p1 =	slt.u32 s24, $0x78;
	v5 =	vld [tilespmem:s15+$0xFFFFFFE0];
	[tilespmem:s14+$0x10] =	vst v1  }
0x1ea: {  	v1 =	vld [tilespmem:s10+$0xFFFFFFE0];
	v6 =	vadd.f32 v6, v7;
	v2 =	vmax.f32 v2, $0.0e+00  }
0x1eb: {  	v7 =	vld [tilespmem:s15+$0x20];
	[tilespmem:s14+$0xFFFFFF90] =	vst v2  }
0x1ec: {  	s14 =	sadd.s32 $0x140, s14;
	v2 =	vld [tilespmem:s10+$0x20];
	v6 =	vmax.f32 v6, $0.0e+00  }
0x1ed: {  	v8 =	vld [tilespmem:s15+$0xFFFFFF60];
	v0 =	vadd.f32 v0, v4;
	[tilespmem:s14+$0x60] =	vst v6  }
0x1ee: {  	v4 =	vld [tilespmem:s15+$0x70]  }
0x1ef: {  	v0 =	vmax.f32 v0, $0.0e+00;
	v1 =	vadd.f32 v1, v5;
	v5 =	vld [tilespmem:s10+$0x70]  }
0x1f0: {  	[tilespmem:s14+$0xFFFFFFA0] =	vst v0;
	v0 =	vld [tilespmem:s4+$0x50];
	s4 =	smov.u32 s15  }
0x1f1: {  	v6 =	vld [tilespmem:s15+$0xFFFFFFB0];
	v1 =	vmax.f32 v1, $0.0e+00;
	v2 =	vadd.f32 v2, v7  }
0x1f2: {  	v3 =	vadd.f32 v3, v8;
	v7 =	vld [tilespmem:s10+$0xFFFFFFB0];
	[tilespmem:s14+$0xFFFFFFE0] =	vst v1  }
0x1f3: {  	v1 =	vld [tilespmem:s15+$0xFFFFFFF0];
	v2 =	vmax.f32 v2, $0.0e+00  }
0x1f4: {  	v3 =	vmax.f32 v3, $0.0e+00;
	v8 =	vld [tilespmem:s10+$0xFFFFFFF0];
	[tilespmem:s14+$0x20] =	vst v2;
	v2 =	vadd.f32 v5, v4  }
0x1f5: {  	[tilespmem:s14+$0xFFFFFF60] =	vst v3;
	v3 =	vld [tilespmem:s15+$0x30]  }
0x1f6: {  	v4 =	vld [tilespmem:s15+$0xFFFFFF70];
	v2 =	vmax.f32 v2, $0.0e+00  }
0x1f7: {  	v5 =	vld [tilespmem:s10+$0xFFFFFF70];
	v6 =	vadd.f32 v7, v6;
	[tilespmem:s14+$0x70] =	vst v2  }
0x1f8: {  	v2 =	vld [tilespmem:s15+$0x80]  }
0x1f9: {  	v6 =	vmax.f32 v6, $0.0e+00;
	v1 =	vadd.f32 v8, v1;
	v7 =	vld [tilespmem:s10+$0x80]  }
0x1fa: {  	[tilespmem:s14+$0xFFFFFFB0] =	vst v6;
	v6 =	vld [tilespmem:s10+$0x30]  }
0x1fb: {  	v8 =	vld [tilespmem:s15+$0xFFFFFFC0];
	v1 =	vmax.f32 v1, $0.0e+00  }
0x1fc: {  	v4 =	vadd.f32 v5, v4;
	v5 =	vld [tilespmem:s10+$0xFFFFFFC0];
	[tilespmem:s14+$0xFFFFFFF0] =	vst v1  }
0x1fd: {  	v1 =	vld [tilespmem:s15+$0x0]  }
0x1fe: {  	v4 =	vmax.f32 v4, $0.0e+00;
	v9 =	vld [tilespmem:s10+$0x0];
	v2 =	vadd.f32 v7, v2  }
0x1ff: {  	[tilespmem:s14+$0xFFFFFF70] =	vst v4;
	v3 =	vadd.f32 v6, v3;
	v4 =	vld [tilespmem:s31+$0x50];
	s31 =	smov.u32 s10  }
0x200: {  	v6 =	vld [tilespmem:s15+$0xFFFFFF80];
	v2 =	vmax.f32 v2, $0.0e+00  }
0x201: {  	v7 =	vld [tilespmem:s10+$0xFFFFFF80];
	v5 =	vadd.f32 v5, v8;
	v3 =	vmax.f32 v3, $0.0e+00;
	[tilespmem:s14+$0x80] =	vst v2  }
0x202: {  	[tilespmem:s14+$0x30] =	vst v3;
	v2 =	vld [tilespmem:s15+$0x90]  }
0x203: {  	v3 =	vmax.f32 v5, $0.0e+00;
	v1 =	vadd.f32 v9, v1;
	v5 =	vld [tilespmem:s10+$0x90]  }
0x204: {  	[tilespmem:s14+$0xFFFFFFC0] =	vst v3;
	v8 =	vld [tilespmem:s15+$0x40];
	v3 =	vadd.f32 v4, v0  }
0x205: {  	v1 =	vmax.f32 v1, $0.0e+00;
	v9 =	vld [tilespmem:s10+$0x40]  }
0x206: {  	v4 =	vadd.f32 v7, v6;
	v0 =	vld [tilespmem:s15+$0xFFFFFFD0];
	[tilespmem:s14+$0x0] =	vst v1;
	v1 =	vmax.f32 v3, $0.0e+00  }
.Ltmp7:
0x207: {  	v3 =	vld [tilespmem:s10+$0xFFFFFFD0];
	[tilespmem:s12+$0x50] =	vst v1;
	s12 =	smov.u32 s14;
	(pc) =	sbr.rel @p1 .LBB2_12-.Ltmp7, $4  }
0x208: {  	v4 =	vmax.f32 v4, $0.0e+00;
	v1 =	vld [tilespmem:s15+$0x10];
	v5 =	vadd.f32 v5, v2  }
0x209: {  	[tilespmem:s14+$0xFFFFFF80] =	vst v4;
	v4 =	vld [tilespmem:s10+$0x10]  }
0x20a: {  	v2 =	vld [tilespmem:s15+$0xFFFFFF90];
	v6 =	vadd.f32 v9, v8;
	v7 =	vmax.f32 v5, $0.0e+00  }
0x20b: {  	s15 =	sadd.s32 $0x140, s15;
	v5 =	vld [tilespmem:s10+$0xFFFFFF90];
	[tilespmem:s14+$0x90] =	vst v7  }
0x20c: {  	v6 =	vmax.f32 v6, $0.0e+00  }
0x20d: {  	[tilespmem:s14+$0x40] =	vst v6  }
0x20e: {  	v6 =	vld [tilespmem:s4+$0x50]  }
0x20f: {  	v7 =	vld [tilespmem:s31+$0x50];
	_ =	sdelay $0x1  }
0x210: {  	v0 =	vadd.f32 v3, v0  }
0x211: {  	v1 =	vadd.f32 v4, v1  }
0x212: {  	v0 =	vmax.f32 v0, $0.0e+00;
	v2 =	vadd.f32 v5, v2  }
.Ltmp8:
0x213: {  	[tilespmem:s14+$0xFFFFFFD0] =	vst v0;
	v60 =	vmax.f32 v1, $0.0e+00;
	v61 =	vadd.f32 v7, v6;
	(pc) =	sbr.rel @p2 .LBB2_15-.Ltmp8, $4  }
0x214: {  	[tilespmem:s14+$0x10] =	vst v60;
	v62 =	vmax.f32 v2, $0.0e+00  }
0x215: {  	[tilespmem:s14+$0xFFFFFF90] =	vst v62;
	v63 =	vmax.f32 v61, $0.0e+00  }
0x216: {  	s31 =	sadd.s32 $0x2880, s16;
	[tilespmem:s12+$0x50] =	vst v63  }
0x217: {  	[spmem:s2] =	stream.indirect.scatter.add.f32 [tilespmem:s29], [sflag:$0x6], $0x40, s31, s30, $0xb8;
	[tilespmem:$0x1A7C0] =	vst v63  }
0x218: {  	s4 =	sadd.s32 $0x3, s23  }
0x219: {  	s10 =	smul.u32 $0x7D, s4;
	_ =	sdelay $0x1  }
0x21a: {  	s10 =	sadd.s32 s13, s10  }
0x21b: {  	s10 =	sshll.u32 s10, $0x4  }
.Ltmp9:
0x21c: {  	s10 =	sand.u32 $0x1FFFFFF0, s10;
	(pc) =	sbr.rel .LBB2_9-.Ltmp9, $4  }
0x21d: {  	s4 =	sshll.u32 s4, $0x7;
	s10 =	sadd.s32 s10, s18  }
0x21e: {  	[tilespmem:s0], [sflag:$0x2] =	stream.strided.gather [hbm4b:s10+s26], $0x1F40, s28, s26, $0x38;
	[tilespmem:$0x1A7C0] =	vst v63  }
0x21f: {  	s22 =	sadd.s32 $0x1, s22;
	s4 =	sand.u32 $0x3FFFFF80, s4  }
0x220: {  	[tilespmem:s25], [sflag:$0x4] =	stream.indirect.gather [hbm4b:s5+s30], $0x40, s4, s30, $0xb8;
	[tilespmem:$0x1A7C0] =	vst v63  }
.LBB2_16:
0x221: {  	_ =	sfence.sel $0x180000  }
0x222: {  	[bflag:$0x0] =	sbarrier.arrive $0xFFFF  }
0x223: {  	_ =	strace $0x90000047  }
0x224: {  	s0 =	stileid.u32;
	[bflag:$0x2] =	sbarrier.arrive $0xFFFF  }
0x225: {  	p0 =	sne.s32 s0, $0x0;
	s0 =	rddreg [dreg:$0x3]  }
0x226: {  	s0 =	sadd.s32 @!p0 $0x100000, s0  }
0x227: {  	[sflag:s0] =	ssyncadd.tile.s32 @!p0 $0x1;
	_ =	shalt  }
.Lfunc_end2:
_tile_overlayer_lowered:
.L_overlay_start_2:
0x228: {  	(tag) =	ssettag $0x2  }
0x229: {  	s0 =	rddreg [dreg:$0x0];
	s2 =	stileid.u32  }
0x22a: {  	s1 =	rddreg [dreg:$0x1];
	p0 =	sne.s32 s2, $0x0  }
0x22b: {  	s3 =	rddreg [dreg:$0x2];
	[bflag:$0x3] =	sbarrier.arrive $0xFFFF;
	s2 =	simm.s32 @!p0 $0x1C07  }
0x22c: {  	[timem:s3], [sflag:s2] =	dma.local @!p0 [hbm:s0], s1  }
0x22d: {  	s0 =	simm.s32 @!p0 $0x7  }
0x22e: {  	_ =	swait.ge @!p0 [sflag:s0], s1  }
0x22f: {  	s1 =	ssub.s32 @!p0 $0x0, s1;
	[sflag:s0] =	ssyncset.done @!p0 $0x0  }
0x230: {  	[sflag:s0] =	ssyncadd.s32 @!p0 s1  }
0x231: {  	[bflag:$0x3] =	sbarrier.arrive $0xFFFF  }
0x232: {  	_ =	shalt  }

</sc_bundles>
